<compile_context>
chip_gen: v7x
topology: tpu7x:2x2x1
jax: 0.10.2.dev20260603
libtpu: 0.0.44.dev20260713+nightly
codegen_flags: <defaults>
</compile_context>

<pallas_src>
import functools

import jax
import jax.numpy as jnp
from jax import lax
from jax.experimental import pallas as pl
from jax.experimental.pallas import tpu as pltpu
from jax.experimental.pallas import tpu_sc as plsc

_NC = 2
_NS = 16
_NW = _NC * _NS
_K = 128


def _pad_edges(src, dst, n, acc_rows, e_pad):
    e = src.shape[0]
    p = e_pad - e
    ar = jnp.arange(p, dtype=jnp.int32)
    pad_src = ar % n
    pad_dst = n + ar % (acc_rows - n)
    src_p = jnp.concatenate([src, pad_src])
    dst_p = jnp.concatenate([dst, pad_dst])
    return src_p, dst_p


def _make_hist(acc_rows, steps, d):
    mesh = plsc.VectorSubcoreMesh(core_axis_name="c", subcore_axis_name="s")
    rows_per_tile = acc_rows // _NS
    zc = rows_per_tile // _K

    @functools.partial(
        pl.kernel,
        out_type=jax.ShapeDtypeStruct((_NC, acc_rows, d), jnp.float32),
        mesh=mesh,
        scratch_types=[
            pltpu.VMEM((steps, _K), jnp.int32),
            pltpu.VMEM((_K, d), jnp.float32),
            pltpu.VMEM_SHARED((acc_rows, d), jnp.float32),
        ],
    )
    def hist(dst_hbm, out, dst_v, ones_v, acc):
        c = lax.axis_index("c")
        s = lax.axis_index("s")
        wid = s * _NC + c
        base = s * rows_per_tile

        @pl.loop(0, _K)
        def _(i):
            for cc in range(d // 16):
                ones_v[i, pl.ds(cc * 16, 16)] = jnp.zeros((16,), jnp.float32)

        for t in range(zc):
            pltpu.sync_copy(ones_v, acc.at[pl.ds(base + t * _K, _K)])

        @pl.loop(0, _K)
        def _(i):
            for cc in range(d // 16):
                ones_v[i, pl.ds(cc * 16, 16)] = jnp.ones((16,), jnp.float32)

        pltpu.sync_copy(dst_hbm.at[wid], dst_v)
        plsc.subcore_barrier()

        @pl.loop(0, steps)
        def _(j):
            pltpu.sync_copy(ones_v, acc.at[dst_v.at[j]], add=True)

        plsc.subcore_barrier()
        pltpu.sync_copy(acc.at[pl.ds(base, rows_per_tile)],
                        out.at[c, pl.ds(base, rows_per_tile)])

    return hist


_NCH = 4


def _make_scatter(n, acc_rows, steps, d):
    mesh = plsc.VectorSubcoreMesh(core_axis_name="c", subcore_axis_name="s")
    rows_per_tile = acc_rows // _NS
    zc = rows_per_tile // _K
    cs = steps // _NCH
    gl = (cs - 2) // 2

    @functools.partial(
        pl.kernel,
        out_type=jax.ShapeDtypeStruct((_NC, acc_rows, d), jnp.float32),
        mesh=mesh,
        scratch_types=[
            [pltpu.VMEM((cs, _K), jnp.int32)] * 2,
            pltpu.VMEM((steps, _K), jnp.int32),
            [pltpu.VMEM((_K, d), jnp.float32)] * 2,
            [pltpu.SemaphoreType.DMA] * 2,
            [pltpu.SemaphoreType.DMA] * 2,
            pltpu.VMEM_SHARED((acc_rows, d), jnp.float32),
        ],
    )
    def scatter(table, src_hbm, dst_hbm, out, src_c, dst_v, rows, gsems,
                csems, acc):
        c = lax.axis_index("c")
        s = lax.axis_index("s")
        wid = s * _NC + c
        base = s * rows_per_tile

        @pl.loop(0, _K)
        def _(i):
            for cc in range(d // 16):
                rows[0][i, pl.ds(cc * 16, 16)] = jnp.zeros((16,), jnp.float32)

        for t in range(zc):
            pltpu.sync_copy(rows[0], acc.at[pl.ds(base + t * _K, _K)])

        pltpu.sync_copy(dst_hbm.at[wid], dst_v)
        pltpu.async_copy(src_hbm.at[wid, 0], src_c[0], csems[0])
        pltpu.async_copy(src_hbm.at[wid, 1], src_c[1], csems[1])
        pltpu.make_async_copy(src_hbm.at[wid, 0], src_c[0], csems[0]).wait()
        pltpu.async_copy(table.at[src_c[0].at[0]], rows[0], gsems[0])
        pltpu.async_copy(table.at[src_c[0].at[1]], rows[1], gsems[1])
        plsc.subcore_barrier()

        for ch in range(_NCH):
            cb = ch % 2

            @pl.loop(0, gl)
            def _(g):
                for b in range(2):
                    t = g * 2 + b
                    j = ch * cs + t
                    pltpu.make_async_copy(table.at[src_c[cb].at[t]],
                                          rows[b], gsems[b]).wait()
                    pltpu.sync_copy(rows[b], acc.at[dst_v.at[j]], add=True)
                    pltpu.async_copy(table.at[src_c[cb].at[t + 2]],
                                     rows[b], gsems[b])

            if ch + 1 < _NCH:
                pltpu.make_async_copy(src_hbm.at[wid, ch + 1],
                                      src_c[1 - cb], csems[1 - cb]).wait()
            for b in range(2):
                t = cs - 2 + b
                j = ch * cs + t
                pltpu.make_async_copy(table.at[src_c[cb].at[t]],
                                      rows[b], gsems[b]).wait()
                pltpu.sync_copy(rows[b], acc.at[dst_v.at[j]], add=True)
                if ch + 1 < _NCH:
                    pltpu.async_copy(table.at[src_c[1 - cb].at[b]],
                                     rows[b], gsems[b])
            if ch + 2 < _NCH:
                pltpu.async_copy(src_hbm.at[wid, ch + 2], src_c[cb],
                                 csems[cb])

        plsc.subcore_barrier()
        pltpu.sync_copy(acc.at[pl.ds(base, rows_per_tile)],
                        out.at[c, pl.ds(base, rows_per_tile)])

    return scatter


def _dis(d0, d1):
    return lax.rsqrt(d0[:, 0:1] + d1[:, 0:1] + 1.0)


def _mm1_body(x_ref, w_ref, d0_ref, d1_ref, o_ref):
    dis = _dis(d0_ref[...], d1_ref[...])
    h = jnp.dot(x_ref[...], w_ref[...], preferred_element_type=jnp.float32)
    o_ref[...] = h * dis


def _mm2_body(p0_ref, p1_ref, hs_ref, d0_ref, d1_ref, w_ref, b_ref, o_ref):
    dis = _dis(d0_ref[...], d1_ref[...])
    z = dis * (p0_ref[...] + p1_ref[...] + hs_ref[...]) + b_ref[...]
    z = jnp.maximum(z, 0.0)
    h = jnp.dot(z, w_ref[...], preferred_element_type=jnp.float32)
    o_ref[...] = h * dis


def _fin_body(p0_ref, p1_ref, hs_ref, d0_ref, d1_ref, b_ref,
              fw1_ref, fb1_ref, fw2_ref, fb2_ref, o_ref, acc_ref,
              *, n_total, num_blocks):
    i = pl.program_id(0)
    dis = _dis(d0_ref[...], d1_ref[...])
    z = dis * (p0_ref[...] + p1_ref[...] + hs_ref[...]) + b_ref[...]
    z = jnp.maximum(z, 0.0)
    part = jnp.sum(z, axis=0, keepdims=True)

    @pl.when(i == 0)
    def _():
        acc_ref[...] = part

    @pl.when(i > 0)
    def _():
        acc_ref[...] = acc_ref[...] + part

    @pl.when(i == num_blocks - 1)
    def _():
        g = acc_ref[...] * (1.0 / n_total)
        a = jnp.maximum(
            jnp.dot(g, fw1_ref[...], preferred_element_type=jnp.float32)
            + fb1_ref[...], 0.0)
        o_ref[...] = (jnp.dot(a, fw2_ref[...],
                              preferred_element_type=jnp.float32)
                      + fb2_ref[...])


def kernel(x, edge_index, W1, b1, W2, b2, fW1, fb1, fW2, fb2):
    n, dim = x.shape
    h = W1.shape[1]
    e = edge_index.shape[1]
    acc_rows = ((n + 16 * _K - 1) // (16 * _K)) * (16 * _K)
    unit = _NW * _K * _NCH
    e_pad = -(-e // unit) * unit
    hsteps = e_pad // (_NW * _K)

    src, dst = edge_index[0], edge_index[1]
    src_p, dst_p = _pad_edges(src, dst, n, acc_rows, e_pad)
    dst_h = dst_p.reshape(_NW, hsteps, _K)
    src_s = src_p.reshape(_NW, _NCH, hsteps // _NCH, _K)
    dst_s = dst_h

    dh = 128
    degp = _make_hist(acc_rows, hsteps, dh)(dst_h)
    d0, d1 = degp[0], degp[1]

    nb = 10
    blk = n // nb
    row_spec = lambda last: pl.BlockSpec((blk, last), lambda i: (i, 0))
    full_spec = lambda a, b: pl.BlockSpec((a, b), lambda i: (0, 0))

    hs1 = pl.pallas_call(
        _mm1_body,
        grid=(nb,),
        in_specs=[row_spec(dim), full_spec(dim, h), row_spec(dh),
                  row_spec(dh)],
        out_specs=row_spec(h),
        out_shape=jax.ShapeDtypeStruct((n, h), jnp.float32),
    )(x, W1, d0, d1)

    sc_scatter = _make_scatter(n, acc_rows, hsteps, h)
    p = sc_scatter(hs1, src_s, dst_s)

    hs2 = pl.pallas_call(
        _mm2_body,
        grid=(nb,),
        in_specs=[row_spec(h), row_spec(h), row_spec(h), row_spec(dh),
                  row_spec(dh), full_spec(h, h), full_spec(1, h)],
        out_specs=row_spec(h),
        out_shape=jax.ShapeDtypeStruct((n, h), jnp.float32),
    )(p[0], p[1], hs1, d0, d1, W2, b1.reshape(1, h))

    p2 = sc_scatter(hs2, src_s, dst_s)

    c = fW2.shape[1]
    hh = fW1.shape[1]
    out = pl.pallas_call(
        functools.partial(_fin_body, n_total=n, num_blocks=nb),
        grid=(nb,),
        in_specs=[row_spec(h), row_spec(h), row_spec(h), row_spec(dh),
                  row_spec(dh), full_spec(1, h), full_spec(h, hh),
                  full_spec(1, hh), full_spec(hh, c), full_spec(1, c)],
        out_specs=pl.BlockSpec((1, c), lambda i: (0, 0)),
        out_shape=jax.ShapeDtypeStruct((1, c), jnp.float32),
        scratch_shapes=[pltpu.VMEM((1, h), jnp.float32)],
    )(p2[0], p2[1], hs2, d0, d1, b2.reshape(1, h), fW1,
      fb1.reshape(1, hh), fW2, fb2.reshape(1, c))

    return out

# --- scband reference (transcript-rebuilt; emitter-appended) ---
"""Pipeline reference for scband-brush-prediction-gnn-10264971837869 (READ-ONLY COPY).

The authoritative reference and input builder live on the scoring server;
editing this copy changes nothing except your own understanding.
"""

import jax, jax.numpy as jnp
import numpy as np

N = 10000
E = 320000
D = 128
H = 128
C = 16


def _glorot(key, shape):
    fan_in, fan_out = shape[0], shape[1]
    limit = np.sqrt(6.0 / (fan_in + fan_out))
    return jax.random.uniform(key, shape, dtype=jnp.float32, minval=-limit, maxval=limit)


def setup_inputs(seed: int = 0) -> dict:
    key = jax.random.key(seed)
    ks = jax.random.split(key, 10)
    x = jax.random.normal(ks[0], (N, D), dtype=jnp.float32)
    edge_index = jax.random.randint(ks[1], (2, E), 0, N, dtype=jnp.int32)
    W1 = _glorot(ks[2], (D, H))
    b1 = jnp.zeros((H,), dtype=jnp.float32)
    W2 = _glorot(ks[3], (H, H))
    b2 = jnp.zeros((H,), dtype=jnp.float32)
    fW1 = _glorot(ks[4], (H, H // 2))
    fb1 = jnp.zeros((H // 2,), dtype=jnp.float32)
    fW2 = _glorot(ks[5], (H // 2, C))
    fb2 = jnp.zeros((C,), dtype=jnp.float32)
    return {"x": x, "edge_index": edge_index, "W1": W1, "b1": b1,
            "W2": W2, "b2": b2, "fW1": fW1, "fb1": fb1, "fW2": fW2, "fb2": fb2}


def _gcn_conv(x, src, dst, W, b):
    # Faithful PyG GCNConv (add_self_loops=True, normalize=True):
    # x' = W x ; deg from target col with self-loops; out[dst] += d^-1/2[src] d^-1/2[dst] x'[src] ; + bias
    n = x.shape[0]
    loop = jnp.arange(n, dtype=src.dtype)
    s = jnp.concatenate([src, loop])
    d = jnp.concatenate([dst, loop])
    h = x @ W
    deg = jnp.zeros((n,), dtype=x.dtype).at[d].add(1.0)
    deg_inv_sqrt = jnp.where(deg > 0, jax.lax.rsqrt(jnp.maximum(deg, 1e-12)), 0.0)
    norm = deg_inv_sqrt[s] * deg_inv_sqrt[d]
    msg = h[s] * norm[:, None]
    out = jnp.zeros((n, h.shape[1]), dtype=x.dtype).at[d].add(msg)
    return out + b


def reference(x, edge_index, W1, b1, W2, b2, fW1, fb1, fW2, fb2):
    # eval mode: dropout is identity
    src, dst = edge_index[0], edge_index[1]
    h = _gcn_conv(x, src, dst, W1, b1)
    h = jax.nn.relu(h)
    h = _gcn_conv(h, src, dst, W2, b2)
    h = jax.nn.relu(h)
    g = jnp.mean(h, axis=0, keepdims=True)  # batch=None path
    g = jax.nn.relu(g @ fW1 + fb1)
    out = g @ fW2 + fb2
    return out

if __name__ == "__main__":
    import jax
    _d = setup_inputs()
    print(jax.jit(kernel)(*tuple(_d.values())))

</pallas_src>

<mosaic_0001>
#map = affine_map<(d0, d1) -> (0, 0)>
#map1 = affine_map<(d0, d1) -> (0, 0, 0, 0)>
#map2 = affine_map<(d0, d1) -> (0, 0, 0)>
module attributes {stable_mosaic.version = 14 : i64} {
  func.func @scatter(%arg0: i32, %arg1: i32, %arg2: memref<10000x128xf32, #tpu.memory_space<hbm>>, %arg3: memref<32x4x20x128xi32, #tpu.memory_space<hbm>>, %arg4: memref<32x80x128xi32, #tpu.memory_space<hbm>>, %arg5: memref<2x10240x128xf32, #tpu.memory_space<hbm>>, %arg6: memref<20x128xi32, #tpu.memory_space<vmem>>, %arg7: memref<20x128xi32, #tpu.memory_space<vmem>>, %arg8: memref<80x128xi32, #tpu.memory_space<vmem>>, %arg9: memref<128x128xf32, #tpu.memory_space<vmem>>, %arg10: memref<128x128xf32, #tpu.memory_space<vmem>>, %arg11: memref<!tpu.dma_semaphore, #tpu.memory_space<semaphore_mem>>, %arg12: memref<!tpu.dma_semaphore, #tpu.memory_space<semaphore_mem>>, %arg13: memref<!tpu.dma_semaphore, #tpu.memory_space<semaphore_mem>>, %arg14: memref<!tpu.dma_semaphore, #tpu.memory_space<semaphore_mem>>, %arg15: memref<10240x128xf32, #tpu.memory_space<vmem_shared>>) attributes {dimension_semantics = [#tpu.dimension_semantics<core_parallel>, #tpu.dimension_semantics<subcore_parallel>], iteration_bounds = array<i64: 2, 16>, scalar_prefetch = 0 : i64, scratch_operands = 10 : i64, tpu.core_type = #tpu.core_type<sc_vector_subcore>, window_params = [{transform_indices = #map}, {transform_indices = #map1}, {transform_indices = #map2}, {transform_indices = #map2}]} {
    %mul3A = arith.constant 2 : i32
    %mul3A_0 = arith.muli %arg1, %mul3A : i32
    %add3A = arith.addi %mul3A_0, %arg0 : i32
    %mul3A_1 = arith.constant 640 : i32
    %mul3A_2 = arith.muli %arg1, %mul3A_1 : i32
    %scan3A = arith.constant 0 : i32
    %scan3A_3 = arith.constant 128 : i32
    %scan3A_4 = arith.addi %scan3A, %scan3A_3 : i32
    %scan3A_5 = arith.constant 1 : i32
    scf.for %scan3A_227 = %scan3A to %scan3A_4 step %scan3A_5  : i32 {
      %mul3A_228 = arith.constant 1 : i32
      %mul3A_229 = arith.muli %scan3A_227, %mul3A_228 : i32
      %add3A_230 = arith.constant 0 : i32
      %add3A_231 = arith.addi %add3A_230, %mul3A_229 : i32
      %broadcast_in_dim3A = arith.constant 0.000000e+00 : f32
      %broadcast_in_dim3A_232 = vector.broadcast %broadcast_in_dim3A : f32 to vector<16xf32>
      %swap3A = arith.index_cast %add3A_231 : i32 to index
      %swap3A_233 = arith.constant 0 : index
      %swap3A_234 = tpu.vector_load %arg9[%swap3A, %swap3A_233] {strides = array<i32>} : memref<128x128xf32, #tpu.memory_space<vmem>>, vector<1x16xf32>,
      %swap3A_235 = vector.shape_cast %swap3A_234 : vector<1x16xf32> to vector<16xf32>
      %swap3A_236 = vector.shape_cast %broadcast_in_dim3A_232 : vector<16xf32> to vector<1x16xf32>
      tpu.vector_store %arg9[%swap3A, %swap3A_233], %swap3A_236 {strides = array<i32>} : memref<128x128xf32, #tpu.memory_space<vmem>>, vector<1x16xf32>,
      %broadcast_in_dim3A_237 = arith.constant 0.000000e+00 : f32
      %broadcast_in_dim3A_238 = vector.broadcast %broadcast_in_dim3A_237 : f32 to vector<16xf32>
      %swap3A_239 = arith.index_cast %add3A_231 : i32 to index
      %swap3A_240 = arith.constant 16 : index
      %swap3A_241 = tpu.vector_load %arg9[%swap3A_239, %swap3A_240] {strides = array<i32>} : memref<128x128xf32, #tpu.memory_space<vmem>>, vector<1x16xf32>,
      %swap3A_242 = vector.shape_cast %swap3A_241 : vector<1x16xf32> to vector<16xf32>
      %swap3A_243 = vector.shape_cast %broadcast_in_dim3A_238 : vector<16xf32> to vector<1x16xf32>
      tpu.vector_store %arg9[%swap3A_239, %swap3A_240], %swap3A_243 {strides = array<i32>} : memref<128x128xf32, #tpu.memory_space<vmem>>, vector<1x16xf32>,
      %broadcast_in_dim3A_244 = arith.constant 0.000000e+00 : f32
      %broadcast_in_dim3A_245 = vector.broadcast %broadcast_in_dim3A_244 : f32 to vector<16xf32>
      %swap3A_246 = arith.index_cast %add3A_231 : i32 to index
      %swap3A_247 = arith.constant 32 : index
      %swap3A_248 = tpu.vector_load %arg9[%swap3A_246, %swap3A_247] {strides = array<i32>} : memref<128x128xf32, #tpu.memory_space<vmem>>, vector<1x16xf32>,
      %swap3A_249 = vector.shape_cast %swap3A_248 : vector<1x16xf32> to vector<16xf32>
      %swap3A_250 = vector.shape_cast %broadcast_in_dim3A_245 : vector<16xf32> to vector<1x16xf32>
      tpu.vector_store %arg9[%swap3A_246, %swap3A_247], %swap3A_250 {strides = array<i32>} : memref<128x128xf32, #tpu.memory_space<vmem>>, vector<1x16xf32>,
      %broadcast_in_dim3A_251 = arith.constant 0.000000e+00 : f32
      %broadcast_in_dim3A_252 = vector.broadcast %broadcast_in_dim3A_251 : f32 to vector<16xf32>
      %swap3A_253 = arith.index_cast %add3A_231 : i32 to index
      %swap3A_254 = arith.constant 48 : index
      %swap3A_255 = tpu.vector_load %arg9[%swap3A_253, %swap3A_254] {strides = array<i32>} : memref<128x128xf32, #tpu.memory_space<vmem>>, vector<1x16xf32>,
      %swap3A_256 = vector.shape_cast %swap3A_255 : vector<1x16xf32> to vector<16xf32>
      %swap3A_257 = vector.shape_cast %broadcast_in_dim3A_252 : vector<16xf32> to vector<1x16xf32>
      tpu.vector_store %arg9[%swap3A_253, %swap3A_254], %swap3A_257 {strides = array<i32>} : memref<128x128xf32, #tpu.memory_space<vmem>>, vector<1x16xf32>,
      %broadcast_in_dim3A_258 = arith.constant 0.000000e+00 : f32
      %broadcast_in_dim3A_259 = vector.broadcast %broadcast_in_dim3A_258 : f32 to vector<16xf32>
      %swap3A_260 = arith.index_cast %add3A_231 : i32 to index
      %swap3A_261 = arith.constant 64 : index
      %swap3A_262 = tpu.vector_load %arg9[%swap3A_260, %swap3A_261] {strides = array<i32>} : memref<128x128xf32, #tpu.memory_space<vmem>>, vector<1x16xf32>,
      %swap3A_263 = vector.shape_cast %swap3A_262 : vector<1x16xf32> to vector<16xf32>
      %swap3A_264 = vector.shape_cast %broadcast_in_dim3A_259 : vector<16xf32> to vector<1x16xf32>
      tpu.vector_store %arg9[%swap3A_260, %swap3A_261], %swap3A_264 {strides = array<i32>} : memref<128x128xf32, #tpu.memory_space<vmem>>, vector<1x16xf32>,
      %broadcast_in_dim3A_265 = arith.constant 0.000000e+00 : f32
      %broadcast_in_dim3A_266 = vector.broadcast %broadcast_in_dim3A_265 : f32 to vector<16xf32>
      %swap3A_267 = arith.index_cast %add3A_231 : i32 to index
      %swap3A_268 = arith.constant 80 : index
      %swap3A_269 = tpu.vector_load %arg9[%swap3A_267, %swap3A_268] {strides = array<i32>} : memref<128x128xf32, #tpu.memory_space<vmem>>, vector<1x16xf32>,
      %swap3A_270 = vector.shape_cast %swap3A_269 : vector<1x16xf32> to vector<16xf32>
      %swap3A_271 = vector.shape_cast %broadcast_in_dim3A_266 : vector<16xf32> to vector<1x16xf32>
      tpu.vector_store %arg9[%swap3A_267, %swap3A_268], %swap3A_271 {strides = array<i32>} : memref<128x128xf32, #tpu.memory_space<vmem>>, vector<1x16xf32>,
      %broadcast_in_dim3A_272 = arith.constant 0.000000e+00 : f32
      %broadcast_in_dim3A_273 = vector.broadcast %broadcast_in_dim3A_272 : f32 to vector<16xf32>
      %swap3A_274 = arith.index_cast %add3A_231 : i32 to index
      %swap3A_275 = arith.constant 96 : index
      %swap3A_276 = tpu.vector_load %arg9[%swap3A_274, %swap3A_275] {strides = array<i32>} : memref<128x128xf32, #tpu.memory_space<vmem>>, vector<1x16xf32>,
      %swap3A_277 = vector.shape_cast %swap3A_276 : vector<1x16xf32> to vector<16xf32>
      %swap3A_278 = vector.shape_cast %broadcast_in_dim3A_273 : vector<16xf32> to vector<1x16xf32>
      tpu.vector_store %arg9[%swap3A_274, %swap3A_275], %swap3A_278 {strides = array<i32>} : memref<128x128xf32, #tpu.memory_space<vmem>>, vector<1x16xf32>,
      %broadcast_in_dim3A_279 = arith.constant 0.000000e+00 : f32
      %broadcast_in_dim3A_280 = vector.broadcast %broadcast_in_dim3A_279 : f32 to vector<16xf32>
      %swap3A_281 = arith.index_cast %add3A_231 : i32 to index
      %swap3A_282 = arith.constant 112 : index
      %swap3A_283 = tpu.vector_load %arg9[%swap3A_281, %swap3A_282] {strides = array<i32>} : memref<128x128xf32, #tpu.memory_space<vmem>>, vector<1x16xf32>,
      %swap3A_284 = vector.shape_cast %swap3A_283 : vector<1x16xf32> to vector<16xf32>
      %swap3A_285 = vector.shape_cast %broadcast_in_dim3A_280 : vector<16xf32> to vector<1x16xf32>
      tpu.vector_store %arg9[%swap3A_281, %swap3A_282], %swap3A_285 {strides = array<i32>} : memref<128x128xf32, #tpu.memory_space<vmem>>, vector<1x16xf32>,
    }
    %scan3A_6 = arith.constant 128 : i32
    %add3A_7 = arith.constant 0 : i32
    %add3A_8 = arith.addi %mul3A_2, %add3A_7 : i32
    "tpu.region"() ({
      %run_scoped3A_227 = tpu.sem_alloc : memref<!tpu.dma_semaphore, #tpu.memory_space<semaphore_mem>>
      %dma_start3A_228 = arith.constant 0 : i32
      %dma_start3A_229 = tpu.memref_slice %arg15[%add3A_8, %dma_start3A_228] : memref<10240x128xf32, #tpu.memory_space<vmem_shared>> -> memref<128x128xf32, #tpu.memory_space<vmem_shared>>
      %dma_start3A_230 = arith.constant 0 : i32
      %dma_start3A_231 = tpu.memref_slice %arg15[%add3A_8, %dma_start3A_230] : memref<10240x128xf32, #tpu.memory_space<vmem_shared>> -> memref<128x128xf32, #tpu.memory_space<vmem_shared>>
      tpu.enqueue_dma source(%arg9 : memref<128x128xf32, #tpu.memory_space<vmem>>) target(%dma_start3A_231 : memref<128x128xf32, #tpu.memory_space<vmem_shared>>) target_semaphore(%run_scoped3A_227 : memref<!tpu.dma_semaphore, #tpu.memory_space<semaphore_mem>>)
      %dma_wait3A_232 = arith.constant 0 : i32
      %dma_wait3A_233 = tpu.memref_slice %arg15[%add3A_8, %dma_wait3A_232] : memref<10240x128xf32, #tpu.memory_space<vmem_shared>> -> memref<128x128xf32, #tpu.memory_space<vmem_shared>>
      %dma_wait3A_234 = arith.constant 0 : i32
      %dma_wait3A_235 = tpu.memref_slice %arg15[%add3A_8, %dma_wait3A_234] : memref<10240x128xf32, #tpu.memory_space<vmem_shared>> -> memref<128x128xf32, #tpu.memory_space<vmem_shared>>
      tpu.wait_dma2 semaphore(%run_scoped3A_227 : memref<!tpu.dma_semaphore, #tpu.memory_space<semaphore_mem>>) src(%arg9 : memref<128x128xf32, #tpu.memory_space<vmem>>) dst(%dma_wait3A_235 : memref<128x128xf32, #tpu.memory_space<vmem_shared>>)
      tpu.yield
    }) : () -> ()
    %add3A_9 = arith.constant 128 : i32
    %add3A_10 = arith.addi %mul3A_2, %add3A_9 : i32
    "tpu.region"() ({
      %run_scoped3A_227 = tpu.sem_alloc : memref<!tpu.dma_semaphore, #tpu.memory_space<semaphore_mem>>
      %dma_start3A_228 = arith.constant 0 : i32
      %dma_start3A_229 = tpu.memref_slice %arg15[%add3A_10, %dma_start3A_228] : memref<10240x128xf32, #tpu.memory_space<vmem_shared>> -> memref<128x128xf32, #tpu.memory_space<vmem_shared>>
      %dma_start3A_230 = arith.constant 0 : i32
      %dma_start3A_231 = tpu.memref_slice %arg15[%add3A_10, %dma_start3A_230] : memref<10240x128xf32, #tpu.memory_space<vmem_shared>> -> memref<128x128xf32, #tpu.memory_space<vmem_shared>>
      tpu.enqueue_dma source(%arg9 : memref<128x128xf32, #tpu.memory_space<vmem>>) target(%dma_start3A_231 : memref<128x128xf32, #tpu.memory_space<vmem_shared>>) target_semaphore(%run_scoped3A_227 : memref<!tpu.dma_semaphore, #tpu.memory_space<semaphore_mem>>)
      %dma_wait3A_232 = arith.constant 0 : i32
      %dma_wait3A_233 = tpu.memref_slice %arg15[%add3A_10, %dma_wait3A_232] : memref<10240x128xf32, #tpu.memory_space<vmem_shared>> -> memref<128x128xf32, #tpu.memory_space<vmem_shared>>
      %dma_wait3A_234 = arith.constant 0 : i32
      %dma_wait3A_235 = tpu.memref_slice %arg15[%add3A_10, %dma_wait3A_234] : memref<10240x128xf32, #tpu.memory_space<vmem_shared>> -> memref<128x128xf32, #tpu.memory_space<vmem_shared>>
      tpu.wait_dma2 semaphore(%run_scoped3A_227 : memref<!tpu.dma_semaphore, #tpu.memory_space<semaphore_mem>>) src(%arg9 : memref<128x128xf32, #tpu.memory_space<vmem>>) dst(%dma_wait3A_235 : memref<128x128xf32, #tpu.memory_space<vmem_shared>>)
      tpu.yield
    }) : () -> ()
    %add3A_11 = arith.constant 256 : i32
    %add3A_12 = arith.addi %mul3A_2, %add3A_11 : i32
    "tpu.region"() ({
      %run_scoped3A_227 = tpu.sem_alloc : memref<!tpu.dma_semaphore, #tpu.memory_space<semaphore_mem>>
      %dma_start3A_228 = arith.constant 0 : i32
      %dma_start3A_229 = tpu.memref_slice %arg15[%add3A_12, %dma_start3A_228] : memref<10240x128xf32, #tpu.memory_space<vmem_shared>> -> memref<128x128xf32, #tpu.memory_space<vmem_shared>>
      %dma_start3A_230 = arith.constant 0 : i32
      %dma_start3A_231 = tpu.memref_slice %arg15[%add3A_12, %dma_start3A_230] : memref<10240x128xf32, #tpu.memory_space<vmem_shared>> -> memref<128x128xf32, #tpu.memory_space<vmem_shared>>
      tpu.enqueue_dma source(%arg9 : memref<128x128xf32, #tpu.memory_space<vmem>>) target(%dma_start3A_231 : memref<128x128xf32, #tpu.memory_space<vmem_shared>>) target_semaphore(%run_scoped3A_227 : memref<!tpu.dma_semaphore, #tpu.memory_space<semaphore_mem>>)
      %dma_wait3A_232 = arith.constant 0 : i32
      %dma_wait3A_233 = tpu.memref_slice %arg15[%add3A_12, %dma_wait3A_232] : memref<10240x128xf32, #tpu.memory_space<vmem_shared>> -> memref<128x128xf32, #tpu.memory_space<vmem_shared>>
      %dma_wait3A_234 = arith.constant 0 : i32
      %dma_wait3A_235 = tpu.memref_slice %arg15[%add3A_12, %dma_wait3A_234] : memref<10240x128xf32, #tpu.memory_space<vmem_shared>> -> memref<128x128xf32, #tpu.memory_space<vmem_shared>>
      tpu.wait_dma2 semaphore(%run_scoped3A_227 : memref<!tpu.dma_semaphore, #tpu.memory_space<semaphore_mem>>) src(%arg9 : memref<128x128xf32, #tpu.memory_space<vmem>>) dst(%dma_wait3A_235 : memref<128x128xf32, #tpu.memory_space<vmem_shared>>)
      tpu.yield
    }) : () -> ()
    %add3A_13 = arith.constant 384 : i32
    %add3A_14 = arith.addi %mul3A_2, %add3A_13 : i32
    "tpu.region"() ({
      %run_scoped3A_227 = tpu.sem_alloc : memref<!tpu.dma_semaphore, #tpu.memory_space<semaphore_mem>>
      %dma_start3A_228 = arith.constant 0 : i32
      %dma_start3A_229 = tpu.memref_slice %arg15[%add3A_14, %dma_start3A_228] : memref<10240x128xf32, #tpu.memory_space<vmem_shared>> -> memref<128x128xf32, #tpu.memory_space<vmem_shared>>
      %dma_start3A_230 = arith.constant 0 : i32
      %dma_start3A_231 = tpu.memref_slice %arg15[%add3A_14, %dma_start3A_230] : memref<10240x128xf32, #tpu.memory_space<vmem_shared>> -> memref<128x128xf32, #tpu.memory_space<vmem_shared>>
      tpu.enqueue_dma source(%arg9 : memref<128x128xf32, #tpu.memory_space<vmem>>) target(%dma_start3A_231 : memref<128x128xf32, #tpu.memory_space<vmem_shared>>) target_semaphore(%run_scoped3A_227 : memref<!tpu.dma_semaphore, #tpu.memory_space<semaphore_mem>>)
      %dma_wait3A_232 = arith.constant 0 : i32
      %dma_wait3A_233 = tpu.memref_slice %arg15[%add3A_14, %dma_wait3A_232] : memref<10240x128xf32, #tpu.memory_space<vmem_shared>> -> memref<128x128xf32, #tpu.memory_space<vmem_shared>>
      %dma_wait3A_234 = arith.constant 0 : i32
      %dma_wait3A_235 = tpu.memref_slice %arg15[%add3A_14, %dma_wait3A_234] : memref<10240x128xf32, #tpu.memory_space<vmem_shared>> -> memref<128x128xf32, #tpu.memory_space<vmem_shared>>
      tpu.wait_dma2 semaphore(%run_scoped3A_227 : memref<!tpu.dma_semaphore, #tpu.memory_space<semaphore_mem>>) src(%arg9 : memref<128x128xf32, #tpu.memory_space<vmem>>) dst(%dma_wait3A_235 : memref<128x128xf32, #tpu.memory_space<vmem_shared>>)
      tpu.yield
    }) : () -> ()
    %add3A_15 = arith.constant 512 : i32
    %add3A_16 = arith.addi %mul3A_2, %add3A_15 : i32
    "tpu.region"() ({
      %run_scoped3A_227 = tpu.sem_alloc : memref<!tpu.dma_semaphore, #tpu.memory_space<semaphore_mem>>
      %dma_start3A_228 = arith.constant 0 : i32
      %dma_start3A_229 = tpu.memref_slice %arg15[%add3A_16, %dma_start3A_228] : memref<10240x128xf32, #tpu.memory_space<vmem_shared>> -> memref<128x128xf32, #tpu.memory_space<vmem_shared>>
      %dma_start3A_230 = arith.constant 0 : i32
      %dma_start3A_231 = tpu.memref_slice %arg15[%add3A_16, %dma_start3A_230] : memref<10240x128xf32, #tpu.memory_space<vmem_shared>> -> memref<128x128xf32, #tpu.memory_space<vmem_shared>>
      tpu.enqueue_dma source(%arg9 : memref<128x128xf32, #tpu.memory_space<vmem>>) target(%dma_start3A_231 : memref<128x128xf32, #tpu.memory_space<vmem_shared>>) target_semaphore(%run_scoped3A_227 : memref<!tpu.dma_semaphore, #tpu.memory_space<semaphore_mem>>)
      %dma_wait3A_232 = arith.constant 0 : i32
      %dma_wait3A_233 = tpu.memref_slice %arg15[%add3A_16, %dma_wait3A_232] : memref<10240x128xf32, #tpu.memory_space<vmem_shared>> -> memref<128x128xf32, #tpu.memory_space<vmem_shared>>
      %dma_wait3A_234 = arith.constant 0 : i32
      %dma_wait3A_235 = tpu.memref_slice %arg15[%add3A_16, %dma_wait3A_234] : memref<10240x128xf32, #tpu.memory_space<vmem_shared>> -> memref<128x128xf32, #tpu.memory_space<vmem_shared>>
      tpu.wait_dma2 semaphore(%run_scoped3A_227 : memref<!tpu.dma_semaphore, #tpu.memory_space<semaphore_mem>>) src(%arg9 : memref<128x128xf32, #tpu.memory_space<vmem>>) dst(%dma_wait3A_235 : memref<128x128xf32, #tpu.memory_space<vmem_shared>>)
      tpu.yield
    }) : () -> ()
    "tpu.region"() ({
      %run_scoped3A_227 = tpu.sem_alloc : memref<!tpu.dma_semaphore, #tpu.memory_space<semaphore_mem>>
      %dma_start3A_228 = arith.constant 0 : i32
      %dma_start3A_229 = arith.constant 0 : i32
      %dma_start3A_230 = tpu.memref_slice %arg4[%add3A, %dma_start3A_228, %dma_start3A_229] : memref<32x80x128xi32, #tpu.memory_space<hbm>> -> memref<1x80x128xi32, #tpu.memory_space<hbm>>
      %dma_start3A_231 = tpu.memref_squeeze %dma_start3A_230 : memref<1x80x128xi32, #tpu.memory_space<hbm>> -> memref<80x128xi32, #tpu.memory_space<hbm>>
      %dma_start3A_232 = arith.constant 0 : i32
      %dma_start3A_233 = arith.constant 0 : i32
      %dma_start3A_234 = tpu.memref_slice %arg4[%add3A, %dma_start3A_232, %dma_start3A_233] : memref<32x80x128xi32, #tpu.memory_space<hbm>> -> memref<1x80x128xi32, #tpu.memory_space<hbm>>
      %dma_start3A_235 = tpu.memref_squeeze %dma_start3A_234 : memref<1x80x128xi32, #tpu.memory_space<hbm>> -> memref<80x128xi32, #tpu.memory_space<hbm>>
      tpu.enqueue_dma source(%dma_start3A_235 : memref<80x128xi32, #tpu.memory_space<hbm>>) target(%arg8 : memref<80x128xi32, #tpu.memory_space<vmem>>) target_semaphore(%run_scoped3A_227 : memref<!tpu.dma_semaphore, #tpu.memory_space<semaphore_mem>>)
      %dma_wait3A_236 = arith.constant 0 : i32
      %dma_wait3A_237 = arith.constant 0 : i32
      %dma_wait3A_238 = tpu.memref_slice %arg4[%add3A, %dma_wait3A_236, %dma_wait3A_237] : memref<32x80x128xi32, #tpu.memory_space<hbm>> -> memref<1x80x128xi32, #tpu.memory_space<hbm>>
      %dma_wait3A_239 = tpu.memref_squeeze %dma_wait3A_238 : memref<1x80x128xi32, #tpu.memory_space<hbm>> -> memref<80x128xi32, #tpu.memory_space<hbm>>
      %dma_wait3A_240 = arith.constant 0 : i32
      %dma_wait3A_241 = arith.constant 0 : i32
      %dma_wait3A_242 = tpu.memref_slice %arg4[%add3A, %dma_wait3A_240, %dma_wait3A_241] : memref<32x80x128xi32, #tpu.memory_space<hbm>> -> memref<1x80x128xi32, #tpu.memory_space<hbm>>
      %dma_wait3A_243 = tpu.memref_squeeze %dma_wait3A_242 : memref<1x80x128xi32, #tpu.memory_space<hbm>> -> memref<80x128xi32, #tpu.memory_space<hbm>>
      tpu.wait_dma2 semaphore(%run_scoped3A_227 : memref<!tpu.dma_semaphore, #tpu.memory_space<semaphore_mem>>) src(%dma_wait3A_243 : memref<80x128xi32, #tpu.memory_space<hbm>>) dst(%arg8 : memref<80x128xi32, #tpu.memory_space<vmem>>)
      tpu.yield
    }) : () -> ()
    %dma_start3A = arith.constant 0 : i32
    %dma_start3A_17 = arith.constant 0 : i32
    %dma_start3A_18 = arith.constant 0 : i32
    %dma_start3A_19 = tpu.memref_slice %arg3[%add3A, %dma_start3A, %dma_start3A_17, %dma_start3A_18] : memref<32x4x20x128xi32, #tpu.memory_space<hbm>> -> memref<1x1x20x128xi32, #tpu.memory_space<hbm>>
    %dma_start3A_20 = tpu.memref_squeeze %dma_start3A_19 : memref<1x1x20x128xi32, #tpu.memory_space<hbm>> -> memref<20x128xi32, #tpu.memory_space<hbm>>
    %dma_start3A_21 = arith.constant 0 : i32
    %dma_start3A_22 = arith.constant 0 : i32
    %dma_start3A_23 = tpu.memref_slice %arg3[%add3A, %dma_start3A, %dma_start3A_21, %dma_start3A_22] : memref<32x4x20x128xi32, #tpu.memory_space<hbm>> -> memref<1x1x20x128xi32, #tpu.memory_space<hbm>>
    %dma_start3A_24 = tpu.memref_squeeze %dma_start3A_23 : memref<1x1x20x128xi32, #tpu.memory_space<hbm>> -> memref<20x128xi32, #tpu.memory_space<hbm>>
    tpu.enqueue_dma source(%dma_start3A_24 : memref<20x128xi32, #tpu.memory_space<hbm>>) target(%arg6 : memref<20x128xi32, #tpu.memory_space<vmem>>) target_semaphore(%arg13 : memref<!tpu.dma_semaphore, #tpu.memory_space<semaphore_mem>>)
    %dma_start3A_25 = arith.constant 1 : i32
    %dma_start3A_26 = arith.constant 0 : i32
    %dma_start3A_27 = arith.constant 0 : i32
    %dma_start3A_28 = tpu.memref_slice %arg3[%add3A, %dma_start3A_25, %dma_start3A_26, %dma_start3A_27] : memref<32x4x20x128xi32, #tpu.memory_space<hbm>> -> memref<1x1x20x128xi32, #tpu.memory_space<hbm>>
    %dma_start3A_29 = tpu.memref_squeeze %dma_start3A_28 : memref<1x1x20x128xi32, #tpu.memory_space<hbm>> -> memref<20x128xi32, #tpu.memory_space<hbm>>
    %dma_start3A_30 = arith.constant 0 : i32
    %dma_start3A_31 = arith.constant 0 : i32
    %dma_start3A_32 = tpu.memref_slice %arg3[%add3A, %dma_start3A_25, %dma_start3A_30, %dma_start3A_31] : memref<32x4x20x128xi32, #tpu.memory_space<hbm>> -> memref<1x1x20x128xi32, #tpu.memory_space<hbm>>
    %dma_start3A_33 = tpu.memref_squeeze %dma_start3A_32 : memref<1x1x20x128xi32, #tpu.memory_space<hbm>> -> memref<20x128xi32, #tpu.memory_space<hbm>>
    tpu.enqueue_dma source(%dma_start3A_33 : memref<20x128xi32, #tpu.memory_space<hbm>>) target(%arg7 : memref<20x128xi32, #tpu.memory_space<vmem>>) target_semaphore(%arg14 : memref<!tpu.dma_semaphore, #tpu.memory_space<semaphore_mem>>)
    %dma_wait3A = arith.constant 0 : i32
    %dma_wait3A_34 = arith.constant 0 : i32
    %dma_wait3A_35 = arith.constant 0 : i32
    %dma_wait3A_36 = tpu.memref_slice %arg3[%add3A, %dma_wait3A, %dma_wait3A_34, %dma_wait3A_35] : memref<32x4x20x128xi32, #tpu.memory_space<hbm>> -> memref<1x1x20x128xi32, #tpu.memory_space<hbm>>
    %dma_wait3A_37 = tpu.memref_squeeze %dma_wait3A_36 : memref<1x1x20x128xi32, #tpu.memory_space<hbm>> -> memref<20x128xi32, #tpu.memory_space<hbm>>
    %dma_wait3A_38 = arith.constant 0 : i32
    %dma_wait3A_39 = arith.constant 0 : i32
    %dma_wait3A_40 = tpu.memref_slice %arg3[%add3A, %dma_wait3A, %dma_wait3A_38, %dma_wait3A_39] : memref<32x4x20x128xi32, #tpu.memory_space<hbm>> -> memref<1x1x20x128xi32, #tpu.memory_space<hbm>>
    %dma_wait3A_41 = tpu.memref_squeeze %dma_wait3A_40 : memref<1x1x20x128xi32, #tpu.memory_space<hbm>> -> memref<20x128xi32, #tpu.memory_space<hbm>>
    tpu.wait_dma2 semaphore(%arg13 : memref<!tpu.dma_semaphore, #tpu.memory_space<semaphore_mem>>) src(%dma_wait3A_41 : memref<20x128xi32, #tpu.memory_space<hbm>>) dst(%arg6 : memref<20x128xi32, #tpu.memory_space<vmem>>)
    %dma_start3A_42 = arith.constant 0 : i32
    %dma_start3A_43 = arith.constant 0 : i32
    %dma_start3A_44 = tpu.memref_slice %arg6[%dma_start3A_42, %dma_start3A_43] : memref<20x128xi32, #tpu.memory_space<vmem>> -> memref<1x128xi32, #tpu.memory_space<vmem>>
    %dma_start3A_45 = tpu.memref_squeeze %dma_start3A_44 : memref<1x128xi32, #tpu.memory_space<vmem>> -> memref<128xi32, #tpu.memory_space<vmem>>
    %dma_start3A_46 = arith.constant 0 : i32
    %dma_start3A_47 = arith.constant 0 : i32
    %dma_start3A_48 = tpu.memref_slice %arg2[%dma_start3A_46, %dma_start3A_47] : memref<10000x128xf32, #tpu.memory_space<hbm>> -> memref<10000x128xf32, #tpu.memory_space<hbm>>
    tpu.enqueue_indirect_dma source(%dma_start3A_48 : memref<10000x128xf32, #tpu.memory_space<hbm>>) target(%arg9 : memref<128x128xf32, #tpu.memory_space<vmem>>) offsets(%dma_start3A_45 : memref<128xi32, #tpu.memory_space<vmem>>) semaphore(%arg11 : memref<!tpu.dma_semaphore, #tpu.memory_space<semaphore_mem>>)
    %dma_start3A_49 = arith.constant 1 : i32
    %dma_start3A_50 = arith.constant 0 : i32
    %dma_start3A_51 = tpu.memref_slice %arg6[%dma_start3A_49, %dma_start3A_50] : memref<20x128xi32, #tpu.memory_space<vmem>> -> memref<1x128xi32, #tpu.memory_space<vmem>>
    %dma_start3A_52 = tpu.memref_squeeze %dma_start3A_51 : memref<1x128xi32, #tpu.memory_space<vmem>> -> memref<128xi32, #tpu.memory_space<vmem>>
    %dma_start3A_53 = arith.constant 0 : i32
    %dma_start3A_54 = arith.constant 0 : i32
    %dma_start3A_55 = tpu.memref_slice %arg2[%dma_start3A_53, %dma_start3A_54] : memref<10000x128xf32, #tpu.memory_space<hbm>> -> memref<10000x128xf32, #tpu.memory_space<hbm>>
    tpu.enqueue_indirect_dma source(%dma_start3A_55 : memref<10000x128xf32, #tpu.memory_space<hbm>>) target(%arg10 : memref<128x128xf32, #tpu.memory_space<vmem>>) offsets(%dma_start3A_52 : memref<128xi32, #tpu.memory_space<vmem>>) semaphore(%arg12 : memref<!tpu.dma_semaphore, #tpu.memory_space<semaphore_mem>>)
    %barrier3A = arith.constant 0 : index
    tpu.barrier barrier_id(%barrier3A)
    %scan3A_56 = arith.constant 0 : i32
    %scan3A_57 = arith.constant 9 : i32
    %scan3A_58 = arith.addi %scan3A_56, %scan3A_57 : i32
    %scan3A_59 = arith.constant 1 : i32
    scf.for %scan3A_227 = %scan3A_56 to %scan3A_58 step %scan3A_59  : i32 {
      %mul3A_228 = arith.constant 1 : i32
      %mul3A_229 = arith.muli %scan3A_227, %mul3A_228 : i32
      %add3A_230 = arith.constant 0 : i32
      %add3A_231 = arith.addi %add3A_230, %mul3A_229 : i32
      %mul3A_232 = arith.constant 2 : i32
      %mul3A_233 = arith.muli %add3A_231, %mul3A_232 : i32
      %add3A_234 = arith.constant 0 : i32
      %add3A_235 = arith.addi %mul3A_233, %add3A_234 : i32
      %add3A_236 = arith.constant 0 : i32
      %add3A_237 = arith.addi %add3A_236, %add3A_235 : i32
      %dma_wait3A_238 = arith.constant 0 : i32
      %dma_wait3A_239 = tpu.memref_slice %arg6[%add3A_235, %dma_wait3A_238] : memref<20x128xi32, #tpu.memory_space<vmem>> -> memref<1x128xi32, #tpu.memory_space<vmem>>
      %dma_wait3A_240 = tpu.memref_squeeze %dma_wait3A_239 : memref<1x128xi32, #tpu.memory_space<vmem>> -> memref<128xi32, #tpu.memory_space<vmem>>
      %dma_wait3A_241 = arith.constant 0 : i32
      %dma_wait3A_242 = arith.constant 0 : i32
      %dma_wait3A_243 = tpu.memref_slice %arg2[%dma_wait3A_241, %dma_wait3A_242] : memref<10000x128xf32, #tpu.memory_space<hbm>> -> memref<10000x128xf32, #tpu.memory_space<hbm>>
      tpu.wait_indirect_dma semaphore(%arg11 : memref<!tpu.dma_semaphore, #tpu.memory_space<semaphore_mem>>) src(%dma_wait3A_243 : memref<10000x128xf32, #tpu.memory_space<hbm>>) dst(%arg9 : memref<128x128xf32, #tpu.memory_space<vmem>>)
      "tpu.region"() ({
        %run_scoped3A_272 = tpu.sem_alloc : memref<!tpu.dma_semaphore, #tpu.memory_space<semaphore_mem>>
        %dma_start3A_273 = arith.constant 0 : i32
        %dma_start3A_274 = tpu.memref_slice %arg8[%add3A_237, %dma_start3A_273] : memref<80x128xi32, #tpu.memory_space<vmem>> -> memref<1x128xi32, #tpu.memory_space<vmem>>
        %dma_start3A_275 = tpu.memref_squeeze %dma_start3A_274 : memref<1x128xi32, #tpu.memory_space<vmem>> -> memref<128xi32, #tpu.memory_space<vmem>>
        %dma_start3A_276 = arith.constant 0 : i32
        %dma_start3A_277 = arith.constant 0 : i32
        %dma_start3A_278 = tpu.memref_slice %arg15[%dma_start3A_276, %dma_start3A_277] : memref<10240x128xf32, #tpu.memory_space<vmem_shared>> -> memref<10240x128xf32, #tpu.memory_space<vmem_shared>>
        tpu.enqueue_indirect_dma source(%arg9 : memref<128x128xf32, #tpu.memory_space<vmem>>) target(%dma_start3A_278 : memref<10240x128xf32, #tpu.memory_space<vmem_shared>>) offsets(%dma_start3A_275 : memref<128xi32, #tpu.memory_space<vmem>>) semaphore(%run_scoped3A_272 : memref<!tpu.dma_semaphore, #tpu.memory_space<semaphore_mem>>) {add = true}
        %dma_wait3A_279 = arith.constant 0 : i32
        %dma_wait3A_280 = tpu.memref_slice %arg8[%add3A_237, %dma_wait3A_279] : memref<80x128xi32, #tpu.memory_space<vmem>> -> memref<1x128xi32, #tpu.memory_space<vmem>>
        %dma_wait3A_281 = tpu.memref_squeeze %dma_wait3A_280 : memref<1x128xi32, #tpu.memory_space<vmem>> -> memref<128xi32, #tpu.memory_space<vmem>>
        %dma_wait3A_282 = arith.constant 0 : i32
        %dma_wait3A_283 = arith.constant 0 : i32
        %dma_wait3A_284 = tpu.memref_slice %arg15[%dma_wait3A_282, %dma_wait3A_283] : memref<10240x128xf32, #tpu.memory_space<vmem_shared>> -> memref<10240x128xf32, #tpu.memory_space<vmem_shared>>
        tpu.wait_indirect_dma semaphore(%run_scoped3A_272 : memref<!tpu.dma_semaphore, #tpu.memory_space<semaphore_mem>>) src(%arg9 : memref<128x128xf32, #tpu.memory_space<vmem>>) dst(%dma_wait3A_284 : memref<10240x128xf32, #tpu.memory_space<vmem_shared>>)
        tpu.yield
      }) : () -> ()
      %add3A_244 = arith.constant 2 : i32
      %add3A_245 = arith.addi %add3A_235, %add3A_244 : i32
      %dma_start3A_246 = arith.constant 0 : i32
      %dma_start3A_247 = tpu.memref_slice %arg6[%add3A_245, %dma_start3A_246] : memref<20x128xi32, #tpu.memory_space<vmem>> -> memref<1x128xi32, #tpu.memory_space<vmem>>
      %dma_start3A_248 = tpu.memref_squeeze %dma_start3A_247 : memref<1x128xi32, #tpu.memory_space<vmem>> -> memref<128xi32, #tpu.memory_space<vmem>>
      %dma_start3A_249 = arith.constant 0 : i32
      %dma_start3A_250 = arith.constant 0 : i32
      %dma_start3A_251 = tpu.memref_slice %arg2[%dma_start3A_249, %dma_start3A_250] : memref<10000x128xf32, #tpu.memory_space<hbm>> -> memref<10000x128xf32, #tpu.memory_space<hbm>>
      tpu.enqueue_indirect_dma source(%dma_start3A_251 : memref<10000x128xf32, #tpu.memory_space<hbm>>) target(%arg9 : memref<128x128xf32, #tpu.memory_space<vmem>>) offsets(%dma_start3A_248 : memref<128xi32, #tpu.memory_space<vmem>>) semaphore(%arg11 : memref<!tpu.dma_semaphore, #tpu.memory_space<semaphore_mem>>)
      %mul3A_252 = arith.constant 2 : i32
      %mul3A_253 = arith.muli %add3A_231, %mul3A_252 : i32
      %add3A_254 = arith.constant 1 : i32
      %add3A_255 = arith.addi %mul3A_253, %add3A_254 : i32
      %add3A_256 = arith.constant 0 : i32
      %add3A_257 = arith.addi %add3A_256, %add3A_255 : i32
      %dma_wait3A_258 = arith.constant 0 : i32
      %dma_wait3A_259 = tpu.memref_slice %arg6[%add3A_255, %dma_wait3A_258] : memref<20x128xi32, #tpu.memory_space<vmem>> -> memref<1x128xi32, #tpu.memory_space<vmem>>
      %dma_wait3A_260 = tpu.memref_squeeze %dma_wait3A_259 : memref<1x128xi32, #tpu.memory_space<vmem>> -> memref<128xi32, #tpu.memory_space<vmem>>
      %dma_wait3A_261 = arith.constant 0 : i32
      %dma_wait3A_262 = arith.constant 0 : i32
      %dma_wait3A_263 = tpu.memref_slice %arg2[%dma_wait3A_261, %dma_wait3A_262] : memref<10000x128xf32, #tpu.memory_space<hbm>> -> memref<10000x128xf32, #tpu.memory_space<hbm>>
      tpu.wait_indirect_dma semaphore(%arg12 : memref<!tpu.dma_semaphore, #tpu.memory_space<semaphore_mem>>) src(%dma_wait3A_263 : memref<10000x128xf32, #tpu.memory_space<hbm>>) dst(%arg10 : memref<128x128xf32, #tpu.memory_space<vmem>>)
      "tpu.region"() ({
        %run_scoped3A_272 = tpu.sem_alloc : memref<!tpu.dma_semaphore, #tpu.memory_space<semaphore_mem>>
        %dma_start3A_273 = arith.constant 0 : i32
        %dma_start3A_274 = tpu.memref_slice %arg8[%add3A_257, %dma_start3A_273] : memref<80x128xi32, #tpu.memory_space<vmem>> -> memref<1x128xi32, #tpu.memory_space<vmem>>
        %dma_start3A_275 = tpu.memref_squeeze %dma_start3A_274 : memref<1x128xi32, #tpu.memory_space<vmem>> -> memref<128xi32, #tpu.memory_space<vmem>>
        %dma_start3A_276 = arith.constant 0 : i32
        %dma_start3A_277 = arith.constant 0 : i32
        %dma_start3A_278 = tpu.memref_slice %arg15[%dma_start3A_276, %dma_start3A_277] : memref<10240x128xf32, #tpu.memory_space<vmem_shared>> -> memref<10240x128xf32, #tpu.memory_space<vmem_shared>>
        tpu.enqueue_indirect_dma source(%arg10 : memref<128x128xf32, #tpu.memory_space<vmem>>) target(%dma_start3A_278 : memref<10240x128xf32, #tpu.memory_space<vmem_shared>>) offsets(%dma_start3A_275 : memref<128xi32, #tpu.memory_space<vmem>>) semaphore(%run_scoped3A_272 : memref<!tpu.dma_semaphore, #tpu.memory_space<semaphore_mem>>) {add = true}
        %dma_wait3A_279 = arith.constant 0 : i32
        %dma_wait3A_280 = tpu.memref_slice %arg8[%add3A_257, %dma_wait3A_279] : memref<80x128xi32, #tpu.memory_space<vmem>> -> memref<1x128xi32, #tpu.memory_space<vmem>>
        %dma_wait3A_281 = tpu.memref_squeeze %dma_wait3A_280 : memref<1x128xi32, #tpu.memory_space<vmem>> -> memref<128xi32, #tpu.memory_space<vmem>>
        %dma_wait3A_282 = arith.constant 0 : i32
        %dma_wait3A_283 = arith.constant 0 : i32
        %dma_wait3A_284 = tpu.memref_slice %arg15[%dma_wait3A_282, %dma_wait3A_283] : memref<10240x128xf32, #tpu.memory_space<vmem_shared>> -> memref<10240x128xf32, #tpu.memory_space<vmem_shared>>
        tpu.wait_indirect_dma semaphore(%run_scoped3A_272 : memref<!tpu.dma_semaphore, #tpu.memory_space<semaphore_mem>>) src(%arg10 : memref<128x128xf32, #tpu.memory_space<vmem>>) dst(%dma_wait3A_284 : memref<10240x128xf32, #tpu.memory_space<vmem_shared>>)
        tpu.yield
      }) : () -> ()
      %add3A_264 = arith.constant 2 : i32
      %add3A_265 = arith.addi %add3A_255, %add3A_264 : i32
      %dma_start3A_266 = arith.constant 0 : i32
      %dma_start3A_267 = tpu.memref_slice %arg6[%add3A_265, %dma_start3A_266] : memref<20x128xi32, #tpu.memory_space<vmem>> -> memref<1x128xi32, #tpu.memory_space<vmem>>
      %dma_start3A_268 = tpu.memref_squeeze %dma_start3A_267 : memref<1x128xi32, #tpu.memory_space<vmem>> -> memref<128xi32, #tpu.memory_space<vmem>>
      %dma_start3A_269 = arith.constant 0 : i32
      %dma_start3A_270 = arith.constant 0 : i32
      %dma_start3A_271 = tpu.memref_slice %arg2[%dma_start3A_269, %dma_start3A_270] : memref<10000x128xf32, #tpu.memory_space<hbm>> -> memref<10000x128xf32, #tpu.memory_space<hbm>>
      tpu.enqueue_indirect_dma source(%dma_start3A_271 : memref<10000x128xf32, #tpu.memory_space<hbm>>) target(%arg10 : memref<128x128xf32, #tpu.memory_space<vmem>>) offsets(%dma_start3A_268 : memref<128xi32, #tpu.memory_space<vmem>>) semaphore(%arg12 : memref<!tpu.dma_semaphore, #tpu.memory_space<semaphore_mem>>)
    }
    %scan3A_60 = arith.constant 9 : i32
    %dma_wait3A_61 = arith.constant 1 : i32
    %dma_wait3A_62 = arith.constant 0 : i32
    %dma_wait3A_63 = arith.constant 0 : i32
    %dma_wait3A_64 = tpu.memref_slice %arg3[%add3A, %dma_wait3A_61, %dma_wait3A_62, %dma_wait3A_63] : memref<32x4x20x128xi32, #tpu.memory_space<hbm>> -> memref<1x1x20x128xi32, #tpu.memory_space<hbm>>
    %dma_wait3A_65 = tpu.memref_squeeze %dma_wait3A_64 : memref<1x1x20x128xi32, #tpu.memory_space<hbm>> -> memref<20x128xi32, #tpu.memory_space<hbm>>
    %dma_wait3A_66 = arith.constant 0 : i32
    %dma_wait3A_67 = arith.constant 0 : i32
    %dma_wait3A_68 = tpu.memref_slice %arg3[%add3A, %dma_wait3A_61, %dma_wait3A_66, %dma_wait3A_67] : memref<32x4x20x128xi32, #tpu.memory_space<hbm>> -> memref<1x1x20x128xi32, #tpu.memory_space<hbm>>
    %dma_wait3A_69 = tpu.memref_squeeze %dma_wait3A_68 : memref<1x1x20x128xi32, #tpu.memory_space<hbm>> -> memref<20x128xi32, #tpu.memory_space<hbm>>
    tpu.wait_dma2 semaphore(%arg14 : memref<!tpu.dma_semaphore, #tpu.memory_space<semaphore_mem>>) src(%dma_wait3A_69 : memref<20x128xi32, #tpu.memory_space<hbm>>) dst(%arg7 : memref<20x128xi32, #tpu.memory_space<vmem>>)
    %dma_wait3A_70 = arith.constant 18 : i32
    %dma_wait3A_71 = arith.constant 0 : i32
    %dma_wait3A_72 = tpu.memref_slice %arg6[%dma_wait3A_70, %dma_wait3A_71] : memref<20x128xi32, #tpu.memory_space<vmem>> -> memref<1x128xi32, #tpu.memory_space<vmem>>
    %dma_wait3A_73 = tpu.memref_squeeze %dma_wait3A_72 : memref<1x128xi32, #tpu.memory_space<vmem>> -> memref<128xi32, #tpu.memory_space<vmem>>
    %dma_wait3A_74 = arith.constant 0 : i32
    %dma_wait3A_75 = arith.constant 0 : i32
    %dma_wait3A_76 = tpu.memref_slice %arg2[%dma_wait3A_74, %dma_wait3A_75] : memref<10000x128xf32, #tpu.memory_space<hbm>> -> memref<10000x128xf32, #tpu.memory_space<hbm>>
    tpu.wait_indirect_dma semaphore(%arg11 : memref<!tpu.dma_semaphore, #tpu.memory_space<semaphore_mem>>) src(%dma_wait3A_76 : memref<10000x128xf32, #tpu.memory_space<hbm>>) dst(%arg9 : memref<128x128xf32, #tpu.memory_space<vmem>>)
    %run_scoped3A = arith.constant 18 : i32
    "tpu.region"() ({
      %run_scoped3A_227 = tpu.sem_alloc : memref<!tpu.dma_semaphore, #tpu.memory_space<semaphore_mem>>
      %dma_start3A_228 = arith.constant 0 : i32
      %dma_start3A_229 = tpu.memref_slice %arg8[%run_scoped3A, %dma_start3A_228] : memref<80x128xi32, #tpu.memory_space<vmem>> -> memref<1x128xi32, #tpu.memory_space<vmem>>
      %dma_start3A_230 = tpu.memref_squeeze %dma_start3A_229 : memref<1x128xi32, #tpu.memory_space<vmem>> -> memref<128xi32, #tpu.memory_space<vmem>>
      %dma_start3A_231 = arith.constant 0 : i32
      %dma_start3A_232 = arith.constant 0 : i32
      %dma_start3A_233 = tpu.memref_slice %arg15[%dma_start3A_231, %dma_start3A_232] : memref<10240x128xf32, #tpu.memory_space<vmem_shared>> -> memref<10240x128xf32, #tpu.memory_space<vmem_shared>>
      tpu.enqueue_indirect_dma source(%arg9 : memref<128x128xf32, #tpu.memory_space<vmem>>) target(%dma_start3A_233 : memref<10240x128xf32, #tpu.memory_space<vmem_shared>>) offsets(%dma_start3A_230 : memref<128xi32, #tpu.memory_space<vmem>>) semaphore(%run_scoped3A_227 : memref<!tpu.dma_semaphore, #tpu.memory_space<semaphore_mem>>) {add = true}
      %dma_wait3A_234 = arith.constant 0 : i32
      %dma_wait3A_235 = tpu.memref_slice %arg8[%run_scoped3A, %dma_wait3A_234] : memref<80x128xi32, #tpu.memory_space<vmem>> -> memref<1x128xi32, #tpu.memory_space<vmem>>
      %dma_wait3A_236 = tpu.memref_squeeze %dma_wait3A_235 : memref<1x128xi32, #tpu.memory_space<vmem>> -> memref<128xi32, #tpu.memory_space<vmem>>
      %dma_wait3A_237 = arith.constant 0 : i32
      %dma_wait3A_238 = arith.constant 0 : i32
      %dma_wait3A_239 = tpu.memref_slice %arg15[%dma_wait3A_237, %dma_wait3A_238] : memref<10240x128xf32, #tpu.memory_space<vmem_shared>> -> memref<10240x128xf32, #tpu.memory_space<vmem_shared>>
      tpu.wait_indirect_dma semaphore(%run_scoped3A_227 : memref<!tpu.dma_semaphore, #tpu.memory_space<semaphore_mem>>) src(%arg9 : memref<128x128xf32, #tpu.memory_space<vmem>>) dst(%dma_wait3A_239 : memref<10240x128xf32, #tpu.memory_space<vmem_shared>>)
      tpu.yield
    }) : () -> ()
    %dma_start3A_77 = arith.constant 0 : i32
    %dma_start3A_78 = arith.constant 0 : i32
    %dma_start3A_79 = tpu.memref_slice %arg7[%dma_start3A_77, %dma_start3A_78] : memref<20x128xi32, #tpu.memory_space<vmem>> -> memref<1x128xi32, #tpu.memory_space<vmem>>
    %dma_start3A_80 = tpu.memref_squeeze %dma_start3A_79 : memref<1x128xi32, #tpu.memory_space<vmem>> -> memref<128xi32, #tpu.memory_space<vmem>>
    %dma_start3A_81 = arith.constant 0 : i32
    %dma_start3A_82 = arith.constant 0 : i32
    %dma_start3A_83 = tpu.memref_slice %arg2[%dma_start3A_81, %dma_start3A_82] : memref<10000x128xf32, #tpu.memory_space<hbm>> -> memref<10000x128xf32, #tpu.memory_space<hbm>>
    tpu.enqueue_indirect_dma source(%dma_start3A_83 : memref<10000x128xf32, #tpu.memory_space<hbm>>) target(%arg9 : memref<128x128xf32, #tpu.memory_space<vmem>>) offsets(%dma_start3A_80 : memref<128xi32, #tpu.memory_space<vmem>>) semaphore(%arg11 : memref<!tpu.dma_semaphore, #tpu.memory_space<semaphore_mem>>)
    %dma_wait3A_84 = arith.constant 19 : i32
    %dma_wait3A_85 = arith.constant 0 : i32
    %dma_wait3A_86 = tpu.memref_slice %arg6[%dma_wait3A_84, %dma_wait3A_85] : memref<20x128xi32, #tpu.memory_space<vmem>> -> memref<1x128xi32, #tpu.memory_space<vmem>>
    %dma_wait3A_87 = tpu.memref_squeeze %dma_wait3A_86 : memref<1x128xi32, #tpu.memory_space<vmem>> -> memref<128xi32, #tpu.memory_space<vmem>>
    %dma_wait3A_88 = arith.constant 0 : i32
    %dma_wait3A_89 = arith.constant 0 : i32
    %dma_wait3A_90 = tpu.memref_slice %arg2[%dma_wait3A_88, %dma_wait3A_89] : memref<10000x128xf32, #tpu.memory_space<hbm>> -> memref<10000x128xf32, #tpu.memory_space<hbm>>
    tpu.wait_indirect_dma semaphore(%arg12 : memref<!tpu.dma_semaphore, #tpu.memory_space<semaphore_mem>>) src(%dma_wait3A_90 : memref<10000x128xf32, #tpu.memory_space<hbm>>) dst(%arg10 : memref<128x128xf32, #tpu.memory_space<vmem>>)
    %run_scoped3A_91 = arith.constant 19 : i32
    "tpu.region"() ({
      %run_scoped3A_227 = tpu.sem_alloc : memref<!tpu.dma_semaphore, #tpu.memory_space<semaphore_mem>>
      %dma_start3A_228 = arith.constant 0 : i32
      %dma_start3A_229 = tpu.memref_slice %arg8[%run_scoped3A_91, %dma_start3A_228] : memref<80x128xi32, #tpu.memory_space<vmem>> -> memref<1x128xi32, #tpu.memory_space<vmem>>
      %dma_start3A_230 = tpu.memref_squeeze %dma_start3A_229 : memref<1x128xi32, #tpu.memory_space<vmem>> -> memref<128xi32, #tpu.memory_space<vmem>>
      %dma_start3A_231 = arith.constant 0 : i32
      %dma_start3A_232 = arith.constant 0 : i32
      %dma_start3A_233 = tpu.memref_slice %arg15[%dma_start3A_231, %dma_start3A_232] : memref<10240x128xf32, #tpu.memory_space<vmem_shared>> -> memref<10240x128xf32, #tpu.memory_space<vmem_shared>>
      tpu.enqueue_indirect_dma source(%arg10 : memref<128x128xf32, #tpu.memory_space<vmem>>) target(%dma_start3A_233 : memref<10240x128xf32, #tpu.memory_space<vmem_shared>>) offsets(%dma_start3A_230 : memref<128xi32, #tpu.memory_space<vmem>>) semaphore(%run_scoped3A_227 : memref<!tpu.dma_semaphore, #tpu.memory_space<semaphore_mem>>) {add = true}
      %dma_wait3A_234 = arith.constant 0 : i32
      %dma_wait3A_235 = tpu.memref_slice %arg8[%run_scoped3A_91, %dma_wait3A_234] : memref<80x128xi32, #tpu.memory_space<vmem>> -> memref<1x128xi32, #tpu.memory_space<vmem>>
      %dma_wait3A_236 = tpu.memref_squeeze %dma_wait3A_235 : memref<1x128xi32, #tpu.memory_space<vmem>> -> memref<128xi32, #tpu.memory_space<vmem>>
      %dma_wait3A_237 = arith.constant 0 : i32
      %dma_wait3A_238 = arith.constant 0 : i32
      %dma_wait3A_239 = tpu.memref_slice %arg15[%dma_wait3A_237, %dma_wait3A_238] : memref<10240x128xf32, #tpu.memory_space<vmem_shared>> -> memref<10240x128xf32, #tpu.memory_space<vmem_shared>>
      tpu.wait_indirect_dma semaphore(%run_scoped3A_227 : memref<!tpu.dma_semaphore, #tpu.memory_space<semaphore_mem>>) src(%arg10 : memref<128x128xf32, #tpu.memory_space<vmem>>) dst(%dma_wait3A_239 : memref<10240x128xf32, #tpu.memory_space<vmem_shared>>)
      tpu.yield
    }) : () -> ()
    %dma_start3A_92 = arith.constant 1 : i32
    %dma_start3A_93 = arith.constant 0 : i32
    %dma_start3A_94 = tpu.memref_slice %arg7[%dma_start3A_92, %dma_start3A_93] : memref<20x128xi32, #tpu.memory_space<vmem>> -> memref<1x128xi32, #tpu.memory_space<vmem>>
    %dma_start3A_95 = tpu.memref_squeeze %dma_start3A_94 : memref<1x128xi32, #tpu.memory_space<vmem>> -> memref<128xi32, #tpu.memory_space<vmem>>
    %dma_start3A_96 = arith.constant 0 : i32
    %dma_start3A_97 = arith.constant 0 : i32
    %dma_start3A_98 = tpu.memref_slice %arg2[%dma_start3A_96, %dma_start3A_97] : memref<10000x128xf32, #tpu.memory_space<hbm>> -> memref<10000x128xf32, #tpu.memory_space<hbm>>
    tpu.enqueue_indirect_dma source(%dma_start3A_98 : memref<10000x128xf32, #tpu.memory_space<hbm>>) target(%arg10 : memref<128x128xf32, #tpu.memory_space<vmem>>) offsets(%dma_start3A_95 : memref<128xi32, #tpu.memory_space<vmem>>) semaphore(%arg12 : memref<!tpu.dma_semaphore, #tpu.memory_space<semaphore_mem>>)
    %dma_start3A_99 = arith.constant 2 : i32
    %dma_start3A_100 = arith.constant 0 : i32
    %dma_start3A_101 = arith.constant 0 : i32
    %dma_start3A_102 = tpu.memref_slice %arg3[%add3A, %dma_start3A_99, %dma_start3A_100, %dma_start3A_101] : memref<32x4x20x128xi32, #tpu.memory_space<hbm>> -> memref<1x1x20x128xi32, #tpu.memory_space<hbm>>
    %dma_start3A_103 = tpu.memref_squeeze %dma_start3A_102 : memref<1x1x20x128xi32, #tpu.memory_space<hbm>> -> memref<20x128xi32, #tpu.memory_space<hbm>>
    %dma_start3A_104 = arith.constant 0 : i32
    %dma_start3A_105 = arith.constant 0 : i32
    %dma_start3A_106 = tpu.memref_slice %arg3[%add3A, %dma_start3A_99, %dma_start3A_104, %dma_start3A_105] : memref<32x4x20x128xi32, #tpu.memory_space<hbm>> -> memref<1x1x20x128xi32, #tpu.memory_space<hbm>>
    %dma_start3A_107 = tpu.memref_squeeze %dma_start3A_106 : memref<1x1x20x128xi32, #tpu.memory_space<hbm>> -> memref<20x128xi32, #tpu.memory_space<hbm>>
    tpu.enqueue_dma source(%dma_start3A_107 : memref<20x128xi32, #tpu.memory_space<hbm>>) target(%arg6 : memref<20x128xi32, #tpu.memory_space<vmem>>) target_semaphore(%arg13 : memref<!tpu.dma_semaphore, #tpu.memory_space<semaphore_mem>>)
    %scan3A_108 = arith.constant 0 : i32
    %scan3A_109 = arith.constant 9 : i32
    %scan3A_110 = arith.addi %scan3A_108, %scan3A_109 : i32
    %scan3A_111 = arith.constant 1 : i32
    scf.for %scan3A_227 = %scan3A_108 to %scan3A_110 step %scan3A_111  : i32 {
      %mul3A_228 = arith.constant 1 : i32
      %mul3A_229 = arith.muli %scan3A_227, %mul3A_228 : i32
      %add3A_230 = arith.constant 0 : i32
      %add3A_231 = arith.addi %add3A_230, %mul3A_229 : i32
      %mul3A_232 = arith.constant 2 : i32
      %mul3A_233 = arith.muli %add3A_231, %mul3A_232 : i32
      %add3A_234 = arith.constant 0 : i32
      %add3A_235 = arith.addi %mul3A_233, %add3A_234 : i32
      %add3A_236 = arith.constant 20 : i32
      %add3A_237 = arith.addi %add3A_236, %add3A_235 : i32
      %dma_wait3A_238 = arith.constant 0 : i32
      %dma_wait3A_239 = tpu.memref_slice %arg7[%add3A_235, %dma_wait3A_238] : memref<20x128xi32, #tpu.memory_space<vmem>> -> memref<1x128xi32, #tpu.memory_space<vmem>>
      %dma_wait3A_240 = tpu.memref_squeeze %dma_wait3A_239 : memref<1x128xi32, #tpu.memory_space<vmem>> -> memref<128xi32, #tpu.memory_space<vmem>>
      %dma_wait3A_241 = arith.constant 0 : i32
      %dma_wait3A_242 = arith.constant 0 : i32
      %dma_wait3A_243 = tpu.memref_slice %arg2[%dma_wait3A_241, %dma_wait3A_242] : memref<10000x128xf32, #tpu.memory_space<hbm>> -> memref<10000x128xf32, #tpu.memory_space<hbm>>
      tpu.wait_indirect_dma semaphore(%arg11 : memref<!tpu.dma_semaphore, #tpu.memory_space<semaphore_mem>>) src(%dma_wait3A_243 : memref<10000x128xf32, #tpu.memory_space<hbm>>) dst(%arg9 : memref<128x128xf32, #tpu.memory_space<vmem>>)
      "tpu.region"() ({
        %run_scoped3A_272 = tpu.sem_alloc : memref<!tpu.dma_semaphore, #tpu.memory_space<semaphore_mem>>
        %dma_start3A_273 = arith.constant 0 : i32
        %dma_start3A_274 = tpu.memref_slice %arg8[%add3A_237, %dma_start3A_273] : memref<80x128xi32, #tpu.memory_space<vmem>> -> memref<1x128xi32, #tpu.memory_space<vmem>>
        %dma_start3A_275 = tpu.memref_squeeze %dma_start3A_274 : memref<1x128xi32, #tpu.memory_space<vmem>> -> memref<128xi32, #tpu.memory_space<vmem>>
        %dma_start3A_276 = arith.constant 0 : i32
        %dma_start3A_277 = arith.constant 0 : i32
        %dma_start3A_278 = tpu.memref_slice %arg15[%dma_start3A_276, %dma_start3A_277] : memref<10240x128xf32, #tpu.memory_space<vmem_shared>> -> memref<10240x128xf32, #tpu.memory_space<vmem_shared>>
        tpu.enqueue_indirect_dma source(%arg9 : memref<128x128xf32, #tpu.memory_space<vmem>>) target(%dma_start3A_278 : memref<10240x128xf32, #tpu.memory_space<vmem_shared>>) offsets(%dma_start3A_275 : memref<128xi32, #tpu.memory_space<vmem>>) semaphore(%run_scoped3A_272 : memref<!tpu.dma_semaphore, #tpu.memory_space<semaphore_mem>>) {add = true}
        %dma_wait3A_279 = arith.constant 0 : i32
        %dma_wait3A_280 = tpu.memref_slice %arg8[%add3A_237, %dma_wait3A_279] : memref<80x128xi32, #tpu.memory_space<vmem>> -> memref<1x128xi32, #tpu.memory_space<vmem>>
        %dma_wait3A_281 = tpu.memref_squeeze %dma_wait3A_280 : memref<1x128xi32, #tpu.memory_space<vmem>> -> memref<128xi32, #tpu.memory_space<vmem>>
        %dma_wait3A_282 = arith.constant 0 : i32
        %dma_wait3A_283 = arith.constant 0 : i32
        %dma_wait3A_284 = tpu.memref_slice %arg15[%dma_wait3A_282, %dma_wait3A_283] : memref<10240x128xf32, #tpu.memory_space<vmem_shared>> -> memref<10240x128xf32, #tpu.memory_space<vmem_shared>>
        tpu.wait_indirect_dma semaphore(%run_scoped3A_272 : memref<!tpu.dma_semaphore, #tpu.memory_space<semaphore_mem>>) src(%arg9 : memref<128x128xf32, #tpu.memory_space<vmem>>) dst(%dma_wait3A_284 : memref<10240x128xf32, #tpu.memory_space<vmem_shared>>)
        tpu.yield
      }) : () -> ()
      %add3A_244 = arith.constant 2 : i32
      %add3A_245 = arith.addi %add3A_235, %add3A_244 : i32
      %dma_start3A_246 = arith.constant 0 : i32
      %dma_start3A_247 = tpu.memref_slice %arg7[%add3A_245, %dma_start3A_246] : memref<20x128xi32, #tpu.memory_space<vmem>> -> memref<1x128xi32, #tpu.memory_space<vmem>>
      %dma_start3A_248 = tpu.memref_squeeze %dma_start3A_247 : memref<1x128xi32, #tpu.memory_space<vmem>> -> memref<128xi32, #tpu.memory_space<vmem>>
      %dma_start3A_249 = arith.constant 0 : i32
      %dma_start3A_250 = arith.constant 0 : i32
      %dma_start3A_251 = tpu.memref_slice %arg2[%dma_start3A_249, %dma_start3A_250] : memref<10000x128xf32, #tpu.memory_space<hbm>> -> memref<10000x128xf32, #tpu.memory_space<hbm>>
      tpu.enqueue_indirect_dma source(%dma_start3A_251 : memref<10000x128xf32, #tpu.memory_space<hbm>>) target(%arg9 : memref<128x128xf32, #tpu.memory_space<vmem>>) offsets(%dma_start3A_248 : memref<128xi32, #tpu.memory_space<vmem>>) semaphore(%arg11 : memref<!tpu.dma_semaphore, #tpu.memory_space<semaphore_mem>>)
      %mul3A_252 = arith.constant 2 : i32
      %mul3A_253 = arith.muli %add3A_231, %mul3A_252 : i32
      %add3A_254 = arith.constant 1 : i32
      %add3A_255 = arith.addi %mul3A_253, %add3A_254 : i32
      %add3A_256 = arith.constant 20 : i32
      %add3A_257 = arith.addi %add3A_256, %add3A_255 : i32
      %dma_wait3A_258 = arith.constant 0 : i32
      %dma_wait3A_259 = tpu.memref_slice %arg7[%add3A_255, %dma_wait3A_258] : memref<20x128xi32, #tpu.memory_space<vmem>> -> memref<1x128xi32, #tpu.memory_space<vmem>>
      %dma_wait3A_260 = tpu.memref_squeeze %dma_wait3A_259 : memref<1x128xi32, #tpu.memory_space<vmem>> -> memref<128xi32, #tpu.memory_space<vmem>>
      %dma_wait3A_261 = arith.constant 0 : i32
      %dma_wait3A_262 = arith.constant 0 : i32
      %dma_wait3A_263 = tpu.memref_slice %arg2[%dma_wait3A_261, %dma_wait3A_262] : memref<10000x128xf32, #tpu.memory_space<hbm>> -> memref<10000x128xf32, #tpu.memory_space<hbm>>
      tpu.wait_indirect_dma semaphore(%arg12 : memref<!tpu.dma_semaphore, #tpu.memory_space<semaphore_mem>>) src(%dma_wait3A_263 : memref<10000x128xf32, #tpu.memory_space<hbm>>) dst(%arg10 : memref<128x128xf32, #tpu.memory_space<vmem>>)
      "tpu.region"() ({
        %run_scoped3A_272 = tpu.sem_alloc : memref<!tpu.dma_semaphore, #tpu.memory_space<semaphore_mem>>
        %dma_start3A_273 = arith.constant 0 : i32
        %dma_start3A_274 = tpu.memref_slice %arg8[%add3A_257, %dma_start3A_273] : memref<80x128xi32, #tpu.memory_space<vmem>> -> memref<1x128xi32, #tpu.memory_space<vmem>>
        %dma_start3A_275 = tpu.memref_squeeze %dma_start3A_274 : memref<1x128xi32, #tpu.memory_space<vmem>> -> memref<128xi32, #tpu.memory_space<vmem>>
        %dma_start3A_276 = arith.constant 0 : i32
        %dma_start3A_277 = arith.constant 0 : i32
        %dma_start3A_278 = tpu.memref_slice %arg15[%dma_start3A_276, %dma_start3A_277] : memref<10240x128xf32, #tpu.memory_space<vmem_shared>> -> memref<10240x128xf32, #tpu.memory_space<vmem_shared>>
        tpu.enqueue_indirect_dma source(%arg10 : memref<128x128xf32, #tpu.memory_space<vmem>>) target(%dma_start3A_278 : memref<10240x128xf32, #tpu.memory_space<vmem_shared>>) offsets(%dma_start3A_275 : memref<128xi32, #tpu.memory_space<vmem>>) semaphore(%run_scoped3A_272 : memref<!tpu.dma_semaphore, #tpu.memory_space<semaphore_mem>>) {add = true}
        %dma_wait3A_279 = arith.constant 0 : i32
        %dma_wait3A_280 = tpu.memref_slice %arg8[%add3A_257, %dma_wait3A_279] : memref<80x128xi32, #tpu.memory_space<vmem>> -> memref<1x128xi32, #tpu.memory_space<vmem>>
        %dma_wait3A_281 = tpu.memref_squeeze %dma_wait3A_280 : memref<1x128xi32, #tpu.memory_space<vmem>> -> memref<128xi32, #tpu.memory_space<vmem>>
        %dma_wait3A_282 = arith.constant 0 : i32
        %dma_wait3A_283 = arith.constant 0 : i32
        %dma_wait3A_284 = tpu.memref_slice %arg15[%dma_wait3A_282, %dma_wait3A_283] : memref<10240x128xf32, #tpu.memory_space<vmem_shared>> -> memref<10240x128xf32, #tpu.memory_space<vmem_shared>>
        tpu.wait_indirect_dma semaphore(%run_scoped3A_272 : memref<!tpu.dma_semaphore, #tpu.memory_space<semaphore_mem>>) src(%arg10 : memref<128x128xf32, #tpu.memory_space<vmem>>) dst(%dma_wait3A_284 : memref<10240x128xf32, #tpu.memory_space<vmem_shared>>)
        tpu.yield
      }) : () -> ()
      %add3A_264 = arith.constant 2 : i32
      %add3A_265 = arith.addi %add3A_255, %add3A_264 : i32
      %dma_start3A_266 = arith.constant 0 : i32
      %dma_start3A_267 = tpu.memref_slice %arg7[%add3A_265, %dma_start3A_266] : memref<20x128xi32, #tpu.memory_space<vmem>> -> memref<1x128xi32, #tpu.memory_space<vmem>>
      %dma_start3A_268 = tpu.memref_squeeze %dma_start3A_267 : memref<1x128xi32, #tpu.memory_space<vmem>> -> memref<128xi32, #tpu.memory_space<vmem>>
      %dma_start3A_269 = arith.constant 0 : i32
      %dma_start3A_270 = arith.constant 0 : i32
      %dma_start3A_271 = tpu.memref_slice %arg2[%dma_start3A_269, %dma_start3A_270] : memref<10000x128xf32, #tpu.memory_space<hbm>> -> memref<10000x128xf32, #tpu.memory_space<hbm>>
      tpu.enqueue_indirect_dma source(%dma_start3A_271 : memref<10000x128xf32, #tpu.memory_space<hbm>>) target(%arg10 : memref<128x128xf32, #tpu.memory_space<vmem>>) offsets(%dma_start3A_268 : memref<128xi32, #tpu.memory_space<vmem>>) semaphore(%arg12 : memref<!tpu.dma_semaphore, #tpu.memory_space<semaphore_mem>>)
    }
    %scan3A_112 = arith.constant 9 : i32
    %dma_wait3A_113 = arith.constant 2 : i32
    %dma_wait3A_114 = arith.constant 0 : i32
    %dma_wait3A_115 = arith.constant 0 : i32
    %dma_wait3A_116 = tpu.memref_slice %arg3[%add3A, %dma_wait3A_113, %dma_wait3A_114, %dma_wait3A_115] : memref<32x4x20x128xi32, #tpu.memory_space<hbm>> -> memref<1x1x20x128xi32, #tpu.memory_space<hbm>>
    %dma_wait3A_117 = tpu.memref_squeeze %dma_wait3A_116 : memref<1x1x20x128xi32, #tpu.memory_space<hbm>> -> memref<20x128xi32, #tpu.memory_space<hbm>>
    %dma_wait3A_118 = arith.constant 0 : i32
    %dma_wait3A_119 = arith.constant 0 : i32
    %dma_wait3A_120 = tpu.memref_slice %arg3[%add3A, %dma_wait3A_113, %dma_wait3A_118, %dma_wait3A_119] : memref<32x4x20x128xi32, #tpu.memory_space<hbm>> -> memref<1x1x20x128xi32, #tpu.memory_space<hbm>>
    %dma_wait3A_121 = tpu.memref_squeeze %dma_wait3A_120 : memref<1x1x20x128xi32, #tpu.memory_space<hbm>> -> memref<20x128xi32, #tpu.memory_space<hbm>>
    tpu.wait_dma2 semaphore(%arg13 : memref<!tpu.dma_semaphore, #tpu.memory_space<semaphore_mem>>) src(%dma_wait3A_121 : memref<20x128xi32, #tpu.memory_space<hbm>>) dst(%arg6 : memref<20x128xi32, #tpu.memory_space<vmem>>)
    %dma_wait3A_122 = arith.constant 18 : i32
    %dma_wait3A_123 = arith.constant 0 : i32
    %dma_wait3A_124 = tpu.memref_slice %arg7[%dma_wait3A_122, %dma_wait3A_123] : memref<20x128xi32, #tpu.memory_space<vmem>> -> memref<1x128xi32, #tpu.memory_space<vmem>>
    %dma_wait3A_125 = tpu.memref_squeeze %dma_wait3A_124 : memref<1x128xi32, #tpu.memory_space<vmem>> -> memref<128xi32, #tpu.memory_space<vmem>>
    %dma_wait3A_126 = arith.constant 0 : i32
    %dma_wait3A_127 = arith.constant 0 : i32
    %dma_wait3A_128 = tpu.memref_slice %arg2[%dma_wait3A_126, %dma_wait3A_127] : memref<10000x128xf32, #tpu.memory_space<hbm>> -> memref<10000x128xf32, #tpu.memory_space<hbm>>
    tpu.wait_indirect_dma semaphore(%arg11 : memref<!tpu.dma_semaphore, #tpu.memory_space<semaphore_mem>>) src(%dma_wait3A_128 : memref<10000x128xf32, #tpu.memory_space<hbm>>) dst(%arg9 : memref<128x128xf32, #tpu.memory_space<vmem>>)
    %run_scoped3A_129 = arith.constant 38 : i32
    "tpu.region"() ({
      %run_scoped3A_227 = tpu.sem_alloc : memref<!tpu.dma_semaphore, #tpu.memory_space<semaphore_mem>>
      %dma_start3A_228 = arith.constant 0 : i32
      %dma_start3A_229 = tpu.memref_slice %arg8[%run_scoped3A_129, %dma_start3A_228] : memref<80x128xi32, #tpu.memory_space<vmem>> -> memref<1x128xi32, #tpu.memory_space<vmem>>
      %dma_start3A_230 = tpu.memref_squeeze %dma_start3A_229 : memref<1x128xi32, #tpu.memory_space<vmem>> -> memref<128xi32, #tpu.memory_space<vmem>>
      %dma_start3A_231 = arith.constant 0 : i32
      %dma_start3A_232 = arith.constant 0 : i32
      %dma_start3A_233 = tpu.memref_slice %arg15[%dma_start3A_231, %dma_start3A_232] : memref<10240x128xf32, #tpu.memory_space<vmem_shared>> -> memref<10240x128xf32, #tpu.memory_space<vmem_shared>>
      tpu.enqueue_indirect_dma source(%arg9 : memref<128x128xf32, #tpu.memory_space<vmem>>) target(%dma_start3A_233 : memref<10240x128xf32, #tpu.memory_space<vmem_shared>>) offsets(%dma_start3A_230 : memref<128xi32, #tpu.memory_space<vmem>>) semaphore(%run_scoped3A_227 : memref<!tpu.dma_semaphore, #tpu.memory_space<semaphore_mem>>) {add = true}
      %dma_wait3A_234 = arith.constant 0 : i32
      %dma_wait3A_235 = tpu.memref_slice %arg8[%run_scoped3A_129, %dma_wait3A_234] : memref<80x128xi32, #tpu.memory_space<vmem>> -> memref<1x128xi32, #tpu.memory_space<vmem>>
      %dma_wait3A_236 = tpu.memref_squeeze %dma_wait3A_235 : memref<1x128xi32, #tpu.memory_space<vmem>> -> memref<128xi32, #tpu.memory_space<vmem>>
      %dma_wait3A_237 = arith.constant 0 : i32
      %dma_wait3A_238 = arith.constant 0 : i32
      %dma_wait3A_239 = tpu.memref_slice %arg15[%dma_wait3A_237, %dma_wait3A_238] : memref<10240x128xf32, #tpu.memory_space<vmem_shared>> -> memref<10240x128xf32, #tpu.memory_space<vmem_shared>>
      tpu.wait_indirect_dma semaphore(%run_scoped3A_227 : memref<!tpu.dma_semaphore, #tpu.memory_space<semaphore_mem>>) src(%arg9 : memref<128x128xf32, #tpu.memory_space<vmem>>) dst(%dma_wait3A_239 : memref<10240x128xf32, #tpu.memory_space<vmem_shared>>)
      tpu.yield
    }) : () -> ()
    %dma_start3A_130 = arith.constant 0 : i32
    %dma_start3A_131 = arith.constant 0 : i32
    %dma_start3A_132 = tpu.memref_slice %arg6[%dma_start3A_130, %dma_start3A_131] : memref<20x128xi32, #tpu.memory_space<vmem>> -> memref<1x128xi32, #tpu.memory_space<vmem>>
    %dma_start3A_133 = tpu.memref_squeeze %dma_start3A_132 : memref<1x128xi32, #tpu.memory_space<vmem>> -> memref<128xi32, #tpu.memory_space<vmem>>
    %dma_start3A_134 = arith.constant 0 : i32
    %dma_start3A_135 = arith.constant 0 : i32
    %dma_start3A_136 = tpu.memref_slice %arg2[%dma_start3A_134, %dma_start3A_135] : memref<10000x128xf32, #tpu.memory_space<hbm>> -> memref<10000x128xf32, #tpu.memory_space<hbm>>
    tpu.enqueue_indirect_dma source(%dma_start3A_136 : memref<10000x128xf32, #tpu.memory_space<hbm>>) target(%arg9 : memref<128x128xf32, #tpu.memory_space<vmem>>) offsets(%dma_start3A_133 : memref<128xi32, #tpu.memory_space<vmem>>) semaphore(%arg11 : memref<!tpu.dma_semaphore, #tpu.memory_space<semaphore_mem>>)
    %dma_wait3A_137 = arith.constant 19 : i32
    %dma_wait3A_138 = arith.constant 0 : i32
    %dma_wait3A_139 = tpu.memref_slice %arg7[%dma_wait3A_137, %dma_wait3A_138] : memref<20x128xi32, #tpu.memory_space<vmem>> -> memref<1x128xi32, #tpu.memory_space<vmem>>
    %dma_wait3A_140 = tpu.memref_squeeze %dma_wait3A_139 : memref<1x128xi32, #tpu.memory_space<vmem>> -> memref<128xi32, #tpu.memory_space<vmem>>
    %dma_wait3A_141 = arith.constant 0 : i32
    %dma_wait3A_142 = arith.constant 0 : i32
    %dma_wait3A_143 = tpu.memref_slice %arg2[%dma_wait3A_141, %dma_wait3A_142] : memref<10000x128xf32, #tpu.memory_space<hbm>> -> memref<10000x128xf32, #tpu.memory_space<hbm>>
    tpu.wait_indirect_dma semaphore(%arg12 : memref<!tpu.dma_semaphore, #tpu.memory_space<semaphore_mem>>) src(%dma_wait3A_143 : memref<10000x128xf32, #tpu.memory_space<hbm>>) dst(%arg10 : memref<128x128xf32, #tpu.memory_space<vmem>>)
    %run_scoped3A_144 = arith.constant 39 : i32
    "tpu.region"() ({
      %run_scoped3A_227 = tpu.sem_alloc : memref<!tpu.dma_semaphore, #tpu.memory_space<semaphore_mem>>
      %dma_start3A_228 = arith.constant 0 : i32
      %dma_start3A_229 = tpu.memref_slice %arg8[%run_scoped3A_144, %dma_start3A_228] : memref<80x128xi32, #tpu.memory_space<vmem>> -> memref<1x128xi32, #tpu.memory_space<vmem>>
      %dma_start3A_230 = tpu.memref_squeeze %dma_start3A_229 : memref<1x128xi32, #tpu.memory_space<vmem>> -> memref<128xi32, #tpu.memory_space<vmem>>
      %dma_start3A_231 = arith.constant 0 : i32
      %dma_start3A_232 = arith.constant 0 : i32
      %dma_start3A_233 = tpu.memref_slice %arg15[%dma_start3A_231, %dma_start3A_232] : memref<10240x128xf32, #tpu.memory_space<vmem_shared>> -> memref<10240x128xf32, #tpu.memory_space<vmem_shared>>
      tpu.enqueue_indirect_dma source(%arg10 : memref<128x128xf32, #tpu.memory_space<vmem>>) target(%dma_start3A_233 : memref<10240x128xf32, #tpu.memory_space<vmem_shared>>) offsets(%dma_start3A_230 : memref<128xi32, #tpu.memory_space<vmem>>) semaphore(%run_scoped3A_227 : memref<!tpu.dma_semaphore, #tpu.memory_space<semaphore_mem>>) {add = true}
      %dma_wait3A_234 = arith.constant 0 : i32
      %dma_wait3A_235 = tpu.memref_slice %arg8[%run_scoped3A_144, %dma_wait3A_234] : memref<80x128xi32, #tpu.memory_space<vmem>> -> memref<1x128xi32, #tpu.memory_space<vmem>>
      %dma_wait3A_236 = tpu.memref_squeeze %dma_wait3A_235 : memref<1x128xi32, #tpu.memory_space<vmem>> -> memref<128xi32, #tpu.memory_space<vmem>>
      %dma_wait3A_237 = arith.constant 0 : i32
      %dma_wait3A_238 = arith.constant 0 : i32
      %dma_wait3A_239 = tpu.memref_slice %arg15[%dma_wait3A_237, %dma_wait3A_238] : memref<10240x128xf32, #tpu.memory_space<vmem_shared>> -> memref<10240x128xf32, #tpu.memory_space<vmem_shared>>
      tpu.wait_indirect_dma semaphore(%run_scoped3A_227 : memref<!tpu.dma_semaphore, #tpu.memory_space<semaphore_mem>>) src(%arg10 : memref<128x128xf32, #tpu.memory_space<vmem>>) dst(%dma_wait3A_239 : memref<10240x128xf32, #tpu.memory_space<vmem_shared>>)
      tpu.yield
    }) : () -> ()
    %dma_start3A_145 = arith.constant 1 : i32
    %dma_start3A_146 = arith.constant 0 : i32
    %dma_start3A_147 = tpu.memref_slice %arg6[%dma_start3A_145, %dma_start3A_146] : memref<20x128xi32, #tpu.memory_space<vmem>> -> memref<1x128xi32, #tpu.memory_space<vmem>>
    %dma_start3A_148 = tpu.memref_squeeze %dma_start3A_147 : memref<1x128xi32, #tpu.memory_space<vmem>> -> memref<128xi32, #tpu.memory_space<vmem>>
    %dma_start3A_149 = arith.constant 0 : i32
    %dma_start3A_150 = arith.constant 0 : i32
    %dma_start3A_151 = tpu.memref_slice %arg2[%dma_start3A_149, %dma_start3A_150] : memref<10000x128xf32, #tpu.memory_space<hbm>> -> memref<10000x128xf32, #tpu.memory_space<hbm>>
    tpu.enqueue_indirect_dma source(%dma_start3A_151 : memref<10000x128xf32, #tpu.memory_space<hbm>>) target(%arg10 : memref<128x128xf32, #tpu.memory_space<vmem>>) offsets(%dma_start3A_148 : memref<128xi32, #tpu.memory_space<vmem>>) semaphore(%arg12 : memref<!tpu.dma_semaphore, #tpu.memory_space<semaphore_mem>>)
    %dma_start3A_152 = arith.constant 3 : i32
    %dma_start3A_153 = arith.constant 0 : i32
    %dma_start3A_154 = arith.constant 0 : i32
    %dma_start3A_155 = tpu.memref_slice %arg3[%add3A, %dma_start3A_152, %dma_start3A_153, %dma_start3A_154] : memref<32x4x20x128xi32, #tpu.memory_space<hbm>> -> memref<1x1x20x128xi32, #tpu.memory_space<hbm>>
    %dma_start3A_156 = tpu.memref_squeeze %dma_start3A_155 : memref<1x1x20x128xi32, #tpu.memory_space<hbm>> -> memref<20x128xi32, #tpu.memory_space<hbm>>
    %dma_start3A_157 = arith.constant 0 : i32
    %dma_start3A_158 = arith.constant 0 : i32
    %dma_start3A_159 = tpu.memref_slice %arg3[%add3A, %dma_start3A_152, %dma_start3A_157, %dma_start3A_158] : memref<32x4x20x128xi32, #tpu.memory_space<hbm>> -> memref<1x1x20x128xi32, #tpu.memory_space<hbm>>
    %dma_start3A_160 = tpu.memref_squeeze %dma_start3A_159 : memref<1x1x20x128xi32, #tpu.memory_space<hbm>> -> memref<20x128xi32, #tpu.memory_space<hbm>>
    tpu.enqueue_dma source(%dma_start3A_160 : memref<20x128xi32, #tpu.memory_space<hbm>>) target(%arg7 : memref<20x128xi32, #tpu.memory_space<vmem>>) target_semaphore(%arg14 : memref<!tpu.dma_semaphore, #tpu.memory_space<semaphore_mem>>)
    %scan3A_161 = arith.constant 0 : i32
    %scan3A_162 = arith.constant 9 : i32
    %scan3A_163 = arith.addi %scan3A_161, %scan3A_162 : i32
    %scan3A_164 = arith.constant 1 : i32
    scf.for %scan3A_227 = %scan3A_161 to %scan3A_163 step %scan3A_164  : i32 {
      %mul3A_228 = arith.constant 1 : i32
      %mul3A_229 = arith.muli %scan3A_227, %mul3A_228 : i32
      %add3A_230 = arith.constant 0 : i32
      %add3A_231 = arith.addi %add3A_230, %mul3A_229 : i32
      %mul3A_232 = arith.constant 2 : i32
      %mul3A_233 = arith.muli %add3A_231, %mul3A_232 : i32
      %add3A_234 = arith.constant 0 : i32
      %add3A_235 = arith.addi %mul3A_233, %add3A_234 : i32
      %add3A_236 = arith.constant 40 : i32
      %add3A_237 = arith.addi %add3A_236, %add3A_235 : i32
      %dma_wait3A_238 = arith.constant 0 : i32
      %dma_wait3A_239 = tpu.memref_slice %arg6[%add3A_235, %dma_wait3A_238] : memref<20x128xi32, #tpu.memory_space<vmem>> -> memref<1x128xi32, #tpu.memory_space<vmem>>
      %dma_wait3A_240 = tpu.memref_squeeze %dma_wait3A_239 : memref<1x128xi32, #tpu.memory_space<vmem>> -> memref<128xi32, #tpu.memory_space<vmem>>
      %dma_wait3A_241 = arith.constant 0 : i32
      %dma_wait3A_242 = arith.constant 0 : i32
      %dma_wait3A_243 = tpu.memref_slice %arg2[%dma_wait3A_241, %dma_wait3A_242] : memref<10000x128xf32, #tpu.memory_space<hbm>> -> memref<10000x128xf32, #tpu.memory_space<hbm>>
      tpu.wait_indirect_dma semaphore(%arg11 : memref<!tpu.dma_semaphore, #tpu.memory_space<semaphore_mem>>) src(%dma_wait3A_243 : memref<10000x128xf32, #tpu.memory_space<hbm>>) dst(%arg9 : memref<128x128xf32, #tpu.memory_space<vmem>>)
      "tpu.region"() ({
        %run_scoped3A_272 = tpu.sem_alloc : memref<!tpu.dma_semaphore, #tpu.memory_space<semaphore_mem>>
        %dma_start3A_273 = arith.constant 0 : i32
        %dma_start3A_274 = tpu.memref_slice %arg8[%add3A_237, %dma_start3A_273] : memref<80x128xi32, #tpu.memory_space<vmem>> -> memref<1x128xi32, #tpu.memory_space<vmem>>
        %dma_start3A_275 = tpu.memref_squeeze %dma_start3A_274 : memref<1x128xi32, #tpu.memory_space<vmem>> -> memref<128xi32, #tpu.memory_space<vmem>>
        %dma_start3A_276 = arith.constant 0 : i32
        %dma_start3A_277 = arith.constant 0 : i32
        %dma_start3A_278 = tpu.memref_slice %arg15[%dma_start3A_276, %dma_start3A_277] : memref<10240x128xf32, #tpu.memory_space<vmem_shared>> -> memref<10240x128xf32, #tpu.memory_space<vmem_shared>>
        tpu.enqueue_indirect_dma source(%arg9 : memref<128x128xf32, #tpu.memory_space<vmem>>) target(%dma_start3A_278 : memref<10240x128xf32, #tpu.memory_space<vmem_shared>>) offsets(%dma_start3A_275 : memref<128xi32, #tpu.memory_space<vmem>>) semaphore(%run_scoped3A_272 : memref<!tpu.dma_semaphore, #tpu.memory_space<semaphore_mem>>) {add = true}
        %dma_wait3A_279 = arith.constant 0 : i32
        %dma_wait3A_280 = tpu.memref_slice %arg8[%add3A_237, %dma_wait3A_279] : memref<80x128xi32, #tpu.memory_space<vmem>> -> memref<1x128xi32, #tpu.memory_space<vmem>>
        %dma_wait3A_281 = tpu.memref_squeeze %dma_wait3A_280 : memref<1x128xi32, #tpu.memory_space<vmem>> -> memref<128xi32, #tpu.memory_space<vmem>>
        %dma_wait3A_282 = arith.constant 0 : i32
        %dma_wait3A_283 = arith.constant 0 : i32
        %dma_wait3A_284 = tpu.memref_slice %arg15[%dma_wait3A_282, %dma_wait3A_283] : memref<10240x128xf32, #tpu.memory_space<vmem_shared>> -> memref<10240x128xf32, #tpu.memory_space<vmem_shared>>
        tpu.wait_indirect_dma semaphore(%run_scoped3A_272 : memref<!tpu.dma_semaphore, #tpu.memory_space<semaphore_mem>>) src(%arg9 : memref<128x128xf32, #tpu.memory_space<vmem>>) dst(%dma_wait3A_284 : memref<10240x128xf32, #tpu.memory_space<vmem_shared>>)
        tpu.yield
      }) : () -> ()
      %add3A_244 = arith.constant 2 : i32
      %add3A_245 = arith.addi %add3A_235, %add3A_244 : i32
      %dma_start3A_246 = arith.constant 0 : i32
      %dma_start3A_247 = tpu.memref_slice %arg6[%add3A_245, %dma_start3A_246] : memref<20x128xi32, #tpu.memory_space<vmem>> -> memref<1x128xi32, #tpu.memory_space<vmem>>
      %dma_start3A_248 = tpu.memref_squeeze %dma_start3A_247 : memref<1x128xi32, #tpu.memory_space<vmem>> -> memref<128xi32, #tpu.memory_space<vmem>>
      %dma_start3A_249 = arith.constant 0 : i32
      %dma_start3A_250 = arith.constant 0 : i32
      %dma_start3A_251 = tpu.memref_slice %arg2[%dma_start3A_249, %dma_start3A_250] : memref<10000x128xf32, #tpu.memory_space<hbm>> -> memref<10000x128xf32, #tpu.memory_space<hbm>>
      tpu.enqueue_indirect_dma source(%dma_start3A_251 : memref<10000x128xf32, #tpu.memory_space<hbm>>) target(%arg9 : memref<128x128xf32, #tpu.memory_space<vmem>>) offsets(%dma_start3A_248 : memref<128xi32, #tpu.memory_space<vmem>>) semaphore(%arg11 : memref<!tpu.dma_semaphore, #tpu.memory_space<semaphore_mem>>)
      %mul3A_252 = arith.constant 2 : i32
      %mul3A_253 = arith.muli %add3A_231, %mul3A_252 : i32
      %add3A_254 = arith.constant 1 : i32
      %add3A_255 = arith.addi %mul3A_253, %add3A_254 : i32
      %add3A_256 = arith.constant 40 : i32
      %add3A_257 = arith.addi %add3A_256, %add3A_255 : i32
      %dma_wait3A_258 = arith.constant 0 : i32
      %dma_wait3A_259 = tpu.memref_slice %arg6[%add3A_255, %dma_wait3A_258] : memref<20x128xi32, #tpu.memory_space<vmem>> -> memref<1x128xi32, #tpu.memory_space<vmem>>
      %dma_wait3A_260 = tpu.memref_squeeze %dma_wait3A_259 : memref<1x128xi32, #tpu.memory_space<vmem>> -> memref<128xi32, #tpu.memory_space<vmem>>
      %dma_wait3A_261 = arith.constant 0 : i32
      %dma_wait3A_262 = arith.constant 0 : i32
      %dma_wait3A_263 = tpu.memref_slice %arg2[%dma_wait3A_261, %dma_wait3A_262] : memref<10000x128xf32, #tpu.memory_space<hbm>> -> memref<10000x128xf32, #tpu.memory_space<hbm>>
      tpu.wait_indirect_dma semaphore(%arg12 : memref<!tpu.dma_semaphore, #tpu.memory_space<semaphore_mem>>) src(%dma_wait3A_263 : memref<10000x128xf32, #tpu.memory_space<hbm>>) dst(%arg10 : memref<128x128xf32, #tpu.memory_space<vmem>>)
      "tpu.region"() ({
        %run_scoped3A_272 = tpu.sem_alloc : memref<!tpu.dma_semaphore, #tpu.memory_space<semaphore_mem>>
        %dma_start3A_273 = arith.constant 0 : i32
        %dma_start3A_274 = tpu.memref_slice %arg8[%add3A_257, %dma_start3A_273] : memref<80x128xi32, #tpu.memory_space<vmem>> -> memref<1x128xi32, #tpu.memory_space<vmem>>
        %dma_start3A_275 = tpu.memref_squeeze %dma_start3A_274 : memref<1x128xi32, #tpu.memory_space<vmem>> -> memref<128xi32, #tpu.memory_space<vmem>>
        %dma_start3A_276 = arith.constant 0 : i32
        %dma_start3A_277 = arith.constant 0 : i32
        %dma_start3A_278 = tpu.memref_slice %arg15[%dma_start3A_276, %dma_start3A_277] : memref<10240x128xf32, #tpu.memory_space<vmem_shared>> -> memref<10240x128xf32, #tpu.memory_space<vmem_shared>>
        tpu.enqueue_indirect_dma source(%arg10 : memref<128x128xf32, #tpu.memory_space<vmem>>) target(%dma_start3A_278 : memref<10240x128xf32, #tpu.memory_space<vmem_shared>>) offsets(%dma_start3A_275 : memref<128xi32, #tpu.memory_space<vmem>>) semaphore(%run_scoped3A_272 : memref<!tpu.dma_semaphore, #tpu.memory_space<semaphore_mem>>) {add = true}
        %dma_wait3A_279 = arith.constant 0 : i32
        %dma_wait3A_280 = tpu.memref_slice %arg8[%add3A_257, %dma_wait3A_279] : memref<80x128xi32, #tpu.memory_space<vmem>> -> memref<1x128xi32, #tpu.memory_space<vmem>>
        %dma_wait3A_281 = tpu.memref_squeeze %dma_wait3A_280 : memref<1x128xi32, #tpu.memory_space<vmem>> -> memref<128xi32, #tpu.memory_space<vmem>>
        %dma_wait3A_282 = arith.constant 0 : i32
        %dma_wait3A_283 = arith.constant 0 : i32
        %dma_wait3A_284 = tpu.memref_slice %arg15[%dma_wait3A_282, %dma_wait3A_283] : memref<10240x128xf32, #tpu.memory_space<vmem_shared>> -> memref<10240x128xf32, #tpu.memory_space<vmem_shared>>
        tpu.wait_indirect_dma semaphore(%run_scoped3A_272 : memref<!tpu.dma_semaphore, #tpu.memory_space<semaphore_mem>>) src(%arg10 : memref<128x128xf32, #tpu.memory_space<vmem>>) dst(%dma_wait3A_284 : memref<10240x128xf32, #tpu.memory_space<vmem_shared>>)
        tpu.yield
      }) : () -> ()
      %add3A_264 = arith.constant 2 : i32
      %add3A_265 = arith.addi %add3A_255, %add3A_264 : i32
      %dma_start3A_266 = arith.constant 0 : i32
      %dma_start3A_267 = tpu.memref_slice %arg6[%add3A_265, %dma_start3A_266] : memref<20x128xi32, #tpu.memory_space<vmem>> -> memref<1x128xi32, #tpu.memory_space<vmem>>
      %dma_start3A_268 = tpu.memref_squeeze %dma_start3A_267 : memref<1x128xi32, #tpu.memory_space<vmem>> -> memref<128xi32, #tpu.memory_space<vmem>>
      %dma_start3A_269 = arith.constant 0 : i32
      %dma_start3A_270 = arith.constant 0 : i32
      %dma_start3A_271 = tpu.memref_slice %arg2[%dma_start3A_269, %dma_start3A_270] : memref<10000x128xf32, #tpu.memory_space<hbm>> -> memref<10000x128xf32, #tpu.memory_space<hbm>>
      tpu.enqueue_indirect_dma source(%dma_start3A_271 : memref<10000x128xf32, #tpu.memory_space<hbm>>) target(%arg10 : memref<128x128xf32, #tpu.memory_space<vmem>>) offsets(%dma_start3A_268 : memref<128xi32, #tpu.memory_space<vmem>>) semaphore(%arg12 : memref<!tpu.dma_semaphore, #tpu.memory_space<semaphore_mem>>)
    }
    %scan3A_165 = arith.constant 9 : i32
    %dma_wait3A_166 = arith.constant 3 : i32
    %dma_wait3A_167 = arith.constant 0 : i32
    %dma_wait3A_168 = arith.constant 0 : i32
    %dma_wait3A_169 = tpu.memref_slice %arg3[%add3A, %dma_wait3A_166, %dma_wait3A_167, %dma_wait3A_168] : memref<32x4x20x128xi32, #tpu.memory_space<hbm>> -> memref<1x1x20x128xi32, #tpu.memory_space<hbm>>
    %dma_wait3A_170 = tpu.memref_squeeze %dma_wait3A_169 : memref<1x1x20x128xi32, #tpu.memory_space<hbm>> -> memref<20x128xi32, #tpu.memory_space<hbm>>
    %dma_wait3A_171 = arith.constant 0 : i32
    %dma_wait3A_172 = arith.constant 0 : i32
    %dma_wait3A_173 = tpu.memref_slice %arg3[%add3A, %dma_wait3A_166, %dma_wait3A_171, %dma_wait3A_172] : memref<32x4x20x128xi32, #tpu.memory_space<hbm>> -> memref<1x1x20x128xi32, #tpu.memory_space<hbm>>
    %dma_wait3A_174 = tpu.memref_squeeze %dma_wait3A_173 : memref<1x1x20x128xi32, #tpu.memory_space<hbm>> -> memref<20x128xi32, #tpu.memory_space<hbm>>
    tpu.wait_dma2 semaphore(%arg14 : memref<!tpu.dma_semaphore, #tpu.memory_space<semaphore_mem>>) src(%dma_wait3A_174 : memref<20x128xi32, #tpu.memory_space<hbm>>) dst(%arg7 : memref<20x128xi32, #tpu.memory_space<vmem>>)
    %dma_wait3A_175 = arith.constant 18 : i32
    %dma_wait3A_176 = arith.constant 0 : i32
    %dma_wait3A_177 = tpu.memref_slice %arg6[%dma_wait3A_175, %dma_wait3A_176] : memref<20x128xi32, #tpu.memory_space<vmem>> -> memref<1x128xi32, #tpu.memory_space<vmem>>
    %dma_wait3A_178 = tpu.memref_squeeze %dma_wait3A_177 : memref<1x128xi32, #tpu.memory_space<vmem>> -> memref<128xi32, #tpu.memory_space<vmem>>
    %dma_wait3A_179 = arith.constant 0 : i32
    %dma_wait3A_180 = arith.constant 0 : i32
    %dma_wait3A_181 = tpu.memref_slice %arg2[%dma_wait3A_179, %dma_wait3A_180] : memref<10000x128xf32, #tpu.memory_space<hbm>> -> memref<10000x128xf32, #tpu.memory_space<hbm>>
    tpu.wait_indirect_dma semaphore(%arg11 : memref<!tpu.dma_semaphore, #tpu.memory_space<semaphore_mem>>) src(%dma_wait3A_181 : memref<10000x128xf32, #tpu.memory_space<hbm>>) dst(%arg9 : memref<128x128xf32, #tpu.memory_space<vmem>>)
    %run_scoped3A_182 = arith.constant 58 : i32
    "tpu.region"() ({
      %run_scoped3A_227 = tpu.sem_alloc : memref<!tpu.dma_semaphore, #tpu.memory_space<semaphore_mem>>
      %dma_start3A_228 = arith.constant 0 : i32
      %dma_start3A_229 = tpu.memref_slice %arg8[%run_scoped3A_182, %dma_start3A_228] : memref<80x128xi32, #tpu.memory_space<vmem>> -> memref<1x128xi32, #tpu.memory_space<vmem>>
      %dma_start3A_230 = tpu.memref_squeeze %dma_start3A_229 : memref<1x128xi32, #tpu.memory_space<vmem>> -> memref<128xi32, #tpu.memory_space<vmem>>
      %dma_start3A_231 = arith.constant 0 : i32
      %dma_start3A_232 = arith.constant 0 : i32
      %dma_start3A_233 = tpu.memref_slice %arg15[%dma_start3A_231, %dma_start3A_232] : memref<10240x128xf32, #tpu.memory_space<vmem_shared>> -> memref<10240x128xf32, #tpu.memory_space<vmem_shared>>
      tpu.enqueue_indirect_dma source(%arg9 : memref<128x128xf32, #tpu.memory_space<vmem>>) target(%dma_start3A_233 : memref<10240x128xf32, #tpu.memory_space<vmem_shared>>) offsets(%dma_start3A_230 : memref<128xi32, #tpu.memory_space<vmem>>) semaphore(%run_scoped3A_227 : memref<!tpu.dma_semaphore, #tpu.memory_space<semaphore_mem>>) {add = true}
      %dma_wait3A_234 = arith.constant 0 : i32
      %dma_wait3A_235 = tpu.memref_slice %arg8[%run_scoped3A_182, %dma_wait3A_234] : memref<80x128xi32, #tpu.memory_space<vmem>> -> memref<1x128xi32, #tpu.memory_space<vmem>>
      %dma_wait3A_236 = tpu.memref_squeeze %dma_wait3A_235 : memref<1x128xi32, #tpu.memory_space<vmem>> -> memref<128xi32, #tpu.memory_space<vmem>>
      %dma_wait3A_237 = arith.constant 0 : i32
      %dma_wait3A_238 = arith.constant 0 : i32
      %dma_wait3A_239 = tpu.memref_slice %arg15[%dma_wait3A_237, %dma_wait3A_238] : memref<10240x128xf32, #tpu.memory_space<vmem_shared>> -> memref<10240x128xf32, #tpu.memory_space<vmem_shared>>
      tpu.wait_indirect_dma semaphore(%run_scoped3A_227 : memref<!tpu.dma_semaphore, #tpu.memory_space<semaphore_mem>>) src(%arg9 : memref<128x128xf32, #tpu.memory_space<vmem>>) dst(%dma_wait3A_239 : memref<10240x128xf32, #tpu.memory_space<vmem_shared>>)
      tpu.yield
    }) : () -> ()
    %dma_start3A_183 = arith.constant 0 : i32
    %dma_start3A_184 = arith.constant 0 : i32
    %dma_start3A_185 = tpu.memref_slice %arg7[%dma_start3A_183, %dma_start3A_184] : memref<20x128xi32, #tpu.memory_space<vmem>> -> memref<1x128xi32, #tpu.memory_space<vmem>>
    %dma_start3A_186 = tpu.memref_squeeze %dma_start3A_185 : memref<1x128xi32, #tpu.memory_space<vmem>> -> memref<128xi32, #tpu.memory_space<vmem>>
    %dma_start3A_187 = arith.constant 0 : i32
    %dma_start3A_188 = arith.constant 0 : i32
    %dma_start3A_189 = tpu.memref_slice %arg2[%dma_start3A_187, %dma_start3A_188] : memref<10000x128xf32, #tpu.memory_space<hbm>> -> memref<10000x128xf32, #tpu.memory_space<hbm>>
    tpu.enqueue_indirect_dma source(%dma_start3A_189 : memref<10000x128xf32, #tpu.memory_space<hbm>>) target(%arg9 : memref<128x128xf32, #tpu.memory_space<vmem>>) offsets(%dma_start3A_186 : memref<128xi32, #tpu.memory_space<vmem>>) semaphore(%arg11 : memref<!tpu.dma_semaphore, #tpu.memory_space<semaphore_mem>>)
    %dma_wait3A_190 = arith.constant 19 : i32
    %dma_wait3A_191 = arith.constant 0 : i32
    %dma_wait3A_192 = tpu.memref_slice %arg6[%dma_wait3A_190, %dma_wait3A_191] : memref<20x128xi32, #tpu.memory_space<vmem>> -> memref<1x128xi32, #tpu.memory_space<vmem>>
    %dma_wait3A_193 = tpu.memref_squeeze %dma_wait3A_192 : memref<1x128xi32, #tpu.memory_space<vmem>> -> memref<128xi32, #tpu.memory_space<vmem>>
    %dma_wait3A_194 = arith.constant 0 : i32
    %dma_wait3A_195 = arith.constant 0 : i32
    %dma_wait3A_196 = tpu.memref_slice %arg2[%dma_wait3A_194, %dma_wait3A_195] : memref<10000x128xf32, #tpu.memory_space<hbm>> -> memref<10000x128xf32, #tpu.memory_space<hbm>>
    tpu.wait_indirect_dma semaphore(%arg12 : memref<!tpu.dma_semaphore, #tpu.memory_space<semaphore_mem>>) src(%dma_wait3A_196 : memref<10000x128xf32, #tpu.memory_space<hbm>>) dst(%arg10 : memref<128x128xf32, #tpu.memory_space<vmem>>)
    %run_scoped3A_197 = arith.constant 59 : i32
    "tpu.region"() ({
      %run_scoped3A_227 = tpu.sem_alloc : memref<!tpu.dma_semaphore, #tpu.memory_space<semaphore_mem>>
      %dma_start3A_228 = arith.constant 0 : i32
      %dma_start3A_229 = tpu.memref_slice %arg8[%run_scoped3A_197, %dma_start3A_228] : memref<80x128xi32, #tpu.memory_space<vmem>> -> memref<1x128xi32, #tpu.memory_space<vmem>>
      %dma_start3A_230 = tpu.memref_squeeze %dma_start3A_229 : memref<1x128xi32, #tpu.memory_space<vmem>> -> memref<128xi32, #tpu.memory_space<vmem>>
      %dma_start3A_231 = arith.constant 0 : i32
      %dma_start3A_232 = arith.constant 0 : i32
      %dma_start3A_233 = tpu.memref_slice %arg15[%dma_start3A_231, %dma_start3A_232] : memref<10240x128xf32, #tpu.memory_space<vmem_shared>> -> memref<10240x128xf32, #tpu.memory_space<vmem_shared>>
      tpu.enqueue_indirect_dma source(%arg10 : memref<128x128xf32, #tpu.memory_space<vmem>>) target(%dma_start3A_233 : memref<10240x128xf32, #tpu.memory_space<vmem_shared>>) offsets(%dma_start3A_230 : memref<128xi32, #tpu.memory_space<vmem>>) semaphore(%run_scoped3A_227 : memref<!tpu.dma_semaphore, #tpu.memory_space<semaphore_mem>>) {add = true}
      %dma_wait3A_234 = arith.constant 0 : i32
      %dma_wait3A_235 = tpu.memref_slice %arg8[%run_scoped3A_197, %dma_wait3A_234] : memref<80x128xi32, #tpu.memory_space<vmem>> -> memref<1x128xi32, #tpu.memory_space<vmem>>
      %dma_wait3A_236 = tpu.memref_squeeze %dma_wait3A_235 : memref<1x128xi32, #tpu.memory_space<vmem>> -> memref<128xi32, #tpu.memory_space<vmem>>
      %dma_wait3A_237 = arith.constant 0 : i32
      %dma_wait3A_238 = arith.constant 0 : i32
      %dma_wait3A_239 = tpu.memref_slice %arg15[%dma_wait3A_237, %dma_wait3A_238] : memref<10240x128xf32, #tpu.memory_space<vmem_shared>> -> memref<10240x128xf32, #tpu.memory_space<vmem_shared>>
      tpu.wait_indirect_dma semaphore(%run_scoped3A_227 : memref<!tpu.dma_semaphore, #tpu.memory_space<semaphore_mem>>) src(%arg10 : memref<128x128xf32, #tpu.memory_space<vmem>>) dst(%dma_wait3A_239 : memref<10240x128xf32, #tpu.memory_space<vmem_shared>>)
      tpu.yield
    }) : () -> ()
    %dma_start3A_198 = arith.constant 1 : i32
    %dma_start3A_199 = arith.constant 0 : i32
    %dma_start3A_200 = tpu.memref_slice %arg7[%dma_start3A_198, %dma_start3A_199] : memref<20x128xi32, #tpu.memory_space<vmem>> -> memref<1x128xi32, #tpu.memory_space<vmem>>
    %dma_start3A_201 = tpu.memref_squeeze %dma_start3A_200 : memref<1x128xi32, #tpu.memory_space<vmem>> -> memref<128xi32, #tpu.memory_space<vmem>>
    %dma_start3A_202 = arith.constant 0 : i32
    %dma_start3A_203 = arith.constant 0 : i32
    %dma_start3A_204 = tpu.memref_slice %arg2[%dma_start3A_202, %dma_start3A_203] : memref<10000x128xf32, #tpu.memory_space<hbm>> -> memref<10000x128xf32, #tpu.memory_space<hbm>>
    tpu.enqueue_indirect_dma source(%dma_start3A_204 : memref<10000x128xf32, #tpu.memory_space<hbm>>) target(%arg10 : memref<128x128xf32, #tpu.memory_space<vmem>>) offsets(%dma_start3A_201 : memref<128xi32, #tpu.memory_space<vmem>>) semaphore(%arg12 : memref<!tpu.dma_semaphore, #tpu.memory_space<semaphore_mem>>)
    %scan3A_205 = arith.constant 0 : i32
    %scan3A_206 = arith.constant 9 : i32
    %scan3A_207 = arith.addi %scan3A_205, %scan3A_206 : i32
    %scan3A_208 = arith.constant 1 : i32
    scf.for %scan3A_227 = %scan3A_205 to %scan3A_207 step %scan3A_208  : i32 {
      %mul3A_228 = arith.constant 1 : i32
      %mul3A_229 = arith.muli %scan3A_227, %mul3A_228 : i32
      %add3A_230 = arith.constant 0 : i32
      %add3A_231 = arith.addi %add3A_230, %mul3A_229 : i32
      %mul3A_232 = arith.constant 2 : i32
      %mul3A_233 = arith.muli %add3A_231, %mul3A_232 : i32
      %add3A_234 = arith.constant 0 : i32
      %add3A_235 = arith.addi %mul3A_233, %add3A_234 : i32
      %add3A_236 = arith.constant 60 : i32
      %add3A_237 = arith.addi %add3A_236, %add3A_235 : i32
      %dma_wait3A_238 = arith.constant 0 : i32
      %dma_wait3A_239 = tpu.memref_slice %arg7[%add3A_235, %dma_wait3A_238] : memref<20x128xi32, #tpu.memory_space<vmem>> -> memref<1x128xi32, #tpu.memory_space<vmem>>
      %dma_wait3A_240 = tpu.memref_squeeze %dma_wait3A_239 : memref<1x128xi32, #tpu.memory_space<vmem>> -> memref<128xi32, #tpu.memory_space<vmem>>
      %dma_wait3A_241 = arith.constant 0 : i32
      %dma_wait3A_242 = arith.constant 0 : i32
      %dma_wait3A_243 = tpu.memref_slice %arg2[%dma_wait3A_241, %dma_wait3A_242] : memref<10000x128xf32, #tpu.memory_space<hbm>> -> memref<10000x128xf32, #tpu.memory_space<hbm>>
      tpu.wait_indirect_dma semaphore(%arg11 : memref<!tpu.dma_semaphore, #tpu.memory_space<semaphore_mem>>) src(%dma_wait3A_243 : memref<10000x128xf32, #tpu.memory_space<hbm>>) dst(%arg9 : memref<128x128xf32, #tpu.memory_space<vmem>>)
      "tpu.region"() ({
        %run_scoped3A_272 = tpu.sem_alloc : memref<!tpu.dma_semaphore, #tpu.memory_space<semaphore_mem>>
        %dma_start3A_273 = arith.constant 0 : i32
        %dma_start3A_274 = tpu.memref_slice %arg8[%add3A_237, %dma_start3A_273] : memref<80x128xi32, #tpu.memory_space<vmem>> -> memref<1x128xi32, #tpu.memory_space<vmem>>
        %dma_start3A_275 = tpu.memref_squeeze %dma_start3A_274 : memref<1x128xi32, #tpu.memory_space<vmem>> -> memref<128xi32, #tpu.memory_space<vmem>>
        %dma_start3A_276 = arith.constant 0 : i32
        %dma_start3A_277 = arith.constant 0 : i32
        %dma_start3A_278 = tpu.memref_slice %arg15[%dma_start3A_276, %dma_start3A_277] : memref<10240x128xf32, #tpu.memory_space<vmem_shared>> -> memref<10240x128xf32, #tpu.memory_space<vmem_shared>>
        tpu.enqueue_indirect_dma source(%arg9 : memref<128x128xf32, #tpu.memory_space<vmem>>) target(%dma_start3A_278 : memref<10240x128xf32, #tpu.memory_space<vmem_shared>>) offsets(%dma_start3A_275 : memref<128xi32, #tpu.memory_space<vmem>>) semaphore(%run_scoped3A_272 : memref<!tpu.dma_semaphore, #tpu.memory_space<semaphore_mem>>) {add = true}
        %dma_wait3A_279 = arith.constant 0 : i32
        %dma_wait3A_280 = tpu.memref_slice %arg8[%add3A_237, %dma_wait3A_279] : memref<80x128xi32, #tpu.memory_space<vmem>> -> memref<1x128xi32, #tpu.memory_space<vmem>>
        %dma_wait3A_281 = tpu.memref_squeeze %dma_wait3A_280 : memref<1x128xi32, #tpu.memory_space<vmem>> -> memref<128xi32, #tpu.memory_space<vmem>>
        %dma_wait3A_282 = arith.constant 0 : i32
        %dma_wait3A_283 = arith.constant 0 : i32
        %dma_wait3A_284 = tpu.memref_slice %arg15[%dma_wait3A_282, %dma_wait3A_283] : memref<10240x128xf32, #tpu.memory_space<vmem_shared>> -> memref<10240x128xf32, #tpu.memory_space<vmem_shared>>
        tpu.wait_indirect_dma semaphore(%run_scoped3A_272 : memref<!tpu.dma_semaphore, #tpu.memory_space<semaphore_mem>>) src(%arg9 : memref<128x128xf32, #tpu.memory_space<vmem>>) dst(%dma_wait3A_284 : memref<10240x128xf32, #tpu.memory_space<vmem_shared>>)
        tpu.yield
      }) : () -> ()
      %add3A_244 = arith.constant 2 : i32
      %add3A_245 = arith.addi %add3A_235, %add3A_244 : i32
      %dma_start3A_246 = arith.constant 0 : i32
      %dma_start3A_247 = tpu.memref_slice %arg7[%add3A_245, %dma_start3A_246] : memref<20x128xi32, #tpu.memory_space<vmem>> -> memref<1x128xi32, #tpu.memory_space<vmem>>
      %dma_start3A_248 = tpu.memref_squeeze %dma_start3A_247 : memref<1x128xi32, #tpu.memory_space<vmem>> -> memref<128xi32, #tpu.memory_space<vmem>>
      %dma_start3A_249 = arith.constant 0 : i32
      %dma_start3A_250 = arith.constant 0 : i32
      %dma_start3A_251 = tpu.memref_slice %arg2[%dma_start3A_249, %dma_start3A_250] : memref<10000x128xf32, #tpu.memory_space<hbm>> -> memref<10000x128xf32, #tpu.memory_space<hbm>>
      tpu.enqueue_indirect_dma source(%dma_start3A_251 : memref<10000x128xf32, #tpu.memory_space<hbm>>) target(%arg9 : memref<128x128xf32, #tpu.memory_space<vmem>>) offsets(%dma_start3A_248 : memref<128xi32, #tpu.memory_space<vmem>>) semaphore(%arg11 : memref<!tpu.dma_semaphore, #tpu.memory_space<semaphore_mem>>)
      %mul3A_252 = arith.constant 2 : i32
      %mul3A_253 = arith.muli %add3A_231, %mul3A_252 : i32
      %add3A_254 = arith.constant 1 : i32
      %add3A_255 = arith.addi %mul3A_253, %add3A_254 : i32
      %add3A_256 = arith.constant 60 : i32
      %add3A_257 = arith.addi %add3A_256, %add3A_255 : i32
      %dma_wait3A_258 = arith.constant 0 : i32
      %dma_wait3A_259 = tpu.memref_slice %arg7[%add3A_255, %dma_wait3A_258] : memref<20x128xi32, #tpu.memory_space<vmem>> -> memref<1x128xi32, #tpu.memory_space<vmem>>
      %dma_wait3A_260 = tpu.memref_squeeze %dma_wait3A_259 : memref<1x128xi32, #tpu.memory_space<vmem>> -> memref<128xi32, #tpu.memory_space<vmem>>
      %dma_wait3A_261 = arith.constant 0 : i32
      %dma_wait3A_262 = arith.constant 0 : i32
      %dma_wait3A_263 = tpu.memref_slice %arg2[%dma_wait3A_261, %dma_wait3A_262] : memref<10000x128xf32, #tpu.memory_space<hbm>> -> memref<10000x128xf32, #tpu.memory_space<hbm>>
      tpu.wait_indirect_dma semaphore(%arg12 : memref<!tpu.dma_semaphore, #tpu.memory_space<semaphore_mem>>) src(%dma_wait3A_263 : memref<10000x128xf32, #tpu.memory_space<hbm>>) dst(%arg10 : memref<128x128xf32, #tpu.memory_space<vmem>>)
      "tpu.region"() ({
        %run_scoped3A_272 = tpu.sem_alloc : memref<!tpu.dma_semaphore, #tpu.memory_space<semaphore_mem>>
        %dma_start3A_273 = arith.constant 0 : i32
        %dma_start3A_274 = tpu.memref_slice %arg8[%add3A_257, %dma_start3A_273] : memref<80x128xi32, #tpu.memory_space<vmem>> -> memref<1x128xi32, #tpu.memory_space<vmem>>
        %dma_start3A_275 = tpu.memref_squeeze %dma_start3A_274 : memref<1x128xi32, #tpu.memory_space<vmem>> -> memref<128xi32, #tpu.memory_space<vmem>>
        %dma_start3A_276 = arith.constant 0 : i32
        %dma_start3A_277 = arith.constant 0 : i32
        %dma_start3A_278 = tpu.memref_slice %arg15[%dma_start3A_276, %dma_start3A_277] : memref<10240x128xf32, #tpu.memory_space<vmem_shared>> -> memref<10240x128xf32, #tpu.memory_space<vmem_shared>>
        tpu.enqueue_indirect_dma source(%arg10 : memref<128x128xf32, #tpu.memory_space<vmem>>) target(%dma_start3A_278 : memref<10240x128xf32, #tpu.memory_space<vmem_shared>>) offsets(%dma_start3A_275 : memref<128xi32, #tpu.memory_space<vmem>>) semaphore(%run_scoped3A_272 : memref<!tpu.dma_semaphore, #tpu.memory_space<semaphore_mem>>) {add = true}
        %dma_wait3A_279 = arith.constant 0 : i32
        %dma_wait3A_280 = tpu.memref_slice %arg8[%add3A_257, %dma_wait3A_279] : memref<80x128xi32, #tpu.memory_space<vmem>> -> memref<1x128xi32, #tpu.memory_space<vmem>>
        %dma_wait3A_281 = tpu.memref_squeeze %dma_wait3A_280 : memref<1x128xi32, #tpu.memory_space<vmem>> -> memref<128xi32, #tpu.memory_space<vmem>>
        %dma_wait3A_282 = arith.constant 0 : i32
        %dma_wait3A_283 = arith.constant 0 : i32
        %dma_wait3A_284 = tpu.memref_slice %arg15[%dma_wait3A_282, %dma_wait3A_283] : memref<10240x128xf32, #tpu.memory_space<vmem_shared>> -> memref<10240x128xf32, #tpu.memory_space<vmem_shared>>
        tpu.wait_indirect_dma semaphore(%run_scoped3A_272 : memref<!tpu.dma_semaphore, #tpu.memory_space<semaphore_mem>>) src(%arg10 : memref<128x128xf32, #tpu.memory_space<vmem>>) dst(%dma_wait3A_284 : memref<10240x128xf32, #tpu.memory_space<vmem_shared>>)
        tpu.yield
      }) : () -> ()
      %add3A_264 = arith.constant 2 : i32
      %add3A_265 = arith.addi %add3A_255, %add3A_264 : i32
      %dma_start3A_266 = arith.constant 0 : i32
      %dma_start3A_267 = tpu.memref_slice %arg7[%add3A_265, %dma_start3A_266] : memref<20x128xi32, #tpu.memory_space<vmem>> -> memref<1x128xi32, #tpu.memory_space<vmem>>
      %dma_start3A_268 = tpu.memref_squeeze %dma_start3A_267 : memref<1x128xi32, #tpu.memory_space<vmem>> -> memref<128xi32, #tpu.memory_space<vmem>>
      %dma_start3A_269 = arith.constant 0 : i32
      %dma_start3A_270 = arith.constant 0 : i32
      %dma_start3A_271 = tpu.memref_slice %arg2[%dma_start3A_269, %dma_start3A_270] : memref<10000x128xf32, #tpu.memory_space<hbm>> -> memref<10000x128xf32, #tpu.memory_space<hbm>>
      tpu.enqueue_indirect_dma source(%dma_start3A_271 : memref<10000x128xf32, #tpu.memory_space<hbm>>) target(%arg10 : memref<128x128xf32, #tpu.memory_space<vmem>>) offsets(%dma_start3A_268 : memref<128xi32, #tpu.memory_space<vmem>>) semaphore(%arg12 : memref<!tpu.dma_semaphore, #tpu.memory_space<semaphore_mem>>)
    }
    %scan3A_209 = arith.constant 9 : i32
    %dma_wait3A_210 = arith.constant 18 : i32
    %dma_wait3A_211 = arith.constant 0 : i32
    %dma_wait3A_212 = tpu.memref_slice %arg7[%dma_wait3A_210, %dma_wait3A_211] : memref<20x128xi32, #tpu.memory_space<vmem>> -> memref<1x128xi32, #tpu.memory_space<vmem>>
    %dma_wait3A_213 = tpu.memref_squeeze %dma_wait3A_212 : memref<1x128xi32, #tpu.memory_space<vmem>> -> memref<128xi32, #tpu.memory_space<vmem>>
    %dma_wait3A_214 = arith.constant 0 : i32
    %dma_wait3A_215 = arith.constant 0 : i32
    %dma_wait3A_216 = tpu.memref_slice %arg2[%dma_wait3A_214, %dma_wait3A_215] : memref<10000x128xf32, #tpu.memory_space<hbm>> -> memref<10000x128xf32, #tpu.memory_space<hbm>>
    tpu.wait_indirect_dma semaphore(%arg11 : memref<!tpu.dma_semaphore, #tpu.memory_space<semaphore_mem>>) src(%dma_wait3A_216 : memref<10000x128xf32, #tpu.memory_space<hbm>>) dst(%arg9 : memref<128x128xf32, #tpu.memory_space<vmem>>)
    %run_scoped3A_217 = arith.constant 78 : i32
    "tpu.region"() ({
      %run_scoped3A_227 = tpu.sem_alloc : memref<!tpu.dma_semaphore, #tpu.memory_space<semaphore_mem>>
      %dma_start3A_228 = arith.constant 0 : i32
      %dma_start3A_229 = tpu.memref_slice %arg8[%run_scoped3A_217, %dma_start3A_228] : memref<80x128xi32, #tpu.memory_space<vmem>> -> memref<1x128xi32, #tpu.memory_space<vmem>>
      %dma_start3A_230 = tpu.memref_squeeze %dma_start3A_229 : memref<1x128xi32, #tpu.memory_space<vmem>> -> memref<128xi32, #tpu.memory_space<vmem>>
      %dma_start3A_231 = arith.constant 0 : i32
      %dma_start3A_232 = arith.constant 0 : i32
      %dma_start3A_233 = tpu.memref_slice %arg15[%dma_start3A_231, %dma_start3A_232] : memref<10240x128xf32, #tpu.memory_space<vmem_shared>> -> memref<10240x128xf32, #tpu.memory_space<vmem_shared>>
      tpu.enqueue_indirect_dma source(%arg9 : memref<128x128xf32, #tpu.memory_space<vmem>>) target(%dma_start3A_233 : memref<10240x128xf32, #tpu.memory_space<vmem_shared>>) offsets(%dma_start3A_230 : memref<128xi32, #tpu.memory_space<vmem>>) semaphore(%run_scoped3A_227 : memref<!tpu.dma_semaphore, #tpu.memory_space<semaphore_mem>>) {add = true}
      %dma_wait3A_234 = arith.constant 0 : i32
      %dma_wait3A_235 = tpu.memref_slice %arg8[%run_scoped3A_217, %dma_wait3A_234] : memref<80x128xi32, #tpu.memory_space<vmem>> -> memref<1x128xi32, #tpu.memory_space<vmem>>
      %dma_wait3A_236 = tpu.memref_squeeze %dma_wait3A_235 : memref<1x128xi32, #tpu.memory_space<vmem>> -> memref<128xi32, #tpu.memory_space<vmem>>
      %dma_wait3A_237 = arith.constant 0 : i32
      %dma_wait3A_238 = arith.constant 0 : i32
      %dma_wait3A_239 = tpu.memref_slice %arg15[%dma_wait3A_237, %dma_wait3A_238] : memref<10240x128xf32, #tpu.memory_space<vmem_shared>> -> memref<10240x128xf32, #tpu.memory_space<vmem_shared>>
      tpu.wait_indirect_dma semaphore(%run_scoped3A_227 : memref<!tpu.dma_semaphore, #tpu.memory_space<semaphore_mem>>) src(%arg9 : memref<128x128xf32, #tpu.memory_space<vmem>>) dst(%dma_wait3A_239 : memref<10240x128xf32, #tpu.memory_space<vmem_shared>>)
      tpu.yield
    }) : () -> ()
    %dma_wait3A_218 = arith.constant 19 : i32
    %dma_wait3A_219 = arith.constant 0 : i32
    %dma_wait3A_220 = tpu.memref_slice %arg7[%dma_wait3A_218, %dma_wait3A_219] : memref<20x128xi32, #tpu.memory_space<vmem>> -> memref<1x128xi32, #tpu.memory_space<vmem>>
    %dma_wait3A_221 = tpu.memref_squeeze %dma_wait3A_220 : memref<1x128xi32, #tpu.memory_space<vmem>> -> memref<128xi32, #tpu.memory_space<vmem>>
    %dma_wait3A_222 = arith.constant 0 : i32
    %dma_wait3A_223 = arith.constant 0 : i32
    %dma_wait3A_224 = tpu.memref_slice %arg2[%dma_wait3A_222, %dma_wait3A_223] : memref<10000x128xf32, #tpu.memory_space<hbm>> -> memref<10000x128xf32, #tpu.memory_space<hbm>>
    tpu.wait_indirect_dma semaphore(%arg12 : memref<!tpu.dma_semaphore, #tpu.memory_space<semaphore_mem>>) src(%dma_wait3A_224 : memref<10000x128xf32, #tpu.memory_space<hbm>>) dst(%arg10 : memref<128x128xf32, #tpu.memory_space<vmem>>)
    %run_scoped3A_225 = arith.constant 79 : i32
    "tpu.region"() ({
      %run_scoped3A_227 = tpu.sem_alloc : memref<!tpu.dma_semaphore, #tpu.memory_space<semaphore_mem>>
      %dma_start3A_228 = arith.constant 0 : i32
      %dma_start3A_229 = tpu.memref_slice %arg8[%run_scoped3A_225, %dma_start3A_228] : memref<80x128xi32, #tpu.memory_space<vmem>> -> memref<1x128xi32, #tpu.memory_space<vmem>>
      %dma_start3A_230 = tpu.memref_squeeze %dma_start3A_229 : memref<1x128xi32, #tpu.memory_space<vmem>> -> memref<128xi32, #tpu.memory_space<vmem>>
      %dma_start3A_231 = arith.constant 0 : i32
      %dma_start3A_232 = arith.constant 0 : i32
      %dma_start3A_233 = tpu.memref_slice %arg15[%dma_start3A_231, %dma_start3A_232] : memref<10240x128xf32, #tpu.memory_space<vmem_shared>> -> memref<10240x128xf32, #tpu.memory_space<vmem_shared>>
      tpu.enqueue_indirect_dma source(%arg10 : memref<128x128xf32, #tpu.memory_space<vmem>>) target(%dma_start3A_233 : memref<10240x128xf32, #tpu.memory_space<vmem_shared>>) offsets(%dma_start3A_230 : memref<128xi32, #tpu.memory_space<vmem>>) semaphore(%run_scoped3A_227 : memref<!tpu.dma_semaphore, #tpu.memory_space<semaphore_mem>>) {add = true}
      %dma_wait3A_234 = arith.constant 0 : i32
      %dma_wait3A_235 = tpu.memref_slice %arg8[%run_scoped3A_225, %dma_wait3A_234] : memref<80x128xi32, #tpu.memory_space<vmem>> -> memref<1x128xi32, #tpu.memory_space<vmem>>
      %dma_wait3A_236 = tpu.memref_squeeze %dma_wait3A_235 : memref<1x128xi32, #tpu.memory_space<vmem>> -> memref<128xi32, #tpu.memory_space<vmem>>
      %dma_wait3A_237 = arith.constant 0 : i32
      %dma_wait3A_238 = arith.constant 0 : i32
      %dma_wait3A_239 = tpu.memref_slice %arg15[%dma_wait3A_237, %dma_wait3A_238] : memref<10240x128xf32, #tpu.memory_space<vmem_shared>> -> memref<10240x128xf32, #tpu.memory_space<vmem_shared>>
      tpu.wait_indirect_dma semaphore(%run_scoped3A_227 : memref<!tpu.dma_semaphore, #tpu.memory_space<semaphore_mem>>) src(%arg10 : memref<128x128xf32, #tpu.memory_space<vmem>>) dst(%dma_wait3A_239 : memref<10240x128xf32, #tpu.memory_space<vmem_shared>>)
      tpu.yield
    }) : () -> ()
    %barrier3A_226 = arith.constant 0 : index
    tpu.barrier barrier_id(%barrier3A_226)
    "tpu.region"() ({
      %run_scoped3A_227 = tpu.sem_alloc : memref<!tpu.dma_semaphore, #tpu.memory_space<semaphore_mem>>
      %dma_start3A_228 = arith.constant 0 : i32
      %dma_start3A_229 = tpu.memref_slice %arg5[%arg0, %mul3A_2, %dma_start3A_228] : memref<2x10240x128xf32, #tpu.memory_space<hbm>> -> memref<1x640x128xf32, #tpu.memory_space<hbm>>
      %dma_start3A_230 = tpu.memref_squeeze %dma_start3A_229 : memref<1x640x128xf32, #tpu.memory_space<hbm>> -> memref<640x128xf32, #tpu.memory_space<hbm>>
      %dma_start3A_231 = arith.constant 0 : i32
      %dma_start3A_232 = tpu.memref_slice %arg15[%mul3A_2, %dma_start3A_231] : memref<10240x128xf32, #tpu.memory_space<vmem_shared>> -> memref<640x128xf32, #tpu.memory_space<vmem_shared>>
      tpu.enqueue_dma source(%dma_start3A_232 : memref<640x128xf32, #tpu.memory_space<vmem_shared>>) target(%dma_start3A_230 : memref<640x128xf32, #tpu.memory_space<hbm>>) target_semaphore(%run_scoped3A_227 : memref<!tpu.dma_semaphore, #tpu.memory_space<semaphore_mem>>)
      %dma_wait3A_233 = arith.constant 0 : i32
      %dma_wait3A_234 = tpu.memref_slice %arg5[%arg0, %mul3A_2, %dma_wait3A_233] : memref<2x10240x128xf32, #tpu.memory_space<hbm>> -> memref<1x640x128xf32, #tpu.memory_space<hbm>>
      %dma_wait3A_235 = tpu.memref_squeeze %dma_wait3A_234 : memref<1x640x128xf32, #tpu.memory_space<hbm>> -> memref<640x128xf32, #tpu.memory_space<hbm>>
      %dma_wait3A_236 = arith.constant 0 : i32
      %dma_wait3A_237 = tpu.memref_slice %arg15[%mul3A_2, %dma_wait3A_236] : memref<10240x128xf32, #tpu.memory_space<vmem_shared>> -> memref<640x128xf32, #tpu.memory_space<vmem_shared>>
      tpu.wait_dma2 semaphore(%run_scoped3A_227 : memref<!tpu.dma_semaphore, #tpu.memory_space<semaphore_mem>>) src(%dma_wait3A_237 : memref<640x128xf32, #tpu.memory_space<vmem_shared>>) dst(%dma_wait3A_235 : memref<640x128xf32, #tpu.memory_space<hbm>>)
      tpu.yield
    }) : () -> ()
    return
  }
}

#map = affine_map<(d0, d1) -> (0, 0, 0)>
module attributes {stable_mosaic.version = 14 : i64} {
  func.func @hist(%arg0: i32, %arg1: i32, %arg2: memref<32x80x128xi32, #tpu.memory_space<hbm>>, %arg3: memref<2x10240x128xf32, #tpu.memory_space<hbm>>, %arg4: memref<80x128xi32, #tpu.memory_space<vmem>>, %arg5: memref<128x128xf32, #tpu.memory_space<vmem>>, %arg6: memref<10240x128xf32, #tpu.memory_space<vmem_shared>>) attributes {dimension_semantics = [#tpu.dimension_semantics<core_parallel>, #tpu.dimension_semantics<subcore_parallel>], iteration_bounds = array<i64: 2, 16>, scalar_prefetch = 0 : i64, scratch_operands = 3 : i64, tpu.core_type = #tpu.core_type<sc_vector_subcore>, window_params = [{transform_indices = #map}, {transform_indices = #map}]} {
    %mul3A = arith.constant 2 : i32
    %mul3A_0 = arith.muli %arg1, %mul3A : i32
    %add3A = arith.addi %mul3A_0, %arg0 : i32
    %mul3A_1 = arith.constant 640 : i32
    %mul3A_2 = arith.muli %arg1, %mul3A_1 : i32
    %scan3A = arith.constant 0 : i32
    %scan3A_3 = arith.constant 128 : i32
    %scan3A_4 = arith.addi %scan3A, %scan3A_3 : i32
    %scan3A_5 = arith.constant 1 : i32
    scf.for %scan3A_28 = %scan3A to %scan3A_4 step %scan3A_5  : i32 {
      %mul3A_29 = arith.constant 1 : i32
      %mul3A_30 = arith.muli %scan3A_28, %mul3A_29 : i32
      %add3A_31 = arith.constant 0 : i32
      %add3A_32 = arith.addi %add3A_31, %mul3A_30 : i32
      %broadcast_in_dim3A = arith.constant 0.000000e+00 : f32
      %broadcast_in_dim3A_33 = vector.broadcast %broadcast_in_dim3A : f32 to vector<16xf32>
      %swap3A = arith.index_cast %add3A_32 : i32 to index
      %swap3A_34 = arith.constant 0 : index
      %swap3A_35 = tpu.vector_load %arg5[%swap3A, %swap3A_34] {strides = array<i32>} : memref<128x128xf32, #tpu.memory_space<vmem>>, vector<1x16xf32>,
      %swap3A_36 = vector.shape_cast %swap3A_35 : vector<1x16xf32> to vector<16xf32>
      %swap3A_37 = vector.shape_cast %broadcast_in_dim3A_33 : vector<16xf32> to vector<1x16xf32>
      tpu.vector_store %arg5[%swap3A, %swap3A_34], %swap3A_37 {strides = array<i32>} : memref<128x128xf32, #tpu.memory_space<vmem>>, vector<1x16xf32>,
      %broadcast_in_dim3A_38 = arith.constant 0.000000e+00 : f32
      %broadcast_in_dim3A_39 = vector.broadcast %broadcast_in_dim3A_38 : f32 to vector<16xf32>
      %swap3A_40 = arith.index_cast %add3A_32 : i32 to index
      %swap3A_41 = arith.constant 16 : index
      %swap3A_42 = tpu.vector_load %arg5[%swap3A_40, %swap3A_41] {strides = array<i32>} : memref<128x128xf32, #tpu.memory_space<vmem>>, vector<1x16xf32>,
      %swap3A_43 = vector.shape_cast %swap3A_42 : vector<1x16xf32> to vector<16xf32>
      %swap3A_44 = vector.shape_cast %broadcast_in_dim3A_39 : vector<16xf32> to vector<1x16xf32>
      tpu.vector_store %arg5[%swap3A_40, %swap3A_41], %swap3A_44 {strides = array<i32>} : memref<128x128xf32, #tpu.memory_space<vmem>>, vector<1x16xf32>,
      %broadcast_in_dim3A_45 = arith.constant 0.000000e+00 : f32
      %broadcast_in_dim3A_46 = vector.broadcast %broadcast_in_dim3A_45 : f32 to vector<16xf32>
      %swap3A_47 = arith.index_cast %add3A_32 : i32 to index
      %swap3A_48 = arith.constant 32 : index
      %swap3A_49 = tpu.vector_load %arg5[%swap3A_47, %swap3A_48] {strides = array<i32>} : memref<128x128xf32, #tpu.memory_space<vmem>>, vector<1x16xf32>,
      %swap3A_50 = vector.shape_cast %swap3A_49 : vector<1x16xf32> to vector<16xf32>
      %swap3A_51 = vector.shape_cast %broadcast_in_dim3A_46 : vector<16xf32> to vector<1x16xf32>
      tpu.vector_store %arg5[%swap3A_47, %swap3A_48], %swap3A_51 {strides = array<i32>} : memref<128x128xf32, #tpu.memory_space<vmem>>, vector<1x16xf32>,
      %broadcast_in_dim3A_52 = arith.constant 0.000000e+00 : f32
      %broadcast_in_dim3A_53 = vector.broadcast %broadcast_in_dim3A_52 : f32 to vector<16xf32>
      %swap3A_54 = arith.index_cast %add3A_32 : i32 to index
      %swap3A_55 = arith.constant 48 : index
      %swap3A_56 = tpu.vector_load %arg5[%swap3A_54, %swap3A_55] {strides = array<i32>} : memref<128x128xf32, #tpu.memory_space<vmem>>, vector<1x16xf32>,
      %swap3A_57 = vector.shape_cast %swap3A_56 : vector<1x16xf32> to vector<16xf32>
      %swap3A_58 = vector.shape_cast %broadcast_in_dim3A_53 : vector<16xf32> to vector<1x16xf32>
      tpu.vector_store %arg5[%swap3A_54, %swap3A_55], %swap3A_58 {strides = array<i32>} : memref<128x128xf32, #tpu.memory_space<vmem>>, vector<1x16xf32>,
      %broadcast_in_dim3A_59 = arith.constant 0.000000e+00 : f32
      %broadcast_in_dim3A_60 = vector.broadcast %broadcast_in_dim3A_59 : f32 to vector<16xf32>
      %swap3A_61 = arith.index_cast %add3A_32 : i32 to index
      %swap3A_62 = arith.constant 64 : index
      %swap3A_63 = tpu.vector_load %arg5[%swap3A_61, %swap3A_62] {strides = array<i32>} : memref<128x128xf32, #tpu.memory_space<vmem>>, vector<1x16xf32>,
      %swap3A_64 = vector.shape_cast %swap3A_63 : vector<1x16xf32> to vector<16xf32>
      %swap3A_65 = vector.shape_cast %broadcast_in_dim3A_60 : vector<16xf32> to vector<1x16xf32>
      tpu.vector_store %arg5[%swap3A_61, %swap3A_62], %swap3A_65 {strides = array<i32>} : memref<128x128xf32, #tpu.memory_space<vmem>>, vector<1x16xf32>,
      %broadcast_in_dim3A_66 = arith.constant 0.000000e+00 : f32
      %broadcast_in_dim3A_67 = vector.broadcast %broadcast_in_dim3A_66 : f32 to vector<16xf32>
      %swap3A_68 = arith.index_cast %add3A_32 : i32 to index
      %swap3A_69 = arith.constant 80 : index
      %swap3A_70 = tpu.vector_load %arg5[%swap3A_68, %swap3A_69] {strides = array<i32>} : memref<128x128xf32, #tpu.memory_space<vmem>>, vector<1x16xf32>,
      %swap3A_71 = vector.shape_cast %swap3A_70 : vector<1x16xf32> to vector<16xf32>
      %swap3A_72 = vector.shape_cast %broadcast_in_dim3A_67 : vector<16xf32> to vector<1x16xf32>
      tpu.vector_store %arg5[%swap3A_68, %swap3A_69], %swap3A_72 {strides = array<i32>} : memref<128x128xf32, #tpu.memory_space<vmem>>, vector<1x16xf32>,
      %broadcast_in_dim3A_73 = arith.constant 0.000000e+00 : f32
      %broadcast_in_dim3A_74 = vector.broadcast %broadcast_in_dim3A_73 : f32 to vector<16xf32>
      %swap3A_75 = arith.index_cast %add3A_32 : i32 to index
      %swap3A_76 = arith.constant 96 : index
      %swap3A_77 = tpu.vector_load %arg5[%swap3A_75, %swap3A_76] {strides = array<i32>} : memref<128x128xf32, #tpu.memory_space<vmem>>, vector<1x16xf32>,
      %swap3A_78 = vector.shape_cast %swap3A_77 : vector<1x16xf32> to vector<16xf32>
      %swap3A_79 = vector.shape_cast %broadcast_in_dim3A_74 : vector<16xf32> to vector<1x16xf32>
      tpu.vector_store %arg5[%swap3A_75, %swap3A_76], %swap3A_79 {strides = array<i32>} : memref<128x128xf32, #tpu.memory_space<vmem>>, vector<1x16xf32>,
      %broadcast_in_dim3A_80 = arith.constant 0.000000e+00 : f32
      %broadcast_in_dim3A_81 = vector.broadcast %broadcast_in_dim3A_80 : f32 to vector<16xf32>
      %swap3A_82 = arith.index_cast %add3A_32 : i32 to index
      %swap3A_83 = arith.constant 112 : index
      %swap3A_84 = tpu.vector_load %arg5[%swap3A_82, %swap3A_83] {strides = array<i32>} : memref<128x128xf32, #tpu.memory_space<vmem>>, vector<1x16xf32>,
      %swap3A_85 = vector.shape_cast %swap3A_84 : vector<1x16xf32> to vector<16xf32>
      %swap3A_86 = vector.shape_cast %broadcast_in_dim3A_81 : vector<16xf32> to vector<1x16xf32>
      tpu.vector_store %arg5[%swap3A_82, %swap3A_83], %swap3A_86 {strides = array<i32>} : memref<128x128xf32, #tpu.memory_space<vmem>>, vector<1x16xf32>,
    }
    %scan3A_6 = arith.constant 128 : i32
    %add3A_7 = arith.constant 0 : i32
    %add3A_8 = arith.addi %mul3A_2, %add3A_7 : i32
    "tpu.region"() ({
      %run_scoped3A = tpu.sem_alloc : memref<!tpu.dma_semaphore, #tpu.memory_space<semaphore_mem>>
      %dma_start3A = arith.constant 0 : i32
      %dma_start3A_28 = tpu.memref_slice %arg6[%add3A_8, %dma_start3A] : memref<10240x128xf32, #tpu.memory_space<vmem_shared>> -> memref<128x128xf32, #tpu.memory_space<vmem_shared>>
      %dma_start3A_29 = arith.constant 0 : i32
      %dma_start3A_30 = tpu.memref_slice %arg6[%add3A_8, %dma_start3A_29] : memref<10240x128xf32, #tpu.memory_space<vmem_shared>> -> memref<128x128xf32, #tpu.memory_space<vmem_shared>>
      tpu.enqueue_dma source(%arg5 : memref<128x128xf32, #tpu.memory_space<vmem>>) target(%dma_start3A_30 : memref<128x128xf32, #tpu.memory_space<vmem_shared>>) target_semaphore(%run_scoped3A : memref<!tpu.dma_semaphore, #tpu.memory_space<semaphore_mem>>)
      %dma_wait3A = arith.constant 0 : i32
      %dma_wait3A_31 = tpu.memref_slice %arg6[%add3A_8, %dma_wait3A] : memref<10240x128xf32, #tpu.memory_space<vmem_shared>> -> memref<128x128xf32, #tpu.memory_space<vmem_shared>>
      %dma_wait3A_32 = arith.constant 0 : i32
      %dma_wait3A_33 = tpu.memref_slice %arg6[%add3A_8, %dma_wait3A_32] : memref<10240x128xf32, #tpu.memory_space<vmem_shared>> -> memref<128x128xf32, #tpu.memory_space<vmem_shared>>
      tpu.wait_dma2 semaphore(%run_scoped3A : memref<!tpu.dma_semaphore, #tpu.memory_space<semaphore_mem>>) src(%arg5 : memref<128x128xf32, #tpu.memory_space<vmem>>) dst(%dma_wait3A_33 : memref<128x128xf32, #tpu.memory_space<vmem_shared>>)
      tpu.yield
    }) : () -> ()
    %add3A_9 = arith.constant 128 : i32
    %add3A_10 = arith.addi %mul3A_2, %add3A_9 : i32
    "tpu.region"() ({
      %run_scoped3A = tpu.sem_alloc : memref<!tpu.dma_semaphore, #tpu.memory_space<semaphore_mem>>
      %dma_start3A = arith.constant 0 : i32
      %dma_start3A_28 = tpu.memref_slice %arg6[%add3A_10, %dma_start3A] : memref<10240x128xf32, #tpu.memory_space<vmem_shared>> -> memref<128x128xf32, #tpu.memory_space<vmem_shared>>
      %dma_start3A_29 = arith.constant 0 : i32
      %dma_start3A_30 = tpu.memref_slice %arg6[%add3A_10, %dma_start3A_29] : memref<10240x128xf32, #tpu.memory_space<vmem_shared>> -> memref<128x128xf32, #tpu.memory_space<vmem_shared>>
      tpu.enqueue_dma source(%arg5 : memref<128x128xf32, #tpu.memory_space<vmem>>) target(%dma_start3A_30 : memref<128x128xf32, #tpu.memory_space<vmem_shared>>) target_semaphore(%run_scoped3A : memref<!tpu.dma_semaphore, #tpu.memory_space<semaphore_mem>>)
      %dma_wait3A = arith.constant 0 : i32
      %dma_wait3A_31 = tpu.memref_slice %arg6[%add3A_10, %dma_wait3A] : memref<10240x128xf32, #tpu.memory_space<vmem_shared>> -> memref<128x128xf32, #tpu.memory_space<vmem_shared>>
      %dma_wait3A_32 = arith.constant 0 : i32
      %dma_wait3A_33 = tpu.memref_slice %arg6[%add3A_10, %dma_wait3A_32] : memref<10240x128xf32, #tpu.memory_space<vmem_shared>> -> memref<128x128xf32, #tpu.memory_space<vmem_shared>>
      tpu.wait_dma2 semaphore(%run_scoped3A : memref<!tpu.dma_semaphore, #tpu.memory_space<semaphore_mem>>) src(%arg5 : memref<128x128xf32, #tpu.memory_space<vmem>>) dst(%dma_wait3A_33 : memref<128x128xf32, #tpu.memory_space<vmem_shared>>)
      tpu.yield
    }) : () -> ()
    %add3A_11 = arith.constant 256 : i32
    %add3A_12 = arith.addi %mul3A_2, %add3A_11 : i32
    "tpu.region"() ({
      %run_scoped3A = tpu.sem_alloc : memref<!tpu.dma_semaphore, #tpu.memory_space<semaphore_mem>>
      %dma_start3A = arith.constant 0 : i32
      %dma_start3A_28 = tpu.memref_slice %arg6[%add3A_12, %dma_start3A] : memref<10240x128xf32, #tpu.memory_space<vmem_shared>> -> memref<128x128xf32, #tpu.memory_space<vmem_shared>>
      %dma_start3A_29 = arith.constant 0 : i32
      %dma_start3A_30 = tpu.memref_slice %arg6[%add3A_12, %dma_start3A_29] : memref<10240x128xf32, #tpu.memory_space<vmem_shared>> -> memref<128x128xf32, #tpu.memory_space<vmem_shared>>
      tpu.enqueue_dma source(%arg5 : memref<128x128xf32, #tpu.memory_space<vmem>>) target(%dma_start3A_30 : memref<128x128xf32, #tpu.memory_space<vmem_shared>>) target_semaphore(%run_scoped3A : memref<!tpu.dma_semaphore, #tpu.memory_space<semaphore_mem>>)
      %dma_wait3A = arith.constant 0 : i32
      %dma_wait3A_31 = tpu.memref_slice %arg6[%add3A_12, %dma_wait3A] : memref<10240x128xf32, #tpu.memory_space<vmem_shared>> -> memref<128x128xf32, #tpu.memory_space<vmem_shared>>
      %dma_wait3A_32 = arith.constant 0 : i32
      %dma_wait3A_33 = tpu.memref_slice %arg6[%add3A_12, %dma_wait3A_32] : memref<10240x128xf32, #tpu.memory_space<vmem_shared>> -> memref<128x128xf32, #tpu.memory_space<vmem_shared>>
      tpu.wait_dma2 semaphore(%run_scoped3A : memref<!tpu.dma_semaphore, #tpu.memory_space<semaphore_mem>>) src(%arg5 : memref<128x128xf32, #tpu.memory_space<vmem>>) dst(%dma_wait3A_33 : memref<128x128xf32, #tpu.memory_space<vmem_shared>>)
      tpu.yield
    }) : () -> ()
    %add3A_13 = arith.constant 384 : i32
    %add3A_14 = arith.addi %mul3A_2, %add3A_13 : i32
    "tpu.region"() ({
      %run_scoped3A = tpu.sem_alloc : memref<!tpu.dma_semaphore, #tpu.memory_space<semaphore_mem>>
      %dma_start3A = arith.constant 0 : i32
      %dma_start3A_28 = tpu.memref_slice %arg6[%add3A_14, %dma_start3A] : memref<10240x128xf32, #tpu.memory_space<vmem_shared>> -> memref<128x128xf32, #tpu.memory_space<vmem_shared>>
      %dma_start3A_29 = arith.constant 0 : i32
      %dma_start3A_30 = tpu.memref_slice %arg6[%add3A_14, %dma_start3A_29] : memref<10240x128xf32, #tpu.memory_space<vmem_shared>> -> memref<128x128xf32, #tpu.memory_space<vmem_shared>>
      tpu.enqueue_dma source(%arg5 : memref<128x128xf32, #tpu.memory_space<vmem>>) target(%dma_start3A_30 : memref<128x128xf32, #tpu.memory_space<vmem_shared>>) target_semaphore(%run_scoped3A : memref<!tpu.dma_semaphore, #tpu.memory_space<semaphore_mem>>)
      %dma_wait3A = arith.constant 0 : i32
      %dma_wait3A_31 = tpu.memref_slice %arg6[%add3A_14, %dma_wait3A] : memref<10240x128xf32, #tpu.memory_space<vmem_shared>> -> memref<128x128xf32, #tpu.memory_space<vmem_shared>>
      %dma_wait3A_32 = arith.constant 0 : i32
      %dma_wait3A_33 = tpu.memref_slice %arg6[%add3A_14, %dma_wait3A_32] : memref<10240x128xf32, #tpu.memory_space<vmem_shared>> -> memref<128x128xf32, #tpu.memory_space<vmem_shared>>
      tpu.wait_dma2 semaphore(%run_scoped3A : memref<!tpu.dma_semaphore, #tpu.memory_space<semaphore_mem>>) src(%arg5 : memref<128x128xf32, #tpu.memory_space<vmem>>) dst(%dma_wait3A_33 : memref<128x128xf32, #tpu.memory_space<vmem_shared>>)
      tpu.yield
    }) : () -> ()
    %add3A_15 = arith.constant 512 : i32
    %add3A_16 = arith.addi %mul3A_2, %add3A_15 : i32
    "tpu.region"() ({
      %run_scoped3A = tpu.sem_alloc : memref<!tpu.dma_semaphore, #tpu.memory_space<semaphore_mem>>
      %dma_start3A = arith.constant 0 : i32
      %dma_start3A_28 = tpu.memref_slice %arg6[%add3A_16, %dma_start3A] : memref<10240x128xf32, #tpu.memory_space<vmem_shared>> -> memref<128x128xf32, #tpu.memory_space<vmem_shared>>
      %dma_start3A_29 = arith.constant 0 : i32
      %dma_start3A_30 = tpu.memref_slice %arg6[%add3A_16, %dma_start3A_29] : memref<10240x128xf32, #tpu.memory_space<vmem_shared>> -> memref<128x128xf32, #tpu.memory_space<vmem_shared>>
      tpu.enqueue_dma source(%arg5 : memref<128x128xf32, #tpu.memory_space<vmem>>) target(%dma_start3A_30 : memref<128x128xf32, #tpu.memory_space<vmem_shared>>) target_semaphore(%run_scoped3A : memref<!tpu.dma_semaphore, #tpu.memory_space<semaphore_mem>>)
      %dma_wait3A = arith.constant 0 : i32
      %dma_wait3A_31 = tpu.memref_slice %arg6[%add3A_16, %dma_wait3A] : memref<10240x128xf32, #tpu.memory_space<vmem_shared>> -> memref<128x128xf32, #tpu.memory_space<vmem_shared>>
      %dma_wait3A_32 = arith.constant 0 : i32
      %dma_wait3A_33 = tpu.memref_slice %arg6[%add3A_16, %dma_wait3A_32] : memref<10240x128xf32, #tpu.memory_space<vmem_shared>> -> memref<128x128xf32, #tpu.memory_space<vmem_shared>>
      tpu.wait_dma2 semaphore(%run_scoped3A : memref<!tpu.dma_semaphore, #tpu.memory_space<semaphore_mem>>) src(%arg5 : memref<128x128xf32, #tpu.memory_space<vmem>>) dst(%dma_wait3A_33 : memref<128x128xf32, #tpu.memory_space<vmem_shared>>)
      tpu.yield
    }) : () -> ()
    %scan3A_17 = arith.constant 0 : i32
    %scan3A_18 = arith.constant 128 : i32
    %scan3A_19 = arith.addi %scan3A_17, %scan3A_18 : i32
    %scan3A_20 = arith.constant 1 : i32
    scf.for %scan3A_28 = %scan3A_17 to %scan3A_19 step %scan3A_20  : i32 {
      %mul3A_29 = arith.constant 1 : i32
      %mul3A_30 = arith.muli %scan3A_28, %mul3A_29 : i32
      %add3A_31 = arith.constant 0 : i32
      %add3A_32 = arith.addi %add3A_31, %mul3A_30 : i32
      %broadcast_in_dim3A = arith.constant 1.000000e+00 : f32
      %broadcast_in_dim3A_33 = vector.broadcast %broadcast_in_dim3A : f32 to vector<16xf32>
      %swap3A = arith.index_cast %add3A_32 : i32 to index
      %swap3A_34 = arith.constant 0 : index
      %swap3A_35 = tpu.vector_load %arg5[%swap3A, %swap3A_34] {strides = array<i32>} : memref<128x128xf32, #tpu.memory_space<vmem>>, vector<1x16xf32>,
      %swap3A_36 = vector.shape_cast %swap3A_35 : vector<1x16xf32> to vector<16xf32>
      %swap3A_37 = vector.shape_cast %broadcast_in_dim3A_33 : vector<16xf32> to vector<1x16xf32>
      tpu.vector_store %arg5[%swap3A, %swap3A_34], %swap3A_37 {strides = array<i32>} : memref<128x128xf32, #tpu.memory_space<vmem>>, vector<1x16xf32>,
      %broadcast_in_dim3A_38 = arith.constant 1.000000e+00 : f32
      %broadcast_in_dim3A_39 = vector.broadcast %broadcast_in_dim3A_38 : f32 to vector<16xf32>
      %swap3A_40 = arith.index_cast %add3A_32 : i32 to index
      %swap3A_41 = arith.constant 16 : index
      %swap3A_42 = tpu.vector_load %arg5[%swap3A_40, %swap3A_41] {strides = array<i32>} : memref<128x128xf32, #tpu.memory_space<vmem>>, vector<1x16xf32>,
      %swap3A_43 = vector.shape_cast %swap3A_42 : vector<1x16xf32> to vector<16xf32>
      %swap3A_44 = vector.shape_cast %broadcast_in_dim3A_39 : vector<16xf32> to vector<1x16xf32>
      tpu.vector_store %arg5[%swap3A_40, %swap3A_41], %swap3A_44 {strides = array<i32>} : memref<128x128xf32, #tpu.memory_space<vmem>>, vector<1x16xf32>,
      %broadcast_in_dim3A_45 = arith.constant 1.000000e+00 : f32
      %broadcast_in_dim3A_46 = vector.broadcast %broadcast_in_dim3A_45 : f32 to vector<16xf32>
      %swap3A_47 = arith.index_cast %add3A_32 : i32 to index
      %swap3A_48 = arith.constant 32 : index
      %swap3A_49 = tpu.vector_load %arg5[%swap3A_47, %swap3A_48] {strides = array<i32>} : memref<128x128xf32, #tpu.memory_space<vmem>>, vector<1x16xf32>,
      %swap3A_50 = vector.shape_cast %swap3A_49 : vector<1x16xf32> to vector<16xf32>
      %swap3A_51 = vector.shape_cast %broadcast_in_dim3A_46 : vector<16xf32> to vector<1x16xf32>
      tpu.vector_store %arg5[%swap3A_47, %swap3A_48], %swap3A_51 {strides = array<i32>} : memref<128x128xf32, #tpu.memory_space<vmem>>, vector<1x16xf32>,
      %broadcast_in_dim3A_52 = arith.constant 1.000000e+00 : f32
      %broadcast_in_dim3A_53 = vector.broadcast %broadcast_in_dim3A_52 : f32 to vector<16xf32>
      %swap3A_54 = arith.index_cast %add3A_32 : i32 to index
      %swap3A_55 = arith.constant 48 : index
      %swap3A_56 = tpu.vector_load %arg5[%swap3A_54, %swap3A_55] {strides = array<i32>} : memref<128x128xf32, #tpu.memory_space<vmem>>, vector<1x16xf32>,
      %swap3A_57 = vector.shape_cast %swap3A_56 : vector<1x16xf32> to vector<16xf32>
      %swap3A_58 = vector.shape_cast %broadcast_in_dim3A_53 : vector<16xf32> to vector<1x16xf32>
      tpu.vector_store %arg5[%swap3A_54, %swap3A_55], %swap3A_58 {strides = array<i32>} : memref<128x128xf32, #tpu.memory_space<vmem>>, vector<1x16xf32>,
      %broadcast_in_dim3A_59 = arith.constant 1.000000e+00 : f32
      %broadcast_in_dim3A_60 = vector.broadcast %broadcast_in_dim3A_59 : f32 to vector<16xf32>
      %swap3A_61 = arith.index_cast %add3A_32 : i32 to index
      %swap3A_62 = arith.constant 64 : index
      %swap3A_63 = tpu.vector_load %arg5[%swap3A_61, %swap3A_62] {strides = array<i32>} : memref<128x128xf32, #tpu.memory_space<vmem>>, vector<1x16xf32>,
      %swap3A_64 = vector.shape_cast %swap3A_63 : vector<1x16xf32> to vector<16xf32>
      %swap3A_65 = vector.shape_cast %broadcast_in_dim3A_60 : vector<16xf32> to vector<1x16xf32>
      tpu.vector_store %arg5[%swap3A_61, %swap3A_62], %swap3A_65 {strides = array<i32>} : memref<128x128xf32, #tpu.memory_space<vmem>>, vector<1x16xf32>,
      %broadcast_in_dim3A_66 = arith.constant 1.000000e+00 : f32
      %broadcast_in_dim3A_67 = vector.broadcast %broadcast_in_dim3A_66 : f32 to vector<16xf32>
      %swap3A_68 = arith.index_cast %add3A_32 : i32 to index
      %swap3A_69 = arith.constant 80 : index
      %swap3A_70 = tpu.vector_load %arg5[%swap3A_68, %swap3A_69] {strides = array<i32>} : memref<128x128xf32, #tpu.memory_space<vmem>>, vector<1x16xf32>,
      %swap3A_71 = vector.shape_cast %swap3A_70 : vector<1x16xf32> to vector<16xf32>
      %swap3A_72 = vector.shape_cast %broadcast_in_dim3A_67 : vector<16xf32> to vector<1x16xf32>
      tpu.vector_store %arg5[%swap3A_68, %swap3A_69], %swap3A_72 {strides = array<i32>} : memref<128x128xf32, #tpu.memory_space<vmem>>, vector<1x16xf32>,
      %broadcast_in_dim3A_73 = arith.constant 1.000000e+00 : f32
      %broadcast_in_dim3A_74 = vector.broadcast %broadcast_in_dim3A_73 : f32 to vector<16xf32>
      %swap3A_75 = arith.index_cast %add3A_32 : i32 to index
      %swap3A_76 = arith.constant 96 : index
      %swap3A_77 = tpu.vector_load %arg5[%swap3A_75, %swap3A_76] {strides = array<i32>} : memref<128x128xf32, #tpu.memory_space<vmem>>, vector<1x16xf32>,
      %swap3A_78 = vector.shape_cast %swap3A_77 : vector<1x16xf32> to vector<16xf32>
      %swap3A_79 = vector.shape_cast %broadcast_in_dim3A_74 : vector<16xf32> to vector<1x16xf32>
      tpu.vector_store %arg5[%swap3A_75, %swap3A_76], %swap3A_79 {strides = array<i32>} : memref<128x128xf32, #tpu.memory_space<vmem>>, vector<1x16xf32>,
      %broadcast_in_dim3A_80 = arith.constant 1.000000e+00 : f32
      %broadcast_in_dim3A_81 = vector.broadcast %broadcast_in_dim3A_80 : f32 to vector<16xf32>
      %swap3A_82 = arith.index_cast %add3A_32 : i32 to index
      %swap3A_83 = arith.constant 112 : index
      %swap3A_84 = tpu.vector_load %arg5[%swap3A_82, %swap3A_83] {strides = array<i32>} : memref<128x128xf32, #tpu.memory_space<vmem>>, vector<1x16xf32>,
      %swap3A_85 = vector.shape_cast %swap3A_84 : vector<1x16xf32> to vector<16xf32>
      %swap3A_86 = vector.shape_cast %broadcast_in_dim3A_81 : vector<16xf32> to vector<1x16xf32>
      tpu.vector_store %arg5[%swap3A_82, %swap3A_83], %swap3A_86 {strides = array<i32>} : memref<128x128xf32, #tpu.memory_space<vmem>>, vector<1x16xf32>,
    }
    %scan3A_21 = arith.constant 128 : i32
    "tpu.region"() ({
      %run_scoped3A = tpu.sem_alloc : memref<!tpu.dma_semaphore, #tpu.memory_space<semaphore_mem>>
      %dma_start3A = arith.constant 0 : i32
      %dma_start3A_28 = arith.constant 0 : i32
      %dma_start3A_29 = tpu.memref_slice %arg2[%add3A, %dma_start3A, %dma_start3A_28] : memref<32x80x128xi32, #tpu.memory_space<hbm>> -> memref<1x80x128xi32, #tpu.memory_space<hbm>>
      %dma_start3A_30 = tpu.memref_squeeze %dma_start3A_29 : memref<1x80x128xi32, #tpu.memory_space<hbm>> -> memref<80x128xi32, #tpu.memory_space<hbm>>
      %dma_start3A_31 = arith.constant 0 : i32
      %dma_start3A_32 = arith.constant 0 : i32
      %dma_start3A_33 = tpu.memref_slice %arg2[%add3A, %dma_start3A_31, %dma_start3A_32] : memref<32x80x128xi32, #tpu.memory_space<hbm>> -> memref<1x80x128xi32, #tpu.memory_space<hbm>>
      %dma_start3A_34 = tpu.memref_squeeze %dma_start3A_33 : memref<1x80x128xi32, #tpu.memory_space<hbm>> -> memref<80x128xi32, #tpu.memory_space<hbm>>
      tpu.enqueue_dma source(%dma_start3A_34 : memref<80x128xi32, #tpu.memory_space<hbm>>) target(%arg4 : memref<80x128xi32, #tpu.memory_space<vmem>>) target_semaphore(%run_scoped3A : memref<!tpu.dma_semaphore, #tpu.memory_space<semaphore_mem>>)
      %dma_wait3A = arith.constant 0 : i32
      %dma_wait3A_35 = arith.constant 0 : i32
      %dma_wait3A_36 = tpu.memref_slice %arg2[%add3A, %dma_wait3A, %dma_wait3A_35] : memref<32x80x128xi32, #tpu.memory_space<hbm>> -> memref<1x80x128xi32, #tpu.memory_space<hbm>>
      %dma_wait3A_37 = tpu.memref_squeeze %dma_wait3A_36 : memref<1x80x128xi32, #tpu.memory_space<hbm>> -> memref<80x128xi32, #tpu.memory_space<hbm>>
      %dma_wait3A_38 = arith.constant 0 : i32
      %dma_wait3A_39 = arith.constant 0 : i32
      %dma_wait3A_40 = tpu.memref_slice %arg2[%add3A, %dma_wait3A_38, %dma_wait3A_39] : memref<32x80x128xi32, #tpu.memory_space<hbm>> -> memref<1x80x128xi32, #tpu.memory_space<hbm>>
      %dma_wait3A_41 = tpu.memref_squeeze %dma_wait3A_40 : memref<1x80x128xi32, #tpu.memory_space<hbm>> -> memref<80x128xi32, #tpu.memory_space<hbm>>
      tpu.wait_dma2 semaphore(%run_scoped3A : memref<!tpu.dma_semaphore, #tpu.memory_space<semaphore_mem>>) src(%dma_wait3A_41 : memref<80x128xi32, #tpu.memory_space<hbm>>) dst(%arg4 : memref<80x128xi32, #tpu.memory_space<vmem>>)
      tpu.yield
    }) : () -> ()
    %barrier3A = arith.constant 0 : index
    tpu.barrier barrier_id(%barrier3A)
    %scan3A_22 = arith.constant 0 : i32
    %scan3A_23 = arith.constant 80 : i32
    %scan3A_24 = arith.addi %scan3A_22, %scan3A_23 : i32
    %scan3A_25 = arith.constant 1 : i32
    scf.for %scan3A_28 = %scan3A_22 to %scan3A_24 step %scan3A_25  : i32 {
      %mul3A_29 = arith.constant 1 : i32
      %mul3A_30 = arith.muli %scan3A_28, %mul3A_29 : i32
      %add3A_31 = arith.constant 0 : i32
      %add3A_32 = arith.addi %add3A_31, %mul3A_30 : i32
      "tpu.region"() ({
        %run_scoped3A = tpu.sem_alloc : memref<!tpu.dma_semaphore, #tpu.memory_space<semaphore_mem>>
        %dma_start3A = arith.constant 0 : i32
        %dma_start3A_33 = tpu.memref_slice %arg4[%add3A_32, %dma_start3A] : memref<80x128xi32, #tpu.memory_space<vmem>> -> memref<1x128xi32, #tpu.memory_space<vmem>>
        %dma_start3A_34 = tpu.memref_squeeze %dma_start3A_33 : memref<1x128xi32, #tpu.memory_space<vmem>> -> memref<128xi32, #tpu.memory_space<vmem>>
        %dma_start3A_35 = arith.constant 0 : i32
        %dma_start3A_36 = arith.constant 0 : i32
        %dma_start3A_37 = tpu.memref_slice %arg6[%dma_start3A_35, %dma_start3A_36] : memref<10240x128xf32, #tpu.memory_space<vmem_shared>> -> memref<10240x128xf32, #tpu.memory_space<vmem_shared>>
        tpu.enqueue_indirect_dma source(%arg5 : memref<128x128xf32, #tpu.memory_space<vmem>>) target(%dma_start3A_37 : memref<10240x128xf32, #tpu.memory_space<vmem_shared>>) offsets(%dma_start3A_34 : memref<128xi32, #tpu.memory_space<vmem>>) semaphore(%run_scoped3A : memref<!tpu.dma_semaphore, #tpu.memory_space<semaphore_mem>>) {add = true}
        %dma_wait3A = arith.constant 0 : i32
        %dma_wait3A_38 = tpu.memref_slice %arg4[%add3A_32, %dma_wait3A] : memref<80x128xi32, #tpu.memory_space<vmem>> -> memref<1x128xi32, #tpu.memory_space<vmem>>
        %dma_wait3A_39 = tpu.memref_squeeze %dma_wait3A_38 : memref<1x128xi32, #tpu.memory_space<vmem>> -> memref<128xi32, #tpu.memory_space<vmem>>
        %dma_wait3A_40 = arith.constant 0 : i32
        %dma_wait3A_41 = arith.constant 0 : i32
        %dma_wait3A_42 = tpu.memref_slice %arg6[%dma_wait3A_40, %dma_wait3A_41] : memref<10240x128xf32, #tpu.memory_space<vmem_shared>> -> memref<10240x128xf32, #tpu.memory_space<vmem_shared>>
        tpu.wait_indirect_dma semaphore(%run_scoped3A : memref<!tpu.dma_semaphore, #tpu.memory_space<semaphore_mem>>) src(%arg5 : memref<128x128xf32, #tpu.memory_space<vmem>>) dst(%dma_wait3A_42 : memref<10240x128xf32, #tpu.memory_space<vmem_shared>>)
        tpu.yield
      }) : () -> ()
    }
    %scan3A_26 = arith.constant 80 : i32
    %barrier3A_27 = arith.constant 0 : index
    tpu.barrier barrier_id(%barrier3A_27)
    "tpu.region"() ({
      %run_scoped3A = tpu.sem_alloc : memref<!tpu.dma_semaphore, #tpu.memory_space<semaphore_mem>>
      %dma_start3A = arith.constant 0 : i32
      %dma_start3A_28 = tpu.memref_slice %arg3[%arg0, %mul3A_2, %dma_start3A] : memref<2x10240x128xf32, #tpu.memory_space<hbm>> -> memref<1x640x128xf32, #tpu.memory_space<hbm>>
      %dma_start3A_29 = tpu.memref_squeeze %dma_start3A_28 : memref<1x640x128xf32, #tpu.memory_space<hbm>> -> memref<640x128xf32, #tpu.memory_space<hbm>>
      %dma_start3A_30 = arith.constant 0 : i32
      %dma_start3A_31 = tpu.memref_slice %arg6[%mul3A_2, %dma_start3A_30] : memref<10240x128xf32, #tpu.memory_space<vmem_shared>> -> memref<640x128xf32, #tpu.memory_space<vmem_shared>>
      tpu.enqueue_dma source(%dma_start3A_31 : memref<640x128xf32, #tpu.memory_space<vmem_shared>>) target(%dma_start3A_29 : memref<640x128xf32, #tpu.memory_space<hbm>>) target_semaphore(%run_scoped3A : memref<!tpu.dma_semaphore, #tpu.memory_space<semaphore_mem>>)
      %dma_wait3A = arith.constant 0 : i32
      %dma_wait3A_32 = tpu.memref_slice %arg3[%arg0, %mul3A_2, %dma_wait3A] : memref<2x10240x128xf32, #tpu.memory_space<hbm>> -> memref<1x640x128xf32, #tpu.memory_space<hbm>>
      %dma_wait3A_33 = tpu.memref_squeeze %dma_wait3A_32 : memref<1x640x128xf32, #tpu.memory_space<hbm>> -> memref<640x128xf32, #tpu.memory_space<hbm>>
      %dma_wait3A_34 = arith.constant 0 : i32
      %dma_wait3A_35 = tpu.memref_slice %arg6[%mul3A_2, %dma_wait3A_34] : memref<10240x128xf32, #tpu.memory_space<vmem_shared>> -> memref<640x128xf32, #tpu.memory_space<vmem_shared>>
      tpu.wait_dma2 semaphore(%run_scoped3A : memref<!tpu.dma_semaphore, #tpu.memory_space<semaphore_mem>>) src(%dma_wait3A_35 : memref<640x128xf32, #tpu.memory_space<vmem_shared>>) dst(%dma_wait3A_33 : memref<640x128xf32, #tpu.memory_space<hbm>>)
      tpu.yield
    }) : () -> ()
    return
  }
}

#map = affine_map<(d0, d1) -> (0, 0)>
#map1 = affine_map<(d0, d1) -> (0, 0, 0, 0)>
#map2 = affine_map<(d0, d1) -> (0, 0, 0)>
module attributes {stable_mosaic.version = 14 : i64} {
  func.func @scatter(%arg0: i32, %arg1: i32, %arg2: memref<10000x128xf32, #tpu.memory_space<hbm>>, %arg3: memref<32x4x20x128xi32, #tpu.memory_space<hbm>>, %arg4: memref<32x80x128xi32, #tpu.memory_space<hbm>>, %arg5: memref<2x10240x128xf32, #tpu.memory_space<hbm>>, %arg6: memref<20x128xi32, #tpu.memory_space<vmem>>, %arg7: memref<20x128xi32, #tpu.memory_space<vmem>>, %arg8: memref<80x128xi32, #tpu.memory_space<vmem>>, %arg9: memref<128x128xf32, #tpu.memory_space<vmem>>, %arg10: memref<128x128xf32, #tpu.memory_space<vmem>>, %arg11: memref<!tpu.dma_semaphore, #tpu.memory_space<semaphore_mem>>, %arg12: memref<!tpu.dma_semaphore, #tpu.memory_space<semaphore_mem>>, %arg13: memref<!tpu.dma_semaphore, #tpu.memory_space<semaphore_mem>>, %arg14: memref<!tpu.dma_semaphore, #tpu.memory_space<semaphore_mem>>, %arg15: memref<10240x128xf32, #tpu.memory_space<vmem_shared>>) attributes {dimension_semantics = [#tpu.dimension_semantics<core_parallel>, #tpu.dimension_semantics<subcore_parallel>], iteration_bounds = array<i64: 2, 16>, scalar_prefetch = 0 : i64, scratch_operands = 10 : i64, tpu.core_type = #tpu.core_type<sc_vector_subcore>, window_params = [{transform_indices = #map}, {transform_indices = #map1}, {transform_indices = #map2}, {transform_indices = #map2}]} {
    %mul3A = arith.constant 2 : i32
    %mul3A_0 = arith.muli %arg1, %mul3A : i32
    %add3A = arith.addi %mul3A_0, %arg0 : i32
    %mul3A_1 = arith.constant 640 : i32
    %mul3A_2 = arith.muli %arg1, %mul3A_1 : i32
    %scan3A = arith.constant 0 : i32
    %scan3A_3 = arith.constant 128 : i32
    %scan3A_4 = arith.addi %scan3A, %scan3A_3 : i32
    %scan3A_5 = arith.constant 1 : i32
    scf.for %scan3A_227 = %scan3A to %scan3A_4 step %scan3A_5  : i32 {
      %mul3A_228 = arith.constant 1 : i32
      %mul3A_229 = arith.muli %scan3A_227, %mul3A_228 : i32
      %add3A_230 = arith.constant 0 : i32
      %add3A_231 = arith.addi %add3A_230, %mul3A_229 : i32
      %broadcast_in_dim3A = arith.constant 0.000000e+00 : f32
      %broadcast_in_dim3A_232 = vector.broadcast %broadcast_in_dim3A : f32 to vector<16xf32>
      %swap3A = arith.index_cast %add3A_231 : i32 to index
      %swap3A_233 = arith.constant 0 : index
      %swap3A_234 = tpu.vector_load %arg9[%swap3A, %swap3A_233] {strides = array<i32>} : memref<128x128xf32, #tpu.memory_space<vmem>>, vector<1x16xf32>,
      %swap3A_235 = vector.shape_cast %swap3A_234 : vector<1x16xf32> to vector<16xf32>
      %swap3A_236 = vector.shape_cast %broadcast_in_dim3A_232 : vector<16xf32> to vector<1x16xf32>
      tpu.vector_store %arg9[%swap3A, %swap3A_233], %swap3A_236 {strides = array<i32>} : memref<128x128xf32, #tpu.memory_space<vmem>>, vector<1x16xf32>,
      %broadcast_in_dim3A_237 = arith.constant 0.000000e+00 : f32
      %broadcast_in_dim3A_238 = vector.broadcast %broadcast_in_dim3A_237 : f32 to vector<16xf32>
      %swap3A_239 = arith.index_cast %add3A_231 : i32 to index
      %swap3A_240 = arith.constant 16 : index
      %swap3A_241 = tpu.vector_load %arg9[%swap3A_239, %swap3A_240] {strides = array<i32>} : memref<128x128xf32, #tpu.memory_space<vmem>>, vector<1x16xf32>,
      %swap3A_242 = vector.shape_cast %swap3A_241 : vector<1x16xf32> to vector<16xf32>
      %swap3A_243 = vector.shape_cast %broadcast_in_dim3A_238 : vector<16xf32> to vector<1x16xf32>
      tpu.vector_store %arg9[%swap3A_239, %swap3A_240], %swap3A_243 {strides = array<i32>} : memref<128x128xf32, #tpu.memory_space<vmem>>, vector<1x16xf32>,
      %broadcast_in_dim3A_244 = arith.constant 0.000000e+00 : f32
      %broadcast_in_dim3A_245 = vector.broadcast %broadcast_in_dim3A_244 : f32 to vector<16xf32>
      %swap3A_246 = arith.index_cast %add3A_231 : i32 to index
      %swap3A_247 = arith.constant 32 : index
      %swap3A_248 = tpu.vector_load %arg9[%swap3A_246, %swap3A_247] {strides = array<i32>} : memref<128x128xf32, #tpu.memory_space<vmem>>, vector<1x16xf32>,
      %swap3A_249 = vector.shape_cast %swap3A_248 : vector<1x16xf32> to vector<16xf32>
      %swap3A_250 = vector.shape_cast %broadcast_in_dim3A_245 : vector<16xf32> to vector<1x16xf32>
      tpu.vector_store %arg9[%swap3A_246, %swap3A_247], %swap3A_250 {strides = array<i32>} : memref<128x128xf32, #tpu.memory_space<vmem>>, vector<1x16xf32>,
      %broadcast_in_dim3A_251 = arith.constant 0.000000e+00 : f32
      %broadcast_in_dim3A_252 = vector.broadcast %broadcast_in_dim3A_251 : f32 to vector<16xf32>
      %swap3A_253 = arith.index_cast %add3A_231 : i32 to index
      %swap3A_254 = arith.constant 48 : index
      %swap3A_255 = tpu.vector_load %arg9[%swap3A_253, %swap3A_254] {strides = array<i32>} : memref<128x128xf32, #tpu.memory_space<vmem>>, vector<1x16xf32>,
      %swap3A_256 = vector.shape_cast %swap3A_255 : vector<1x16xf32> to vector<16xf32>
      %swap3A_257 = vector.shape_cast %broadcast_in_dim3A_252 : vector<16xf32> to vector<1x16xf32>
      tpu.vector_store %arg9[%swap3A_253, %swap3A_254], %swap3A_257 {strides = array<i32>} : memref<128x128xf32, #tpu.memory_space<vmem>>, vector<1x16xf32>,
      %broadcast_in_dim3A_258 = arith.constant 0.000000e+00 : f32
      %broadcast_in_dim3A_259 = vector.broadcast %broadcast_in_dim3A_258 : f32 to vector<16xf32>
      %swap3A_260 = arith.index_cast %add3A_231 : i32 to index
      %swap3A_261 = arith.constant 64 : index
      %swap3A_262 = tpu.vector_load %arg9[%swap3A_260, %swap3A_261] {strides = array<i32>} : memref<128x128xf32, #tpu.memory_space<vmem>>, vector<1x16xf32>,
      %swap3A_263 = vector.shape_cast %swap3A_262 : vector<1x16xf32> to vector<16xf32>
      %swap3A_264 = vector.shape_cast %broadcast_in_dim3A_259 : vector<16xf32> to vector<1x16xf32>
      tpu.vector_store %arg9[%swap3A_260, %swap3A_261], %swap3A_264 {strides = array<i32>} : memref<128x128xf32, #tpu.memory_space<vmem>>, vector<1x16xf32>,
      %broadcast_in_dim3A_265 = arith.constant 0.000000e+00 : f32
      %broadcast_in_dim3A_266 = vector.broadcast %broadcast_in_dim3A_265 : f32 to vector<16xf32>
      %swap3A_267 = arith.index_cast %add3A_231 : i32 to index
      %swap3A_268 = arith.constant 80 : index
      %swap3A_269 = tpu.vector_load %arg9[%swap3A_267, %swap3A_268] {strides = array<i32>} : memref<128x128xf32, #tpu.memory_space<vmem>>, vector<1x16xf32>,
      %swap3A_270 = vector.shape_cast %swap3A_269 : vector<1x16xf32> to vector<16xf32>
      %swap3A_271 = vector.shape_cast %broadcast_in_dim3A_266 : vector<16xf32> to vector<1x16xf32>
      tpu.vector_store %arg9[%swap3A_267, %swap3A_268], %swap3A_271 {strides = array<i32>} : memref<128x128xf32, #tpu.memory_space<vmem>>, vector<1x16xf32>,
      %broadcast_in_dim3A_272 = arith.constant 0.000000e+00 : f32
      %broadcast_in_dim3A_273 = vector.broadcast %broadcast_in_dim3A_272 : f32 to vector<16xf32>
      %swap3A_274 = arith.index_cast %add3A_231 : i32 to index
      %swap3A_275 = arith.constant 96 : index
      %swap3A_276 = tpu.vector_load %arg9[%swap3A_274, %swap3A_275] {strides = array<i32>} : memref<128x128xf32, #tpu.memory_space<vmem>>, vector<1x16xf32>,
      %swap3A_277 = vector.shape_cast %swap3A_276 : vector<1x16xf32> to vector<16xf32>
      %swap3A_278 = vector.shape_cast %broadcast_in_dim3A_273 : vector<16xf32> to vector<1x16xf32>
      tpu.vector_store %arg9[%swap3A_274, %swap3A_275], %swap3A_278 {strides = array<i32>} : memref<128x128xf32, #tpu.memory_space<vmem>>, vector<1x16xf32>,
      %broadcast_in_dim3A_279 = arith.constant 0.000000e+00 : f32
      %broadcast_in_dim3A_280 = vector.broadcast %broadcast_in_dim3A_279 : f32 to vector<16xf32>
      %swap3A_281 = arith.index_cast %add3A_231 : i32 to index
      %swap3A_282 = arith.constant 112 : index
      %swap3A_283 = tpu.vector_load %arg9[%swap3A_281, %swap3A_282] {strides = array<i32>} : memref<128x128xf32, #tpu.memory_space<vmem>>, vector<1x16xf32>,
      %swap3A_284 = vector.shape_cast %swap3A_283 : vector<1x16xf32> to vector<16xf32>
      %swap3A_285 = vector.shape_cast %broadcast_in_dim3A_280 : vector<16xf32> to vector<1x16xf32>
      tpu.vector_store %arg9[%swap3A_281, %swap3A_282], %swap3A_285 {strides = array<i32>} : memref<128x128xf32, #tpu.memory_space<vmem>>, vector<1x16xf32>,
    }
    %scan3A_6 = arith.constant 128 : i32
    %add3A_7 = arith.constant 0 : i32
    %add3A_8 = arith.addi %mul3A_2, %add3A_7 : i32
    "tpu.region"() ({
      %run_scoped3A_227 = tpu.sem_alloc : memref<!tpu.dma_semaphore, #tpu.memory_space<semaphore_mem>>
      %dma_start3A_228 = arith.constant 0 : i32
      %dma_start3A_229 = tpu.memref_slice %arg15[%add3A_8, %dma_start3A_228] : memref<10240x128xf32, #tpu.memory_space<vmem_shared>> -> memref<128x128xf32, #tpu.memory_space<vmem_shared>>
      %dma_start3A_230 = arith.constant 0 : i32
      %dma_start3A_231 = tpu.memref_slice %arg15[%add3A_8, %dma_start3A_230] : memref<10240x128xf32, #tpu.memory_space<vmem_shared>> -> memref<128x128xf32, #tpu.memory_space<vmem_shared>>
      tpu.enqueue_dma source(%arg9 : memref<128x128xf32, #tpu.memory_space<vmem>>) target(%dma_start3A_231 : memref<128x128xf32, #tpu.memory_space<vmem_shared>>) target_semaphore(%run_scoped3A_227 : memref<!tpu.dma_semaphore, #tpu.memory_space<semaphore_mem>>)
      %dma_wait3A_232 = arith.constant 0 : i32
      %dma_wait3A_233 = tpu.memref_slice %arg15[%add3A_8, %dma_wait3A_232] : memref<10240x128xf32, #tpu.memory_space<vmem_shared>> -> memref<128x128xf32, #tpu.memory_space<vmem_shared>>
      %dma_wait3A_234 = arith.constant 0 : i32
      %dma_wait3A_235 = tpu.memref_slice %arg15[%add3A_8, %dma_wait3A_234] : memref<10240x128xf32, #tpu.memory_space<vmem_shared>> -> memref<128x128xf32, #tpu.memory_space<vmem_shared>>
      tpu.wait_dma2 semaphore(%run_scoped3A_227 : memref<!tpu.dma_semaphore, #tpu.memory_space<semaphore_mem>>) src(%arg9 : memref<128x128xf32, #tpu.memory_space<vmem>>) dst(%dma_wait3A_235 : memref<128x128xf32, #tpu.memory_space<vmem_shared>>)
      tpu.yield
    }) : () -> ()
    %add3A_9 = arith.constant 128 : i32
    %add3A_10 = arith.addi %mul3A_2, %add3A_9 : i32
    "tpu.region"() ({
      %run_scoped3A_227 = tpu.sem_alloc : memref<!tpu.dma_semaphore, #tpu.memory_space<semaphore_mem>>
      %dma_start3A_228 = arith.constant 0 : i32
      %dma_start3A_229 = tpu.memref_slice %arg15[%add3A_10, %dma_start3A_228] : memref<10240x128xf32, #tpu.memory_space<vmem_shared>> -> memref<128x128xf32, #tpu.memory_space<vmem_shared>>
      %dma_start3A_230 = arith.constant 0 : i32
      %dma_start3A_231 = tpu.memref_slice %arg15[%add3A_10, %dma_start3A_230] : memref<10240x128xf32, #tpu.memory_space<vmem_shared>> -> memref<128x128xf32, #tpu.memory_space<vmem_shared>>
      tpu.enqueue_dma source(%arg9 : memref<128x128xf32, #tpu.memory_space<vmem>>) target(%dma_start3A_231 : memref<128x128xf32, #tpu.memory_space<vmem_shared>>) target_semaphore(%run_scoped3A_227 : memref<!tpu.dma_semaphore, #tpu.memory_space<semaphore_mem>>)
      %dma_wait3A_232 = arith.constant 0 : i32
      %dma_wait3A_233 = tpu.memref_slice %arg15[%add3A_10, %dma_wait3A_232] : memref<10240x128xf32, #tpu.memory_space<vmem_shared>> -> memref<128x128xf32, #tpu.memory_space<vmem_shared>>
      %dma_wait3A_234 = arith.constant 0 : i32
      %dma_wait3A_235 = tpu.memref_slice %arg15[%add3A_10, %dma_wait3A_234] : memref<10240x128xf32, #tpu.memory_space<vmem_shared>> -> memref<128x128xf32, #tpu.memory_space<vmem_shared>>
      tpu.wait_dma2 semaphore(%run_scoped3A_227 : memref<!tpu.dma_semaphore, #tpu.memory_space<semaphore_mem>>) src(%arg9 : memref<128x128xf32, #tpu.memory_space<vmem>>) dst(%dma_wait3A_235 : memref<128x128xf32, #tpu.memory_space<vmem_shared>>)
      tpu.yield
    }) : () -> ()
    %add3A_11 = arith.constant 256 : i32
    %add3A_12 = arith.addi %mul3A_2, %add3A_11 : i32
    "tpu.region"() ({
      %run_scoped3A_227 = tpu.sem_alloc : memref<!tpu.dma_semaphore, #tpu.memory_space<semaphore_mem>>
      %dma_start3A_228 = arith.constant 0 : i32
      %dma_start3A_229 = tpu.memref_slice %arg15[%add3A_12, %dma_start3A_228] : memref<10240x128xf32, #tpu.memory_space<vmem_shared>> -> memref<128x128xf32, #tpu.memory_space<vmem_shared>>
      %dma_start3A_230 = arith.constant 0 : i32
      %dma_start3A_231 = tpu.memref_slice %arg15[%add3A_12, %dma_start3A_230] : memref<10240x128xf32, #tpu.memory_space<vmem_shared>> -> memref<128x128xf32, #tpu.memory_space<vmem_shared>>
      tpu.enqueue_dma source(%arg9 : memref<128x128xf32, #tpu.memory_space<vmem>>) target(%dma_start3A_231 : memref<128x128xf32, #tpu.memory_space<vmem_shared>>) target_semaphore(%run_scoped3A_227 : memref<!tpu.dma_semaphore, #tpu.memory_space<semaphore_mem>>)
      %dma_wait3A_232 = arith.constant 0 : i32
      %dma_wait3A_233 = tpu.memref_slice %arg15[%add3A_12, %dma_wait3A_232] : memref<10240x128xf32, #tpu.memory_space<vmem_shared>> -> memref<128x128xf32, #tpu.memory_space<vmem_shared>>
      %dma_wait3A_234 = arith.constant 0 : i32
      %dma_wait3A_235 = tpu.memref_slice %arg15[%add3A_12, %dma_wait3A_234] : memref<10240x128xf32, #tpu.memory_space<vmem_shared>> -> memref<128x128xf32, #tpu.memory_space<vmem_shared>>
      tpu.wait_dma2 semaphore(%run_scoped3A_227 : memref<!tpu.dma_semaphore, #tpu.memory_space<semaphore_mem>>) src(%arg9 : memref<128x128xf32, #tpu.memory_space<vmem>>) dst(%dma_wait3A_235 : memref<128x128xf32, #tpu.memory_space<vmem_shared>>)
      tpu.yield
    }) : () -> ()
    %add3A_13 = arith.constant 384 : i32
    %add3A_14 = arith.addi %mul3A_2, %add3A_13 : i32
    "tpu.region"() ({
      %run_scoped3A_227 = tpu.sem_alloc : memref<!tpu.dma_semaphore, #tpu.memory_space<semaphore_mem>>
      %dma_start3A_228 = arith.constant 0 : i32
      %dma_start3A_229 = tpu.memref_slice %arg15[%add3A_14, %dma_start3A_228] : memref<10240x128xf32, #tpu.memory_space<vmem_shared>> -> memref<128x128xf32, #tpu.memory_space<vmem_shared>>
      %dma_start3A_230 = arith.constant 0 : i32
      %dma_start3A_231 = tpu.memref_slice %arg15[%add3A_14, %dma_start3A_230] : memref<10240x128xf32, #tpu.memory_space<vmem_shared>> -> memref<128x128xf32, #tpu.memory_space<vmem_shared>>
      tpu.enqueue_dma source(%arg9 : memref<128x128xf32, #tpu.memory_space<vmem>>) target(%dma_start3A_231 : memref<128x128xf32, #tpu.memory_space<vmem_shared>>) target_semaphore(%run_scoped3A_227 : memref<!tpu.dma_semaphore, #tpu.memory_space<semaphore_mem>>)
      %dma_wait3A_232 = arith.constant 0 : i32
      %dma_wait3A_233 = tpu.memref_slice %arg15[%add3A_14, %dma_wait3A_232] : memref<10240x128xf32, #tpu.memory_space<vmem_shared>> -> memref<128x128xf32, #tpu.memory_space<vmem_shared>>
      %dma_wait3A_234 = arith.constant 0 : i32
      %dma_wait3A_235 = tpu.memref_slice %arg15[%add3A_14, %dma_wait3A_234] : memref<10240x128xf32, #tpu.memory_space<vmem_shared>> -> memref<128x128xf32, #tpu.memory_space<vmem_shared>>
      tpu.wait_dma2 semaphore(%run_scoped3A_227 : memref<!tpu.dma_semaphore, #tpu.memory_space<semaphore_mem>>) src(%arg9 : memref<128x128xf32, #tpu.memory_space<vmem>>) dst(%dma_wait3A_235 : memref<128x128xf32, #tpu.memory_space<vmem_shared>>)
      tpu.yield
    }) : () -> ()
    %add3A_15 = arith.constant 512 : i32
    %add3A_16 = arith.addi %mul3A_2, %add3A_15 : i32
    "tpu.region"() ({
      %run_scoped3A_227 = tpu.sem_alloc : memref<!tpu.dma_semaphore, #tpu.memory_space<semaphore_mem>>
      %dma_start3A_228 = arith.constant 0 : i32
      %dma_start3A_229 = tpu.memref_slice %arg15[%add3A_16, %dma_start3A_228] : memref<10240x128xf32, #tpu.memory_space<vmem_shared>> -> memref<128x128xf32, #tpu.memory_space<vmem_shared>>
      %dma_start3A_230 = arith.constant 0 : i32
      %dma_start3A_231 = tpu.memref_slice %arg15[%add3A_16, %dma_start3A_230] : memref<10240x128xf32, #tpu.memory_space<vmem_shared>> -> memref<128x128xf32, #tpu.memory_space<vmem_shared>>
      tpu.enqueue_dma source(%arg9 : memref<128x128xf32, #tpu.memory_space<vmem>>) target(%dma_start3A_231 : memref<128x128xf32, #tpu.memory_space<vmem_shared>>) target_semaphore(%run_scoped3A_227 : memref<!tpu.dma_semaphore, #tpu.memory_space<semaphore_mem>>)
      %dma_wait3A_232 = arith.constant 0 : i32
      %dma_wait3A_233 = tpu.memref_slice %arg15[%add3A_16, %dma_wait3A_232] : memref<10240x128xf32, #tpu.memory_space<vmem_shared>> -> memref<128x128xf32, #tpu.memory_space<vmem_shared>>
      %dma_wait3A_234 = arith.constant 0 : i32
      %dma_wait3A_235 = tpu.memref_slice %arg15[%add3A_16, %dma_wait3A_234] : memref<10240x128xf32, #tpu.memory_space<vmem_shared>> -> memref<128x128xf32, #tpu.memory_space<vmem_shared>>
      tpu.wait_dma2 semaphore(%run_scoped3A_227 : memref<!tpu.dma_semaphore, #tpu.memory_space<semaphore_mem>>) src(%arg9 : memref<128x128xf32, #tpu.memory_space<vmem>>) dst(%dma_wait3A_235 : memref<128x128xf32, #tpu.memory_space<vmem_shared>>)
      tpu.yield
    }) : () -> ()
    "tpu.region"() ({
      %run_scoped3A_227 = tpu.sem_alloc : memref<!tpu.dma_semaphore, #tpu.memory_space<semaphore_mem>>
      %dma_start3A_228 = arith.constant 0 : i32
      %dma_start3A_229 = arith.constant 0 : i32
      %dma_start3A_230 = tpu.memref_slice %arg4[%add3A, %dma_start3A_228, %dma_start3A_229] : memref<32x80x128xi32, #tpu.memory_space<hbm>> -> memref<1x80x128xi32, #tpu.memory_space<hbm>>
      %dma_start3A_231 = tpu.memref_squeeze %dma_start3A_230 : memref<1x80x128xi32, #tpu.memory_space<hbm>> -> memref<80x128xi32, #tpu.memory_space<hbm>>
      %dma_start3A_232 = arith.constant 0 : i32
      %dma_start3A_233 = arith.constant 0 : i32
      %dma_start3A_234 = tpu.memref_slice %arg4[%add3A, %dma_start3A_232, %dma_start3A_233] : memref<32x80x128xi32, #tpu.memory_space<hbm>> -> memref<1x80x128xi32, #tpu.memory_space<hbm>>
      %dma_start3A_235 = tpu.memref_squeeze %dma_start3A_234 : memref<1x80x128xi32, #tpu.memory_space<hbm>> -> memref<80x128xi32, #tpu.memory_space<hbm>>
      tpu.enqueue_dma source(%dma_start3A_235 : memref<80x128xi32, #tpu.memory_space<hbm>>) target(%arg8 : memref<80x128xi32, #tpu.memory_space<vmem>>) target_semaphore(%run_scoped3A_227 : memref<!tpu.dma_semaphore, #tpu.memory_space<semaphore_mem>>)
      %dma_wait3A_236 = arith.constant 0 : i32
      %dma_wait3A_237 = arith.constant 0 : i32
      %dma_wait3A_238 = tpu.memref_slice %arg4[%add3A, %dma_wait3A_236, %dma_wait3A_237] : memref<32x80x128xi32, #tpu.memory_space<hbm>> -> memref<1x80x128xi32, #tpu.memory_space<hbm>>
      %dma_wait3A_239 = tpu.memref_squeeze %dma_wait3A_238 : memref<1x80x128xi32, #tpu.memory_space<hbm>> -> memref<80x128xi32, #tpu.memory_space<hbm>>
      %dma_wait3A_240 = arith.constant 0 : i32
      %dma_wait3A_241 = arith.constant 0 : i32
      %dma_wait3A_242 = tpu.memref_slice %arg4[%add3A, %dma_wait3A_240, %dma_wait3A_241] : memref<32x80x128xi32, #tpu.memory_space<hbm>> -> memref<1x80x128xi32, #tpu.memory_space<hbm>>
      %dma_wait3A_243 = tpu.memref_squeeze %dma_wait3A_242 : memref<1x80x128xi32, #tpu.memory_space<hbm>> -> memref<80x128xi32, #tpu.memory_space<hbm>>
      tpu.wait_dma2 semaphore(%run_scoped3A_227 : memref<!tpu.dma_semaphore, #tpu.memory_space<semaphore_mem>>) src(%dma_wait3A_243 : memref<80x128xi32, #tpu.memory_space<hbm>>) dst(%arg8 : memref<80x128xi32, #tpu.memory_space<vmem>>)
      tpu.yield
    }) : () -> ()
    %dma_start3A = arith.constant 0 : i32
    %dma_start3A_17 = arith.constant 0 : i32
    %dma_start3A_18 = arith.constant 0 : i32
    %dma_start3A_19 = tpu.memref_slice %arg3[%add3A, %dma_start3A, %dma_start3A_17, %dma_start3A_18] : memref<32x4x20x128xi32, #tpu.memory_space<hbm>> -> memref<1x1x20x128xi32, #tpu.memory_space<hbm>>
    %dma_start3A_20 = tpu.memref_squeeze %dma_start3A_19 : memref<1x1x20x128xi32, #tpu.memory_space<hbm>> -> memref<20x128xi32, #tpu.memory_space<hbm>>
    %dma_start3A_21 = arith.constant 0 : i32
    %dma_start3A_22 = arith.constant 0 : i32
    %dma_start3A_23 = tpu.memref_slice %arg3[%add3A, %dma_start3A, %dma_start3A_21, %dma_start3A_22] : memref<32x4x20x128xi32, #tpu.memory_space<hbm>> -> memref<1x1x20x128xi32, #tpu.memory_space<hbm>>
    %dma_start3A_24 = tpu.memref_squeeze %dma_start3A_23 : memref<1x1x20x128xi32, #tpu.memory_space<hbm>> -> memref<20x128xi32, #tpu.memory_space<hbm>>
    tpu.enqueue_dma source(%dma_start3A_24 : memref<20x128xi32, #tpu.memory_space<hbm>>) target(%arg6 : memref<20x128xi32, #tpu.memory_space<vmem>>) target_semaphore(%arg13 : memref<!tpu.dma_semaphore, #tpu.memory_space<semaphore_mem>>)
    %dma_start3A_25 = arith.constant 1 : i32
    %dma_start3A_26 = arith.constant 0 : i32
    %dma_start3A_27 = arith.constant 0 : i32
    %dma_start3A_28 = tpu.memref_slice %arg3[%add3A, %dma_start3A_25, %dma_start3A_26, %dma_start3A_27] : memref<32x4x20x128xi32, #tpu.memory_space<hbm>> -> memref<1x1x20x128xi32, #tpu.memory_space<hbm>>
    %dma_start3A_29 = tpu.memref_squeeze %dma_start3A_28 : memref<1x1x20x128xi32, #tpu.memory_space<hbm>> -> memref<20x128xi32, #tpu.memory_space<hbm>>
    %dma_start3A_30 = arith.constant 0 : i32
    %dma_start3A_31 = arith.constant 0 : i32
    %dma_start3A_32 = tpu.memref_slice %arg3[%add3A, %dma_start3A_25, %dma_start3A_30, %dma_start3A_31] : memref<32x4x20x128xi32, #tpu.memory_space<hbm>> -> memref<1x1x20x128xi32, #tpu.memory_space<hbm>>
    %dma_start3A_33 = tpu.memref_squeeze %dma_start3A_32 : memref<1x1x20x128xi32, #tpu.memory_space<hbm>> -> memref<20x128xi32, #tpu.memory_space<hbm>>
    tpu.enqueue_dma source(%dma_start3A_33 : memref<20x128xi32, #tpu.memory_space<hbm>>) target(%arg7 : memref<20x128xi32, #tpu.memory_space<vmem>>) target_semaphore(%arg14 : memref<!tpu.dma_semaphore, #tpu.memory_space<semaphore_mem>>)
    %dma_wait3A = arith.constant 0 : i32
    %dma_wait3A_34 = arith.constant 0 : i32
    %dma_wait3A_35 = arith.constant 0 : i32
    %dma_wait3A_36 = tpu.memref_slice %arg3[%add3A, %dma_wait3A, %dma_wait3A_34, %dma_wait3A_35] : memref<32x4x20x128xi32, #tpu.memory_space<hbm>> -> memref<1x1x20x128xi32, #tpu.memory_space<hbm>>
    %dma_wait3A_37 = tpu.memref_squeeze %dma_wait3A_36 : memref<1x1x20x128xi32, #tpu.memory_space<hbm>> -> memref<20x128xi32, #tpu.memory_space<hbm>>
    %dma_wait3A_38 = arith.constant 0 : i32
    %dma_wait3A_39 = arith.constant 0 : i32
    %dma_wait3A_40 = tpu.memref_slice %arg3[%add3A, %dma_wait3A, %dma_wait3A_38, %dma_wait3A_39] : memref<32x4x20x128xi32, #tpu.memory_space<hbm>> -> memref<1x1x20x128xi32, #tpu.memory_space<hbm>>
    %dma_wait3A_41 = tpu.memref_squeeze %dma_wait3A_40 : memref<1x1x20x128xi32, #tpu.memory_space<hbm>> -> memref<20x128xi32, #tpu.memory_space<hbm>>
    tpu.wait_dma2 semaphore(%arg13 : memref<!tpu.dma_semaphore, #tpu.memory_space<semaphore_mem>>) src(%dma_wait3A_41 : memref<20x128xi32, #tpu.memory_space<hbm>>) dst(%arg6 : memref<20x128xi32, #tpu.memory_space<vmem>>)
    %dma_start3A_42 = arith.constant 0 : i32
    %dma_start3A_43 = arith.constant 0 : i32
    %dma_start3A_44 = tpu.memref_slice %arg6[%dma_start3A_42, %dma_start3A_43] : memref<20x128xi32, #tpu.memory_space<vmem>> -> memref<1x128xi32, #tpu.memory_space<vmem>>
    %dma_start3A_45 = tpu.memref_squeeze %dma_start3A_44 : memref<1x128xi32, #tpu.memory_space<vmem>> -> memref<128xi32, #tpu.memory_space<vmem>>
    %dma_start3A_46 = arith.constant 0 : i32
    %dma_start3A_47 = arith.constant 0 : i32
    %dma_start3A_48 = tpu.memref_slice %arg2[%dma_start3A_46, %dma_start3A_47] : memref<10000x128xf32, #tpu.memory_space<hbm>> -> memref<10000x128xf32, #tpu.memory_space<hbm>>
    tpu.enqueue_indirect_dma source(%dma_start3A_48 : memref<10000x128xf32, #tpu.memory_space<hbm>>) target(%arg9 : memref<128x128xf32, #tpu.memory_space<vmem>>) offsets(%dma_start3A_45 : memref<128xi32, #tpu.memory_space<vmem>>) semaphore(%arg11 : memref<!tpu.dma_semaphore, #tpu.memory_space<semaphore_mem>>)
    %dma_start3A_49 = arith.constant 1 : i32
    %dma_start3A_50 = arith.constant 0 : i32
    %dma_start3A_51 = tpu.memref_slice %arg6[%dma_start3A_49, %dma_start3A_50] : memref<20x128xi32, #tpu.memory_space<vmem>> -> memref<1x128xi32, #tpu.memory_space<vmem>>
    %dma_start3A_52 = tpu.memref_squeeze %dma_start3A_51 : memref<1x128xi32, #tpu.memory_space<vmem>> -> memref<128xi32, #tpu.memory_space<vmem>>
    %dma_start3A_53 = arith.constant 0 : i32
    %dma_start3A_54 = arith.constant 0 : i32
    %dma_start3A_55 = tpu.memref_slice %arg2[%dma_start3A_53, %dma_start3A_54] : memref<10000x128xf32, #tpu.memory_space<hbm>> -> memref<10000x128xf32, #tpu.memory_space<hbm>>
    tpu.enqueue_indirect_dma source(%dma_start3A_55 : memref<10000x128xf32, #tpu.memory_space<hbm>>) target(%arg10 : memref<128x128xf32, #tpu.memory_space<vmem>>) offsets(%dma_start3A_52 : memref<128xi32, #tpu.memory_space<vmem>>) semaphore(%arg12 : memref<!tpu.dma_semaphore, #tpu.memory_space<semaphore_mem>>)
    %barrier3A = arith.constant 0 : index
    tpu.barrier barrier_id(%barrier3A)
    %scan3A_56 = arith.constant 0 : i32
    %scan3A_57 = arith.constant 9 : i32
    %scan3A_58 = arith.addi %scan3A_56, %scan3A_57 : i32
    %scan3A_59 = arith.constant 1 : i32
    scf.for %scan3A_227 = %scan3A_56 to %scan3A_58 step %scan3A_59  : i32 {
      %mul3A_228 = arith.constant 1 : i32
      %mul3A_229 = arith.muli %scan3A_227, %mul3A_228 : i32
      %add3A_230 = arith.constant 0 : i32
      %add3A_231 = arith.addi %add3A_230, %mul3A_229 : i32
      %mul3A_232 = arith.constant 2 : i32
      %mul3A_233 = arith.muli %add3A_231, %mul3A_232 : i32
      %add3A_234 = arith.constant 0 : i32
      %add3A_235 = arith.addi %mul3A_233, %add3A_234 : i32
      %add3A_236 = arith.constant 0 : i32
      %add3A_237 = arith.addi %add3A_236, %add3A_235 : i32
      %dma_wait3A_238 = arith.constant 0 : i32
      %dma_wait3A_239 = tpu.memref_slice %arg6[%add3A_235, %dma_wait3A_238] : memref<20x128xi32, #tpu.memory_space<vmem>> -> memref<1x128xi32, #tpu.memory_space<vmem>>
      %dma_wait3A_240 = tpu.memref_squeeze %dma_wait3A_239 : memref<1x128xi32, #tpu.memory_space<vmem>> -> memref<128xi32, #tpu.memory_space<vmem>>
      %dma_wait3A_241 = arith.constant 0 : i32
      %dma_wait3A_242 = arith.constant 0 : i32
      %dma_wait3A_243 = tpu.memref_slice %arg2[%dma_wait3A_241, %dma_wait3A_242] : memref<10000x128xf32, #tpu.memory_space<hbm>> -> memref<10000x128xf32, #tpu.memory_space<hbm>>
      tpu.wait_indirect_dma semaphore(%arg11 : memref<!tpu.dma_semaphore, #tpu.memory_space<semaphore_mem>>) src(%dma_wait3A_243 : memref<10000x128xf32, #tpu.memory_space<hbm>>) dst(%arg9 : memref<128x128xf32, #tpu.memory_space<vmem>>)
      "tpu.region"() ({
        %run_scoped3A_272 = tpu.sem_alloc : memref<!tpu.dma_semaphore, #tpu.memory_space<semaphore_mem>>
        %dma_start3A_273 = arith.constant 0 : i32
        %dma_start3A_274 = tpu.memref_slice %arg8[%add3A_237, %dma_start3A_273] : memref<80x128xi32, #tpu.memory_space<vmem>> -> memref<1x128xi32, #tpu.memory_space<vmem>>
        %dma_start3A_275 = tpu.memref_squeeze %dma_start3A_274 : memref<1x128xi32, #tpu.memory_space<vmem>> -> memref<128xi32, #tpu.memory_space<vmem>>
        %dma_start3A_276 = arith.constant 0 : i32
        %dma_start3A_277 = arith.constant 0 : i32
        %dma_start3A_278 = tpu.memref_slice %arg15[%dma_start3A_276, %dma_start3A_277] : memref<10240x128xf32, #tpu.memory_space<vmem_shared>> -> memref<10240x128xf32, #tpu.memory_space<vmem_shared>>
        tpu.enqueue_indirect_dma source(%arg9 : memref<128x128xf32, #tpu.memory_space<vmem>>) target(%dma_start3A_278 : memref<10240x128xf32, #tpu.memory_space<vmem_shared>>) offsets(%dma_start3A_275 : memref<128xi32, #tpu.memory_space<vmem>>) semaphore(%run_scoped3A_272 : memref<!tpu.dma_semaphore, #tpu.memory_space<semaphore_mem>>) {add = true}
        %dma_wait3A_279 = arith.constant 0 : i32
        %dma_wait3A_280 = tpu.memref_slice %arg8[%add3A_237, %dma_wait3A_279] : memref<80x128xi32, #tpu.memory_space<vmem>> -> memref<1x128xi32, #tpu.memory_space<vmem>>
        %dma_wait3A_281 = tpu.memref_squeeze %dma_wait3A_280 : memref<1x128xi32, #tpu.memory_space<vmem>> -> memref<128xi32, #tpu.memory_space<vmem>>
        %dma_wait3A_282 = arith.constant 0 : i32
        %dma_wait3A_283 = arith.constant 0 : i32
        %dma_wait3A_284 = tpu.memref_slice %arg15[%dma_wait3A_282, %dma_wait3A_283] : memref<10240x128xf32, #tpu.memory_space<vmem_shared>> -> memref<10240x128xf32, #tpu.memory_space<vmem_shared>>
        tpu.wait_indirect_dma semaphore(%run_scoped3A_272 : memref<!tpu.dma_semaphore, #tpu.memory_space<semaphore_mem>>) src(%arg9 : memref<128x128xf32, #tpu.memory_space<vmem>>) dst(%dma_wait3A_284 : memref<10240x128xf32, #tpu.memory_space<vmem_shared>>)
        tpu.yield
      }) : () -> ()
      %add3A_244 = arith.constant 2 : i32
      %add3A_245 = arith.addi %add3A_235, %add3A_244 : i32
      %dma_start3A_246 = arith.constant 0 : i32
      %dma_start3A_247 = tpu.memref_slice %arg6[%add3A_245, %dma_start3A_246] : memref<20x128xi32, #tpu.memory_space<vmem>> -> memref<1x128xi32, #tpu.memory_space<vmem>>
      %dma_start3A_248 = tpu.memref_squeeze %dma_start3A_247 : memref<1x128xi32, #tpu.memory_space<vmem>> -> memref<128xi32, #tpu.memory_space<vmem>>
      %dma_start3A_249 = arith.constant 0 : i32
      %dma_start3A_250 = arith.constant 0 : i32
      %dma_start3A_251 = tpu.memref_slice %arg2[%dma_start3A_249, %dma_start3A_250] : memref<10000x128xf32, #tpu.memory_space<hbm>> -> memref<10000x128xf32, #tpu.memory_space<hbm>>
      tpu.enqueue_indirect_dma source(%dma_start3A_251 : memref<10000x128xf32, #tpu.memory_space<hbm>>) target(%arg9 : memref<128x128xf32, #tpu.memory_space<vmem>>) offsets(%dma_start3A_248 : memref<128xi32, #tpu.memory_space<vmem>>) semaphore(%arg11 : memref<!tpu.dma_semaphore, #tpu.memory_space<semaphore_mem>>)
      %mul3A_252 = arith.constant 2 : i32
      %mul3A_253 = arith.muli %add3A_231, %mul3A_252 : i32
      %add3A_254 = arith.constant 1 : i32
      %add3A_255 = arith.addi %mul3A_253, %add3A_254 : i32
      %add3A_256 = arith.constant 0 : i32
      %add3A_257 = arith.addi %add3A_256, %add3A_255 : i32
      %dma_wait3A_258 = arith.constant 0 : i32
      %dma_wait3A_259 = tpu.memref_slice %arg6[%add3A_255, %dma_wait3A_258] : memref<20x128xi32, #tpu.memory_space<vmem>> -> memref<1x128xi32, #tpu.memory_space<vmem>>
      %dma_wait3A_260 = tpu.memref_squeeze %dma_wait3A_259 : memref<1x128xi32, #tpu.memory_space<vmem>> -> memref<128xi32, #tpu.memory_space<vmem>>
      %dma_wait3A_261 = arith.constant 0 : i32
      %dma_wait3A_262 = arith.constant 0 : i32
      %dma_wait3A_263 = tpu.memref_slice %arg2[%dma_wait3A_261, %dma_wait3A_262] : memref<10000x128xf32, #tpu.memory_space<hbm>> -> memref<10000x128xf32, #tpu.memory_space<hbm>>
      tpu.wait_indirect_dma semaphore(%arg12 : memref<!tpu.dma_semaphore, #tpu.memory_space<semaphore_mem>>) src(%dma_wait3A_263 : memref<10000x128xf32, #tpu.memory_space<hbm>>) dst(%arg10 : memref<128x128xf32, #tpu.memory_space<vmem>>)
      "tpu.region"() ({
        %run_scoped3A_272 = tpu.sem_alloc : memref<!tpu.dma_semaphore, #tpu.memory_space<semaphore_mem>>
        %dma_start3A_273 = arith.constant 0 : i32
        %dma_start3A_274 = tpu.memref_slice %arg8[%add3A_257, %dma_start3A_273] : memref<80x128xi32, #tpu.memory_space<vmem>> -> memref<1x128xi32, #tpu.memory_space<vmem>>
        %dma_start3A_275 = tpu.memref_squeeze %dma_start3A_274 : memref<1x128xi32, #tpu.memory_space<vmem>> -> memref<128xi32, #tpu.memory_space<vmem>>
        %dma_start3A_276 = arith.constant 0 : i32
        %dma_start3A_277 = arith.constant 0 : i32
        %dma_start3A_278 = tpu.memref_slice %arg15[%dma_start3A_276, %dma_start3A_277] : memref<10240x128xf32, #tpu.memory_space<vmem_shared>> -> memref<10240x128xf32, #tpu.memory_space<vmem_shared>>
        tpu.enqueue_indirect_dma source(%arg10 : memref<128x128xf32, #tpu.memory_space<vmem>>) target(%dma_start3A_278 : memref<10240x128xf32, #tpu.memory_space<vmem_shared>>) offsets(%dma_start3A_275 : memref<128xi32, #tpu.memory_space<vmem>>) semaphore(%run_scoped3A_272 : memref<!tpu.dma_semaphore, #tpu.memory_space<semaphore_mem>>) {add = true}
        %dma_wait3A_279 = arith.constant 0 : i32
        %dma_wait3A_280 = tpu.memref_slice %arg8[%add3A_257, %dma_wait3A_279] : memref<80x128xi32, #tpu.memory_space<vmem>> -> memref<1x128xi32, #tpu.memory_space<vmem>>
        %dma_wait3A_281 = tpu.memref_squeeze %dma_wait3A_280 : memref<1x128xi32, #tpu.memory_space<vmem>> -> memref<128xi32, #tpu.memory_space<vmem>>
        %dma_wait3A_282 = arith.constant 0 : i32
        %dma_wait3A_283 = arith.constant 0 : i32
        %dma_wait3A_284 = tpu.memref_slice %arg15[%dma_wait3A_282, %dma_wait3A_283] : memref<10240x128xf32, #tpu.memory_space<vmem_shared>> -> memref<10240x128xf32, #tpu.memory_space<vmem_shared>>
        tpu.wait_indirect_dma semaphore(%run_scoped3A_272 : memref<!tpu.dma_semaphore, #tpu.memory_space<semaphore_mem>>) src(%arg10 : memref<128x128xf32, #tpu.memory_space<vmem>>) dst(%dma_wait3A_284 : memref<10240x128xf32, #tpu.memory_space<vmem_shared>>)
        tpu.yield
      }) : () -> ()
      %add3A_264 = arith.constant 2 : i32
      %add3A_265 = arith.addi %add3A_255, %add3A_264 : i32
      %dma_start3A_266 = arith.constant 0 : i32
      %dma_start3A_267 = tpu.memref_slice %arg6[%add3A_265, %dma_start3A_266] : memref<20x128xi32, #tpu.memory_space<vmem>> -> memref<1x128xi32, #tpu.memory_space<vmem>>
      %dma_start3A_268 = tpu.memref_squeeze %dma_start3A_267 : memref<1x128xi32, #tpu.memory_space<vmem>> -> memref<128xi32, #tpu.memory_space<vmem>>
      %dma_start3A_269 = arith.constant 0 : i32
      %dma_start3A_270 = arith.constant 0 : i32
      %dma_start3A_271 = tpu.memref_slice %arg2[%dma_start3A_269, %dma_start3A_270] : memref<10000x128xf32, #tpu.memory_space<hbm>> -> memref<10000x128xf32, #tpu.memory_space<hbm>>
      tpu.enqueue_indirect_dma source(%dma_start3A_271 : memref<10000x128xf32, #tpu.memory_space<hbm>>) target(%arg10 : memref<128x128xf32, #tpu.memory_space<vmem>>) offsets(%dma_start3A_268 : memref<128xi32, #tpu.memory_space<vmem>>) semaphore(%arg12 : memref<!tpu.dma_semaphore, #tpu.memory_space<semaphore_mem>>)
    }
    %scan3A_60 = arith.constant 9 : i32
    %dma_wait3A_61 = arith.constant 1 : i32
    %dma_wait3A_62 = arith.constant 0 : i32
    %dma_wait3A_63 = arith.constant 0 : i32
    %dma_wait3A_64 = tpu.memref_slice %arg3[%add3A, %dma_wait3A_61, %dma_wait3A_62, %dma_wait3A_63] : memref<32x4x20x128xi32, #tpu.memory_space<hbm>> -> memref<1x1x20x128xi32, #tpu.memory_space<hbm>>
    %dma_wait3A_65 = tpu.memref_squeeze %dma_wait3A_64 : memref<1x1x20x128xi32, #tpu.memory_space<hbm>> -> memref<20x128xi32, #tpu.memory_space<hbm>>
    %dma_wait3A_66 = arith.constant 0 : i32
    %dma_wait3A_67 = arith.constant 0 : i32
    %dma_wait3A_68 = tpu.memref_slice %arg3[%add3A, %dma_wait3A_61, %dma_wait3A_66, %dma_wait3A_67] : memref<32x4x20x128xi32, #tpu.memory_space<hbm>> -> memref<1x1x20x128xi32, #tpu.memory_space<hbm>>
    %dma_wait3A_69 = tpu.memref_squeeze %dma_wait3A_68 : memref<1x1x20x128xi32, #tpu.memory_space<hbm>> -> memref<20x128xi32, #tpu.memory_space<hbm>>
    tpu.wait_dma2 semaphore(%arg14 : memref<!tpu.dma_semaphore, #tpu.memory_space<semaphore_mem>>) src(%dma_wait3A_69 : memref<20x128xi32, #tpu.memory_space<hbm>>) dst(%arg7 : memref<20x128xi32, #tpu.memory_space<vmem>>)
    %dma_wait3A_70 = arith.constant 18 : i32
    %dma_wait3A_71 = arith.constant 0 : i32
    %dma_wait3A_72 = tpu.memref_slice %arg6[%dma_wait3A_70, %dma_wait3A_71] : memref<20x128xi32, #tpu.memory_space<vmem>> -> memref<1x128xi32, #tpu.memory_space<vmem>>
    %dma_wait3A_73 = tpu.memref_squeeze %dma_wait3A_72 : memref<1x128xi32, #tpu.memory_space<vmem>> -> memref<128xi32, #tpu.memory_space<vmem>>
    %dma_wait3A_74 = arith.constant 0 : i32
    %dma_wait3A_75 = arith.constant 0 : i32
    %dma_wait3A_76 = tpu.memref_slice %arg2[%dma_wait3A_74, %dma_wait3A_75] : memref<10000x128xf32, #tpu.memory_space<hbm>> -> memref<10000x128xf32, #tpu.memory_space<hbm>>
    tpu.wait_indirect_dma semaphore(%arg11 : memref<!tpu.dma_semaphore, #tpu.memory_space<semaphore_mem>>) src(%dma_wait3A_76 : memref<10000x128xf32, #tpu.memory_space<hbm>>) dst(%arg9 : memref<128x128xf32, #tpu.memory_space<vmem>>)
    %run_scoped3A = arith.constant 18 : i32
    "tpu.region"() ({
      %run_scoped3A_227 = tpu.sem_alloc : memref<!tpu.dma_semaphore, #tpu.memory_space<semaphore_mem>>
      %dma_start3A_228 = arith.constant 0 : i32
      %dma_start3A_229 = tpu.memref_slice %arg8[%run_scoped3A, %dma_start3A_228] : memref<80x128xi32, #tpu.memory_space<vmem>> -> memref<1x128xi32, #tpu.memory_space<vmem>>
      %dma_start3A_230 = tpu.memref_squeeze %dma_start3A_229 : memref<1x128xi32, #tpu.memory_space<vmem>> -> memref<128xi32, #tpu.memory_space<vmem>>
      %dma_start3A_231 = arith.constant 0 : i32
      %dma_start3A_232 = arith.constant 0 : i32
      %dma_start3A_233 = tpu.memref_slice %arg15[%dma_start3A_231, %dma_start3A_232] : memref<10240x128xf32, #tpu.memory_space<vmem_shared>> -> memref<10240x128xf32, #tpu.memory_space<vmem_shared>>
      tpu.enqueue_indirect_dma source(%arg9 : memref<128x128xf32, #tpu.memory_space<vmem>>) target(%dma_start3A_233 : memref<10240x128xf32, #tpu.memory_space<vmem_shared>>) offsets(%dma_start3A_230 : memref<128xi32, #tpu.memory_space<vmem>>) semaphore(%run_scoped3A_227 : memref<!tpu.dma_semaphore, #tpu.memory_space<semaphore_mem>>) {add = true}
      %dma_wait3A_234 = arith.constant 0 : i32
      %dma_wait3A_235 = tpu.memref_slice %arg8[%run_scoped3A, %dma_wait3A_234] : memref<80x128xi32, #tpu.memory_space<vmem>> -> memref<1x128xi32, #tpu.memory_space<vmem>>
      %dma_wait3A_236 = tpu.memref_squeeze %dma_wait3A_235 : memref<1x128xi32, #tpu.memory_space<vmem>> -> memref<128xi32, #tpu.memory_space<vmem>>
      %dma_wait3A_237 = arith.constant 0 : i32
      %dma_wait3A_238 = arith.constant 0 : i32
      %dma_wait3A_239 = tpu.memref_slice %arg15[%dma_wait3A_237, %dma_wait3A_238] : memref<10240x128xf32, #tpu.memory_space<vmem_shared>> -> memref<10240x128xf32, #tpu.memory_space<vmem_shared>>
      tpu.wait_indirect_dma semaphore(%run_scoped3A_227 : memref<!tpu.dma_semaphore, #tpu.memory_space<semaphore_mem>>) src(%arg9 : memref<128x128xf32, #tpu.memory_space<vmem>>) dst(%dma_wait3A_239 : memref<10240x128xf32, #tpu.memory_space<vmem_shared>>)
      tpu.yield
    }) : () -> ()
    %dma_start3A_77 = arith.constant 0 : i32
    %dma_start3A_78 = arith.constant 0 : i32
    %dma_start3A_79 = tpu.memref_slice %arg7[%dma_start3A_77, %dma_start3A_78] : memref<20x128xi32, #tpu.memory_space<vmem>> -> memref<1x128xi32, #tpu.memory_space<vmem>>
    %dma_start3A_80 = tpu.memref_squeeze %dma_start3A_79 : memref<1x128xi32, #tpu.memory_space<vmem>> -> memref<128xi32, #tpu.memory_space<vmem>>
    %dma_start3A_81 = arith.constant 0 : i32
    %dma_start3A_82 = arith.constant 0 : i32
    %dma_start3A_83 = tpu.memref_slice %arg2[%dma_start3A_81, %dma_start3A_82] : memref<10000x128xf32, #tpu.memory_space<hbm>> -> memref<10000x128xf32, #tpu.memory_space<hbm>>
    tpu.enqueue_indirect_dma source(%dma_start3A_83 : memref<10000x128xf32, #tpu.memory_space<hbm>>) target(%arg9 : memref<128x128xf32, #tpu.memory_space<vmem>>) offsets(%dma_start3A_80 : memref<128xi32, #tpu.memory_space<vmem>>) semaphore(%arg11 : memref<!tpu.dma_semaphore, #tpu.memory_space<semaphore_mem>>)
    %dma_wait3A_84 = arith.constant 19 : i32
    %dma_wait3A_85 = arith.constant 0 : i32
    %dma_wait3A_86 = tpu.memref_slice %arg6[%dma_wait3A_84, %dma_wait3A_85] : memref<20x128xi32, #tpu.memory_space<vmem>> -> memref<1x128xi32, #tpu.memory_space<vmem>>
    %dma_wait3A_87 = tpu.memref_squeeze %dma_wait3A_86 : memref<1x128xi32, #tpu.memory_space<vmem>> -> memref<128xi32, #tpu.memory_space<vmem>>
    %dma_wait3A_88 = arith.constant 0 : i32
    %dma_wait3A_89 = arith.constant 0 : i32
    %dma_wait3A_90 = tpu.memref_slice %arg2[%dma_wait3A_88, %dma_wait3A_89] : memref<10000x128xf32, #tpu.memory_space<hbm>> -> memref<10000x128xf32, #tpu.memory_space<hbm>>
    tpu.wait_indirect_dma semaphore(%arg12 : memref<!tpu.dma_semaphore, #tpu.memory_space<semaphore_mem>>) src(%dma_wait3A_90 : memref<10000x128xf32, #tpu.memory_space<hbm>>) dst(%arg10 : memref<128x128xf32, #tpu.memory_space<vmem>>)
    %run_scoped3A_91 = arith.constant 19 : i32
    "tpu.region"() ({
      %run_scoped3A_227 = tpu.sem_alloc : memref<!tpu.dma_semaphore, #tpu.memory_space<semaphore_mem>>
      %dma_start3A_228 = arith.constant 0 : i32
      %dma_start3A_229 = tpu.memref_slice %arg8[%run_scoped3A_91, %dma_start3A_228] : memref<80x128xi32, #tpu.memory_space<vmem>> -> memref<1x128xi32, #tpu.memory_space<vmem>>
      %dma_start3A_230 = tpu.memref_squeeze %dma_start3A_229 : memref<1x128xi32, #tpu.memory_space<vmem>> -> memref<128xi32, #tpu.memory_space<vmem>>
      %dma_start3A_231 = arith.constant 0 : i32
      %dma_start3A_232 = arith.constant 0 : i32
      %dma_start3A_233 = tpu.memref_slice %arg15[%dma_start3A_231, %dma_start3A_232] : memref<10240x128xf32, #tpu.memory_space<vmem_shared>> -> memref<10240x128xf32, #tpu.memory_space<vmem_shared>>
      tpu.enqueue_indirect_dma source(%arg10 : memref<128x128xf32, #tpu.memory_space<vmem>>) target(%dma_start3A_233 : memref<10240x128xf32, #tpu.memory_space<vmem_shared>>) offsets(%dma_start3A_230 : memref<128xi32, #tpu.memory_space<vmem>>) semaphore(%run_scoped3A_227 : memref<!tpu.dma_semaphore, #tpu.memory_space<semaphore_mem>>) {add = true}
      %dma_wait3A_234 = arith.constant 0 : i32
      %dma_wait3A_235 = tpu.memref_slice %arg8[%run_scoped3A_91, %dma_wait3A_234] : memref<80x128xi32, #tpu.memory_space<vmem>> -> memref<1x128xi32, #tpu.memory_space<vmem>>
      %dma_wait3A_236 = tpu.memref_squeeze %dma_wait3A_235 : memref<1x128xi32, #tpu.memory_space<vmem>> -> memref<128xi32, #tpu.memory_space<vmem>>
      %dma_wait3A_237 = arith.constant 0 : i32
      %dma_wait3A_238 = arith.constant 0 : i32
      %dma_wait3A_239 = tpu.memref_slice %arg15[%dma_wait3A_237, %dma_wait3A_238] : memref<10240x128xf32, #tpu.memory_space<vmem_shared>> -> memref<10240x128xf32, #tpu.memory_space<vmem_shared>>
      tpu.wait_indirect_dma semaphore(%run_scoped3A_227 : memref<!tpu.dma_semaphore, #tpu.memory_space<semaphore_mem>>) src(%arg10 : memref<128x128xf32, #tpu.memory_space<vmem>>) dst(%dma_wait3A_239 : memref<10240x128xf32, #tpu.memory_space<vmem_shared>>)
      tpu.yield
    }) : () -> ()
    %dma_start3A_92 = arith.constant 1 : i32
    %dma_start3A_93 = arith.constant 0 : i32
    %dma_start3A_94 = tpu.memref_slice %arg7[%dma_start3A_92, %dma_start3A_93] : memref<20x128xi32, #tpu.memory_space<vmem>> -> memref<1x128xi32, #tpu.memory_space<vmem>>
    %dma_start3A_95 = tpu.memref_squeeze %dma_start3A_94 : memref<1x128xi32, #tpu.memory_space<vmem>> -> memref<128xi32, #tpu.memory_space<vmem>>
    %dma_start3A_96 = arith.constant 0 : i32
    %dma_start3A_97 = arith.constant 0 : i32
    %dma_start3A_98 = tpu.memref_slice %arg2[%dma_start3A_96, %dma_start3A_97] : memref<10000x128xf32, #tpu.memory_space<hbm>> -> memref<10000x128xf32, #tpu.memory_space<hbm>>
    tpu.enqueue_indirect_dma source(%dma_start3A_98 : memref<10000x128xf32, #tpu.memory_space<hbm>>) target(%arg10 : memref<128x128xf32, #tpu.memory_space<vmem>>) offsets(%dma_start3A_95 : memref<128xi32, #tpu.memory_space<vmem>>) semaphore(%arg12 : memref<!tpu.dma_semaphore, #tpu.memory_space<semaphore_mem>>)
    %dma_start3A_99 = arith.constant 2 : i32
    %dma_start3A_100 = arith.constant 0 : i32
    %dma_start3A_101 = arith.constant 0 : i32
    %dma_start3A_102 = tpu.memref_slice %arg3[%add3A, %dma_start3A_99, %dma_start3A_100, %dma_start3A_101] : memref<32x4x20x128xi32, #tpu.memory_space<hbm>> -> memref<1x1x20x128xi32, #tpu.memory_space<hbm>>
    %dma_start3A_103 = tpu.memref_squeeze %dma_start3A_102 : memref<1x1x20x128xi32, #tpu.memory_space<hbm>> -> memref<20x128xi32, #tpu.memory_space<hbm>>
    %dma_start3A_104 = arith.constant 0 : i32
    %dma_start3A_105 = arith.constant 0 : i32
    %dma_start3A_106 = tpu.memref_slice %arg3[%add3A, %dma_start3A_99, %dma_start3A_104, %dma_start3A_105] : memref<32x4x20x128xi32, #tpu.memory_space<hbm>> -> memref<1x1x20x128xi32, #tpu.memory_space<hbm>>
    %dma_start3A_107 = tpu.memref_squeeze %dma_start3A_106 : memref<1x1x20x128xi32, #tpu.memory_space<hbm>> -> memref<20x128xi32, #tpu.memory_space<hbm>>
    tpu.enqueue_dma source(%dma_start3A_107 : memref<20x128xi32, #tpu.memory_space<hbm>>) target(%arg6 : memref<20x128xi32, #tpu.memory_space<vmem>>) target_semaphore(%arg13 : memref<!tpu.dma_semaphore, #tpu.memory_space<semaphore_mem>>)
    %scan3A_108 = arith.constant 0 : i32
    %scan3A_109 = arith.constant 9 : i32
    %scan3A_110 = arith.addi %scan3A_108, %scan3A_109 : i32
    %scan3A_111 = arith.constant 1 : i32
    scf.for %scan3A_227 = %scan3A_108 to %scan3A_110 step %scan3A_111  : i32 {
      %mul3A_228 = arith.constant 1 : i32
      %mul3A_229 = arith.muli %scan3A_227, %mul3A_228 : i32
      %add3A_230 = arith.constant 0 : i32
      %add3A_231 = arith.addi %add3A_230, %mul3A_229 : i32
      %mul3A_232 = arith.constant 2 : i32
      %mul3A_233 = arith.muli %add3A_231, %mul3A_232 : i32
      %add3A_234 = arith.constant 0 : i32
      %add3A_235 = arith.addi %mul3A_233, %add3A_234 : i32
      %add3A_236 = arith.constant 20 : i32
      %add3A_237 = arith.addi %add3A_236, %add3A_235 : i32
      %dma_wait3A_238 = arith.constant 0 : i32
      %dma_wait3A_239 = tpu.memref_slice %arg7[%add3A_235, %dma_wait3A_238] : memref<20x128xi32, #tpu.memory_space<vmem>> -> memref<1x128xi32, #tpu.memory_space<vmem>>
      %dma_wait3A_240 = tpu.memref_squeeze %dma_wait3A_239 : memref<1x128xi32, #tpu.memory_space<vmem>> -> memref<128xi32, #tpu.memory_space<vmem>>
      %dma_wait3A_241 = arith.constant 0 : i32
      %dma_wait3A_242 = arith.constant 0 : i32
      %dma_wait3A_243 = tpu.memref_slice %arg2[%dma_wait3A_241, %dma_wait3A_242] : memref<10000x128xf32, #tpu.memory_space<hbm>> -> memref<10000x128xf32, #tpu.memory_space<hbm>>
      tpu.wait_indirect_dma semaphore(%arg11 : memref<!tpu.dma_semaphore, #tpu.memory_space<semaphore_mem>>) src(%dma_wait3A_243 : memref<10000x128xf32, #tpu.memory_space<hbm>>) dst(%arg9 : memref<128x128xf32, #tpu.memory_space<vmem>>)
      "tpu.region"() ({
        %run_scoped3A_272 = tpu.sem_alloc : memref<!tpu.dma_semaphore, #tpu.memory_space<semaphore_mem>>
        %dma_start3A_273 = arith.constant 0 : i32
        %dma_start3A_274 = tpu.memref_slice %arg8[%add3A_237, %dma_start3A_273] : memref<80x128xi32, #tpu.memory_space<vmem>> -> memref<1x128xi32, #tpu.memory_space<vmem>>
        %dma_start3A_275 = tpu.memref_squeeze %dma_start3A_274 : memref<1x128xi32, #tpu.memory_space<vmem>> -> memref<128xi32, #tpu.memory_space<vmem>>
        %dma_start3A_276 = arith.constant 0 : i32
        %dma_start3A_277 = arith.constant 0 : i32
        %dma_start3A_278 = tpu.memref_slice %arg15[%dma_start3A_276, %dma_start3A_277] : memref<10240x128xf32, #tpu.memory_space<vmem_shared>> -> memref<10240x128xf32, #tpu.memory_space<vmem_shared>>
        tpu.enqueue_indirect_dma source(%arg9 : memref<128x128xf32, #tpu.memory_space<vmem>>) target(%dma_start3A_278 : memref<10240x128xf32, #tpu.memory_space<vmem_shared>>) offsets(%dma_start3A_275 : memref<128xi32, #tpu.memory_space<vmem>>) semaphore(%run_scoped3A_272 : memref<!tpu.dma_semaphore, #tpu.memory_space<semaphore_mem>>) {add = true}
        %dma_wait3A_279 = arith.constant 0 : i32
        %dma_wait3A_280 = tpu.memref_slice %arg8[%add3A_237, %dma_wait3A_279] : memref<80x128xi32, #tpu.memory_space<vmem>> -> memref<1x128xi32, #tpu.memory_space<vmem>>
        %dma_wait3A_281 = tpu.memref_squeeze %dma_wait3A_280 : memref<1x128xi32, #tpu.memory_space<vmem>> -> memref<128xi32, #tpu.memory_space<vmem>>
        %dma_wait3A_282 = arith.constant 0 : i32
        %dma_wait3A_283 = arith.constant 0 : i32
        %dma_wait3A_284 = tpu.memref_slice %arg15[%dma_wait3A_282, %dma_wait3A_283] : memref<10240x128xf32, #tpu.memory_space<vmem_shared>> -> memref<10240x128xf32, #tpu.memory_space<vmem_shared>>
        tpu.wait_indirect_dma semaphore(%run_scoped3A_272 : memref<!tpu.dma_semaphore, #tpu.memory_space<semaphore_mem>>) src(%arg9 : memref<128x128xf32, #tpu.memory_space<vmem>>) dst(%dma_wait3A_284 : memref<10240x128xf32, #tpu.memory_space<vmem_shared>>)
        tpu.yield
      }) : () -> ()
      %add3A_244 = arith.constant 2 : i32
      %add3A_245 = arith.addi %add3A_235, %add3A_244 : i32
      %dma_start3A_246 = arith.constant 0 : i32
      %dma_start3A_247 = tpu.memref_slice %arg7[%add3A_245, %dma_start3A_246] : memref<20x128xi32, #tpu.memory_space<vmem>> -> memref<1x128xi32, #tpu.memory_space<vmem>>
      %dma_start3A_248 = tpu.memref_squeeze %dma_start3A_247 : memref<1x128xi32, #tpu.memory_space<vmem>> -> memref<128xi32, #tpu.memory_space<vmem>>
      %dma_start3A_249 = arith.constant 0 : i32
      %dma_start3A_250 = arith.constant 0 : i32
      %dma_start3A_251 = tpu.memref_slice %arg2[%dma_start3A_249, %dma_start3A_250] : memref<10000x128xf32, #tpu.memory_space<hbm>> -> memref<10000x128xf32, #tpu.memory_space<hbm>>
      tpu.enqueue_indirect_dma source(%dma_start3A_251 : memref<10000x128xf32, #tpu.memory_space<hbm>>) target(%arg9 : memref<128x128xf32, #tpu.memory_space<vmem>>) offsets(%dma_start3A_248 : memref<128xi32, #tpu.memory_space<vmem>>) semaphore(%arg11 : memref<!tpu.dma_semaphore, #tpu.memory_space<semaphore_mem>>)
      %mul3A_252 = arith.constant 2 : i32
      %mul3A_253 = arith.muli %add3A_231, %mul3A_252 : i32
      %add3A_254 = arith.constant 1 : i32
      %add3A_255 = arith.addi %mul3A_253, %add3A_254 : i32
      %add3A_256 = arith.constant 20 : i32
      %add3A_257 = arith.addi %add3A_256, %add3A_255 : i32
      %dma_wait3A_258 = arith.constant 0 : i32
      %dma_wait3A_259 = tpu.memref_slice %arg7[%add3A_255, %dma_wait3A_258] : memref<20x128xi32, #tpu.memory_space<vmem>> -> memref<1x128xi32, #tpu.memory_space<vmem>>
      %dma_wait3A_260 = tpu.memref_squeeze %dma_wait3A_259 : memref<1x128xi32, #tpu.memory_space<vmem>> -> memref<128xi32, #tpu.memory_space<vmem>>
      %dma_wait3A_261 = arith.constant 0 : i32
      %dma_wait3A_262 = arith.constant 0 : i32
      %dma_wait3A_263 = tpu.memref_slice %arg2[%dma_wait3A_261, %dma_wait3A_262] : memref<10000x128xf32, #tpu.memory_space<hbm>> -> memref<10000x128xf32, #tpu.memory_space<hbm>>
      tpu.wait_indirect_dma semaphore(%arg12 : memref<!tpu.dma_semaphore, #tpu.memory_space<semaphore_mem>>) src(%dma_wait3A_263 : memref<10000x128xf32, #tpu.memory_space<hbm>>) dst(%arg10 : memref<128x128xf32, #tpu.memory_space<vmem>>)
      "tpu.region"() ({
        %run_scoped3A_272 = tpu.sem_alloc : memref<!tpu.dma_semaphore, #tpu.memory_space<semaphore_mem>>
        %dma_start3A_273 = arith.constant 0 : i32
        %dma_start3A_274 = tpu.memref_slice %arg8[%add3A_257, %dma_start3A_273] : memref<80x128xi32, #tpu.memory_space<vmem>> -> memref<1x128xi32, #tpu.memory_space<vmem>>
        %dma_start3A_275 = tpu.memref_squeeze %dma_start3A_274 : memref<1x128xi32, #tpu.memory_space<vmem>> -> memref<128xi32, #tpu.memory_space<vmem>>
        %dma_start3A_276 = arith.constant 0 : i32
        %dma_start3A_277 = arith.constant 0 : i32
        %dma_start3A_278 = tpu.memref_slice %arg15[%dma_start3A_276, %dma_start3A_277] : memref<10240x128xf32, #tpu.memory_space<vmem_shared>> -> memref<10240x128xf32, #tpu.memory_space<vmem_shared>>
        tpu.enqueue_indirect_dma source(%arg10 : memref<128x128xf32, #tpu.memory_space<vmem>>) target(%dma_start3A_278 : memref<10240x128xf32, #tpu.memory_space<vmem_shared>>) offsets(%dma_start3A_275 : memref<128xi32, #tpu.memory_space<vmem>>) semaphore(%run_scoped3A_272 : memref<!tpu.dma_semaphore, #tpu.memory_space<semaphore_mem>>) {add = true}
        %dma_wait3A_279 = arith.constant 0 : i32
        %dma_wait3A_280 = tpu.memref_slice %arg8[%add3A_257, %dma_wait3A_279] : memref<80x128xi32, #tpu.memory_space<vmem>> -> memref<1x128xi32, #tpu.memory_space<vmem>>
        %dma_wait3A_281 = tpu.memref_squeeze %dma_wait3A_280 : memref<1x128xi32, #tpu.memory_space<vmem>> -> memref<128xi32, #tpu.memory_space<vmem>>
        %dma_wait3A_282 = arith.constant 0 : i32
        %dma_wait3A_283 = arith.constant 0 : i32
        %dma_wait3A_284 = tpu.memref_slice %arg15[%dma_wait3A_282, %dma_wait3A_283] : memref<10240x128xf32, #tpu.memory_space<vmem_shared>> -> memref<10240x128xf32, #tpu.memory_space<vmem_shared>>
        tpu.wait_indirect_dma semaphore(%run_scoped3A_272 : memref<!tpu.dma_semaphore, #tpu.memory_space<semaphore_mem>>) src(%arg10 : memref<128x128xf32, #tpu.memory_space<vmem>>) dst(%dma_wait3A_284 : memref<10240x128xf32, #tpu.memory_space<vmem_shared>>)
        tpu.yield
      }) : () -> ()
      %add3A_264 = arith.constant 2 : i32
      %add3A_265 = arith.addi %add3A_255, %add3A_264 : i32
      %dma_start3A_266 = arith.constant 0 : i32
      %dma_start3A_267 = tpu.memref_slice %arg7[%add3A_265, %dma_start3A_266] : memref<20x128xi32, #tpu.memory_space<vmem>> -> memref<1x128xi32, #tpu.memory_space<vmem>>
      %dma_start3A_268 = tpu.memref_squeeze %dma_start3A_267 : memref<1x128xi32, #tpu.memory_space<vmem>> -> memref<128xi32, #tpu.memory_space<vmem>>
      %dma_start3A_269 = arith.constant 0 : i32
      %dma_start3A_270 = arith.constant 0 : i32
      %dma_start3A_271 = tpu.memref_slice %arg2[%dma_start3A_269, %dma_start3A_270] : memref<10000x128xf32, #tpu.memory_space<hbm>> -> memref<10000x128xf32, #tpu.memory_space<hbm>>
      tpu.enqueue_indirect_dma source(%dma_start3A_271 : memref<10000x128xf32, #tpu.memory_space<hbm>>) target(%arg10 : memref<128x128xf32, #tpu.memory_space<vmem>>) offsets(%dma_start3A_268 : memref<128xi32, #tpu.memory_space<vmem>>) semaphore(%arg12 : memref<!tpu.dma_semaphore, #tpu.memory_space<semaphore_mem>>)
    }
    %scan3A_112 = arith.constant 9 : i32
    %dma_wait3A_113 = arith.constant 2 : i32
    %dma_wait3A_114 = arith.constant 0 : i32
    %dma_wait3A_115 = arith.constant 0 : i32
    %dma_wait3A_116 = tpu.memref_slice %arg3[%add3A, %dma_wait3A_113, %dma_wait3A_114, %dma_wait3A_115] : memref<32x4x20x128xi32, #tpu.memory_space<hbm>> -> memref<1x1x20x128xi32, #tpu.memory_space<hbm>>
    %dma_wait3A_117 = tpu.memref_squeeze %dma_wait3A_116 : memref<1x1x20x128xi32, #tpu.memory_space<hbm>> -> memref<20x128xi32, #tpu.memory_space<hbm>>
    %dma_wait3A_118 = arith.constant 0 : i32
    %dma_wait3A_119 = arith.constant 0 : i32
    %dma_wait3A_120 = tpu.memref_slice %arg3[%add3A, %dma_wait3A_113, %dma_wait3A_118, %dma_wait3A_119] : memref<32x4x20x128xi32, #tpu.memory_space<hbm>> -> memref<1x1x20x128xi32, #tpu.memory_space<hbm>>
    %dma_wait3A_121 = tpu.memref_squeeze %dma_wait3A_120 : memref<1x1x20x128xi32, #tpu.memory_space<hbm>> -> memref<20x128xi32, #tpu.memory_space<hbm>>
    tpu.wait_dma2 semaphore(%arg13 : memref<!tpu.dma_semaphore, #tpu.memory_space<semaphore_mem>>) src(%dma_wait3A_121 : memref<20x128xi32, #tpu.memory_space<hbm>>) dst(%arg6 : memref<20x128xi32, #tpu.memory_space<vmem>>)
    %dma_wait3A_122 = arith.constant 18 : i32
    %dma_wait3A_123 = arith.constant 0 : i32
    %dma_wait3A_124 = tpu.memref_slice %arg7[%dma_wait3A_122, %dma_wait3A_123] : memref<20x128xi32, #tpu.memory_space<vmem>> -> memref<1x128xi32, #tpu.memory_space<vmem>>
    %dma_wait3A_125 = tpu.memref_squeeze %dma_wait3A_124 : memref<1x128xi32, #tpu.memory_space<vmem>> -> memref<128xi32, #tpu.memory_space<vmem>>
    %dma_wait3A_126 = arith.constant 0 : i32
    %dma_wait3A_127 = arith.constant 0 : i32
    %dma_wait3A_128 = tpu.memref_slice %arg2[%dma_wait3A_126, %dma_wait3A_127] : memref<10000x128xf32, #tpu.memory_space<hbm>> -> memref<10000x128xf32, #tpu.memory_space<hbm>>
    tpu.wait_indirect_dma semaphore(%arg11 : memref<!tpu.dma_semaphore, #tpu.memory_space<semaphore_mem>>) src(%dma_wait3A_128 : memref<10000x128xf32, #tpu.memory_space<hbm>>) dst(%arg9 : memref<128x128xf32, #tpu.memory_space<vmem>>)
    %run_scoped3A_129 = arith.constant 38 : i32
    "tpu.region"() ({
      %run_scoped3A_227 = tpu.sem_alloc : memref<!tpu.dma_semaphore, #tpu.memory_space<semaphore_mem>>
      %dma_start3A_228 = arith.constant 0 : i32
      %dma_start3A_229 = tpu.memref_slice %arg8[%run_scoped3A_129, %dma_start3A_228] : memref<80x128xi32, #tpu.memory_space<vmem>> -> memref<1x128xi32, #tpu.memory_space<vmem>>
      %dma_start3A_230 = tpu.memref_squeeze %dma_start3A_229 : memref<1x128xi32, #tpu.memory_space<vmem>> -> memref<128xi32, #tpu.memory_space<vmem>>
      %dma_start3A_231 = arith.constant 0 : i32
      %dma_start3A_232 = arith.constant 0 : i32
      %dma_start3A_233 = tpu.memref_slice %arg15[%dma_start3A_231, %dma_start3A_232] : memref<10240x128xf32, #tpu.memory_space<vmem_shared>> -> memref<10240x128xf32, #tpu.memory_space<vmem_shared>>
      tpu.enqueue_indirect_dma source(%arg9 : memref<128x128xf32, #tpu.memory_space<vmem>>) target(%dma_start3A_233 : memref<10240x128xf32, #tpu.memory_space<vmem_shared>>) offsets(%dma_start3A_230 : memref<128xi32, #tpu.memory_space<vmem>>) semaphore(%run_scoped3A_227 : memref<!tpu.dma_semaphore, #tpu.memory_space<semaphore_mem>>) {add = true}
      %dma_wait3A_234 = arith.constant 0 : i32
      %dma_wait3A_235 = tpu.memref_slice %arg8[%run_scoped3A_129, %dma_wait3A_234] : memref<80x128xi32, #tpu.memory_space<vmem>> -> memref<1x128xi32, #tpu.memory_space<vmem>>
      %dma_wait3A_236 = tpu.memref_squeeze %dma_wait3A_235 : memref<1x128xi32, #tpu.memory_space<vmem>> -> memref<128xi32, #tpu.memory_space<vmem>>
      %dma_wait3A_237 = arith.constant 0 : i32
      %dma_wait3A_238 = arith.constant 0 : i32
      %dma_wait3A_239 = tpu.memref_slice %arg15[%dma_wait3A_237, %dma_wait3A_238] : memref<10240x128xf32, #tpu.memory_space<vmem_shared>> -> memref<10240x128xf32, #tpu.memory_space<vmem_shared>>
      tpu.wait_indirect_dma semaphore(%run_scoped3A_227 : memref<!tpu.dma_semaphore, #tpu.memory_space<semaphore_mem>>) src(%arg9 : memref<128x128xf32, #tpu.memory_space<vmem>>) dst(%dma_wait3A_239 : memref<10240x128xf32, #tpu.memory_space<vmem_shared>>)
      tpu.yield
    }) : () -> ()
    %dma_start3A_130 = arith.constant 0 : i32
    %dma_start3A_131 = arith.constant 0 : i32
    %dma_start3A_132 = tpu.memref_slice %arg6[%dma_start3A_130, %dma_start3A_131] : memref<20x128xi32, #tpu.memory_space<vmem>> -> memref<1x128xi32, #tpu.memory_space<vmem>>
    %dma_start3A_133 = tpu.memref_squeeze %dma_start3A_132 : memref<1x128xi32, #tpu.memory_space<vmem>> -> memref<128xi32, #tpu.memory_space<vmem>>
    %dma_start3A_134 = arith.constant 0 : i32
    %dma_start3A_135 = arith.constant 0 : i32
    %dma_start3A_136 = tpu.memref_slice %arg2[%dma_start3A_134, %dma_start3A_135] : memref<10000x128xf32, #tpu.memory_space<hbm>> -> memref<10000x128xf32, #tpu.memory_space<hbm>>
    tpu.enqueue_indirect_dma source(%dma_start3A_136 : memref<10000x128xf32, #tpu.memory_space<hbm>>) target(%arg9 : memref<128x128xf32, #tpu.memory_space<vmem>>) offsets(%dma_start3A_133 : memref<128xi32, #tpu.memory_space<vmem>>) semaphore(%arg11 : memref<!tpu.dma_semaphore, #tpu.memory_space<semaphore_mem>>)
    %dma_wait3A_137 = arith.constant 19 : i32
    %dma_wait3A_138 = arith.constant 0 : i32
    %dma_wait3A_139 = tpu.memref_slice %arg7[%dma_wait3A_137, %dma_wait3A_138] : memref<20x128xi32, #tpu.memory_space<vmem>> -> memref<1x128xi32, #tpu.memory_space<vmem>>
    %dma_wait3A_140 = tpu.memref_squeeze %dma_wait3A_139 : memref<1x128xi32, #tpu.memory_space<vmem>> -> memref<128xi32, #tpu.memory_space<vmem>>
    %dma_wait3A_141 = arith.constant 0 : i32
    %dma_wait3A_142 = arith.constant 0 : i32
    %dma_wait3A_143 = tpu.memref_slice %arg2[%dma_wait3A_141, %dma_wait3A_142] : memref<10000x128xf32, #tpu.memory_space<hbm>> -> memref<10000x128xf32, #tpu.memory_space<hbm>>
    tpu.wait_indirect_dma semaphore(%arg12 : memref<!tpu.dma_semaphore, #tpu.memory_space<semaphore_mem>>) src(%dma_wait3A_143 : memref<10000x128xf32, #tpu.memory_space<hbm>>) dst(%arg10 : memref<128x128xf32, #tpu.memory_space<vmem>>)
    %run_scoped3A_144 = arith.constant 39 : i32
    "tpu.region"() ({
      %run_scoped3A_227 = tpu.sem_alloc : memref<!tpu.dma_semaphore, #tpu.memory_space<semaphore_mem>>
      %dma_start3A_228 = arith.constant 0 : i32
      %dma_start3A_229 = tpu.memref_slice %arg8[%run_scoped3A_144, %dma_start3A_228] : memref<80x128xi32, #tpu.memory_space<vmem>> -> memref<1x128xi32, #tpu.memory_space<vmem>>
      %dma_start3A_230 = tpu.memref_squeeze %dma_start3A_229 : memref<1x128xi32, #tpu.memory_space<vmem>> -> memref<128xi32, #tpu.memory_space<vmem>>
      %dma_start3A_231 = arith.constant 0 : i32
      %dma_start3A_232 = arith.constant 0 : i32
      %dma_start3A_233 = tpu.memref_slice %arg15[%dma_start3A_231, %dma_start3A_232] : memref<10240x128xf32, #tpu.memory_space<vmem_shared>> -> memref<10240x128xf32, #tpu.memory_space<vmem_shared>>
      tpu.enqueue_indirect_dma source(%arg10 : memref<128x128xf32, #tpu.memory_space<vmem>>) target(%dma_start3A_233 : memref<10240x128xf32, #tpu.memory_space<vmem_shared>>) offsets(%dma_start3A_230 : memref<128xi32, #tpu.memory_space<vmem>>) semaphore(%run_scoped3A_227 : memref<!tpu.dma_semaphore, #tpu.memory_space<semaphore_mem>>) {add = true}
      %dma_wait3A_234 = arith.constant 0 : i32
      %dma_wait3A_235 = tpu.memref_slice %arg8[%run_scoped3A_144, %dma_wait3A_234] : memref<80x128xi32, #tpu.memory_space<vmem>> -> memref<1x128xi32, #tpu.memory_space<vmem>>
      %dma_wait3A_236 = tpu.memref_squeeze %dma_wait3A_235 : memref<1x128xi32, #tpu.memory_space<vmem>> -> memref<128xi32, #tpu.memory_space<vmem>>
      %dma_wait3A_237 = arith.constant 0 : i32
      %dma_wait3A_238 = arith.constant 0 : i32
      %dma_wait3A_239 = tpu.memref_slice %arg15[%dma_wait3A_237, %dma_wait3A_238] : memref<10240x128xf32, #tpu.memory_space<vmem_shared>> -> memref<10240x128xf32, #tpu.memory_space<vmem_shared>>
      tpu.wait_indirect_dma semaphore(%run_scoped3A_227 : memref<!tpu.dma_semaphore, #tpu.memory_space<semaphore_mem>>) src(%arg10 : memref<128x128xf32, #tpu.memory_space<vmem>>) dst(%dma_wait3A_239 : memref<10240x128xf32, #tpu.memory_space<vmem_shared>>)
      tpu.yield
    }) : () -> ()
    %dma_start3A_145 = arith.constant 1 : i32
    %dma_start3A_146 = arith.constant 0 : i32
    %dma_start3A_147 = tpu.memref_slice %arg6[%dma_start3A_145, %dma_start3A_146] : memref<20x128xi32, #tpu.memory_space<vmem>> -> memref<1x128xi32, #tpu.memory_space<vmem>>
    %dma_start3A_148 = tpu.memref_squeeze %dma_start3A_147 : memref<1x128xi32, #tpu.memory_space<vmem>> -> memref<128xi32, #tpu.memory_space<vmem>>
    %dma_start3A_149 = arith.constant 0 : i32
    %dma_start3A_150 = arith.constant 0 : i32
    %dma_start3A_151 = tpu.memref_slice %arg2[%dma_start3A_149, %dma_start3A_150] : memref<10000x128xf32, #tpu.memory_space<hbm>> -> memref<10000x128xf32, #tpu.memory_space<hbm>>
    tpu.enqueue_indirect_dma source(%dma_start3A_151 : memref<10000x128xf32, #tpu.memory_space<hbm>>) target(%arg10 : memref<128x128xf32, #tpu.memory_space<vmem>>) offsets(%dma_start3A_148 : memref<128xi32, #tpu.memory_space<vmem>>) semaphore(%arg12 : memref<!tpu.dma_semaphore, #tpu.memory_space<semaphore_mem>>)
    %dma_start3A_152 = arith.constant 3 : i32
    %dma_start3A_153 = arith.constant 0 : i32
    %dma_start3A_154 = arith.constant 0 : i32
    %dma_start3A_155 = tpu.memref_slice %arg3[%add3A, %dma_start3A_152, %dma_start3A_153, %dma_start3A_154] : memref<32x4x20x128xi32, #tpu.memory_space<hbm>> -> memref<1x1x20x128xi32, #tpu.memory_space<hbm>>
    %dma_start3A_156 = tpu.memref_squeeze %dma_start3A_155 : memref<1x1x20x128xi32, #tpu.memory_space<hbm>> -> memref<20x128xi32, #tpu.memory_space<hbm>>
    %dma_start3A_157 = arith.constant 0 : i32
    %dma_start3A_158 = arith.constant 0 : i32
    %dma_start3A_159 = tpu.memref_slice %arg3[%add3A, %dma_start3A_152, %dma_start3A_157, %dma_start3A_158] : memref<32x4x20x128xi32, #tpu.memory_space<hbm>> -> memref<1x1x20x128xi32, #tpu.memory_space<hbm>>
    %dma_start3A_160 = tpu.memref_squeeze %dma_start3A_159 : memref<1x1x20x128xi32, #tpu.memory_space<hbm>> -> memref<20x128xi32, #tpu.memory_space<hbm>>
    tpu.enqueue_dma source(%dma_start3A_160 : memref<20x128xi32, #tpu.memory_space<hbm>>) target(%arg7 : memref<20x128xi32, #tpu.memory_space<vmem>>) target_semaphore(%arg14 : memref<!tpu.dma_semaphore, #tpu.memory_space<semaphore_mem>>)
    %scan3A_161 = arith.constant 0 : i32
    %scan3A_162 = arith.constant 9 : i32
    %scan3A_163 = arith.addi %scan3A_161, %scan3A_162 : i32
    %scan3A_164 = arith.constant 1 : i32
    scf.for %scan3A_227 = %scan3A_161 to %scan3A_163 step %scan3A_164  : i32 {
      %mul3A_228 = arith.constant 1 : i32
      %mul3A_229 = arith.muli %scan3A_227, %mul3A_228 : i32
      %add3A_230 = arith.constant 0 : i32
      %add3A_231 = arith.addi %add3A_230, %mul3A_229 : i32
      %mul3A_232 = arith.constant 2 : i32
      %mul3A_233 = arith.muli %add3A_231, %mul3A_232 : i32
      %add3A_234 = arith.constant 0 : i32
      %add3A_235 = arith.addi %mul3A_233, %add3A_234 : i32
      %add3A_236 = arith.constant 40 : i32
      %add3A_237 = arith.addi %add3A_236, %add3A_235 : i32
      %dma_wait3A_238 = arith.constant 0 : i32
      %dma_wait3A_239 = tpu.memref_slice %arg6[%add3A_235, %dma_wait3A_238] : memref<20x128xi32, #tpu.memory_space<vmem>> -> memref<1x128xi32, #tpu.memory_space<vmem>>
      %dma_wait3A_240 = tpu.memref_squeeze %dma_wait3A_239 : memref<1x128xi32, #tpu.memory_space<vmem>> -> memref<128xi32, #tpu.memory_space<vmem>>
      %dma_wait3A_241 = arith.constant 0 : i32
      %dma_wait3A_242 = arith.constant 0 : i32
      %dma_wait3A_243 = tpu.memref_slice %arg2[%dma_wait3A_241, %dma_wait3A_242] : memref<10000x128xf32, #tpu.memory_space<hbm>> -> memref<10000x128xf32, #tpu.memory_space<hbm>>
      tpu.wait_indirect_dma semaphore(%arg11 : memref<!tpu.dma_semaphore, #tpu.memory_space<semaphore_mem>>) src(%dma_wait3A_243 : memref<10000x128xf32, #tpu.memory_space<hbm>>) dst(%arg9 : memref<128x128xf32, #tpu.memory_space<vmem>>)
      "tpu.region"() ({
        %run_scoped3A_272 = tpu.sem_alloc : memref<!tpu.dma_semaphore, #tpu.memory_space<semaphore_mem>>
        %dma_start3A_273 = arith.constant 0 : i32
        %dma_start3A_274 = tpu.memref_slice %arg8[%add3A_237, %dma_start3A_273] : memref<80x128xi32, #tpu.memory_space<vmem>> -> memref<1x128xi32, #tpu.memory_space<vmem>>
        %dma_start3A_275 = tpu.memref_squeeze %dma_start3A_274 : memref<1x128xi32, #tpu.memory_space<vmem>> -> memref<128xi32, #tpu.memory_space<vmem>>
        %dma_start3A_276 = arith.constant 0 : i32
        %dma_start3A_277 = arith.constant 0 : i32
        %dma_start3A_278 = tpu.memref_slice %arg15[%dma_start3A_276, %dma_start3A_277] : memref<10240x128xf32, #tpu.memory_space<vmem_shared>> -> memref<10240x128xf32, #tpu.memory_space<vmem_shared>>
        tpu.enqueue_indirect_dma source(%arg9 : memref<128x128xf32, #tpu.memory_space<vmem>>) target(%dma_start3A_278 : memref<10240x128xf32, #tpu.memory_space<vmem_shared>>) offsets(%dma_start3A_275 : memref<128xi32, #tpu.memory_space<vmem>>) semaphore(%run_scoped3A_272 : memref<!tpu.dma_semaphore, #tpu.memory_space<semaphore_mem>>) {add = true}
        %dma_wait3A_279 = arith.constant 0 : i32
        %dma_wait3A_280 = tpu.memref_slice %arg8[%add3A_237, %dma_wait3A_279] : memref<80x128xi32, #tpu.memory_space<vmem>> -> memref<1x128xi32, #tpu.memory_space<vmem>>
        %dma_wait3A_281 = tpu.memref_squeeze %dma_wait3A_280 : memref<1x128xi32, #tpu.memory_space<vmem>> -> memref<128xi32, #tpu.memory_space<vmem>>
        %dma_wait3A_282 = arith.constant 0 : i32
        %dma_wait3A_283 = arith.constant 0 : i32
        %dma_wait3A_284 = tpu.memref_slice %arg15[%dma_wait3A_282, %dma_wait3A_283] : memref<10240x128xf32, #tpu.memory_space<vmem_shared>> -> memref<10240x128xf32, #tpu.memory_space<vmem_shared>>
        tpu.wait_indirect_dma semaphore(%run_scoped3A_272 : memref<!tpu.dma_semaphore, #tpu.memory_space<semaphore_mem>>) src(%arg9 : memref<128x128xf32, #tpu.memory_space<vmem>>) dst(%dma_wait3A_284 : memref<10240x128xf32, #tpu.memory_space<vmem_shared>>)
        tpu.yield
      }) : () -> ()
      %add3A_244 = arith.constant 2 : i32
      %add3A_245 = arith.addi %add3A_235, %add3A_244 : i32
      %dma_start3A_246 = arith.constant 0 : i32
      %dma_start3A_247 = tpu.memref_slice %arg6[%add3A_245, %dma_start3A_246] : memref<20x128xi32, #tpu.memory_space<vmem>> -> memref<1x128xi32, #tpu.memory_space<vmem>>
      %dma_start3A_248 = tpu.memref_squeeze %dma_start3A_247 : memref<1x128xi32, #tpu.memory_space<vmem>> -> memref<128xi32, #tpu.memory_space<vmem>>
      %dma_start3A_249 = arith.constant 0 : i32
      %dma_start3A_250 = arith.constant 0 : i32
      %dma_start3A_251 = tpu.memref_slice %arg2[%dma_start3A_249, %dma_start3A_250] : memref<10000x128xf32, #tpu.memory_space<hbm>> -> memref<10000x128xf32, #tpu.memory_space<hbm>>
      tpu.enqueue_indirect_dma source(%dma_start3A_251 : memref<10000x128xf32, #tpu.memory_space<hbm>>) target(%arg9 : memref<128x128xf32, #tpu.memory_space<vmem>>) offsets(%dma_start3A_248 : memref<128xi32, #tpu.memory_space<vmem>>) semaphore(%arg11 : memref<!tpu.dma_semaphore, #tpu.memory_space<semaphore_mem>>)
      %mul3A_252 = arith.constant 2 : i32
      %mul3A_253 = arith.muli %add3A_231, %mul3A_252 : i32
      %add3A_254 = arith.constant 1 : i32
      %add3A_255 = arith.addi %mul3A_253, %add3A_254 : i32
      %add3A_256 = arith.constant 40 : i32
      %add3A_257 = arith.addi %add3A_256, %add3A_255 : i32
      %dma_wait3A_258 = arith.constant 0 : i32
      %dma_wait3A_259 = tpu.memref_slice %arg6[%add3A_255, %dma_wait3A_258] : memref<20x128xi32, #tpu.memory_space<vmem>> -> memref<1x128xi32, #tpu.memory_space<vmem>>
      %dma_wait3A_260 = tpu.memref_squeeze %dma_wait3A_259 : memref<1x128xi32, #tpu.memory_space<vmem>> -> memref<128xi32, #tpu.memory_space<vmem>>
      %dma_wait3A_261 = arith.constant 0 : i32
      %dma_wait3A_262 = arith.constant 0 : i32
      %dma_wait3A_263 = tpu.memref_slice %arg2[%dma_wait3A_261, %dma_wait3A_262] : memref<10000x128xf32, #tpu.memory_space<hbm>> -> memref<10000x128xf32, #tpu.memory_space<hbm>>
      tpu.wait_indirect_dma semaphore(%arg12 : memref<!tpu.dma_semaphore, #tpu.memory_space<semaphore_mem>>) src(%dma_wait3A_263 : memref<10000x128xf32, #tpu.memory_space<hbm>>) dst(%arg10 : memref<128x128xf32, #tpu.memory_space<vmem>>)
      "tpu.region"() ({
        %run_scoped3A_272 = tpu.sem_alloc : memref<!tpu.dma_semaphore, #tpu.memory_space<semaphore_mem>>
        %dma_start3A_273 = arith.constant 0 : i32
        %dma_start3A_274 = tpu.memref_slice %arg8[%add3A_257, %dma_start3A_273] : memref<80x128xi32, #tpu.memory_space<vmem>> -> memref<1x128xi32, #tpu.memory_space<vmem>>
        %dma_start3A_275 = tpu.memref_squeeze %dma_start3A_274 : memref<1x128xi32, #tpu.memory_space<vmem>> -> memref<128xi32, #tpu.memory_space<vmem>>
        %dma_start3A_276 = arith.constant 0 : i32
        %dma_start3A_277 = arith.constant 0 : i32
        %dma_start3A_278 = tpu.memref_slice %arg15[%dma_start3A_276, %dma_start3A_277] : memref<10240x128xf32, #tpu.memory_space<vmem_shared>> -> memref<10240x128xf32, #tpu.memory_space<vmem_shared>>
        tpu.enqueue_indirect_dma source(%arg10 : memref<128x128xf32, #tpu.memory_space<vmem>>) target(%dma_start3A_278 : memref<10240x128xf32, #tpu.memory_space<vmem_shared>>) offsets(%dma_start3A_275 : memref<128xi32, #tpu.memory_space<vmem>>) semaphore(%run_scoped3A_272 : memref<!tpu.dma_semaphore, #tpu.memory_space<semaphore_mem>>) {add = true}
        %dma_wait3A_279 = arith.constant 0 : i32
        %dma_wait3A_280 = tpu.memref_slice %arg8[%add3A_257, %dma_wait3A_279] : memref<80x128xi32, #tpu.memory_space<vmem>> -> memref<1x128xi32, #tpu.memory_space<vmem>>
        %dma_wait3A_281 = tpu.memref_squeeze %dma_wait3A_280 : memref<1x128xi32, #tpu.memory_space<vmem>> -> memref<128xi32, #tpu.memory_space<vmem>>
        %dma_wait3A_282 = arith.constant 0 : i32
        %dma_wait3A_283 = arith.constant 0 : i32
        %dma_wait3A_284 = tpu.memref_slice %arg15[%dma_wait3A_282, %dma_wait3A_283] : memref<10240x128xf32, #tpu.memory_space<vmem_shared>> -> memref<10240x128xf32, #tpu.memory_space<vmem_shared>>
        tpu.wait_indirect_dma semaphore(%run_scoped3A_272 : memref<!tpu.dma_semaphore, #tpu.memory_space<semaphore_mem>>) src(%arg10 : memref<128x128xf32, #tpu.memory_space<vmem>>) dst(%dma_wait3A_284 : memref<10240x128xf32, #tpu.memory_space<vmem_shared>>)
        tpu.yield
      }) : () -> ()
      %add3A_264 = arith.constant 2 : i32
      %add3A_265 = arith.addi %add3A_255, %add3A_264 : i32
      %dma_start3A_266 = arith.constant 0 : i32
      %dma_start3A_267 = tpu.memref_slice %arg6[%add3A_265, %dma_start3A_266] : memref<20x128xi32, #tpu.memory_space<vmem>> -> memref<1x128xi32, #tpu.memory_space<vmem>>
      %dma_start3A_268 = tpu.memref_squeeze %dma_start3A_267 : memref<1x128xi32, #tpu.memory_space<vmem>> -> memref<128xi32, #tpu.memory_space<vmem>>
      %dma_start3A_269 = arith.constant 0 : i32
      %dma_start3A_270 = arith.constant 0 : i32
      %dma_start3A_271 = tpu.memref_slice %arg2[%dma_start3A_269, %dma_start3A_270] : memref<10000x128xf32, #tpu.memory_space<hbm>> -> memref<10000x128xf32, #tpu.memory_space<hbm>>
      tpu.enqueue_indirect_dma source(%dma_start3A_271 : memref<10000x128xf32, #tpu.memory_space<hbm>>) target(%arg10 : memref<128x128xf32, #tpu.memory_space<vmem>>) offsets(%dma_start3A_268 : memref<128xi32, #tpu.memory_space<vmem>>) semaphore(%arg12 : memref<!tpu.dma_semaphore, #tpu.memory_space<semaphore_mem>>)
    }
    %scan3A_165 = arith.constant 9 : i32
    %dma_wait3A_166 = arith.constant 3 : i32
    %dma_wait3A_167 = arith.constant 0 : i32
    %dma_wait3A_168 = arith.constant 0 : i32
    %dma_wait3A_169 = tpu.memref_slice %arg3[%add3A, %dma_wait3A_166, %dma_wait3A_167, %dma_wait3A_168] : memref<32x4x20x128xi32, #tpu.memory_space<hbm>> -> memref<1x1x20x128xi32, #tpu.memory_space<hbm>>
    %dma_wait3A_170 = tpu.memref_squeeze %dma_wait3A_169 : memref<1x1x20x128xi32, #tpu.memory_space<hbm>> -> memref<20x128xi32, #tpu.memory_space<hbm>>
    %dma_wait3A_171 = arith.constant 0 : i32
    %dma_wait3A_172 = arith.constant 0 : i32
    %dma_wait3A_173 = tpu.memref_slice %arg3[%add3A, %dma_wait3A_166, %dma_wait3A_171, %dma_wait3A_172] : memref<32x4x20x128xi32, #tpu.memory_space<hbm>> -> memref<1x1x20x128xi32, #tpu.memory_space<hbm>>
    %dma_wait3A_174 = tpu.memref_squeeze %dma_wait3A_173 : memref<1x1x20x128xi32, #tpu.memory_space<hbm>> -> memref<20x128xi32, #tpu.memory_space<hbm>>
    tpu.wait_dma2 semaphore(%arg14 : memref<!tpu.dma_semaphore, #tpu.memory_space<semaphore_mem>>) src(%dma_wait3A_174 : memref<20x128xi32, #tpu.memory_space<hbm>>) dst(%arg7 : memref<20x128xi32, #tpu.memory_space<vmem>>)
    %dma_wait3A_175 = arith.constant 18 : i32
    %dma_wait3A_176 = arith.constant 0 : i32
    %dma_wait3A_177 = tpu.memref_slice %arg6[%dma_wait3A_175, %dma_wait3A_176] : memref<20x128xi32, #tpu.memory_space<vmem>> -> memref<1x128xi32, #tpu.memory_space<vmem>>
    %dma_wait3A_178 = tpu.memref_squeeze %dma_wait3A_177 : memref<1x128xi32, #tpu.memory_space<vmem>> -> memref<128xi32, #tpu.memory_space<vmem>>
    %dma_wait3A_179 = arith.constant 0 : i32
    %dma_wait3A_180 = arith.constant 0 : i32
    %dma_wait3A_181 = tpu.memref_slice %arg2[%dma_wait3A_179, %dma_wait3A_180] : memref<10000x128xf32, #tpu.memory_space<hbm>> -> memref<10000x128xf32, #tpu.memory_space<hbm>>
    tpu.wait_indirect_dma semaphore(%arg11 : memref<!tpu.dma_semaphore, #tpu.memory_space<semaphore_mem>>) src(%dma_wait3A_181 : memref<10000x128xf32, #tpu.memory_space<hbm>>) dst(%arg9 : memref<128x128xf32, #tpu.memory_space<vmem>>)
    %run_scoped3A_182 = arith.constant 58 : i32
    "tpu.region"() ({
      %run_scoped3A_227 = tpu.sem_alloc : memref<!tpu.dma_semaphore, #tpu.memory_space<semaphore_mem>>
      %dma_start3A_228 = arith.constant 0 : i32
      %dma_start3A_229 = tpu.memref_slice %arg8[%run_scoped3A_182, %dma_start3A_228] : memref<80x128xi32, #tpu.memory_space<vmem>> -> memref<1x128xi32, #tpu.memory_space<vmem>>
      %dma_start3A_230 = tpu.memref_squeeze %dma_start3A_229 : memref<1x128xi32, #tpu.memory_space<vmem>> -> memref<128xi32, #tpu.memory_space<vmem>>
      %dma_start3A_231 = arith.constant 0 : i32
      %dma_start3A_232 = arith.constant 0 : i32
      %dma_start3A_233 = tpu.memref_slice %arg15[%dma_start3A_231, %dma_start3A_232] : memref<10240x128xf32, #tpu.memory_space<vmem_shared>> -> memref<10240x128xf32, #tpu.memory_space<vmem_shared>>
      tpu.enqueue_indirect_dma source(%arg9 : memref<128x128xf32, #tpu.memory_space<vmem>>) target(%dma_start3A_233 : memref<10240x128xf32, #tpu.memory_space<vmem_shared>>) offsets(%dma_start3A_230 : memref<128xi32, #tpu.memory_space<vmem>>) semaphore(%run_scoped3A_227 : memref<!tpu.dma_semaphore, #tpu.memory_space<semaphore_mem>>) {add = true}
      %dma_wait3A_234 = arith.constant 0 : i32
      %dma_wait3A_235 = tpu.memref_slice %arg8[%run_scoped3A_182, %dma_wait3A_234] : memref<80x128xi32, #tpu.memory_space<vmem>> -> memref<1x128xi32, #tpu.memory_space<vmem>>
      %dma_wait3A_236 = tpu.memref_squeeze %dma_wait3A_235 : memref<1x128xi32, #tpu.memory_space<vmem>> -> memref<128xi32, #tpu.memory_space<vmem>>
      %dma_wait3A_237 = arith.constant 0 : i32
      %dma_wait3A_238 = arith.constant 0 : i32
      %dma_wait3A_239 = tpu.memref_slice %arg15[%dma_wait3A_237, %dma_wait3A_238] : memref<10240x128xf32, #tpu.memory_space<vmem_shared>> -> memref<10240x128xf32, #tpu.memory_space<vmem_shared>>
      tpu.wait_indirect_dma semaphore(%run_scoped3A_227 : memref<!tpu.dma_semaphore, #tpu.memory_space<semaphore_mem>>) src(%arg9 : memref<128x128xf32, #tpu.memory_space<vmem>>) dst(%dma_wait3A_239 : memref<10240x128xf32, #tpu.memory_space<vmem_shared>>)
      tpu.yield
    }) : () -> ()
    %dma_start3A_183 = arith.constant 0 : i32
    %dma_start3A_184 = arith.constant 0 : i32
    %dma_start3A_185 = tpu.memref_slice %arg7[%dma_start3A_183, %dma_start3A_184] : memref<20x128xi32, #tpu.memory_space<vmem>> -> memref<1x128xi32, #tpu.memory_space<vmem>>
    %dma_start3A_186 = tpu.memref_squeeze %dma_start3A_185 : memref<1x128xi32, #tpu.memory_space<vmem>> -> memref<128xi32, #tpu.memory_space<vmem>>
    %dma_start3A_187 = arith.constant 0 : i32
    %dma_start3A_188 = arith.constant 0 : i32
    %dma_start3A_189 = tpu.memref_slice %arg2[%dma_start3A_187, %dma_start3A_188] : memref<10000x128xf32, #tpu.memory_space<hbm>> -> memref<10000x128xf32, #tpu.memory_space<hbm>>
    tpu.enqueue_indirect_dma source(%dma_start3A_189 : memref<10000x128xf32, #tpu.memory_space<hbm>>) target(%arg9 : memref<128x128xf32, #tpu.memory_space<vmem>>) offsets(%dma_start3A_186 : memref<128xi32, #tpu.memory_space<vmem>>) semaphore(%arg11 : memref<!tpu.dma_semaphore, #tpu.memory_space<semaphore_mem>>)
    %dma_wait3A_190 = arith.constant 19 : i32
    %dma_wait3A_191 = arith.constant 0 : i32
    %dma_wait3A_192 = tpu.memref_slice %arg6[%dma_wait3A_190, %dma_wait3A_191] : memref<20x128xi32, #tpu.memory_space<vmem>> -> memref<1x128xi32, #tpu.memory_space<vmem>>
    %dma_wait3A_193 = tpu.memref_squeeze %dma_wait3A_192 : memref<1x128xi32, #tpu.memory_space<vmem>> -> memref<128xi32, #tpu.memory_space<vmem>>
    %dma_wait3A_194 = arith.constant 0 : i32
    %dma_wait3A_195 = arith.constant 0 : i32
    %dma_wait3A_196 = tpu.memref_slice %arg2[%dma_wait3A_194, %dma_wait3A_195] : memref<10000x128xf32, #tpu.memory_space<hbm>> -> memref<10000x128xf32, #tpu.memory_space<hbm>>
    tpu.wait_indirect_dma semaphore(%arg12 : memref<!tpu.dma_semaphore, #tpu.memory_space<semaphore_mem>>) src(%dma_wait3A_196 : memref<10000x128xf32, #tpu.memory_space<hbm>>) dst(%arg10 : memref<128x128xf32, #tpu.memory_space<vmem>>)
    %run_scoped3A_197 = arith.constant 59 : i32
    "tpu.region"() ({
      %run_scoped3A_227 = tpu.sem_alloc : memref<!tpu.dma_semaphore, #tpu.memory_space<semaphore_mem>>
      %dma_start3A_228 = arith.constant 0 : i32
      %dma_start3A_229 = tpu.memref_slice %arg8[%run_scoped3A_197, %dma_start3A_228] : memref<80x128xi32, #tpu.memory_space<vmem>> -> memref<1x128xi32, #tpu.memory_space<vmem>>
      %dma_start3A_230 = tpu.memref_squeeze %dma_start3A_229 : memref<1x128xi32, #tpu.memory_space<vmem>> -> memref<128xi32, #tpu.memory_space<vmem>>
      %dma_start3A_231 = arith.constant 0 : i32
      %dma_start3A_232 = arith.constant 0 : i32
      %dma_start3A_233 = tpu.memref_slice %arg15[%dma_start3A_231, %dma_start3A_232] : memref<10240x128xf32, #tpu.memory_space<vmem_shared>> -> memref<10240x128xf32, #tpu.memory_space<vmem_shared>>
      tpu.enqueue_indirect_dma source(%arg10 : memref<128x128xf32, #tpu.memory_space<vmem>>) target(%dma_start3A_233 : memref<10240x128xf32, #tpu.memory_space<vmem_shared>>) offsets(%dma_start3A_230 : memref<128xi32, #tpu.memory_space<vmem>>) semaphore(%run_scoped3A_227 : memref<!tpu.dma_semaphore, #tpu.memory_space<semaphore_mem>>) {add = true}
      %dma_wait3A_234 = arith.constant 0 : i32
      %dma_wait3A_235 = tpu.memref_slice %arg8[%run_scoped3A_197, %dma_wait3A_234] : memref<80x128xi32, #tpu.memory_space<vmem>> -> memref<1x128xi32, #tpu.memory_space<vmem>>
      %dma_wait3A_236 = tpu.memref_squeeze %dma_wait3A_235 : memref<1x128xi32, #tpu.memory_space<vmem>> -> memref<128xi32, #tpu.memory_space<vmem>>
      %dma_wait3A_237 = arith.constant 0 : i32
      %dma_wait3A_238 = arith.constant 0 : i32
      %dma_wait3A_239 = tpu.memref_slice %arg15[%dma_wait3A_237, %dma_wait3A_238] : memref<10240x128xf32, #tpu.memory_space<vmem_shared>> -> memref<10240x128xf32, #tpu.memory_space<vmem_shared>>
      tpu.wait_indirect_dma semaphore(%run_scoped3A_227 : memref<!tpu.dma_semaphore, #tpu.memory_space<semaphore_mem>>) src(%arg10 : memref<128x128xf32, #tpu.memory_space<vmem>>) dst(%dma_wait3A_239 : memref<10240x128xf32, #tpu.memory_space<vmem_shared>>)
      tpu.yield
    }) : () -> ()
    %dma_start3A_198 = arith.constant 1 : i32
    %dma_start3A_199 = arith.constant 0 : i32
    %dma_start3A_200 = tpu.memref_slice %arg7[%dma_start3A_198, %dma_start3A_199] : memref<20x128xi32, #tpu.memory_space<vmem>> -> memref<1x128xi32, #tpu.memory_space<vmem>>
    %dma_start3A_201 = tpu.memref_squeeze %dma_start3A_200 : memref<1x128xi32, #tpu.memory_space<vmem>> -> memref<128xi32, #tpu.memory_space<vmem>>
    %dma_start3A_202 = arith.constant 0 : i32
    %dma_start3A_203 = arith.constant 0 : i32
    %dma_start3A_204 = tpu.memref_slice %arg2[%dma_start3A_202, %dma_start3A_203] : memref<10000x128xf32, #tpu.memory_space<hbm>> -> memref<10000x128xf32, #tpu.memory_space<hbm>>
    tpu.enqueue_indirect_dma source(%dma_start3A_204 : memref<10000x128xf32, #tpu.memory_space<hbm>>) target(%arg10 : memref<128x128xf32, #tpu.memory_space<vmem>>) offsets(%dma_start3A_201 : memref<128xi32, #tpu.memory_space<vmem>>) semaphore(%arg12 : memref<!tpu.dma_semaphore, #tpu.memory_space<semaphore_mem>>)
    %scan3A_205 = arith.constant 0 : i32
    %scan3A_206 = arith.constant 9 : i32
    %scan3A_207 = arith.addi %scan3A_205, %scan3A_206 : i32
    %scan3A_208 = arith.constant 1 : i32
    scf.for %scan3A_227 = %scan3A_205 to %scan3A_207 step %scan3A_208  : i32 {
      %mul3A_228 = arith.constant 1 : i32
      %mul3A_229 = arith.muli %scan3A_227, %mul3A_228 : i32
      %add3A_230 = arith.constant 0 : i32
      %add3A_231 = arith.addi %add3A_230, %mul3A_229 : i32
      %mul3A_232 = arith.constant 2 : i32
      %mul3A_233 = arith.muli %add3A_231, %mul3A_232 : i32
      %add3A_234 = arith.constant 0 : i32
      %add3A_235 = arith.addi %mul3A_233, %add3A_234 : i32
      %add3A_236 = arith.constant 60 : i32
      %add3A_237 = arith.addi %add3A_236, %add3A_235 : i32
      %dma_wait3A_238 = arith.constant 0 : i32
      %dma_wait3A_239 = tpu.memref_slice %arg7[%add3A_235, %dma_wait3A_238] : memref<20x128xi32, #tpu.memory_space<vmem>> -> memref<1x128xi32, #tpu.memory_space<vmem>>
      %dma_wait3A_240 = tpu.memref_squeeze %dma_wait3A_239 : memref<1x128xi32, #tpu.memory_space<vmem>> -> memref<128xi32, #tpu.memory_space<vmem>>
      %dma_wait3A_241 = arith.constant 0 : i32
      %dma_wait3A_242 = arith.constant 0 : i32
      %dma_wait3A_243 = tpu.memref_slice %arg2[%dma_wait3A_241, %dma_wait3A_242] : memref<10000x128xf32, #tpu.memory_space<hbm>> -> memref<10000x128xf32, #tpu.memory_space<hbm>>
      tpu.wait_indirect_dma semaphore(%arg11 : memref<!tpu.dma_semaphore, #tpu.memory_space<semaphore_mem>>) src(%dma_wait3A_243 : memref<10000x128xf32, #tpu.memory_space<hbm>>) dst(%arg9 : memref<128x128xf32, #tpu.memory_space<vmem>>)
      "tpu.region"() ({
        %run_scoped3A_272 = tpu.sem_alloc : memref<!tpu.dma_semaphore, #tpu.memory_space<semaphore_mem>>
        %dma_start3A_273 = arith.constant 0 : i32
        %dma_start3A_274 = tpu.memref_slice %arg8[%add3A_237, %dma_start3A_273] : memref<80x128xi32, #tpu.memory_space<vmem>> -> memref<1x128xi32, #tpu.memory_space<vmem>>
        %dma_start3A_275 = tpu.memref_squeeze %dma_start3A_274 : memref<1x128xi32, #tpu.memory_space<vmem>> -> memref<128xi32, #tpu.memory_space<vmem>>
        %dma_start3A_276 = arith.constant 0 : i32
        %dma_start3A_277 = arith.constant 0 : i32
        %dma_start3A_278 = tpu.memref_slice %arg15[%dma_start3A_276, %dma_start3A_277] : memref<10240x128xf32, #tpu.memory_space<vmem_shared>> -> memref<10240x128xf32, #tpu.memory_space<vmem_shared>>
        tpu.enqueue_indirect_dma source(%arg9 : memref<128x128xf32, #tpu.memory_space<vmem>>) target(%dma_start3A_278 : memref<10240x128xf32, #tpu.memory_space<vmem_shared>>) offsets(%dma_start3A_275 : memref<128xi32, #tpu.memory_space<vmem>>) semaphore(%run_scoped3A_272 : memref<!tpu.dma_semaphore, #tpu.memory_space<semaphore_mem>>) {add = true}
        %dma_wait3A_279 = arith.constant 0 : i32
        %dma_wait3A_280 = tpu.memref_slice %arg8[%add3A_237, %dma_wait3A_279] : memref<80x128xi32, #tpu.memory_space<vmem>> -> memref<1x128xi32, #tpu.memory_space<vmem>>
        %dma_wait3A_281 = tpu.memref_squeeze %dma_wait3A_280 : memref<1x128xi32, #tpu.memory_space<vmem>> -> memref<128xi32, #tpu.memory_space<vmem>>
        %dma_wait3A_282 = arith.constant 0 : i32
        %dma_wait3A_283 = arith.constant 0 : i32
        %dma_wait3A_284 = tpu.memref_slice %arg15[%dma_wait3A_282, %dma_wait3A_283] : memref<10240x128xf32, #tpu.memory_space<vmem_shared>> -> memref<10240x128xf32, #tpu.memory_space<vmem_shared>>
        tpu.wait_indirect_dma semaphore(%run_scoped3A_272 : memref<!tpu.dma_semaphore, #tpu.memory_space<semaphore_mem>>) src(%arg9 : memref<128x128xf32, #tpu.memory_space<vmem>>) dst(%dma_wait3A_284 : memref<10240x128xf32, #tpu.memory_space<vmem_shared>>)
        tpu.yield
      }) : () -> ()
      %add3A_244 = arith.constant 2 : i32
      %add3A_245 = arith.addi %add3A_235, %add3A_244 : i32
      %dma_start3A_246 = arith.constant 0 : i32
      %dma_start3A_247 = tpu.memref_slice %arg7[%add3A_245, %dma_start3A_246] : memref<20x128xi32, #tpu.memory_space<vmem>> -> memref<1x128xi32, #tpu.memory_space<vmem>>
      %dma_start3A_248 = tpu.memref_squeeze %dma_start3A_247 : memref<1x128xi32, #tpu.memory_space<vmem>> -> memref<128xi32, #tpu.memory_space<vmem>>
      %dma_start3A_249 = arith.constant 0 : i32
      %dma_start3A_250 = arith.constant 0 : i32
      %dma_start3A_251 = tpu.memref_slice %arg2[%dma_start3A_249, %dma_start3A_250] : memref<10000x128xf32, #tpu.memory_space<hbm>> -> memref<10000x128xf32, #tpu.memory_space<hbm>>
      tpu.enqueue_indirect_dma source(%dma_start3A_251 : memref<10000x128xf32, #tpu.memory_space<hbm>>) target(%arg9 : memref<128x128xf32, #tpu.memory_space<vmem>>) offsets(%dma_start3A_248 : memref<128xi32, #tpu.memory_space<vmem>>) semaphore(%arg11 : memref<!tpu.dma_semaphore, #tpu.memory_space<semaphore_mem>>)
      %mul3A_252 = arith.constant 2 : i32
      %mul3A_253 = arith.muli %add3A_231, %mul3A_252 : i32
      %add3A_254 = arith.constant 1 : i32
      %add3A_255 = arith.addi %mul3A_253, %add3A_254 : i32
      %add3A_256 = arith.constant 60 : i32
      %add3A_257 = arith.addi %add3A_256, %add3A_255 : i32
      %dma_wait3A_258 = arith.constant 0 : i32
      %dma_wait3A_259 = tpu.memref_slice %arg7[%add3A_255, %dma_wait3A_258] : memref<20x128xi32, #tpu.memory_space<vmem>> -> memref<1x128xi32, #tpu.memory_space<vmem>>
      %dma_wait3A_260 = tpu.memref_squeeze %dma_wait3A_259 : memref<1x128xi32, #tpu.memory_space<vmem>> -> memref<128xi32, #tpu.memory_space<vmem>>
      %dma_wait3A_261 = arith.constant 0 : i32
      %dma_wait3A_262 = arith.constant 0 : i32
      %dma_wait3A_263 = tpu.memref_slice %arg2[%dma_wait3A_261, %dma_wait3A_262] : memref<10000x128xf32, #tpu.memory_space<hbm>> -> memref<10000x128xf32, #tpu.memory_space<hbm>>
      tpu.wait_indirect_dma semaphore(%arg12 : memref<!tpu.dma_semaphore, #tpu.memory_space<semaphore_mem>>) src(%dma_wait3A_263 : memref<10000x128xf32, #tpu.memory_space<hbm>>) dst(%arg10 : memref<128x128xf32, #tpu.memory_space<vmem>>)
      "tpu.region"() ({
        %run_scoped3A_272 = tpu.sem_alloc : memref<!tpu.dma_semaphore, #tpu.memory_space<semaphore_mem>>
        %dma_start3A_273 = arith.constant 0 : i32
        %dma_start3A_274 = tpu.memref_slice %arg8[%add3A_257, %dma_start3A_273] : memref<80x128xi32, #tpu.memory_space<vmem>> -> memref<1x128xi32, #tpu.memory_space<vmem>>
        %dma_start3A_275 = tpu.memref_squeeze %dma_start3A_274 : memref<1x128xi32, #tpu.memory_space<vmem>> -> memref<128xi32, #tpu.memory_space<vmem>>
        %dma_start3A_276 = arith.constant 0 : i32
        %dma_start3A_277 = arith.constant 0 : i32
        %dma_start3A_278 = tpu.memref_slice %arg15[%dma_start3A_276, %dma_start3A_277] : memref<10240x128xf32, #tpu.memory_space<vmem_shared>> -> memref<10240x128xf32, #tpu.memory_space<vmem_shared>>
        tpu.enqueue_indirect_dma source(%arg10 : memref<128x128xf32, #tpu.memory_space<vmem>>) target(%dma_start3A_278 : memref<10240x128xf32, #tpu.memory_space<vmem_shared>>) offsets(%dma_start3A_275 : memref<128xi32, #tpu.memory_space<vmem>>) semaphore(%run_scoped3A_272 : memref<!tpu.dma_semaphore, #tpu.memory_space<semaphore_mem>>) {add = true}
        %dma_wait3A_279 = arith.constant 0 : i32
        %dma_wait3A_280 = tpu.memref_slice %arg8[%add3A_257, %dma_wait3A_279] : memref<80x128xi32, #tpu.memory_space<vmem>> -> memref<1x128xi32, #tpu.memory_space<vmem>>
        %dma_wait3A_281 = tpu.memref_squeeze %dma_wait3A_280 : memref<1x128xi32, #tpu.memory_space<vmem>> -> memref<128xi32, #tpu.memory_space<vmem>>
        %dma_wait3A_282 = arith.constant 0 : i32
        %dma_wait3A_283 = arith.constant 0 : i32
        %dma_wait3A_284 = tpu.memref_slice %arg15[%dma_wait3A_282, %dma_wait3A_283] : memref<10240x128xf32, #tpu.memory_space<vmem_shared>> -> memref<10240x128xf32, #tpu.memory_space<vmem_shared>>
        tpu.wait_indirect_dma semaphore(%run_scoped3A_272 : memref<!tpu.dma_semaphore, #tpu.memory_space<semaphore_mem>>) src(%arg10 : memref<128x128xf32, #tpu.memory_space<vmem>>) dst(%dma_wait3A_284 : memref<10240x128xf32, #tpu.memory_space<vmem_shared>>)
        tpu.yield
      }) : () -> ()
      %add3A_264 = arith.constant 2 : i32
      %add3A_265 = arith.addi %add3A_255, %add3A_264 : i32
      %dma_start3A_266 = arith.constant 0 : i32
      %dma_start3A_267 = tpu.memref_slice %arg7[%add3A_265, %dma_start3A_266] : memref<20x128xi32, #tpu.memory_space<vmem>> -> memref<1x128xi32, #tpu.memory_space<vmem>>
      %dma_start3A_268 = tpu.memref_squeeze %dma_start3A_267 : memref<1x128xi32, #tpu.memory_space<vmem>> -> memref<128xi32, #tpu.memory_space<vmem>>
      %dma_start3A_269 = arith.constant 0 : i32
      %dma_start3A_270 = arith.constant 0 : i32
      %dma_start3A_271 = tpu.memref_slice %arg2[%dma_start3A_269, %dma_start3A_270] : memref<10000x128xf32, #tpu.memory_space<hbm>> -> memref<10000x128xf32, #tpu.memory_space<hbm>>
      tpu.enqueue_indirect_dma source(%dma_start3A_271 : memref<10000x128xf32, #tpu.memory_space<hbm>>) target(%arg10 : memref<128x128xf32, #tpu.memory_space<vmem>>) offsets(%dma_start3A_268 : memref<128xi32, #tpu.memory_space<vmem>>) semaphore(%arg12 : memref<!tpu.dma_semaphore, #tpu.memory_space<semaphore_mem>>)
    }
    %scan3A_209 = arith.constant 9 : i32
    %dma_wait3A_210 = arith.constant 18 : i32
    %dma_wait3A_211 = arith.constant 0 : i32
    %dma_wait3A_212 = tpu.memref_slice %arg7[%dma_wait3A_210, %dma_wait3A_211] : memref<20x128xi32, #tpu.memory_space<vmem>> -> memref<1x128xi32, #tpu.memory_space<vmem>>
    %dma_wait3A_213 = tpu.memref_squeeze %dma_wait3A_212 : memref<1x128xi32, #tpu.memory_space<vmem>> -> memref<128xi32, #tpu.memory_space<vmem>>
    %dma_wait3A_214 = arith.constant 0 : i32
    %dma_wait3A_215 = arith.constant 0 : i32
    %dma_wait3A_216 = tpu.memref_slice %arg2[%dma_wait3A_214, %dma_wait3A_215] : memref<10000x128xf32, #tpu.memory_space<hbm>> -> memref<10000x128xf32, #tpu.memory_space<hbm>>
    tpu.wait_indirect_dma semaphore(%arg11 : memref<!tpu.dma_semaphore, #tpu.memory_space<semaphore_mem>>) src(%dma_wait3A_216 : memref<10000x128xf32, #tpu.memory_space<hbm>>) dst(%arg9 : memref<128x128xf32, #tpu.memory_space<vmem>>)
    %run_scoped3A_217 = arith.constant 78 : i32
    "tpu.region"() ({
      %run_scoped3A_227 = tpu.sem_alloc : memref<!tpu.dma_semaphore, #tpu.memory_space<semaphore_mem>>
      %dma_start3A_228 = arith.constant 0 : i32
      %dma_start3A_229 = tpu.memref_slice %arg8[%run_scoped3A_217, %dma_start3A_228] : memref<80x128xi32, #tpu.memory_space<vmem>> -> memref<1x128xi32, #tpu.memory_space<vmem>>
      %dma_start3A_230 = tpu.memref_squeeze %dma_start3A_229 : memref<1x128xi32, #tpu.memory_space<vmem>> -> memref<128xi32, #tpu.memory_space<vmem>>
      %dma_start3A_231 = arith.constant 0 : i32
      %dma_start3A_232 = arith.constant 0 : i32
      %dma_start3A_233 = tpu.memref_slice %arg15[%dma_start3A_231, %dma_start3A_232] : memref<10240x128xf32, #tpu.memory_space<vmem_shared>> -> memref<10240x128xf32, #tpu.memory_space<vmem_shared>>
      tpu.enqueue_indirect_dma source(%arg9 : memref<128x128xf32, #tpu.memory_space<vmem>>) target(%dma_start3A_233 : memref<10240x128xf32, #tpu.memory_space<vmem_shared>>) offsets(%dma_start3A_230 : memref<128xi32, #tpu.memory_space<vmem>>) semaphore(%run_scoped3A_227 : memref<!tpu.dma_semaphore, #tpu.memory_space<semaphore_mem>>) {add = true}
      %dma_wait3A_234 = arith.constant 0 : i32
      %dma_wait3A_235 = tpu.memref_slice %arg8[%run_scoped3A_217, %dma_wait3A_234] : memref<80x128xi32, #tpu.memory_space<vmem>> -> memref<1x128xi32, #tpu.memory_space<vmem>>
      %dma_wait3A_236 = tpu.memref_squeeze %dma_wait3A_235 : memref<1x128xi32, #tpu.memory_space<vmem>> -> memref<128xi32, #tpu.memory_space<vmem>>
      %dma_wait3A_237 = arith.constant 0 : i32
      %dma_wait3A_238 = arith.constant 0 : i32
      %dma_wait3A_239 = tpu.memref_slice %arg15[%dma_wait3A_237, %dma_wait3A_238] : memref<10240x128xf32, #tpu.memory_space<vmem_shared>> -> memref<10240x128xf32, #tpu.memory_space<vmem_shared>>
      tpu.wait_indirect_dma semaphore(%run_scoped3A_227 : memref<!tpu.dma_semaphore, #tpu.memory_space<semaphore_mem>>) src(%arg9 : memref<128x128xf32, #tpu.memory_space<vmem>>) dst(%dma_wait3A_239 : memref<10240x128xf32, #tpu.memory_space<vmem_shared>>)
      tpu.yield
    }) : () -> ()
    %dma_wait3A_218 = arith.constant 19 : i32
    %dma_wait3A_219 = arith.constant 0 : i32
    %dma_wait3A_220 = tpu.memref_slice %arg7[%dma_wait3A_218, %dma_wait3A_219] : memref<20x128xi32, #tpu.memory_space<vmem>> -> memref<1x128xi32, #tpu.memory_space<vmem>>
    %dma_wait3A_221 = tpu.memref_squeeze %dma_wait3A_220 : memref<1x128xi32, #tpu.memory_space<vmem>> -> memref<128xi32, #tpu.memory_space<vmem>>
    %dma_wait3A_222 = arith.constant 0 : i32
    %dma_wait3A_223 = arith.constant 0 : i32
    %dma_wait3A_224 = tpu.memref_slice %arg2[%dma_wait3A_222, %dma_wait3A_223] : memref<10000x128xf32, #tpu.memory_space<hbm>> -> memref<10000x128xf32, #tpu.memory_space<hbm>>
    tpu.wait_indirect_dma semaphore(%arg12 : memref<!tpu.dma_semaphore, #tpu.memory_space<semaphore_mem>>) src(%dma_wait3A_224 : memref<10000x128xf32, #tpu.memory_space<hbm>>) dst(%arg10 : memref<128x128xf32, #tpu.memory_space<vmem>>)
    %run_scoped3A_225 = arith.constant 79 : i32
    "tpu.region"() ({
      %run_scoped3A_227 = tpu.sem_alloc : memref<!tpu.dma_semaphore, #tpu.memory_space<semaphore_mem>>
      %dma_start3A_228 = arith.constant 0 : i32
      %dma_start3A_229 = tpu.memref_slice %arg8[%run_scoped3A_225, %dma_start3A_228] : memref<80x128xi32, #tpu.memory_space<vmem>> -> memref<1x128xi32, #tpu.memory_space<vmem>>
      %dma_start3A_230 = tpu.memref_squeeze %dma_start3A_229 : memref<1x128xi32, #tpu.memory_space<vmem>> -> memref<128xi32, #tpu.memory_space<vmem>>
      %dma_start3A_231 = arith.constant 0 : i32
      %dma_start3A_232 = arith.constant 0 : i32
      %dma_start3A_233 = tpu.memref_slice %arg15[%dma_start3A_231, %dma_start3A_232] : memref<10240x128xf32, #tpu.memory_space<vmem_shared>> -> memref<10240x128xf32, #tpu.memory_space<vmem_shared>>
      tpu.enqueue_indirect_dma source(%arg10 : memref<128x128xf32, #tpu.memory_space<vmem>>) target(%dma_start3A_233 : memref<10240x128xf32, #tpu.memory_space<vmem_shared>>) offsets(%dma_start3A_230 : memref<128xi32, #tpu.memory_space<vmem>>) semaphore(%run_scoped3A_227 : memref<!tpu.dma_semaphore, #tpu.memory_space<semaphore_mem>>) {add = true}
      %dma_wait3A_234 = arith.constant 0 : i32
      %dma_wait3A_235 = tpu.memref_slice %arg8[%run_scoped3A_225, %dma_wait3A_234] : memref<80x128xi32, #tpu.memory_space<vmem>> -> memref<1x128xi32, #tpu.memory_space<vmem>>
      %dma_wait3A_236 = tpu.memref_squeeze %dma_wait3A_235 : memref<1x128xi32, #tpu.memory_space<vmem>> -> memref<128xi32, #tpu.memory_space<vmem>>
      %dma_wait3A_237 = arith.constant 0 : i32
      %dma_wait3A_238 = arith.constant 0 : i32
      %dma_wait3A_239 = tpu.memref_slice %arg15[%dma_wait3A_237, %dma_wait3A_238] : memref<10240x128xf32, #tpu.memory_space<vmem_shared>> -> memref<10240x128xf32, #tpu.memory_space<vmem_shared>>
      tpu.wait_indirect_dma semaphore(%run_scoped3A_227 : memref<!tpu.dma_semaphore, #tpu.memory_space<semaphore_mem>>) src(%arg10 : memref<128x128xf32, #tpu.memory_space<vmem>>) dst(%dma_wait3A_239 : memref<10240x128xf32, #tpu.memory_space<vmem_shared>>)
      tpu.yield
    }) : () -> ()
    %barrier3A_226 = arith.constant 0 : index
    tpu.barrier barrier_id(%barrier3A_226)
    "tpu.region"() ({
      %run_scoped3A_227 = tpu.sem_alloc : memref<!tpu.dma_semaphore, #tpu.memory_space<semaphore_mem>>
      %dma_start3A_228 = arith.constant 0 : i32
      %dma_start3A_229 = tpu.memref_slice %arg5[%arg0, %mul3A_2, %dma_start3A_228] : memref<2x10240x128xf32, #tpu.memory_space<hbm>> -> memref<1x640x128xf32, #tpu.memory_space<hbm>>
      %dma_start3A_230 = tpu.memref_squeeze %dma_start3A_229 : memref<1x640x128xf32, #tpu.memory_space<hbm>> -> memref<640x128xf32, #tpu.memory_space<hbm>>
      %dma_start3A_231 = arith.constant 0 : i32
      %dma_start3A_232 = tpu.memref_slice %arg15[%mul3A_2, %dma_start3A_231] : memref<10240x128xf32, #tpu.memory_space<vmem_shared>> -> memref<640x128xf32, #tpu.memory_space<vmem_shared>>
      tpu.enqueue_dma source(%dma_start3A_232 : memref<640x128xf32, #tpu.memory_space<vmem_shared>>) target(%dma_start3A_230 : memref<640x128xf32, #tpu.memory_space<hbm>>) target_semaphore(%run_scoped3A_227 : memref<!tpu.dma_semaphore, #tpu.memory_space<semaphore_mem>>)
      %dma_wait3A_233 = arith.constant 0 : i32
      %dma_wait3A_234 = tpu.memref_slice %arg5[%arg0, %mul3A_2, %dma_wait3A_233] : memref<2x10240x128xf32, #tpu.memory_space<hbm>> -> memref<1x640x128xf32, #tpu.memory_space<hbm>>
      %dma_wait3A_235 = tpu.memref_squeeze %dma_wait3A_234 : memref<1x640x128xf32, #tpu.memory_space<hbm>> -> memref<640x128xf32, #tpu.memory_space<hbm>>
      %dma_wait3A_236 = arith.constant 0 : i32
      %dma_wait3A_237 = tpu.memref_slice %arg15[%mul3A_2, %dma_wait3A_236] : memref<10240x128xf32, #tpu.memory_space<vmem_shared>> -> memref<640x128xf32, #tpu.memory_space<vmem_shared>>
      tpu.wait_dma2 semaphore(%run_scoped3A_227 : memref<!tpu.dma_semaphore, #tpu.memory_space<semaphore_mem>>) src(%dma_wait3A_237 : memref<640x128xf32, #tpu.memory_space<vmem_shared>>) dst(%dma_wait3A_235 : memref<640x128xf32, #tpu.memory_space<hbm>>)
      tpu.yield
    }) : () -> ()
    return
  }
}

module attributes {stable_mosaic.version = 14 : i64} {
  func.func @_mm1_body(%arg0: i32, %arg1: memref<1000x128xf32, #tpu.memory_space<vmem>>, %arg2: memref<128x128xf32, #tpu.memory_space<vmem>>, %arg3: memref<1000x128xf32, #tpu.memory_space<vmem>>, %arg4: memref<1000x128xf32, #tpu.memory_space<vmem>>, %arg5: memref<1000x128xf32, #tpu.memory_space<vmem>>) attributes {dimension_semantics = [#tpu.dimension_semantics<arbitrary>], iteration_bounds = array<i64: 10>, scalar_prefetch = 0 : i64, scratch_operands = 0 : i64, tpu.core_type = #tpu.core_type<tc>, window_params = [{transform_indices = @transform_0, window_bounds = array<i64: 1000, 128>}, {pipeline_mode = #tpu.pipeline_mode<synchronous>, transform_indices = @transform_1, window_bounds = array<i64: 128, 128>}, {transform_indices = @transform_2, window_bounds = array<i64: 1000, 128>}, {transform_indices = @transform_3, window_bounds = array<i64: 1000, 128>}, {transform_indices = @transform_4, window_bounds = array<i64: 1000, 128>}]} {
    %get3A = arith.constant 0 : index
    %get3A_0 = arith.constant 0 : index
    %get3A_1 = vector.load %arg3[%get3A, %get3A_0] : memref<1000x128xf32, #tpu.memory_space<vmem>>, vector<1000x128xf32>
    %get3A_2 = arith.constant 0 : index
    %get3A_3 = arith.constant 0 : index
    %get3A_4 = vector.load %arg4[%get3A_2, %get3A_3] : memref<1000x128xf32, #tpu.memory_space<vmem>>, vector<1000x128xf32>
    %slice3A = vector.extract_strided_slice %get3A_1 {offsets = [0, 0], sizes = [1000, 1], strides = [1, 1]} : vector<1000x128xf32> to vector<1000x1xf32>
    %slice3A_5 = vector.extract_strided_slice %get3A_4 {offsets = [0, 0], sizes = [1000, 1], strides = [1, 1]} : vector<1000x128xf32> to vector<1000x1xf32>
    %add3A = arith.addf %slice3A, %slice3A_5 : vector<1000x1xf32>
    %add3A_6 = arith.constant 1.000000e+00 : f32
    %add3A_7 = vector.broadcast %add3A_6 : f32 to vector<1000x1xf32>
    %add3A_8 = arith.addf %add3A, %add3A_7 : vector<1000x1xf32>
    %rsqrt3A = math.rsqrt %add3A_8 : vector<1000x1xf32>
    %get3A_9 = arith.constant 0 : index
    %get3A_10 = arith.constant 0 : index
    %get3A_11 = vector.load %arg1[%get3A_9, %get3A_10] : memref<1000x128xf32, #tpu.memory_space<vmem>>, vector<1000x128xf32>
    %get3A_12 = arith.constant 0 : index
    %get3A_13 = arith.constant 0 : index
    %get3A_14 = vector.load %arg2[%get3A_12, %get3A_13] : memref<128x128xf32, #tpu.memory_space<vmem>>, vector<128x128xf32>
    %dot_general3A = arith.constant dense<0.000000e+00> : vector<1000x128xf32>
    %dot_general3A_15 = tpu.matmul %get3A_11, %get3A_14, %dot_general3A {dimension_numbers = #tpu.dot_dimension_numbers<[1], [0], [0], [1], [0, 0, 1, 1], [], []>, transpose_lhs_hint = false} : vector<1000x128xf32>, vector<128x128xf32>, vector<1000x128xf32> -> vector<1000x128xf32>
    %mul3A = vector.broadcast %rsqrt3A : vector<1000x1xf32> to vector<1000x128xf32>
    %mul3A_16 = arith.mulf %dot_general3A_15, %mul3A : vector<1000x128xf32>
    %swap3A = arith.constant 0 : index
    %swap3A_17 = arith.constant 0 : index
    %swap3A_18 = vector.load %arg5[%swap3A, %swap3A_17] : memref<1000x128xf32, #tpu.memory_space<vmem>>, vector<1000x128xf32>
    tpu.vector_store %arg5[%swap3A, %swap3A_17], %mul3A_16 {strides = array<i32>} : memref<1000x128xf32, #tpu.memory_space<vmem>>, vector<1000x128xf32>,
    return
  }
  func.func @transform_0(%arg0: i32) -> (i32, i32) {
    %c0_i32 = arith.constant 0 : i32
    %c0_i32_0 = arith.constant 0 : i32
    return %arg0, %c0_i32 : i32, i32
  }
  func.func @transform_1(%arg0: i32) -> (i32, i32) {
    %c0_i32 = arith.constant 0 : i32
    %c0_i32_0 = arith.constant 0 : i32
    %c0_i32_1 = arith.constant 0 : i32
    return %c0_i32, %c0_i32_0 : i32, i32
  }
  func.func @transform_2(%arg0: i32) -> (i32, i32) {
    %c0_i32 = arith.constant 0 : i32
    %c0_i32_0 = arith.constant 0 : i32
    return %arg0, %c0_i32 : i32, i32
  }
  func.func @transform_3(%arg0: i32) -> (i32, i32) {
    %c0_i32 = arith.constant 0 : i32
    %c0_i32_0 = arith.constant 0 : i32
    return %arg0, %c0_i32 : i32, i32
  }
  func.func @transform_4(%arg0: i32) -> (i32, i32) {
    %c0_i32 = arith.constant 0 : i32
    %c0_i32_0 = arith.constant 0 : i32
    return %arg0, %c0_i32 : i32, i32
  }
}

module attributes {stable_mosaic.version = 14 : i64} {
  func.func @_mm2_body(%arg0: i32, %arg1: memref<1000x128xf32, #tpu.memory_space<vmem>>, %arg2: memref<1000x128xf32, #tpu.memory_space<vmem>>, %arg3: memref<1000x128xf32, #tpu.memory_space<vmem>>, %arg4: memref<1000x128xf32, #tpu.memory_space<vmem>>, %arg5: memref<1000x128xf32, #tpu.memory_space<vmem>>, %arg6: memref<128x128xf32, #tpu.memory_space<vmem>>, %arg7: memref<1x128xf32, #tpu.memory_space<vmem>>, %arg8: memref<1000x128xf32, #tpu.memory_space<vmem>>) attributes {dimension_semantics = [#tpu.dimension_semantics<arbitrary>], iteration_bounds = array<i64: 10>, scalar_prefetch = 0 : i64, scratch_operands = 0 : i64, tpu.core_type = #tpu.core_type<tc>, window_params = [{transform_indices = @transform_0, window_bounds = array<i64: 1000, 128>}, {transform_indices = @transform_1, window_bounds = array<i64: 1000, 128>}, {transform_indices = @transform_2, window_bounds = array<i64: 1000, 128>}, {transform_indices = @transform_3, window_bounds = array<i64: 1000, 128>}, {transform_indices = @transform_4, window_bounds = array<i64: 1000, 128>}, {pipeline_mode = #tpu.pipeline_mode<synchronous>, transform_indices = @transform_5, window_bounds = array<i64: 128, 128>}, {pipeline_mode = #tpu.pipeline_mode<synchronous>, transform_indices = @transform_6, window_bounds = array<i64: 1, 128>}, {transform_indices = @transform_7, window_bounds = array<i64: 1000, 128>}]} {
    %get3A = arith.constant 0 : index
    %get3A_0 = arith.constant 0 : index
    %get3A_1 = vector.load %arg4[%get3A, %get3A_0] : memref<1000x128xf32, #tpu.memory_space<vmem>>, vector<1000x128xf32>
    %get3A_2 = arith.constant 0 : index
    %get3A_3 = arith.constant 0 : index
    %get3A_4 = vector.load %arg5[%get3A_2, %get3A_3] : memref<1000x128xf32, #tpu.memory_space<vmem>>, vector<1000x128xf32>
    %slice3A = vector.extract_strided_slice %get3A_1 {offsets = [0, 0], sizes = [1000, 1], strides = [1, 1]} : vector<1000x128xf32> to vector<1000x1xf32>
    %slice3A_5 = vector.extract_strided_slice %get3A_4 {offsets = [0, 0], sizes = [1000, 1], strides = [1, 1]} : vector<1000x128xf32> to vector<1000x1xf32>
    %add3A = arith.addf %slice3A, %slice3A_5 : vector<1000x1xf32>
    %add3A_6 = arith.constant 1.000000e+00 : f32
    %add3A_7 = vector.broadcast %add3A_6 : f32 to vector<1000x1xf32>
    %add3A_8 = arith.addf %add3A, %add3A_7 : vector<1000x1xf32>
    %rsqrt3A = math.rsqrt %add3A_8 : vector<1000x1xf32>
    %get3A_9 = arith.constant 0 : index
    %get3A_10 = arith.constant 0 : index
    %get3A_11 = vector.load %arg1[%get3A_9, %get3A_10] : memref<1000x128xf32, #tpu.memory_space<vmem>>, vector<1000x128xf32>
    %get3A_12 = arith.constant 0 : index
    %get3A_13 = arith.constant 0 : index
    %get3A_14 = vector.load %arg2[%get3A_12, %get3A_13] : memref<1000x128xf32, #tpu.memory_space<vmem>>, vector<1000x128xf32>
    %add3A_15 = arith.addf %get3A_11, %get3A_14 : vector<1000x128xf32>
    %get3A_16 = arith.constant 0 : index
    %get3A_17 = arith.constant 0 : index
    %get3A_18 = vector.load %arg3[%get3A_16, %get3A_17] : memref<1000x128xf32, #tpu.memory_space<vmem>>, vector<1000x128xf32>
    %add3A_19 = arith.addf %add3A_15, %get3A_18 : vector<1000x128xf32>
    %mul3A = vector.broadcast %rsqrt3A : vector<1000x1xf32> to vector<1000x128xf32>
    %mul3A_20 = arith.mulf %mul3A, %add3A_19 : vector<1000x128xf32>
    %get3A_21 = arith.constant 0 : index
    %get3A_22 = arith.constant 0 : index
    %get3A_23 = vector.load %arg7[%get3A_21, %get3A_22] : memref<1x128xf32, #tpu.memory_space<vmem>>, vector<1x128xf32>
    %add3A_24 = vector.broadcast %get3A_23 : vector<1x128xf32> to vector<1000x128xf32>
    %add3A_25 = arith.addf %mul3A_20, %add3A_24 : vector<1000x128xf32>
    %max3A = arith.constant 0.000000e+00 : f32
    %max3A_26 = vector.broadcast %max3A : f32 to vector<1000x128xf32>
    %max3A_27 = arith.maximumf %add3A_25, %max3A_26 : vector<1000x128xf32>
    %get3A_28 = arith.constant 0 : index
    %get3A_29 = arith.constant 0 : index
    %get3A_30 = vector.load %arg6[%get3A_28, %get3A_29] : memref<128x128xf32, #tpu.memory_space<vmem>>, vector<128x128xf32>
    %dot_general3A = arith.constant dense<0.000000e+00> : vector<1000x128xf32>
    %dot_general3A_31 = tpu.matmul %max3A_27, %get3A_30, %dot_general3A {dimension_numbers = #tpu.dot_dimension_numbers<[1], [0], [0], [1], [0, 0, 1, 1], [], []>, transpose_lhs_hint = false} : vector<1000x128xf32>, vector<128x128xf32>, vector<1000x128xf32> -> vector<1000x128xf32>
    %mul3A_32 = vector.broadcast %rsqrt3A : vector<1000x1xf32> to vector<1000x128xf32>
    %mul3A_33 = arith.mulf %dot_general3A_31, %mul3A_32 : vector<1000x128xf32>
    %swap3A = arith.constant 0 : index
    %swap3A_34 = arith.constant 0 : index
    %swap3A_35 = vector.load %arg8[%swap3A, %swap3A_34] : memref<1000x128xf32, #tpu.memory_space<vmem>>, vector<1000x128xf32>
    tpu.vector_store %arg8[%swap3A, %swap3A_34], %mul3A_33 {strides = array<i32>} : memref<1000x128xf32, #tpu.memory_space<vmem>>, vector<1000x128xf32>,
    return
  }
  func.func @transform_0(%arg0: i32) -> (i32, i32) {
    %c0_i32 = arith.constant 0 : i32
    %c0_i32_0 = arith.constant 0 : i32
    return %arg0, %c0_i32 : i32, i32
  }
  func.func @transform_1(%arg0: i32) -> (i32, i32) {
    %c0_i32 = arith.constant 0 : i32
    %c0_i32_0 = arith.constant 0 : i32
    return %arg0, %c0_i32 : i32, i32
  }
  func.func @transform_2(%arg0: i32) -> (i32, i32) {
    %c0_i32 = arith.constant 0 : i32
    %c0_i32_0 = arith.constant 0 : i32
    return %arg0, %c0_i32 : i32, i32
  }
  func.func @transform_3(%arg0: i32) -> (i32, i32) {
    %c0_i32 = arith.constant 0 : i32
    %c0_i32_0 = arith.constant 0 : i32
    return %arg0, %c0_i32 : i32, i32
  }
  func.func @transform_4(%arg0: i32) -> (i32, i32) {
    %c0_i32 = arith.constant 0 : i32
    %c0_i32_0 = arith.constant 0 : i32
    return %arg0, %c0_i32 : i32, i32
  }
  func.func @transform_5(%arg0: i32) -> (i32, i32) {
    %c0_i32 = arith.constant 0 : i32
    %c0_i32_0 = arith.constant 0 : i32
    %c0_i32_1 = arith.constant 0 : i32
    return %c0_i32, %c0_i32_0 : i32, i32
  }
  func.func @transform_6(%arg0: i32) -> (i32, i32) {
    %c0_i32 = arith.constant 0 : i32
    %c0_i32_0 = arith.constant 0 : i32
    %c0_i32_1 = arith.constant 0 : i32
    return %c0_i32, %c0_i32_0 : i32, i32
  }
  func.func @transform_7(%arg0: i32) -> (i32, i32) {
    %c0_i32 = arith.constant 0 : i32
    %c0_i32_0 = arith.constant 0 : i32
    return %arg0, %c0_i32 : i32, i32
  }
}

module attributes {stable_mosaic.version = 14 : i64} {
  func.func @_fin_body(%arg0: i32, %arg1: memref<1000x128xf32, #tpu.memory_space<vmem>>, %arg2: memref<1000x128xf32, #tpu.memory_space<vmem>>, %arg3: memref<1000x128xf32, #tpu.memory_space<vmem>>, %arg4: memref<1000x128xf32, #tpu.memory_space<vmem>>, %arg5: memref<1000x128xf32, #tpu.memory_space<vmem>>, %arg6: memref<1x128xf32, #tpu.memory_space<vmem>>, %arg7: memref<128x64xf32, #tpu.memory_space<vmem>>, %arg8: memref<1x64xf32, #tpu.memory_space<vmem>>, %arg9: memref<64x16xf32, #tpu.memory_space<vmem>>, %arg10: memref<1x16xf32, #tpu.memory_space<vmem>>, %arg11: memref<1x16xf32, #tpu.memory_space<vmem>>, %arg12: memref<1x128xf32, #tpu.memory_space<vmem>>) attributes {dimension_semantics = [#tpu.dimension_semantics<arbitrary>], iteration_bounds = array<i64: 10>, scalar_prefetch = 0 : i64, scratch_operands = 1 : i64, tpu.core_type = #tpu.core_type<tc>, window_params = [{transform_indices = @transform_0, window_bounds = array<i64: 1000, 128>}, {transform_indices = @transform_1, window_bounds = array<i64: 1000, 128>}, {transform_indices = @transform_2, window_bounds = array<i64: 1000, 128>}, {transform_indices = @transform_3, window_bounds = array<i64: 1000, 128>}, {transform_indices = @transform_4, window_bounds = array<i64: 1000, 128>}, {pipeline_mode = #tpu.pipeline_mode<synchronous>, transform_indices = @transform_5, window_bounds = array<i64: 1, 128>}, {pipeline_mode = #tpu.pipeline_mode<synchronous>, transform_indices = @transform_6, window_bounds = array<i64: 128, 64>}, {pipeline_mode = #tpu.pipeline_mode<synchronous>, transform_indices = @transform_7, window_bounds = array<i64: 1, 64>}, {pipeline_mode = #tpu.pipeline_mode<synchronous>, transform_indices = @transform_8, window_bounds = array<i64: 64, 16>}, {pipeline_mode = #tpu.pipeline_mode<synchronous>, transform_indices = @transform_9, window_bounds = array<i64: 1, 16>}, {pipeline_mode = #tpu.pipeline_mode<synchronous>, transform_indices = @transform_10, window_bounds = array<i64: 1, 16>}]} {
    %get3A = arith.constant 0 : index
    %get3A_0 = arith.constant 0 : index
    %get3A_1 = vector.load %arg4[%get3A, %get3A_0] : memref<1000x128xf32, #tpu.memory_space<vmem>>, vector<1000x128xf32>
    %get3A_2 = arith.constant 0 : index
    %get3A_3 = arith.constant 0 : index
    %get3A_4 = vector.load %arg5[%get3A_2, %get3A_3] : memref<1000x128xf32, #tpu.memory_space<vmem>>, vector<1000x128xf32>
    %slice3A = vector.extract_strided_slice %get3A_1 {offsets = [0, 0], sizes = [1000, 1], strides = [1, 1]} : vector<1000x128xf32> to vector<1000x1xf32>
    %slice3A_5 = vector.extract_strided_slice %get3A_4 {offsets = [0, 0], sizes = [1000, 1], strides = [1, 1]} : vector<1000x128xf32> to vector<1000x1xf32>
    %add3A = arith.addf %slice3A, %slice3A_5 : vector<1000x1xf32>
    %add3A_6 = arith.constant 1.000000e+00 : f32
    %add3A_7 = vector.broadcast %add3A_6 : f32 to vector<1000x1xf32>
    %add3A_8 = arith.addf %add3A, %add3A_7 : vector<1000x1xf32>
    %rsqrt3A = math.rsqrt %add3A_8 : vector<1000x1xf32>
    %get3A_9 = arith.constant 0 : index
    %get3A_10 = arith.constant 0 : index
    %get3A_11 = vector.load %arg1[%get3A_9, %get3A_10] : memref<1000x128xf32, #tpu.memory_space<vmem>>, vector<1000x128xf32>
    %get3A_12 = arith.constant 0 : index
    %get3A_13 = arith.constant 0 : index
    %get3A_14 = vector.load %arg2[%get3A_12, %get3A_13] : memref<1000x128xf32, #tpu.memory_space<vmem>>, vector<1000x128xf32>
    %add3A_15 = arith.addf %get3A_11, %get3A_14 : vector<1000x128xf32>
    %get3A_16 = arith.constant 0 : index
    %get3A_17 = arith.constant 0 : index
    %get3A_18 = vector.load %arg3[%get3A_16, %get3A_17] : memref<1000x128xf32, #tpu.memory_space<vmem>>, vector<1000x128xf32>
    %add3A_19 = arith.addf %add3A_15, %get3A_18 : vector<1000x128xf32>
    %mul3A = vector.broadcast %rsqrt3A : vector<1000x1xf32> to vector<1000x128xf32>
    %mul3A_20 = arith.mulf %mul3A, %add3A_19 : vector<1000x128xf32>
    %get3A_21 = arith.constant 0 : index
    %get3A_22 = arith.constant 0 : index
    %get3A_23 = vector.load %arg6[%get3A_21, %get3A_22] : memref<1x128xf32, #tpu.memory_space<vmem>>, vector<1x128xf32>
    %add3A_24 = vector.broadcast %get3A_23 : vector<1x128xf32> to vector<1000x128xf32>
    %add3A_25 = arith.addf %mul3A_20, %add3A_24 : vector<1000x128xf32>
    %max3A = arith.constant 0.000000e+00 : f32
    %max3A_26 = vector.broadcast %max3A : f32 to vector<1000x128xf32>
    %max3A_27 = arith.maximumf %add3A_25, %max3A_26 : vector<1000x128xf32>
    %reduce_sum3A = arith.constant dense<0.000000e+00> : vector<128xf32>
    %reduce_sum3A_28 = vector.multi_reduction <add>, %max3A_27, %reduce_sum3A [0] : vector<1000x128xf32> to vector<128xf32>
    %broadcast_in_dim3A = vector.shape_cast %reduce_sum3A_28 : vector<128xf32> to vector<1x128xf32>
    %eq3A = arith.constant 0 : i32
    %eq3A_29 = arith.cmpi eq, %arg0, %eq3A : i32
    %convert_element_type3A = arith.extui %eq3A_29 : i1 to i32
    %cond3A = arith.constant 0 : i32
    %cond3A_30 = arith.cmpi ne, %convert_element_type3A, %cond3A : i32
    scf.if %cond3A_30 {
      %swap3A = arith.constant 0 : index
      %swap3A_40 = arith.constant 0 : index
      %swap3A_41 = vector.load %arg12[%swap3A, %swap3A_40] : memref<1x128xf32, #tpu.memory_space<vmem>>, vector<1x128xf32>
      tpu.vector_store %arg12[%swap3A, %swap3A_40], %broadcast_in_dim3A {strides = array<i32>} : memref<1x128xf32, #tpu.memory_space<vmem>>, vector<1x128xf32>,
    } else {
    }
    %gt3A = arith.constant 0 : i32
    %gt3A_31 = arith.cmpi sgt, %arg0, %gt3A : i32
    %convert_element_type3A_32 = arith.extui %gt3A_31 : i1 to i32
    %cond3A_33 = arith.constant 0 : i32
    %cond3A_34 = arith.cmpi ne, %convert_element_type3A_32, %cond3A_33 : i32
    scf.if %cond3A_34 {
      %get3A_40 = arith.constant 0 : index
      %get3A_41 = arith.constant 0 : index
      %get3A_42 = vector.load %arg12[%get3A_40, %get3A_41] : memref<1x128xf32, #tpu.memory_space<vmem>>, vector<1x128xf32>
      %add3A_43 = arith.addf %get3A_42, %broadcast_in_dim3A : vector<1x128xf32>
      %swap3A = arith.constant 0 : index
      %swap3A_44 = arith.constant 0 : index
      %swap3A_45 = vector.load %arg12[%swap3A, %swap3A_44] : memref<1x128xf32, #tpu.memory_space<vmem>>, vector<1x128xf32>
      tpu.vector_store %arg12[%swap3A, %swap3A_44], %add3A_43 {strides = array<i32>} : memref<1x128xf32, #tpu.memory_space<vmem>>, vector<1x128xf32>,
    } else {
    }
    %eq3A_35 = arith.constant 9 : i32
    %eq3A_36 = arith.cmpi eq, %arg0, %eq3A_35 : i32
    %convert_element_type3A_37 = arith.extui %eq3A_36 : i1 to i32
    %cond3A_38 = arith.constant 0 : i32
    %cond3A_39 = arith.cmpi ne, %convert_element_type3A_37, %cond3A_38 : i32
    scf.if %cond3A_39 {
      %get3A_40 = arith.constant 0 : index
      %get3A_41 = arith.constant 0 : index
      %get3A_42 = vector.load %arg12[%get3A_40, %get3A_41] : memref<1x128xf32, #tpu.memory_space<vmem>>, vector<1x128xf32>
      %mul3A_43 = arith.constant 9.99999974E-5 : f32
      %mul3A_44 = vector.broadcast %mul3A_43 : f32 to vector<1x128xf32>
      %mul3A_45 = arith.mulf %get3A_42, %mul3A_44 : vector<1x128xf32>
      %get3A_46 = arith.constant 0 : index
      %get3A_47 = arith.constant 0 : index
      %get3A_48 = vector.load %arg7[%get3A_46, %get3A_47] : memref<128x64xf32, #tpu.memory_space<vmem>>, vector<128x64xf32>
      %dot_general3A = arith.constant dense<0.000000e+00> : vector<1x64xf32>
      %dot_general3A_49 = tpu.matmul %mul3A_45, %get3A_48, %dot_general3A {dimension_numbers = #tpu.dot_dimension_numbers<[1], [0], [0], [1], [0, 0, 1, 1], [], []>, transpose_lhs_hint = false} : vector<1x128xf32>, vector<128x64xf32>, vector<1x64xf32> -> vector<1x64xf32>
      %get3A_50 = arith.constant 0 : index
      %get3A_51 = arith.constant 0 : index
      %get3A_52 = vector.load %arg8[%get3A_50, %get3A_51] : memref<1x64xf32, #tpu.memory_space<vmem>>, vector<1x64xf32>
      %add3A_53 = arith.addf %dot_general3A_49, %get3A_52 : vector<1x64xf32>
      %max3A_54 = arith.constant 0.000000e+00 : f32
      %max3A_55 = vector.broadcast %max3A_54 : f32 to vector<1x64xf32>
      %max3A_56 = arith.maximumf %add3A_53, %max3A_55 : vector<1x64xf32>
      %get3A_57 = arith.constant 0 : index
      %get3A_58 = arith.constant 0 : index
      %get3A_59 = vector.load %arg9[%get3A_57, %get3A_58] : memref<64x16xf32, #tpu.memory_space<vmem>>, vector<64x16xf32>
      %dot_general3A_60 = arith.constant dense<0.000000e+00> : vector<1x16xf32>
      %dot_general3A_61 = tpu.matmul %max3A_56, %get3A_59, %dot_general3A_60 {dimension_numbers = #tpu.dot_dimension_numbers<[1], [0], [0], [1], [0, 0, 1, 1], [], []>, transpose_lhs_hint = false} : vector<1x64xf32>, vector<64x16xf32>, vector<1x16xf32> -> vector<1x16xf32>
      %get3A_62 = arith.constant 0 : index
      %get3A_63 = arith.constant 0 : index
      %get3A_64 = vector.load %arg10[%get3A_62, %get3A_63] : memref<1x16xf32, #tpu.memory_space<vmem>>, vector<1x16xf32>
      %add3A_65 = arith.addf %dot_general3A_61, %get3A_64 : vector<1x16xf32>
      %swap3A = arith.constant 0 : index
      %swap3A_66 = arith.constant 0 : index
      %swap3A_67 = vector.load %arg11[%swap3A, %swap3A_66] : memref<1x16xf32, #tpu.memory_space<vmem>>, vector<1x16xf32>
      tpu.vector_store %arg11[%swap3A, %swap3A_66], %add3A_65 {strides = array<i32>} : memref<1x16xf32, #tpu.memory_space<vmem>>, vector<1x16xf32>,
    } else {
    }
    return
  }
  func.func @transform_0(%arg0: i32) -> (i32, i32) {
    %c0_i32 = arith.constant 0 : i32
    %c0_i32_0 = arith.constant 0 : i32
    return %arg0, %c0_i32 : i32, i32
  }
  func.func @transform_1(%arg0: i32) -> (i32, i32) {
    %c0_i32 = arith.constant 0 : i32
    %c0_i32_0 = arith.constant 0 : i32
    return %arg0, %c0_i32 : i32, i32
  }
  func.func @transform_2(%arg0: i32) -> (i32, i32) {
    %c0_i32 = arith.constant 0 : i32
    %c0_i32_0 = arith.constant 0 : i32
    return %arg0, %c0_i32 : i32, i32
  }
  func.func @transform_3(%arg0: i32) -> (i32, i32) {
    %c0_i32 = arith.constant 0 : i32
    %c0_i32_0 = arith.constant 0 : i32
    return %arg0, %c0_i32 : i32, i32
  }
  func.func @transform_4(%arg0: i32) -> (i32, i32) {
    %c0_i32 = arith.constant 0 : i32
    %c0_i32_0 = arith.constant 0 : i32
    return %arg0, %c0_i32 : i32, i32
  }
  func.func @transform_5(%arg0: i32) -> (i32, i32) {
    %c0_i32 = arith.constant 0 : i32
    %c0_i32_0 = arith.constant 0 : i32
    %c0_i32_1 = arith.constant 0 : i32
    return %c0_i32, %c0_i32_0 : i32, i32
  }
  func.func @transform_6(%arg0: i32) -> (i32, i32) {
    %c0_i32 = arith.constant 0 : i32
    %c0_i32_0 = arith.constant 0 : i32
    %c0_i32_1 = arith.constant 0 : i32
    return %c0_i32, %c0_i32_0 : i32, i32
  }
  func.func @transform_7(%arg0: i32) -> (i32, i32) {
    %c0_i32 = arith.constant 0 : i32
    %c0_i32_0 = arith.constant 0 : i32
    %c0_i32_1 = arith.constant 0 : i32
    return %c0_i32, %c0_i32_0 : i32, i32
  }
  func.func @transform_8(%arg0: i32) -> (i32, i32) {
    %c0_i32 = arith.constant 0 : i32
    %c0_i32_0 = arith.constant 0 : i32
    %c0_i32_1 = arith.constant 0 : i32
    return %c0_i32, %c0_i32_0 : i32, i32
  }
  func.func @transform_9(%arg0: i32) -> (i32, i32) {
    %c0_i32 = arith.constant 0 : i32
    %c0_i32_0 = arith.constant 0 : i32
    %c0_i32_1 = arith.constant 0 : i32
    return %c0_i32, %c0_i32_0 : i32, i32
  }
  func.func @transform_10(%arg0: i32) -> (i32, i32) {
    %c0_i32 = arith.constant 0 : i32
    %c0_i32_0 = arith.constant 0 : i32
    %c0_i32_1 = arith.constant 0 : i32
    return %c0_i32, %c0_i32_0 : i32, i32
  }
}

</mosaic_0001>

<sc_bundles>
// kernel: kernel.11.cloned.1.call-start
scs
__scs_entry_jumppad:
0x0: {  	(pc) =	sbr.rel $0x88, $3  }
0x1: {  	(tag) =	ssettag $0x0;
	lr =	simm.s32 $0x1  }
0x2: {  	[smem:$0x3F97] =	sst lr;
	_ =	strace $0xD0000000  }
0x3: {  	_ = 	snop  }
0x4: {  	_ = 	snop  }
0x5: {  	_ = 	snop  }
0x6: {  	_ = 	snop  }
0x7: {  	_ = 	snop  }
__scs_overlays_trampoline_lowered:
0x8: {  	[smem:$0x3FA6] =	sst s0  }
0x9: {  	[smem:$0x3FA7] =	sst s1  }
0xa: {  	[smem:$0x3FA8] =	sst s2  }
0xb: {  	[smem:$0x3FA9] =	sst s3  }
0xc: {  	[smem:$0x3FAA] =	sst s4  }
0xd: {  	[smem:$0x3FAB] =	sst s5  }
0xe: {  	[smem:$0x3FAC] =	sst s6  }
0xf: {  	[smem:$0x3FAD] =	sst s7  }
0x10: {  	[smem:$0x3FAE] =	sst s8  }
0x11: {  	[smem:$0x3FAF] =	sst s9;
	s0 =	simm.s32 @!p0 $0x0  }
0x12: {  	s1 =	sld [smem:$0x3F95];
	s0 =	simm.s32 @p0 $0x1  }
0x13: {  	[smem:$0x3FB0] =	sst s0;
	s0 =	simm.s32 @!p1 $0x0  }
0x14: {  	s2 =	sld [smem:$0x3F94];
	s0 =	simm.s32 @p1 $0x1  }
0x15: {  	[smem:$0x3FB1] =	sst s0;
	s0 =	simm.s32 @!p2 $0x0  }
0x16: {  	s3 =	sld [smem:$0x3FDB];
	s0 =	simm.s32 @p2 $0x1  }
0x17: {  	s4 =	simm.s32 $0x1BF5;
	[smem:$0x3FB3] =	sst s0  }
0x18: {  	s0 =	sld [smem:$0x3F96];
	_ =	swait.ge [sflag:s4], $0x0  }
0x19: {  	s7 =	sld [smem:$0x3F97]  }
0x1a: {  	s8 =	sadd.s32 $0xFFFFE003, lr  }
0x1b: {  	s9 =	sadd.s32 $0xFFFFFEF7, lr;
	s5 =	simm.s32 $0xFFFFFFFF;
	p2 =	slt.u32 s8, $0xFFFFF086  }
0x1c: {  	p1 =	slt.u32 s9, $0xF7A;
	s5 =	simm.s32 @!p2 $0x0  }
0x1d: {  	s5 =	simm.s32 @p1 $0x1;
	p0 =	seq.s32 s7, s2  }
0x1e: {  	s7 =	smul.u32 @!p0 $0xF7A, s2;
	p2 =	seq.s32 @!p0 s5, $0x0  }
0x1f: {  	s9 =	smul.u32 $0xF7A, s1;
	s8 =	simm.s32 @!p0 $0x1BF5;
	p2 =	por !p2, p0  }
0x20: {  	[sflag:s8] =	ssyncset.s32 @!p0 $0xFFFFF086;
	s6 =	sadd.s32 @!p0 s3, s7;
	s7 =	simm.s32 @!p0 $0x108  }
0x21: {  	s3 =	sadd.s32 s3, s9;
	s6 =	sadd.s32 @!p0 $0x88, s6;
	s7 =	simm.s32 @p2 $0x1082  }
0x22: {  	[simem:s7], [sflag:s8] =	dma.local @!p0 [hbm:s6], $0xF7A  }
0x23: {  	s9 =	sor.u32 $0xD0000000, s2;
	s6 =	simm.s32 $0x108;
	_ =	swait.ge @!p0 [sflag:s8], $0x0  }
0x24: {  	s3 =	sadd.s32 $0x88, s3;
	s6 =	simm.s32 @!p1 $0x1082;
	[sflag:s4] =	ssyncset.s32 $0xFFFFF086  }
0x25: {  	[simem:s6], [sflag:s4] =	dma.local [hbm:s3], $0xF7A  }
0x26: {  	[smem:$0x3F97] =	sst s1;
	(tag) =	ssettag s2;
	_ =	strace s9  }
0x27: {  	s1 =	sld [smem:$0x3FA7]  }
0x28: {  	s2 =	sld [smem:$0x3FA8]  }
0x29: {  	s4 =	sld [smem:$0x3FAA]  }
0x2a: {  	p0 =	seq.s32 s5, $0x0;
	s5 =	sld [smem:$0x3FAB]  }
0x2b: {  	s6 =	sld [smem:$0x3FAC]  }
0x2c: {  	s7 =	sld [smem:$0x3FAD]  }
0x2d: {  	s3 =	simm.s32 $0x108;
	s8 =	sld [smem:$0x3FAE]  }
0x2e: {  	s3 =	simm.s32 @!p0 $0x1082;
	s9 =	sld [smem:$0x3FAF]  }
0x2f: {  	lr =	sadd.s32 s0, s3;
	s0 =	sld [smem:$0x3FA6]  }
0x30: {  	s3 =	sld [smem:$0x3FA9]  }
0x31: {  	[smem:$0x3FB2] =	sst s10  }
0x32: {  	s10 =	sld [smem:$0x3FB0];
	_ =	sdelay $0x3  }
0x33: {  	p0 =	seq.s32 s10, $0x1;
	s10 =	sld [smem:$0x3FB2];
	_ =	sdelay $0x3  }
0x34: {  	[smem:$0x3FB2] =	sst s10  }
0x35: {  	s10 =	sld [smem:$0x3FB1];
	_ =	sdelay $0x3  }
0x36: {  	p1 =	seq.s32 s10, $0x1;
	s10 =	sld [smem:$0x3FB2];
	_ =	sdelay $0x3  }
0x37: {  	[smem:$0x3FB2] =	sst s10  }
0x38: {  	s10 =	sld [smem:$0x3FB3]  }
0x39: {  	_ = 	snop;
	(pc) =	sbr.ind lr, $3  }
0x3a: {  	_ = 	snop  }
0x3b: {  	_ = 	snop  }
0x3c: {  	p2 =	seq.s32 s10, $0x1;
	s10 =	sld [smem:$0x3FB2]  }
0x3d: {  	_ =	shalt  }
0x3e: {  	_ =	shalt  }
0x3f: {  	_ =	shalt  }
0x40: {  	_ =	shalt  }
0x41: {  	_ =	shalt  }
0x42: {  	_ =	shalt  }
0x43: {  	_ =	shalt  }
0x44: {  	_ =	shalt  }
0x45: {  	_ =	shalt  }
0x46: {  	_ =	shalt  }
0x47: {  	_ =	shalt  }
0x48: {  	_ =	shalt  }
0x49: {  	_ =	shalt  }
0x4a: {  	_ =	shalt  }
0x4b: {  	_ =	shalt  }
0x4c: {  	_ =	shalt  }
0x4d: {  	_ =	shalt  }
0x4e: {  	_ =	shalt  }
0x4f: {  	_ =	shalt  }
0x50: {  	_ =	shalt  }
0x51: {  	_ =	shalt  }
0x52: {  	_ =	shalt  }
0x53: {  	_ =	shalt  }
0x54: {  	_ =	shalt  }
0x55: {  	_ =	shalt  }
0x56: {  	_ =	shalt  }
0x57: {  	_ =	shalt  }
0x58: {  	_ =	shalt  }
0x59: {  	_ =	shalt  }
0x5a: {  	_ =	shalt  }
0x5b: {  	_ =	shalt  }
0x5c: {  	_ =	shalt  }
0x5d: {  	_ =	shalt  }
0x5e: {  	_ =	shalt  }
0x5f: {  	_ =	shalt  }
0x60: {  	_ =	shalt  }
0x61: {  	_ =	shalt  }
0x62: {  	_ =	shalt  }
0x63: {  	_ =	shalt  }
0x64: {  	_ =	shalt  }
0x65: {  	_ =	shalt  }
0x66: {  	_ =	shalt  }
0x67: {  	_ =	shalt  }
0x68: {  	_ =	shalt  }
0x69: {  	_ =	shalt  }
0x6a: {  	_ =	shalt  }
0x6b: {  	_ =	shalt  }
0x6c: {  	_ =	shalt  }
0x6d: {  	_ =	shalt  }
0x6e: {  	_ =	shalt  }
0x6f: {  	_ =	shalt  }
0x70: {  	_ =	shalt  }
0x71: {  	_ =	shalt  }
0x72: {  	_ =	shalt  }
0x73: {  	_ =	shalt  }
0x74: {  	_ =	shalt  }
0x75: {  	_ =	shalt  }
0x76: {  	_ =	shalt  }
0x77: {  	_ =	shalt  }
0x78: {  	_ =	shalt  }
0x79: {  	_ =	shalt  }
0x7a: {  	_ =	shalt  }
0x7b: {  	_ =	shalt  }
0x7c: {  	_ =	shalt  }
0x7d: {  	_ =	shalt  }
0x7e: {  	_ =	shalt  }
0x7f: {  	_ =	shalt  }
0x80: {  	_ =	shalt  }
0x81: {  	_ =	shalt  }
0x82: {  	_ =	shalt  }
0x83: {  	_ =	shalt  }
0x84: {  	_ =	shalt  }
0x85: {  	_ =	shalt  }
0x86: {  	_ =	shalt  }
0x87: {  	_ =	shalt  }
.Lfunc_end0:
.L_simem_size_0:
called_computation.1_lowered:
.L_overlay_start_0:
0x88: {  	s2 =	sld [smem:$0x3FD9]  }
0x89: {  	s3 =	sld [smem:$0x3FFE];
	_ =	sdelay $0x1  }
0x8a: {  	s1 =	srdreg.scid  }
0x8b: {  	s0 =	sand.u32 $0x1, s1  }
0x8c: {  	s16 =	sshll.u32 s0, $0xA;
	s2 =	sadd.s32 s3, s2  }
0x8d: {  	s2 =	sadd.s32 s2, s16  }
0x8e: {  	[smem:$0x3FBE] =	sst s2  }
0x8f: {  	_ = 	snop  }
0x90: {  	(tm) =	ssettm $0x1  }
0x91: {  	s17 =	sld [smem:$0x3FFB];
	_ =	sdelay $0x3  }
0x92: {  	_ =	strace s17  }
0x93: {  	s2 =	sld [smem:$0x3FFC];
	_ =	sdelay $0x3  }
0x94: {  	_ =	strace s2  }
0x95: {  	s2 =	sld [smem:$0x3FFD];
	_ =	sdelay $0x3  }
0x96: {  	_ =	strace s2  }
0x97: {  	_ =	strace $0x8FFFFFFF  }
0x98: {  	s18 =	sld [smem:$0x3FDB];
	_ =	sdelay $0x1  }
0x99: {  	s19 =	simm.s32 $_scs_section_size  }
0x9a: {  	s4 =	simm.s32 $_size__tile_overlayer_lowered;
	s5 =	simm.s32 $_tile_overlayer_lowered  }
0x9b: {  	s22 =	simm.s32 $0x1BFF;
	s21 =	sshll.u32 s5, $0x1;
	s2 =	sadd.s32 s19, s18  }
0x9c: {  	s6 =	simm.s32 $0x0;
	s20 =	sshll.u32 s4, $0x1;
	s4 =	sadd.s32 s21, s2  }
0x9d: {  	[timem:s6], [sflag:s22] =	dma.local [hbm:s4], s20  }
0x9e: {  	_ =	swait.ge [sflag:s22], s20  }
0x9f: {  	s3 =	ssub.s32 $0x0, s20;
	[sflag:s22] =	ssyncset.done $0x0  }
0xa0: {  	[sflag:s22] =	ssyncadd.s32 s3;
	_ =	sdelay $0x1  }
0xa1: {  	s23 =	simm.s32 $0x1B8B  }
0xa2: {  	_ =	swait.ge [sflag:s23], $0x1  }
0xa3: {  	[sflag:s23] =	ssyncset.done $0x0  }
0xa4: {  	s25 =	simm.s32 $0x1B8E;
	s24 =	sld [smem:$0x3FFE];
	[sflag:s23] =	ssyncadd.s32 $0xFFFFFFFF  }
0xa5: {  	s26 =	simm.s32 $execute0_lowered;
	[smem:$0x3FD2] =	sst s25  }
0xa6: {  	s4 =	sshll.u32 s26, $0x1;
	_ =	strace $0x80000049;
	[dreg:$0x1] =	wrdreg $0xFFFFFFFF  }
0xa7: {  	s28 =	simm.s32 $_size_execute0_lowered;
	s2 =	sadd.s32 s2, s4;
	[dreg:$0x0] =	wrdreg $0x0  }
0xa8: {  	s4 =	sshll.u32 s28, $0x1;
	[dreg:$0x2] =	wrdreg s2  }
0xa9: {  	[dreg:$0x3] =	wrdreg s4  }
0xaa: {  	[dreg:$0x4] =	wrdreg $0xC0  }
0xab: {  	_ =	task [dreg:s6], $0x5FFFF  }
0xac: {  	[dreg:$0x1] =	wrdreg $0xFFFFFFFF  }
0xad: {  	[dreg:$0x0] =	wrdreg $0x60  }
0xae: {  	[dreg:$0x2] =	wrdreg s24  }
0xaf: {  	[dreg:$0x3] =	wrdreg $0xC0000  }
0xb0: {  	[dreg:$0x4] =	wrdreg $0x9  }
0xb1: {  	_ =	task.clear_ibuf [dreg:s6], $0x5FFFF;
	_ =	strace $0x90000049  }
0xb2: {  	s29 =	simm.s32 $0x9;
	_ =	strace $0x8000004B  }
0xb3: {  	_ =	swait.ge [sflag:s29], $0x1  }
0xb4: {  	[sflag:s29] =	ssyncadd.s32 $0xFFFFFFFF  }
0xb5: {  	_ =	strace $0x9000004B  }
0xb6: {  	_ =	sfence  }
0xb7: {  	s30 =	sld [smem:$0x0];
	_ =	sdelay $0x2  }
0xb8: {  	s31 =	sshll.u32 s1, $0xD;
	s1 =	sshrl.u32 s1, $0x2  }
0xb9: {  	s3 =	sand.u32 $0x4000, s31;
	s1 =	sadd.s32 s1, s30  }
0xba: {  	s0 =	sor.u32 s3, s0;
	s1 =	sshll.u32 s1, $0x11  }
0xbb: {  	s0 =	sor.u32 s1, s0  }
0xbc: {  	s0 =	sadd.s32 $0x8F2B, s0  }
0xbd: {  	[sflag:s0] =	ssyncadd.remote.s32 $0x1  }
0xbe: {  	_ =	sfence.sel $0xFFFF  }
0xbf: {  	[dreg:$0x0] =	wrdreg $0xFFFFFFFF;
	(pc) =	sbr.abs _section_cstart, $3  }
0xc0: {  	[dreg:$0x1] =	wrdreg $0xFFFFFFFF  }
0xc1: {  	_ =	task.clear_ibuf [dreg:s6], $0x2FFFF;
	_ =	strace $0x9FFFFFFF  }
0xc2: {  	(tm) =	ssettm $0x7FFFFFFF  }
0xc3: {  	_ =	shalt  }
tec
execute0_lowered:
.L_overlay_start_1:
0x0: {  	(tag) =	ssettag $0x1  }
0x1: {  	s0 =	srdreg.scid;
	s5 =	rddreg [dreg:$0x0]  }
0x2: {  	s9 =	stileid.u32;
	s2 =	rddreg [dreg:$0x1]  }
0x3: {  	s3 =	simm.s32 $0x0;
	s17 =	simm.s32 $0x4000;
	s16 =	simm.s32 $0x0  }
0x4: {  	s29 =	simm.s32 $0x3;
	s10 =	simm.s32 $0xF80;
	s11 =	simm.s32 $0x1000  }
0x5: {  	s12 =	simm.s32 $0x1080;
	s13 =	simm.s32 $0x1100;
	s14 =	simm.s32 $0x1180  }
0x6: {  	s15 =	simm.s32 $0x1200;
	s30 =	simm.s32 $0x1400;
	s8 =	smul.u32 $0x14000, s9  }
0x7: {  	s0 =	sand.u32 $0x1, s0;
	s1 =	sshll.u32 s9, $0x1;
	s9 =	smul.u32 $0x50000, s9  }
0x8: {  	[smem:$0x7FF] =	sst s3;
	s1 =	sor.u32 s0, s1;
	s6 =	smul.u32 $0x140000, s0  }
0x9: {  	_ =	strace $0x8000004A;
	s0 =	ssub.s32 $0x2, s0;
	s4 =	smul.u32 $0x3000, s1  }
0xa: {  	s1 =	smul.u32 $0x500, s1;
	s18 =	sshrl.u32 s0, $0x1;
	s9 =	sshrl.u32 s9, $0x2  }
0xb: {  	s6 =	sadd.s32 s8, s6;
	s0 =	ssub.s32 s0, s18;
	s19 =	sadd.s32 s9, s2  }
0xc: {  	s18 =	simm.s32 $0x5;
	s8 =	simm.s32 $0xE80;
	s9 =	simm.s32 $0xF00  }
0xd: {  	s7 =	sshrl.u32 s4, $0x3;
	s20 =	sadd.s32 $0x4000, s19;
	[dreg:$0xe] =	wrdreg s19  }
0xe: {  	s4 =	sadd.s32 $0x6A400, s5;
	s21 =	sadd.s32 $0x8000, s19;
	[dreg:$0x3] =	wrdreg s20  }
0xf: {  	s1 =	sadd.s32 s1, s5;
	s22 =	sadd.s32 $0xC000, s19;
	[dreg:$0x4] =	wrdreg s21  }
0x10: {  	s6 =	sshrl.u32 s6, $0x3;
	s23 =	sadd.s32 $0x10000, s19;
	[dreg:$0x5] =	wrdreg s22  }
0x11: {  	s0 =	smax.u32 s0, $0x1;
	s19 =	simm.s32 $0x1280;
	[dreg:$0x6] =	wrdreg s23  }
0x12: {  	s7 =	sadd.s32 s7, s5;
	s1 =	sadd.s32 $0x4400, s1;
	[dreg:$0xd] =	wrdreg s0  }
0x13: {  	s6 =	sadd.s32 s6, s5;
	[dreg:$0x7] =	wrdreg s1;
	s24 =	sadd.s32 $0x5E400, s7  }
0x14: {  	s22 =	simm.s32 $0x80;
	s25 =	sadd.s32 $0x5E580, s7;
	[dreg:$0x8] =	wrdreg s24  }
0x15: {  	s23 =	simm.s32 $0x8000;
	s26 =	sadd.s32 $0x5E700, s7;
	[dreg:$0x9] =	wrdreg s25  }
0x16: {  	s5 =	simm.s32 $0xC00;
	s28 =	sadd.s32 $0x5E880, s7;
	[dreg:$0xa] =	wrdreg s26  }
0x17: {  	s20 =	simm.s32 $0x1300;
	s31 =	sadd.s32 $0x91600, s6;
	[dreg:$0xb] =	wrdreg s28  }
0x18: {  	s6 =	simm.s32 $0xD80;
	s7 =	simm.s32 $0xE00;
	[dreg:$0xc] =	wrdreg s31  }
0x19: {  	v0 =	vimm.f32 $0.0e+00;
	s24 =	simm.s32 $0x1;
	s26 =	simm.s32 $0x2;
	s25 =	simm.s32 $0x1380  }
.LBB2_1:
0x1a: {  	s31 =	simm.s32 $0x0;
	s28 =	simm.s32 $0x200  }
.LBB2_2:
0x1b: {  	p0 =	sne.s32 s28, $0xFE00;
	[tilespmem:s31+$0x4070] =	vst v0  }
0x1c: {  	[tilespmem:s31+$0x4000] =	vst v0  }
0x1d: {  	[tilespmem:s31+$0x4010] =	vst v0  }
.Ltmp0:
0x1e: {  	[tilespmem:s31+$0x4020] =	vst v0;
	(pc) =	sbr.rel @p0 .LBB2_2-.Ltmp0, $4  }
0x1f: {  	[tilespmem:s31+$0x4030] =	vst v0  }
0x20: {  	[tilespmem:s31+$0x4040] =	vst v0  }
0x21: {  	[tilespmem:s31+$0x4050] =	vst v0  }
0x22: {  	[tilespmem:s31+$0x4060] =	vst v0;
	s31 =	sshra.s32 s28, $0x2;
	s28 =	sadd.s32 $0x200, s28  }
0x23: {  	[tilespmem:s31+$0x4070] =	vst v0  }
0x24: {  	[tilespmem:s31+$0x4000] =	vst v0  }
0x25: {  	[tilespmem:s31+$0x4010] =	vst v0  }
0x26: {  	[tilespmem:s31+$0x4020] =	vst v0  }
0x27: {  	[tilespmem:s31+$0x4030] =	vst v0  }
0x28: {  	[tilespmem:s31+$0x4040] =	vst v0  }
0x29: {  	[tilespmem:s31+$0x4050] =	vst v0  }
0x2a: {  	[tilespmem:s31+$0x4060] =	vst v0;
	s21 =	rddreg [dreg:$0xe]  }
0x2b: {  	[spmem:s21] =	stream.linear.scatter [tilespmem:s17], [sflag:$0x5], $0x4000, $0x38;
	v63 =	vld [tilespmem:$0x0]  }
0x2c: {  	_ =	swait.ge [sflag:s18], $0x4000  }
0x2d: {  	[sflag:s18] =	ssyncset.done $0x0  }
0x2e: {  	s28 =	rddreg [dreg:$0x3];
	[sflag:s18] =	ssyncadd.s32 $0xFFFFC000  }
0x2f: {  	[spmem:s28] =	stream.linear.scatter [tilespmem:s17], [sflag:$0x5], $0x4000, $0x38;
	v63 =	vld [tilespmem:$0x0]  }
0x30: {  	_ =	swait.ge [sflag:s18], $0x4000  }
0x31: {  	[sflag:s18] =	ssyncset.done $0x0  }
0x32: {  	s31 =	rddreg [dreg:$0x4];
	[sflag:s18] =	ssyncadd.s32 $0xFFFFC000  }
0x33: {  	[spmem:s31] =	stream.linear.scatter [tilespmem:s17], [sflag:$0x5], $0x4000, $0x38;
	v63 =	vld [tilespmem:$0x0]  }
0x34: {  	_ =	swait.ge [sflag:s18], $0x4000  }
0x35: {  	[sflag:s18] =	ssyncset.done $0x0  }
0x36: {  	s0 =	rddreg [dreg:$0x5];
	[sflag:s18] =	ssyncadd.s32 $0xFFFFC000  }
0x37: {  	[spmem:s0] =	stream.linear.scatter [tilespmem:s17], [sflag:$0x5], $0x4000, $0x38;
	v63 =	vld [tilespmem:$0x0]  }
0x38: {  	_ =	swait.ge [sflag:s18], $0x4000  }
0x39: {  	[sflag:s18] =	ssyncset.done $0x0  }
0x3a: {  	s1 =	rddreg [dreg:$0x6];
	[sflag:s18] =	ssyncadd.s32 $0xFFFFC000  }
0x3b: {  	[spmem:s1] =	stream.linear.scatter [tilespmem:s17], [sflag:$0x5], $0x4000, $0x38;
	v63 =	vld [tilespmem:$0x0]  }
0x3c: {  	_ =	swait.ge [sflag:s18], $0x4000  }
0x3d: {  	s0 =	simm.s32 $0x0;
	[sflag:s18] =	ssyncset.done $0x0  }
0x3e: {  	s1 =	simm.s32 $0x1800;
	s3 =	rddreg [dreg:$0x7];
	[sflag:s18] =	ssyncadd.s32 $0xFFFFC000  }
0x3f: {  	[tilespmem:s1], [sflag:$0x5] =	stream.linear.gather [hbm4b:s3+s0], $0x2800, $0x38;
	v63 =	vld [tilespmem:$0x0]  }
0x40: {  	_ =	swait.ge [sflag:s18], $0x2800  }
0x41: {  	[sflag:s18] =	ssyncset.done $0x0  }
0x42: {  	[sflag:s18] =	ssyncadd.s32 $0xFFFFD800  }
0x43: {  	s31 =	rddreg [dreg:$0x8]  }
0x44: {  	[tilespmem:s0], [sflag:$0x3] =	stream.linear.gather [hbm4b:s31+s0], $0xA00, $0x38;
	v63 =	vld [tilespmem:$0x0]  }
0x45: {  	s3 =	rddreg [dreg:$0x9]  }
0x46: {  	[tilespmem:s5], [sflag:$0x4] =	stream.linear.gather [hbm4b:s3+s0], $0xA00, $0x38;
	v63 =	vld [tilespmem:$0x0]  }
0x47: {  	_ =	swait.ge [sflag:s29], $0xA00  }
0x48: {  	[sflag:s29] =	ssyncset.done $0x0  }
0x49: {  	[sflag:s29] =	ssyncadd.s32 $0xFFFFF600  }
0x4a: {  	[tilespmem:s17], [sflag:$0x1] =	stream.indirect.gather [hbm4b:s4+s22], $0x80, s0, s22, $0xb8;
	v63 =	vld [tilespmem:$0x0]  }
0x4b: {  	_ = 	snop  }
0x4c: {  	[tilespmem:s23], [sflag:$0x2] =	stream.indirect.gather [hbm4b:s4+s22], $0x80, s22, s22, $0xb8;
	v63 =	vld [tilespmem:$0x0]  }
0x4d: {  	[bflag:$0x0] =	sbarrier.arrive $0xFFFF  }
0x4e: {  	_ =	swait.ge [sflag:s24], $0x4000  }
0x4f: {  	[sflag:s24] =	ssyncset.done $0x0  }
0x50: {  	[sflag:s24] =	ssyncadd.s32 $0xFFFFC000  }
0x51: {  	[spmem:s2] =	stream.indirect.scatter.add.f32 [tilespmem:s17], [sflag:$0x5], $0x80, s1, s22, $0xb8;
	v63 =	vld [tilespmem:$0x0]  }
0x52: {  	_ =	swait.ge [sflag:s18], $0x4000  }
0x53: {  	[sflag:s18] =	ssyncset.done $0x0  }
0x54: {  	s31 =	simm.s32 $0x100;
	[sflag:s18] =	ssyncadd.s32 $0xFFFFC000  }
0x55: {  	[tilespmem:s17], [sflag:$0x1] =	stream.indirect.gather [hbm4b:s4+s22], $0x80, s31, s22, $0xb8;
	v63 =	vld [tilespmem:$0x0]  }
0x56: {  	_ =	swait.ge [sflag:s26], $0x4000  }
0x57: {  	[sflag:s26] =	ssyncset.done $0x0  }
0x58: {  	s3 =	simm.s32 $0x1880;
	[sflag:s26] =	ssyncadd.s32 $0xFFFFC000  }
0x59: {  	[spmem:s2] =	stream.indirect.scatter.add.f32 [tilespmem:s23], [sflag:$0x5], $0x80, s3, s22, $0xb8;
	v63 =	vld [tilespmem:$0x0]  }
0x5a: {  	_ =	swait.ge [sflag:s18], $0x4000  }
0x5b: {  	[sflag:s18] =	ssyncset.done $0x0  }
0x5c: {  	s31 =	simm.s32 $0x180;
	[sflag:s18] =	ssyncadd.s32 $0xFFFFC000  }
0x5d: {  	[tilespmem:s23], [sflag:$0x2] =	stream.indirect.gather [hbm4b:s4+s22], $0x80, s31, s22, $0xb8;
	v63 =	vld [tilespmem:$0x0]  }
0x5e: {  	_ =	swait.ge [sflag:s24], $0x4000  }
0x5f: {  	[sflag:s24] =	ssyncset.done $0x0  }
0x60: {  	s3 =	simm.s32 $0x1900;
	[sflag:s24] =	ssyncadd.s32 $0xFFFFC000  }
0x61: {  	[spmem:s2] =	stream.indirect.scatter.add.f32 [tilespmem:s17], [sflag:$0x5], $0x80, s3, s22, $0xb8;
	v63 =	vld [tilespmem:$0x0]  }
0x62: {  	_ =	swait.ge [sflag:s18], $0x4000  }
0x63: {  	[sflag:s18] =	ssyncset.done $0x0  }
0x64: {  	s31 =	simm.s32 $0x200;
	[sflag:s18] =	ssyncadd.s32 $0xFFFFC000  }
0x65: {  	[tilespmem:s17], [sflag:$0x1] =	stream.indirect.gather [hbm4b:s4+s22], $0x80, s31, s22, $0xb8;
	v63 =	vld [tilespmem:$0x0]  }
0x66: {  	_ =	swait.ge [sflag:s26], $0x4000  }
0x67: {  	[sflag:s26] =	ssyncset.done $0x0  }
0x68: {  	s3 =	simm.s32 $0x1980;
	[sflag:s26] =	ssyncadd.s32 $0xFFFFC000  }
0x69: {  	[spmem:s2] =	stream.indirect.scatter.add.f32 [tilespmem:s23], [sflag:$0x5], $0x80, s3, s22, $0xb8;
	v63 =	vld [tilespmem:$0x0]  }
0x6a: {  	_ =	swait.ge [sflag:s18], $0x4000  }
0x6b: {  	[sflag:s18] =	ssyncset.done $0x0  }
0x6c: {  	s31 =	simm.s32 $0x280;
	[sflag:s18] =	ssyncadd.s32 $0xFFFFC000  }
0x6d: {  	[tilespmem:s23], [sflag:$0x2] =	stream.indirect.gather [hbm4b:s4+s22], $0x80, s31, s22, $0xb8;
	v63 =	vld [tilespmem:$0x0]  }
0x6e: {  	_ =	swait.ge [sflag:s24], $0x4000  }
0x6f: {  	[sflag:s24] =	ssyncset.done $0x0  }
0x70: {  	s3 =	simm.s32 $0x1A00;
	[sflag:s24] =	ssyncadd.s32 $0xFFFFC000  }
0x71: {  	[spmem:s2] =	stream.indirect.scatter.add.f32 [tilespmem:s17], [sflag:$0x5], $0x80, s3, s22, $0xb8;
	v63 =	vld [tilespmem:$0x0]  }
0x72: {  	_ =	swait.ge [sflag:s18], $0x4000  }
0x73: {  	[sflag:s18] =	ssyncset.done $0x0  }
0x74: {  	s31 =	simm.s32 $0x300;
	[sflag:s18] =	ssyncadd.s32 $0xFFFFC000  }
0x75: {  	[tilespmem:s17], [sflag:$0x1] =	stream.indirect.gather [hbm4b:s4+s22], $0x80, s31, s22, $0xb8;
	v63 =	vld [tilespmem:$0x0]  }
0x76: {  	_ =	swait.ge [sflag:s26], $0x4000  }
0x77: {  	[sflag:s26] =	ssyncset.done $0x0  }
0x78: {  	s3 =	simm.s32 $0x1A80;
	[sflag:s26] =	ssyncadd.s32 $0xFFFFC000  }
0x79: {  	[spmem:s2] =	stream.indirect.scatter.add.f32 [tilespmem:s23], [sflag:$0x5], $0x80, s3, s22, $0xb8;
	v63 =	vld [tilespmem:$0x0]  }
0x7a: {  	_ =	swait.ge [sflag:s18], $0x4000  }
0x7b: {  	[sflag:s18] =	ssyncset.done $0x0  }
0x7c: {  	s31 =	simm.s32 $0x380;
	[sflag:s18] =	ssyncadd.s32 $0xFFFFC000  }
0x7d: {  	[tilespmem:s23], [sflag:$0x2] =	stream.indirect.gather [hbm4b:s4+s22], $0x80, s31, s22, $0xb8;
	v63 =	vld [tilespmem:$0x0]  }
0x7e: {  	_ =	swait.ge [sflag:s24], $0x4000  }
0x7f: {  	[sflag:s24] =	ssyncset.done $0x0  }
0x80: {  	s3 =	simm.s32 $0x1B00;
	[sflag:s24] =	ssyncadd.s32 $0xFFFFC000  }
0x81: {  	[spmem:s2] =	stream.indirect.scatter.add.f32 [tilespmem:s17], [sflag:$0x5], $0x80, s3, s22, $0xb8;
	v63 =	vld [tilespmem:$0x0]  }
0x82: {  	_ =	swait.ge [sflag:s18], $0x4000  }
0x83: {  	[sflag:s18] =	ssyncset.done $0x0  }
0x84: {  	s31 =	simm.s32 $0x400;
	[sflag:s18] =	ssyncadd.s32 $0xFFFFC000  }
0x85: {  	[tilespmem:s17], [sflag:$0x1] =	stream.indirect.gather [hbm4b:s4+s22], $0x80, s31, s22, $0xb8;
	v63 =	vld [tilespmem:$0x0]  }
0x86: {  	_ =	swait.ge [sflag:s26], $0x4000  }
0x87: {  	[sflag:s26] =	ssyncset.done $0x0  }
0x88: {  	s3 =	simm.s32 $0x1B80;
	[sflag:s26] =	ssyncadd.s32 $0xFFFFC000  }
0x89: {  	[spmem:s2] =	stream.indirect.scatter.add.f32 [tilespmem:s23], [sflag:$0x5], $0x80, s3, s22, $0xb8;
	v63 =	vld [tilespmem:$0x0]  }
0x8a: {  	_ =	swait.ge [sflag:s18], $0x4000  }
0x8b: {  	[sflag:s18] =	ssyncset.done $0x0  }
0x8c: {  	s31 =	simm.s32 $0x480;
	[sflag:s18] =	ssyncadd.s32 $0xFFFFC000  }
0x8d: {  	[tilespmem:s23], [sflag:$0x2] =	stream.indirect.gather [hbm4b:s4+s22], $0x80, s31, s22, $0xb8;
	v63 =	vld [tilespmem:$0x0]  }
0x8e: {  	_ =	swait.ge [sflag:s24], $0x4000  }
0x8f: {  	[sflag:s24] =	ssyncset.done $0x0  }
0x90: {  	s3 =	simm.s32 $0x1C00;
	[sflag:s24] =	ssyncadd.s32 $0xFFFFC000  }
0x91: {  	[spmem:s2] =	stream.indirect.scatter.add.f32 [tilespmem:s17], [sflag:$0x5], $0x80, s3, s22, $0xb8;
	v63 =	vld [tilespmem:$0x0]  }
0x92: {  	_ =	swait.ge [sflag:s18], $0x4000  }
0x93: {  	[sflag:s18] =	ssyncset.done $0x0  }
0x94: {  	s31 =	simm.s32 $0x500;
	[sflag:s18] =	ssyncadd.s32 $0xFFFFC000  }
0x95: {  	[tilespmem:s17], [sflag:$0x1] =	stream.indirect.gather [hbm4b:s4+s22], $0x80, s31, s22, $0xb8;
	v63 =	vld [tilespmem:$0x0]  }
0x96: {  	_ =	swait.ge [sflag:s26], $0x4000  }
0x97: {  	[sflag:s26] =	ssyncset.done $0x0  }
0x98: {  	s3 =	simm.s32 $0x1C80;
	[sflag:s26] =	ssyncadd.s32 $0xFFFFC000  }
0x99: {  	[spmem:s2] =	stream.indirect.scatter.add.f32 [tilespmem:s23], [sflag:$0x5], $0x80, s3, s22, $0xb8;
	v63 =	vld [tilespmem:$0x0]  }
0x9a: {  	_ =	swait.ge [sflag:s18], $0x4000  }
0x9b: {  	[sflag:s18] =	ssyncset.done $0x0  }
0x9c: {  	s31 =	simm.s32 $0x580;
	[sflag:s18] =	ssyncadd.s32 $0xFFFFC000  }
0x9d: {  	[tilespmem:s23], [sflag:$0x2] =	stream.indirect.gather [hbm4b:s4+s22], $0x80, s31, s22, $0xb8;
	v63 =	vld [tilespmem:$0x0]  }
0x9e: {  	_ =	swait.ge [sflag:s24], $0x4000  }
0x9f: {  	[sflag:s24] =	ssyncset.done $0x0  }
0xa0: {  	s3 =	simm.s32 $0x1D00;
	[sflag:s24] =	ssyncadd.s32 $0xFFFFC000  }
0xa1: {  	[spmem:s2] =	stream.indirect.scatter.add.f32 [tilespmem:s17], [sflag:$0x5], $0x80, s3, s22, $0xb8;
	v63 =	vld [tilespmem:$0x0]  }
0xa2: {  	_ =	swait.ge [sflag:s18], $0x4000  }
0xa3: {  	[sflag:s18] =	ssyncset.done $0x0  }
0xa4: {  	s31 =	simm.s32 $0x600;
	[sflag:s18] =	ssyncadd.s32 $0xFFFFC000  }
0xa5: {  	[tilespmem:s17], [sflag:$0x1] =	stream.indirect.gather [hbm4b:s4+s22], $0x80, s31, s22, $0xb8;
	v63 =	vld [tilespmem:$0x0]  }
0xa6: {  	_ =	swait.ge [sflag:s26], $0x4000  }
0xa7: {  	[sflag:s26] =	ssyncset.done $0x0  }
0xa8: {  	s3 =	simm.s32 $0x1D80;
	[sflag:s26] =	ssyncadd.s32 $0xFFFFC000  }
0xa9: {  	[spmem:s2] =	stream.indirect.scatter.add.f32 [tilespmem:s23], [sflag:$0x5], $0x80, s3, s22, $0xb8;
	v63 =	vld [tilespmem:$0x0]  }
0xaa: {  	_ =	swait.ge [sflag:s18], $0x4000  }
0xab: {  	[sflag:s18] =	ssyncset.done $0x0  }
0xac: {  	s31 =	simm.s32 $0x680;
	[sflag:s18] =	ssyncadd.s32 $0xFFFFC000  }
0xad: {  	[tilespmem:s23], [sflag:$0x2] =	stream.indirect.gather [hbm4b:s4+s22], $0x80, s31, s22, $0xb8;
	v63 =	vld [tilespmem:$0x0]  }
0xae: {  	_ =	swait.ge [sflag:s24], $0x4000  }
0xaf: {  	[sflag:s24] =	ssyncset.done $0x0  }
0xb0: {  	s3 =	simm.s32 $0x1E00;
	[sflag:s24] =	ssyncadd.s32 $0xFFFFC000  }
0xb1: {  	[spmem:s2] =	stream.indirect.scatter.add.f32 [tilespmem:s17], [sflag:$0x5], $0x80, s3, s22, $0xb8;
	v63 =	vld [tilespmem:$0x0]  }
0xb2: {  	_ =	swait.ge [sflag:s18], $0x4000  }
0xb3: {  	[sflag:s18] =	ssyncset.done $0x0  }
0xb4: {  	s31 =	simm.s32 $0x700;
	[sflag:s18] =	ssyncadd.s32 $0xFFFFC000  }
0xb5: {  	[tilespmem:s17], [sflag:$0x1] =	stream.indirect.gather [hbm4b:s4+s22], $0x80, s31, s22, $0xb8;
	v63 =	vld [tilespmem:$0x0]  }
0xb6: {  	_ =	swait.ge [sflag:s26], $0x4000  }
0xb7: {  	[sflag:s26] =	ssyncset.done $0x0  }
0xb8: {  	s3 =	simm.s32 $0x1E80;
	[sflag:s26] =	ssyncadd.s32 $0xFFFFC000  }
0xb9: {  	[spmem:s2] =	stream.indirect.scatter.add.f32 [tilespmem:s23], [sflag:$0x5], $0x80, s3, s22, $0xb8;
	v63 =	vld [tilespmem:$0x0]  }
0xba: {  	_ =	swait.ge [sflag:s18], $0x4000  }
0xbb: {  	[sflag:s18] =	ssyncset.done $0x0  }
0xbc: {  	s31 =	simm.s32 $0x780;
	[sflag:s18] =	ssyncadd.s32 $0xFFFFC000  }
0xbd: {  	[tilespmem:s23], [sflag:$0x2] =	stream.indirect.gather [hbm4b:s4+s22], $0x80, s31, s22, $0xb8;
	v63 =	vld [tilespmem:$0x0]  }
0xbe: {  	_ =	swait.ge [sflag:s24], $0x4000  }
0xbf: {  	[sflag:s24] =	ssyncset.done $0x0  }
0xc0: {  	s3 =	simm.s32 $0x1F00;
	[sflag:s24] =	ssyncadd.s32 $0xFFFFC000  }
0xc1: {  	[spmem:s2] =	stream.indirect.scatter.add.f32 [tilespmem:s17], [sflag:$0x5], $0x80, s3, s22, $0xb8;
	v63 =	vld [tilespmem:$0x0]  }
0xc2: {  	_ =	swait.ge [sflag:s18], $0x4000  }
0xc3: {  	[sflag:s18] =	ssyncset.done $0x0  }
0xc4: {  	s31 =	simm.s32 $0x800;
	[sflag:s18] =	ssyncadd.s32 $0xFFFFC000  }
0xc5: {  	[tilespmem:s17], [sflag:$0x1] =	stream.indirect.gather [hbm4b:s4+s22], $0x80, s31, s22, $0xb8;
	v63 =	vld [tilespmem:$0x0]  }
0xc6: {  	_ =	swait.ge [sflag:s26], $0x4000  }
0xc7: {  	[sflag:s26] =	ssyncset.done $0x0  }
0xc8: {  	s3 =	simm.s32 $0x1F80;
	[sflag:s26] =	ssyncadd.s32 $0xFFFFC000  }
0xc9: {  	[spmem:s2] =	stream.indirect.scatter.add.f32 [tilespmem:s23], [sflag:$0x5], $0x80, s3, s22, $0xb8;
	v63 =	vld [tilespmem:$0x0]  }
0xca: {  	_ =	swait.ge [sflag:s18], $0x4000  }
0xcb: {  	[sflag:s18] =	ssyncset.done $0x0  }
0xcc: {  	s31 =	simm.s32 $0x880;
	[sflag:s18] =	ssyncadd.s32 $0xFFFFC000  }
0xcd: {  	[tilespmem:s23], [sflag:$0x2] =	stream.indirect.gather [hbm4b:s4+s22], $0x80, s31, s22, $0xb8;
	v63 =	vld [tilespmem:$0x0]  }
0xce: {  	_ =	swait.ge [sflag:s24], $0x4000  }
0xcf: {  	[sflag:s24] =	ssyncset.done $0x0  }
0xd0: {  	s3 =	simm.s32 $0x2000;
	[sflag:s24] =	ssyncadd.s32 $0xFFFFC000  }
0xd1: {  	[spmem:s2] =	stream.indirect.scatter.add.f32 [tilespmem:s17], [sflag:$0x5], $0x80, s3, s22, $0xb8;
	v63 =	vld [tilespmem:$0x0]  }
0xd2: {  	_ =	swait.ge [sflag:s18], $0x4000  }
0xd3: {  	[sflag:s18] =	ssyncset.done $0x0  }
0xd4: {  	s31 =	simm.s32 $0x900;
	[sflag:s18] =	ssyncadd.s32 $0xFFFFC000  }
0xd5: {  	[tilespmem:s17], [sflag:$0x1] =	stream.indirect.gather [hbm4b:s4+s22], $0x80, s31, s22, $0xb8;
	v63 =	vld [tilespmem:$0x0]  }
0xd6: {  	_ =	swait.ge [sflag:s26], $0x4000  }
0xd7: {  	[sflag:s26] =	ssyncset.done $0x0  }
0xd8: {  	s3 =	simm.s32 $0x2080;
	[sflag:s26] =	ssyncadd.s32 $0xFFFFC000  }
0xd9: {  	[spmem:s2] =	stream.indirect.scatter.add.f32 [tilespmem:s23], [sflag:$0x5], $0x80, s3, s22, $0xb8;
	v63 =	vld [tilespmem:$0x0]  }
0xda: {  	_ =	swait.ge [sflag:s18], $0x4000  }
0xdb: {  	[sflag:s18] =	ssyncset.done $0x0  }
0xdc: {  	s28 =	simm.s32 $0x980;
	s1 =	simm.s32 $0x4;
	[sflag:s18] =	ssyncadd.s32 $0xFFFFC000  }
0xdd: {  	[tilespmem:s23], [sflag:$0x2] =	stream.indirect.gather [hbm4b:s4+s22], $0x80, s28, s22, $0xb8;
	v63 =	vld [tilespmem:$0x0]  }
0xde: {  	_ =	swait.ge [sflag:s1], $0xA00  }
0xdf: {  	[sflag:s1] =	ssyncset.done $0x0  }
0xe0: {  	[sflag:s1] =	ssyncadd.s32 $0xFFFFF600  }
0xe1: {  	_ =	swait.ge [sflag:s24], $0x4000  }
0xe2: {  	[sflag:s24] =	ssyncset.done $0x0  }
0xe3: {  	s31 =	simm.s32 $0x2100;
	[sflag:s24] =	ssyncadd.s32 $0xFFFFC000  }
0xe4: {  	[spmem:s2] =	stream.indirect.scatter.add.f32 [tilespmem:s17], [sflag:$0x5], $0x80, s31, s22, $0xb8;
	v63 =	vld [tilespmem:$0x0]  }
0xe5: {  	_ =	swait.ge [sflag:s18], $0x4000  }
0xe6: {  	[sflag:s18] =	ssyncset.done $0x0  }
0xe7: {  	[sflag:s18] =	ssyncadd.s32 $0xFFFFC000  }
0xe8: {  	[tilespmem:s17], [sflag:$0x1] =	stream.indirect.gather [hbm4b:s4+s22], $0x80, s5, s22, $0xb8;
	v63 =	vld [tilespmem:$0x0]  }
0xe9: {  	_ =	swait.ge [sflag:s26], $0x4000  }
0xea: {  	[sflag:s26] =	ssyncset.done $0x0  }
0xeb: {  	s3 =	simm.s32 $0x2180;
	[sflag:s26] =	ssyncadd.s32 $0xFFFFC000  }
0xec: {  	[spmem:s2] =	stream.indirect.scatter.add.f32 [tilespmem:s23], [sflag:$0x5], $0x80, s3, s22, $0xb8;
	v63 =	vld [tilespmem:$0x0]  }
0xed: {  	_ =	swait.ge [sflag:s18], $0x4000  }
0xee: {  	[sflag:s18] =	ssyncset.done $0x0  }
0xef: {  	s3 =	simm.s32 $0xC80;
	[sflag:s18] =	ssyncadd.s32 $0xFFFFC000  }
0xf0: {  	[tilespmem:s23], [sflag:$0x2] =	stream.indirect.gather [hbm4b:s4+s22], $0x80, s3, s22, $0xb8;
	v63 =	vld [tilespmem:$0x0]  }
0xf1: {  	s31 =	rddreg [dreg:$0xa]  }
0xf2: {  	[tilespmem:s0], [sflag:$0x3] =	stream.linear.gather [hbm4b:s31+s0], $0xA00, $0x38;
	v63 =	vld [tilespmem:$0x0]  }
0xf3: {  	_ =	swait.ge [sflag:s24], $0x4000  }
0xf4: {  	[sflag:s24] =	ssyncset.done $0x0  }
0xf5: {  	s3 =	simm.s32 $0x2200;
	[sflag:s24] =	ssyncadd.s32 $0xFFFFC000  }
0xf6: {  	[spmem:s2] =	stream.indirect.scatter.add.f32 [tilespmem:s17], [sflag:$0x5], $0x80, s3, s22, $0xb8;
	v63 =	vld [tilespmem:$0x0]  }
0xf7: {  	_ =	swait.ge [sflag:s18], $0x4000  }
0xf8: {  	[sflag:s18] =	ssyncset.done $0x0  }
0xf9: {  	s3 =	simm.s32 $0xD00;
	[sflag:s18] =	ssyncadd.s32 $0xFFFFC000  }
0xfa: {  	[tilespmem:s17], [sflag:$0x1] =	stream.indirect.gather [hbm4b:s4+s22], $0x80, s3, s22, $0xb8;
	v63 =	vld [tilespmem:$0x0]  }
0xfb: {  	_ =	swait.ge [sflag:s26], $0x4000  }
0xfc: {  	[sflag:s26] =	ssyncset.done $0x0  }
0xfd: {  	s31 =	simm.s32 $0x2280;
	[sflag:s26] =	ssyncadd.s32 $0xFFFFC000  }
0xfe: {  	[spmem:s2] =	stream.indirect.scatter.add.f32 [tilespmem:s23], [sflag:$0x5], $0x80, s31, s22, $0xb8;
	v63 =	vld [tilespmem:$0x0]  }
0xff: {  	_ =	swait.ge [sflag:s18], $0x4000  }
0x100: {  	[sflag:s18] =	ssyncset.done $0x0  }
0x101: {  	[sflag:s18] =	ssyncadd.s32 $0xFFFFC000  }
0x102: {  	[tilespmem:s23], [sflag:$0x2] =	stream.indirect.gather [hbm4b:s4+s22], $0x80, s6, s22, $0xb8;
	v63 =	vld [tilespmem:$0x0]  }
0x103: {  	_ =	swait.ge [sflag:s24], $0x4000  }
0x104: {  	[sflag:s24] =	ssyncset.done $0x0  }
0x105: {  	s31 =	simm.s32 $0x2300;
	[sflag:s24] =	ssyncadd.s32 $0xFFFFC000  }
0x106: {  	[spmem:s2] =	stream.indirect.scatter.add.f32 [tilespmem:s17], [sflag:$0x5], $0x80, s31, s22, $0xb8;
	v63 =	vld [tilespmem:$0x0]  }
0x107: {  	_ =	swait.ge [sflag:s18], $0x4000  }
0x108: {  	[sflag:s18] =	ssyncset.done $0x0  }
0x109: {  	[sflag:s18] =	ssyncadd.s32 $0xFFFFC000  }
0x10a: {  	[tilespmem:s17], [sflag:$0x1] =	stream.indirect.gather [hbm4b:s4+s22], $0x80, s7, s22, $0xb8;
	v63 =	vld [tilespmem:$0x0]  }
0x10b: {  	_ =	swait.ge [sflag:s26], $0x4000  }
0x10c: {  	[sflag:s26] =	ssyncset.done $0x0  }
0x10d: {  	s31 =	simm.s32 $0x2380;
	[sflag:s26] =	ssyncadd.s32 $0xFFFFC000  }
0x10e: {  	[spmem:s2] =	stream.indirect.scatter.add.f32 [tilespmem:s23], [sflag:$0x5], $0x80, s31, s22, $0xb8;
	v63 =	vld [tilespmem:$0x0]  }
0x10f: {  	_ =	swait.ge [sflag:s18], $0x4000  }
0x110: {  	[sflag:s18] =	ssyncset.done $0x0  }
0x111: {  	[sflag:s18] =	ssyncadd.s32 $0xFFFFC000  }
0x112: {  	[tilespmem:s23], [sflag:$0x2] =	stream.indirect.gather [hbm4b:s4+s22], $0x80, s8, s22, $0xb8;
	v63 =	vld [tilespmem:$0x0]  }
0x113: {  	_ =	swait.ge [sflag:s24], $0x4000  }
0x114: {  	[sflag:s24] =	ssyncset.done $0x0  }
0x115: {  	s31 =	simm.s32 $0x2400;
	[sflag:s24] =	ssyncadd.s32 $0xFFFFC000  }
0x116: {  	[spmem:s2] =	stream.indirect.scatter.add.f32 [tilespmem:s17], [sflag:$0x5], $0x80, s31, s22, $0xb8;
	v63 =	vld [tilespmem:$0x0]  }
0x117: {  	_ =	swait.ge [sflag:s18], $0x4000  }
0x118: {  	[sflag:s18] =	ssyncset.done $0x0  }
0x119: {  	[sflag:s18] =	ssyncadd.s32 $0xFFFFC000  }
0x11a: {  	[tilespmem:s17], [sflag:$0x1] =	stream.indirect.gather [hbm4b:s4+s22], $0x80, s9, s22, $0xb8;
	v63 =	vld [tilespmem:$0x0]  }
0x11b: {  	_ =	swait.ge [sflag:s26], $0x4000  }
0x11c: {  	[sflag:s26] =	ssyncset.done $0x0  }
0x11d: {  	s31 =	simm.s32 $0x2480;
	[sflag:s26] =	ssyncadd.s32 $0xFFFFC000  }
0x11e: {  	[spmem:s2] =	stream.indirect.scatter.add.f32 [tilespmem:s23], [sflag:$0x5], $0x80, s31, s22, $0xb8;
	v63 =	vld [tilespmem:$0x0]  }
0x11f: {  	_ =	swait.ge [sflag:s18], $0x4000  }
0x120: {  	[sflag:s18] =	ssyncset.done $0x0  }
0x121: {  	[sflag:s18] =	ssyncadd.s32 $0xFFFFC000  }
0x122: {  	[tilespmem:s23], [sflag:$0x2] =	stream.indirect.gather [hbm4b:s4+s22], $0x80, s10, s22, $0xb8;
	v63 =	vld [tilespmem:$0x0]  }
0x123: {  	_ =	swait.ge [sflag:s24], $0x4000  }
0x124: {  	[sflag:s24] =	ssyncset.done $0x0  }
0x125: {  	s31 =	simm.s32 $0x2500;
	[sflag:s24] =	ssyncadd.s32 $0xFFFFC000  }
0x126: {  	[spmem:s2] =	stream.indirect.scatter.add.f32 [tilespmem:s17], [sflag:$0x5], $0x80, s31, s22, $0xb8;
	v63 =	vld [tilespmem:$0x0]  }
0x127: {  	_ =	swait.ge [sflag:s18], $0x4000  }
0x128: {  	[sflag:s18] =	ssyncset.done $0x0  }
0x129: {  	[sflag:s18] =	ssyncadd.s32 $0xFFFFC000  }
0x12a: {  	[tilespmem:s17], [sflag:$0x1] =	stream.indirect.gather [hbm4b:s4+s22], $0x80, s11, s22, $0xb8;
	v63 =	vld [tilespmem:$0x0]  }
0x12b: {  	_ =	swait.ge [sflag:s26], $0x4000  }
0x12c: {  	[sflag:s26] =	ssyncset.done $0x0  }
0x12d: {  	s31 =	simm.s32 $0x2580;
	[sflag:s26] =	ssyncadd.s32 $0xFFFFC000  }
0x12e: {  	[spmem:s2] =	stream.indirect.scatter.add.f32 [tilespmem:s23], [sflag:$0x5], $0x80, s31, s22, $0xb8;
	v63 =	vld [tilespmem:$0x0]  }
0x12f: {  	_ =	swait.ge [sflag:s18], $0x4000  }
0x130: {  	[sflag:s18] =	ssyncset.done $0x0  }
0x131: {  	[sflag:s18] =	ssyncadd.s32 $0xFFFFC000  }
0x132: {  	[tilespmem:s23], [sflag:$0x2] =	stream.indirect.gather [hbm4b:s4+s22], $0x80, s12, s22, $0xb8;
	v63 =	vld [tilespmem:$0x0]  }
0x133: {  	_ =	swait.ge [sflag:s24], $0x4000  }
0x134: {  	[sflag:s24] =	ssyncset.done $0x0  }
0x135: {  	s31 =	simm.s32 $0x2600;
	[sflag:s24] =	ssyncadd.s32 $0xFFFFC000  }
0x136: {  	[spmem:s2] =	stream.indirect.scatter.add.f32 [tilespmem:s17], [sflag:$0x5], $0x80, s31, s22, $0xb8;
	v63 =	vld [tilespmem:$0x0]  }
0x137: {  	_ =	swait.ge [sflag:s18], $0x4000  }
0x138: {  	[sflag:s18] =	ssyncset.done $0x0  }
0x139: {  	[sflag:s18] =	ssyncadd.s32 $0xFFFFC000  }
0x13a: {  	[tilespmem:s17], [sflag:$0x1] =	stream.indirect.gather [hbm4b:s4+s22], $0x80, s13, s22, $0xb8;
	v63 =	vld [tilespmem:$0x0]  }
0x13b: {  	_ =	swait.ge [sflag:s26], $0x4000  }
0x13c: {  	[sflag:s26] =	ssyncset.done $0x0  }
0x13d: {  	s31 =	simm.s32 $0x2680;
	[sflag:s26] =	ssyncadd.s32 $0xFFFFC000  }
0x13e: {  	[spmem:s2] =	stream.indirect.scatter.add.f32 [tilespmem:s23], [sflag:$0x5], $0x80, s31, s22, $0xb8;
	v63 =	vld [tilespmem:$0x0]  }
0x13f: {  	_ =	swait.ge [sflag:s18], $0x4000  }
0x140: {  	[sflag:s18] =	ssyncset.done $0x0  }
0x141: {  	[sflag:s18] =	ssyncadd.s32 $0xFFFFC000  }
0x142: {  	[tilespmem:s23], [sflag:$0x2] =	stream.indirect.gather [hbm4b:s4+s22], $0x80, s14, s22, $0xb8;
	v63 =	vld [tilespmem:$0x0]  }
0x143: {  	_ =	swait.ge [sflag:s24], $0x4000  }
0x144: {  	[sflag:s24] =	ssyncset.done $0x0  }
0x145: {  	s31 =	simm.s32 $0x2700;
	[sflag:s24] =	ssyncadd.s32 $0xFFFFC000  }
0x146: {  	[spmem:s2] =	stream.indirect.scatter.add.f32 [tilespmem:s17], [sflag:$0x5], $0x80, s31, s22, $0xb8;
	v63 =	vld [tilespmem:$0x0]  }
0x147: {  	_ =	swait.ge [sflag:s18], $0x4000  }
0x148: {  	[sflag:s18] =	ssyncset.done $0x0  }
0x149: {  	[sflag:s18] =	ssyncadd.s32 $0xFFFFC000  }
0x14a: {  	[tilespmem:s17], [sflag:$0x1] =	stream.indirect.gather [hbm4b:s4+s22], $0x80, s15, s22, $0xb8;
	v63 =	vld [tilespmem:$0x0]  }
0x14b: {  	_ =	swait.ge [sflag:s26], $0x4000  }
0x14c: {  	[sflag:s26] =	ssyncset.done $0x0  }
0x14d: {  	s31 =	simm.s32 $0x2780;
	[sflag:s26] =	ssyncadd.s32 $0xFFFFC000  }
0x14e: {  	[spmem:s2] =	stream.indirect.scatter.add.f32 [tilespmem:s23], [sflag:$0x5], $0x80, s31, s22, $0xb8;
	v63 =	vld [tilespmem:$0x0]  }
0x14f: {  	_ =	swait.ge [sflag:s18], $0x4000  }
0x150: {  	[sflag:s18] =	ssyncset.done $0x0  }
0x151: {  	[sflag:s18] =	ssyncadd.s32 $0xFFFFC000  }
0x152: {  	[tilespmem:s23], [sflag:$0x2] =	stream.indirect.gather [hbm4b:s4+s22], $0x80, s19, s22, $0xb8;
	v63 =	vld [tilespmem:$0x0]  }
0x153: {  	_ =	swait.ge [sflag:s24], $0x4000  }
0x154: {  	[sflag:s24] =	ssyncset.done $0x0  }
0x155: {  	s31 =	simm.s32 $0x2800;
	[sflag:s24] =	ssyncadd.s32 $0xFFFFC000  }
0x156: {  	[spmem:s2] =	stream.indirect.scatter.add.f32 [tilespmem:s17], [sflag:$0x5], $0x80, s31, s22, $0xb8;
	v63 =	vld [tilespmem:$0x0]  }
0x157: {  	_ =	swait.ge [sflag:s18], $0x4000  }
0x158: {  	[sflag:s18] =	ssyncset.done $0x0  }
0x159: {  	[sflag:s18] =	ssyncadd.s32 $0xFFFFC000  }
0x15a: {  	[tilespmem:s17], [sflag:$0x1] =	stream.indirect.gather [hbm4b:s4+s22], $0x80, s20, s22, $0xb8;
	v63 =	vld [tilespmem:$0x0]  }
0x15b: {  	_ =	swait.ge [sflag:s26], $0x4000  }
0x15c: {  	[sflag:s26] =	ssyncset.done $0x0  }
0x15d: {  	s31 =	simm.s32 $0x2880;
	[sflag:s26] =	ssyncadd.s32 $0xFFFFC000  }
0x15e: {  	[spmem:s2] =	stream.indirect.scatter.add.f32 [tilespmem:s23], [sflag:$0x5], $0x80, s31, s22, $0xb8;
	v63 =	vld [tilespmem:$0x0]  }
0x15f: {  	_ =	swait.ge [sflag:s18], $0x4000  }
0x160: {  	[sflag:s18] =	ssyncset.done $0x0  }
0x161: {  	[sflag:s18] =	ssyncadd.s32 $0xFFFFC000  }
0x162: {  	[tilespmem:s23], [sflag:$0x2] =	stream.indirect.gather [hbm4b:s4+s22], $0x80, s25, s22, $0xb8;
	v63 =	vld [tilespmem:$0x0]  }
0x163: {  	_ =	swait.ge [sflag:s24], $0x4000  }
0x164: {  	[sflag:s24] =	ssyncset.done $0x0  }
0x165: {  	s31 =	simm.s32 $0x2900;
	[sflag:s24] =	ssyncadd.s32 $0xFFFFC000  }
0x166: {  	[spmem:s2] =	stream.indirect.scatter.add.f32 [tilespmem:s17], [sflag:$0x5], $0x80, s31, s22, $0xb8;
	v63 =	vld [tilespmem:$0x0]  }
0x167: {  	_ =	swait.ge [sflag:s18], $0x4000  }
0x168: {  	[sflag:s18] =	ssyncset.done $0x0  }
0x169: {  	[sflag:s18] =	ssyncadd.s32 $0xFFFFC000  }
0x16a: {  	[tilespmem:s17], [sflag:$0x1] =	stream.indirect.gather [hbm4b:s4+s22], $0x80, s30, s22, $0xb8;
	v63 =	vld [tilespmem:$0x0]  }
0x16b: {  	_ =	swait.ge [sflag:s26], $0x4000  }
0x16c: {  	[sflag:s26] =	ssyncset.done $0x0  }
0x16d: {  	s31 =	simm.s32 $0x2980;
	[sflag:s26] =	ssyncadd.s32 $0xFFFFC000  }
0x16e: {  	[spmem:s2] =	stream.indirect.scatter.add.f32 [tilespmem:s23], [sflag:$0x5], $0x80, s31, s22, $0xb8;
	v63 =	vld [tilespmem:$0x0]  }
0x16f: {  	_ =	swait.ge [sflag:s18], $0x4000  }
0x170: {  	[sflag:s18] =	ssyncset.done $0x0  }
0x171: {  	s31 =	simm.s32 $0x1480;
	[sflag:s18] =	ssyncadd.s32 $0xFFFFC000  }
0x172: {  	[tilespmem:s23], [sflag:$0x2] =	stream.indirect.gather [hbm4b:s4+s22], $0x80, s31, s22, $0xb8;
	v63 =	vld [tilespmem:$0x0]  }
0x173: {  	_ =	swait.ge [sflag:s24], $0x4000  }
0x174: {  	[sflag:s24] =	ssyncset.done $0x0  }
0x175: {  	s28 =	simm.s32 $0x2A00;
	[sflag:s24] =	ssyncadd.s32 $0xFFFFC000  }
0x176: {  	[spmem:s2] =	stream.indirect.scatter.add.f32 [tilespmem:s17], [sflag:$0x5], $0x80, s28, s22, $0xb8;
	v63 =	vld [tilespmem:$0x0]  }
0x177: {  	_ =	swait.ge [sflag:s18], $0x4000  }
0x178: {  	[sflag:s18] =	ssyncset.done $0x0  }
0x179: {  	s28 =	simm.s32 $0x1500;
	[sflag:s18] =	ssyncadd.s32 $0xFFFFC000  }
0x17a: {  	[tilespmem:s17], [sflag:$0x1] =	stream.indirect.gather [hbm4b:s4+s22], $0x80, s28, s22, $0xb8;
	v63 =	vld [tilespmem:$0x0]  }
0x17b: {  	_ =	swait.ge [sflag:s26], $0x4000  }
0x17c: {  	[sflag:s26] =	ssyncset.done $0x0  }
0x17d: {  	s28 =	simm.s32 $0x2A80;
	[sflag:s26] =	ssyncadd.s32 $0xFFFFC000  }
0x17e: {  	[spmem:s2] =	stream.indirect.scatter.add.f32 [tilespmem:s23], [sflag:$0x5], $0x80, s28, s22, $0xb8;
	v63 =	vld [tilespmem:$0x0]  }
0x17f: {  	_ =	swait.ge [sflag:s18], $0x4000  }
0x180: {  	[sflag:s18] =	ssyncset.done $0x0  }
0x181: {  	s28 =	simm.s32 $0x1580;
	[sflag:s18] =	ssyncadd.s32 $0xFFFFC000  }
0x182: {  	[tilespmem:s23], [sflag:$0x2] =	stream.indirect.gather [hbm4b:s4+s22], $0x80, s28, s22, $0xb8;
	v63 =	vld [tilespmem:$0x0]  }
0x183: {  	_ =	swait.ge [sflag:s29], $0xA00  }
0x184: {  	[sflag:s29] =	ssyncset.done $0x0  }
0x185: {  	[sflag:s29] =	ssyncadd.s32 $0xFFFFF600  }
0x186: {  	_ =	swait.ge [sflag:s24], $0x4000  }
0x187: {  	[sflag:s24] =	ssyncset.done $0x0  }
0x188: {  	s28 =	simm.s32 $0x2B00;
	[sflag:s24] =	ssyncadd.s32 $0xFFFFC000  }
0x189: {  	[spmem:s2] =	stream.indirect.scatter.add.f32 [tilespmem:s17], [sflag:$0x5], $0x80, s28, s22, $0xb8;
	v63 =	vld [tilespmem:$0x0]  }
0x18a: {  	_ =	swait.ge [sflag:s18], $0x4000  }
0x18b: {  	[sflag:s18] =	ssyncset.done $0x0  }
0x18c: {  	[sflag:s18] =	ssyncadd.s32 $0xFFFFC000  }
0x18d: {  	[tilespmem:s17], [sflag:$0x1] =	stream.indirect.gather [hbm4b:s4+s22], $0x80, s0, s22, $0xb8;
	v63 =	vld [tilespmem:$0x0]  }
0x18e: {  	_ =	swait.ge [sflag:s26], $0x4000  }
0x18f: {  	[sflag:s26] =	ssyncset.done $0x0  }
0x190: {  	s28 =	simm.s32 $0x2B80;
	[sflag:s26] =	ssyncadd.s32 $0xFFFFC000  }
0x191: {  	[spmem:s2] =	stream.indirect.scatter.add.f32 [tilespmem:s23], [sflag:$0x5], $0x80, s28, s22, $0xb8;
	v63 =	vld [tilespmem:$0x0]  }
0x192: {  	_ =	swait.ge [sflag:s18], $0x4000  }
0x193: {  	[sflag:s18] =	ssyncset.done $0x0  }
0x194: {  	[sflag:s18] =	ssyncadd.s32 $0xFFFFC000  }
0x195: {  	[tilespmem:s23], [sflag:$0x2] =	stream.indirect.gather [hbm4b:s4+s22], $0x80, s22, s22, $0xb8;
	v63 =	vld [tilespmem:$0x0]  }
0x196: {  	s28 =	rddreg [dreg:$0xb]  }
0x197: {  	[tilespmem:s5], [sflag:$0x4] =	stream.linear.gather [hbm4b:s28+s0], $0xA00, $0x38;
	v63 =	vld [tilespmem:$0x0]  }
0x198: {  	_ =	swait.ge [sflag:s24], $0x4000  }
0x199: {  	[sflag:s24] =	ssyncset.done $0x0  }
0x19a: {  	s28 =	simm.s32 $0x2C00;
	[sflag:s24] =	ssyncadd.s32 $0xFFFFC000  }
0x19b: {  	[spmem:s2] =	stream.indirect.scatter.add.f32 [tilespmem:s17], [sflag:$0x5], $0x80, s28, s22, $0xb8;
	v63 =	vld [tilespmem:$0x0]  }
0x19c: {  	_ =	swait.ge [sflag:s18], $0x4000  }
0x19d: {  	[sflag:s18] =	ssyncset.done $0x0  }
0x19e: {  	s28 =	simm.s32 $0x100;
	[sflag:s18] =	ssyncadd.s32 $0xFFFFC000  }
0x19f: {  	[tilespmem:s17], [sflag:$0x1] =	stream.indirect.gather [hbm4b:s4+s22], $0x80, s28, s22, $0xb8;
	v63 =	vld [tilespmem:$0x0]  }
0x1a0: {  	_ =	swait.ge [sflag:s26], $0x4000  }
0x1a1: {  	[sflag:s26] =	ssyncset.done $0x0  }
0x1a2: {  	s28 =	simm.s32 $0x2C80;
	[sflag:s26] =	ssyncadd.s32 $0xFFFFC000  }
0x1a3: {  	[spmem:s2] =	stream.indirect.scatter.add.f32 [tilespmem:s23], [sflag:$0x5], $0x80, s28, s22, $0xb8;
	v63 =	vld [tilespmem:$0x0]  }
0x1a4: {  	_ =	swait.ge [sflag:s18], $0x4000  }
0x1a5: {  	[sflag:s18] =	ssyncset.done $0x0  }
0x1a6: {  	s28 =	simm.s32 $0x180;
	[sflag:s18] =	ssyncadd.s32 $0xFFFFC000  }
0x1a7: {  	[tilespmem:s23], [sflag:$0x2] =	stream.indirect.gather [hbm4b:s4+s22], $0x80, s28, s22, $0xb8;
	v63 =	vld [tilespmem:$0x0]  }
0x1a8: {  	_ =	swait.ge [sflag:s24], $0x4000  }
0x1a9: {  	[sflag:s24] =	ssyncset.done $0x0  }
0x1aa: {  	s28 =	simm.s32 $0x2D00;
	[sflag:s24] =	ssyncadd.s32 $0xFFFFC000  }
0x1ab: {  	[spmem:s2] =	stream.indirect.scatter.add.f32 [tilespmem:s17], [sflag:$0x5], $0x80, s28, s22, $0xb8;
	v63 =	vld [tilespmem:$0x0]  }
0x1ac: {  	_ =	swait.ge [sflag:s18], $0x4000  }
0x1ad: {  	[sflag:s18] =	ssyncset.done $0x0  }
0x1ae: {  	s28 =	simm.s32 $0x200;
	[sflag:s18] =	ssyncadd.s32 $0xFFFFC000  }
0x1af: {  	[tilespmem:s17], [sflag:$0x1] =	stream.indirect.gather [hbm4b:s4+s22], $0x80, s28, s22, $0xb8;
	v63 =	vld [tilespmem:$0x0]  }
0x1b0: {  	_ =	swait.ge [sflag:s26], $0x4000  }
0x1b1: {  	[sflag:s26] =	ssyncset.done $0x0  }
0x1b2: {  	s28 =	simm.s32 $0x2D80;
	[sflag:s26] =	ssyncadd.s32 $0xFFFFC000  }
0x1b3: {  	[spmem:s2] =	stream.indirect.scatter.add.f32 [tilespmem:s23], [sflag:$0x5], $0x80, s28, s22, $0xb8;
	v63 =	vld [tilespmem:$0x0]  }
0x1b4: {  	_ =	swait.ge [sflag:s18], $0x4000  }
0x1b5: {  	[sflag:s18] =	ssyncset.done $0x0  }
0x1b6: {  	s28 =	simm.s32 $0x280;
	[sflag:s18] =	ssyncadd.s32 $0xFFFFC000  }
0x1b7: {  	[tilespmem:s23], [sflag:$0x2] =	stream.indirect.gather [hbm4b:s4+s22], $0x80, s28, s22, $0xb8;
	v63 =	vld [tilespmem:$0x0]  }
0x1b8: {  	_ =	swait.ge [sflag:s24], $0x4000  }
0x1b9: {  	[sflag:s24] =	ssyncset.done $0x0  }
0x1ba: {  	s28 =	simm.s32 $0x2E00;
	[sflag:s24] =	ssyncadd.s32 $0xFFFFC000  }
0x1bb: {  	[spmem:s2] =	stream.indirect.scatter.add.f32 [tilespmem:s17], [sflag:$0x5], $0x80, s28, s22, $0xb8;
	v63 =	vld [tilespmem:$0x0]  }
0x1bc: {  	_ =	swait.ge [sflag:s18], $0x4000  }
0x1bd: {  	[sflag:s18] =	ssyncset.done $0x0  }
0x1be: {  	s28 =	simm.s32 $0x300;
	[sflag:s18] =	ssyncadd.s32 $0xFFFFC000  }
0x1bf: {  	[tilespmem:s17], [sflag:$0x1] =	stream.indirect.gather [hbm4b:s4+s22], $0x80, s28, s22, $0xb8;
	v63 =	vld [tilespmem:$0x0]  }
0x1c0: {  	_ =	swait.ge [sflag:s26], $0x4000  }
0x1c1: {  	[sflag:s26] =	ssyncset.done $0x0  }
0x1c2: {  	s28 =	simm.s32 $0x2E80;
	[sflag:s26] =	ssyncadd.s32 $0xFFFFC000  }
0x1c3: {  	[spmem:s2] =	stream.indirect.scatter.add.f32 [tilespmem:s23], [sflag:$0x5], $0x80, s28, s22, $0xb8;
	v63 =	vld [tilespmem:$0x0]  }
0x1c4: {  	_ =	swait.ge [sflag:s18], $0x4000  }
0x1c5: {  	[sflag:s18] =	ssyncset.done $0x0  }
0x1c6: {  	s28 =	simm.s32 $0x380;
	[sflag:s18] =	ssyncadd.s32 $0xFFFFC000  }
0x1c7: {  	[tilespmem:s23], [sflag:$0x2] =	stream.indirect.gather [hbm4b:s4+s22], $0x80, s28, s22, $0xb8;
	v63 =	vld [tilespmem:$0x0]  }
0x1c8: {  	_ =	swait.ge [sflag:s24], $0x4000  }
0x1c9: {  	[sflag:s24] =	ssyncset.done $0x0  }
0x1ca: {  	s28 =	simm.s32 $0x2F00;
	[sflag:s24] =	ssyncadd.s32 $0xFFFFC000  }
0x1cb: {  	[spmem:s2] =	stream.indirect.scatter.add.f32 [tilespmem:s17], [sflag:$0x5], $0x80, s28, s22, $0xb8;
	v63 =	vld [tilespmem:$0x0]  }
0x1cc: {  	_ =	swait.ge [sflag:s18], $0x4000  }
0x1cd: {  	[sflag:s18] =	ssyncset.done $0x0  }
0x1ce: {  	s28 =	simm.s32 $0x400;
	[sflag:s18] =	ssyncadd.s32 $0xFFFFC000  }
0x1cf: {  	[tilespmem:s17], [sflag:$0x1] =	stream.indirect.gather [hbm4b:s4+s22], $0x80, s28, s22, $0xb8;
	v63 =	vld [tilespmem:$0x0]  }
0x1d0: {  	_ =	swait.ge [sflag:s26], $0x4000  }
0x1d1: {  	[sflag:s26] =	ssyncset.done $0x0  }
0x1d2: {  	s28 =	simm.s32 $0x2F80;
	[sflag:s26] =	ssyncadd.s32 $0xFFFFC000  }
0x1d3: {  	[spmem:s2] =	stream.indirect.scatter.add.f32 [tilespmem:s23], [sflag:$0x5], $0x80, s28, s22, $0xb8;
	v63 =	vld [tilespmem:$0x0]  }
0x1d4: {  	_ =	swait.ge [sflag:s18], $0x4000  }
0x1d5: {  	[sflag:s18] =	ssyncset.done $0x0  }
0x1d6: {  	s28 =	simm.s32 $0x480;
	[sflag:s18] =	ssyncadd.s32 $0xFFFFC000  }
0x1d7: {  	[tilespmem:s23], [sflag:$0x2] =	stream.indirect.gather [hbm4b:s4+s22], $0x80, s28, s22, $0xb8;
	v63 =	vld [tilespmem:$0x0]  }
0x1d8: {  	_ =	swait.ge [sflag:s24], $0x4000  }
0x1d9: {  	[sflag:s24] =	ssyncset.done $0x0  }
0x1da: {  	s28 =	simm.s32 $0x3000;
	[sflag:s24] =	ssyncadd.s32 $0xFFFFC000  }
0x1db: {  	[spmem:s2] =	stream.indirect.scatter.add.f32 [tilespmem:s17], [sflag:$0x5], $0x80, s28, s22, $0xb8;
	v63 =	vld [tilespmem:$0x0]  }
0x1dc: {  	_ =	swait.ge [sflag:s18], $0x4000  }
0x1dd: {  	[sflag:s18] =	ssyncset.done $0x0  }
0x1de: {  	s28 =	simm.s32 $0x500;
	[sflag:s18] =	ssyncadd.s32 $0xFFFFC000  }
0x1df: {  	[tilespmem:s17], [sflag:$0x1] =	stream.indirect.gather [hbm4b:s4+s22], $0x80, s28, s22, $0xb8;
	v63 =	vld [tilespmem:$0x0]  }
0x1e0: {  	_ =	swait.ge [sflag:s26], $0x4000  }
0x1e1: {  	[sflag:s26] =	ssyncset.done $0x0  }
0x1e2: {  	s28 =	simm.s32 $0x3080;
	[sflag:s26] =	ssyncadd.s32 $0xFFFFC000  }
0x1e3: {  	[spmem:s2] =	stream.indirect.scatter.add.f32 [tilespmem:s23], [sflag:$0x5], $0x80, s28, s22, $0xb8;
	v63 =	vld [tilespmem:$0x0]  }
0x1e4: {  	_ =	swait.ge [sflag:s18], $0x4000  }
0x1e5: {  	[sflag:s18] =	ssyncset.done $0x0  }
0x1e6: {  	s28 =	simm.s32 $0x580;
	[sflag:s18] =	ssyncadd.s32 $0xFFFFC000  }
0x1e7: {  	[tilespmem:s23], [sflag:$0x2] =	stream.indirect.gather [hbm4b:s4+s22], $0x80, s28, s22, $0xb8;
	v63 =	vld [tilespmem:$0x0]  }
0x1e8: {  	_ =	swait.ge [sflag:s24], $0x4000  }
0x1e9: {  	[sflag:s24] =	ssyncset.done $0x0  }
0x1ea: {  	s28 =	simm.s32 $0x3100;
	[sflag:s24] =	ssyncadd.s32 $0xFFFFC000  }
0x1eb: {  	[spmem:s2] =	stream.indirect.scatter.add.f32 [tilespmem:s17], [sflag:$0x5], $0x80, s28, s22, $0xb8;
	v63 =	vld [tilespmem:$0x0]  }
0x1ec: {  	_ =	swait.ge [sflag:s18], $0x4000  }
0x1ed: {  	[sflag:s18] =	ssyncset.done $0x0  }
0x1ee: {  	s28 =	simm.s32 $0x600;
	[sflag:s18] =	ssyncadd.s32 $0xFFFFC000  }
0x1ef: {  	[tilespmem:s17], [sflag:$0x1] =	stream.indirect.gather [hbm4b:s4+s22], $0x80, s28, s22, $0xb8;
	v63 =	vld [tilespmem:$0x0]  }
0x1f0: {  	_ =	swait.ge [sflag:s26], $0x4000  }
0x1f1: {  	[sflag:s26] =	ssyncset.done $0x0  }
0x1f2: {  	s28 =	simm.s32 $0x3180;
	[sflag:s26] =	ssyncadd.s32 $0xFFFFC000  }
0x1f3: {  	[spmem:s2] =	stream.indirect.scatter.add.f32 [tilespmem:s23], [sflag:$0x5], $0x80, s28, s22, $0xb8;
	v63 =	vld [tilespmem:$0x0]  }
0x1f4: {  	_ =	swait.ge [sflag:s18], $0x4000  }
0x1f5: {  	[sflag:s18] =	ssyncset.done $0x0  }
0x1f6: {  	s28 =	simm.s32 $0x680;
	[sflag:s18] =	ssyncadd.s32 $0xFFFFC000  }
0x1f7: {  	[tilespmem:s23], [sflag:$0x2] =	stream.indirect.gather [hbm4b:s4+s22], $0x80, s28, s22, $0xb8;
	v63 =	vld [tilespmem:$0x0]  }
0x1f8: {  	_ =	swait.ge [sflag:s24], $0x4000  }
0x1f9: {  	[sflag:s24] =	ssyncset.done $0x0  }
0x1fa: {  	s28 =	simm.s32 $0x3200;
	[sflag:s24] =	ssyncadd.s32 $0xFFFFC000  }
0x1fb: {  	[spmem:s2] =	stream.indirect.scatter.add.f32 [tilespmem:s17], [sflag:$0x5], $0x80, s28, s22, $0xb8;
	v63 =	vld [tilespmem:$0x0]  }
0x1fc: {  	_ =	swait.ge [sflag:s18], $0x4000  }
0x1fd: {  	[sflag:s18] =	ssyncset.done $0x0  }
0x1fe: {  	s28 =	simm.s32 $0x700;
	[sflag:s18] =	ssyncadd.s32 $0xFFFFC000  }
0x1ff: {  	[tilespmem:s17], [sflag:$0x1] =	stream.indirect.gather [hbm4b:s4+s22], $0x80, s28, s22, $0xb8;
	v63 =	vld [tilespmem:$0x0]  }
0x200: {  	_ =	swait.ge [sflag:s26], $0x4000  }
0x201: {  	[sflag:s26] =	ssyncset.done $0x0  }
0x202: {  	s28 =	simm.s32 $0x3280;
	[sflag:s26] =	ssyncadd.s32 $0xFFFFC000  }
0x203: {  	[spmem:s2] =	stream.indirect.scatter.add.f32 [tilespmem:s23], [sflag:$0x5], $0x80, s28, s22, $0xb8;
	v63 =	vld [tilespmem:$0x0]  }
0x204: {  	_ =	swait.ge [sflag:s18], $0x4000  }
0x205: {  	[sflag:s18] =	ssyncset.done $0x0  }
0x206: {  	s28 =	simm.s32 $0x780;
	[sflag:s18] =	ssyncadd.s32 $0xFFFFC000  }
0x207: {  	[tilespmem:s23], [sflag:$0x2] =	stream.indirect.gather [hbm4b:s4+s22], $0x80, s28, s22, $0xb8;
	v63 =	vld [tilespmem:$0x0]  }
0x208: {  	_ =	swait.ge [sflag:s24], $0x4000  }
0x209: {  	[sflag:s24] =	ssyncset.done $0x0  }
0x20a: {  	s28 =	simm.s32 $0x3300;
	[sflag:s24] =	ssyncadd.s32 $0xFFFFC000  }
0x20b: {  	[spmem:s2] =	stream.indirect.scatter.add.f32 [tilespmem:s17], [sflag:$0x5], $0x80, s28, s22, $0xb8;
	v63 =	vld [tilespmem:$0x0]  }
0x20c: {  	_ =	swait.ge [sflag:s18], $0x4000  }
0x20d: {  	[sflag:s18] =	ssyncset.done $0x0  }
0x20e: {  	s28 =	simm.s32 $0x800;
	[sflag:s18] =	ssyncadd.s32 $0xFFFFC000  }
0x20f: {  	[tilespmem:s17], [sflag:$0x1] =	stream.indirect.gather [hbm4b:s4+s22], $0x80, s28, s22, $0xb8;
	v63 =	vld [tilespmem:$0x0]  }
0x210: {  	_ =	swait.ge [sflag:s26], $0x4000  }
0x211: {  	[sflag:s26] =	ssyncset.done $0x0  }
0x212: {  	s28 =	simm.s32 $0x3380;
	[sflag:s26] =	ssyncadd.s32 $0xFFFFC000  }
0x213: {  	[spmem:s2] =	stream.indirect.scatter.add.f32 [tilespmem:s23], [sflag:$0x5], $0x80, s28, s22, $0xb8;
	v63 =	vld [tilespmem:$0x0]  }
0x214: {  	_ =	swait.ge [sflag:s18], $0x4000  }
0x215: {  	[sflag:s18] =	ssyncset.done $0x0  }
0x216: {  	s28 =	simm.s32 $0x880;
	[sflag:s18] =	ssyncadd.s32 $0xFFFFC000  }
0x217: {  	[tilespmem:s23], [sflag:$0x2] =	stream.indirect.gather [hbm4b:s4+s22], $0x80, s28, s22, $0xb8;
	v63 =	vld [tilespmem:$0x0]  }
0x218: {  	_ =	swait.ge [sflag:s24], $0x4000  }
0x219: {  	[sflag:s24] =	ssyncset.done $0x0  }
0x21a: {  	s28 =	simm.s32 $0x3400;
	[sflag:s24] =	ssyncadd.s32 $0xFFFFC000  }
0x21b: {  	[spmem:s2] =	stream.indirect.scatter.add.f32 [tilespmem:s17], [sflag:$0x5], $0x80, s28, s22, $0xb8;
	v63 =	vld [tilespmem:$0x0]  }
0x21c: {  	_ =	swait.ge [sflag:s18], $0x4000  }
0x21d: {  	[sflag:s18] =	ssyncset.done $0x0  }
0x21e: {  	s28 =	simm.s32 $0x900;
	[sflag:s18] =	ssyncadd.s32 $0xFFFFC000  }
0x21f: {  	[tilespmem:s17], [sflag:$0x1] =	stream.indirect.gather [hbm4b:s4+s22], $0x80, s28, s22, $0xb8;
	v63 =	vld [tilespmem:$0x0]  }
0x220: {  	_ =	swait.ge [sflag:s26], $0x4000  }
0x221: {  	[sflag:s26] =	ssyncset.done $0x0  }
0x222: {  	s28 =	simm.s32 $0x3480;
	[sflag:s26] =	ssyncadd.s32 $0xFFFFC000  }
0x223: {  	[spmem:s2] =	stream.indirect.scatter.add.f32 [tilespmem:s23], [sflag:$0x5], $0x80, s28, s22, $0xb8;
	v63 =	vld [tilespmem:$0x0]  }
0x224: {  	_ =	swait.ge [sflag:s18], $0x4000  }
0x225: {  	[sflag:s18] =	ssyncset.done $0x0  }
0x226: {  	s28 =	simm.s32 $0x980;
	[sflag:s18] =	ssyncadd.s32 $0xFFFFC000  }
0x227: {  	[tilespmem:s23], [sflag:$0x2] =	stream.indirect.gather [hbm4b:s4+s22], $0x80, s28, s22, $0xb8;
	v63 =	vld [tilespmem:$0x0]  }
0x228: {  	_ =	swait.ge [sflag:s1], $0xA00  }
0x229: {  	[sflag:s1] =	ssyncset.done $0x0  }
0x22a: {  	[sflag:s1] =	ssyncadd.s32 $0xFFFFF600  }
0x22b: {  	_ =	swait.ge [sflag:s24], $0x4000  }
0x22c: {  	[sflag:s24] =	ssyncset.done $0x0  }
0x22d: {  	s28 =	simm.s32 $0x3500;
	[sflag:s24] =	ssyncadd.s32 $0xFFFFC000  }
0x22e: {  	[spmem:s2] =	stream.indirect.scatter.add.f32 [tilespmem:s17], [sflag:$0x5], $0x80, s28, s22, $0xb8;
	v63 =	vld [tilespmem:$0x0]  }
0x22f: {  	_ =	swait.ge [sflag:s18], $0x4000  }
0x230: {  	[sflag:s18] =	ssyncset.done $0x0  }
0x231: {  	[sflag:s18] =	ssyncadd.s32 $0xFFFFC000  }
0x232: {  	[tilespmem:s17], [sflag:$0x1] =	stream.indirect.gather [hbm4b:s4+s22], $0x80, s5, s22, $0xb8;
	v63 =	vld [tilespmem:$0x0]  }
0x233: {  	_ =	swait.ge [sflag:s26], $0x4000  }
0x234: {  	[sflag:s26] =	ssyncset.done $0x0  }
0x235: {  	s1 =	simm.s32 $0x3580;
	[sflag:s26] =	ssyncadd.s32 $0xFFFFC000  }
0x236: {  	[spmem:s2] =	stream.indirect.scatter.add.f32 [tilespmem:s23], [sflag:$0x5], $0x80, s1, s22, $0xb8;
	v63 =	vld [tilespmem:$0x0]  }
0x237: {  	_ =	swait.ge [sflag:s18], $0x4000  }
0x238: {  	[sflag:s18] =	ssyncset.done $0x0  }
0x239: {  	s28 =	simm.s32 $0xC80;
	[sflag:s18] =	ssyncadd.s32 $0xFFFFC000  }
0x23a: {  	[tilespmem:s23], [sflag:$0x2] =	stream.indirect.gather [hbm4b:s4+s22], $0x80, s28, s22, $0xb8;
	v63 =	vld [tilespmem:$0x0]  }
0x23b: {  	_ =	swait.ge [sflag:s24], $0x4000  }
0x23c: {  	[sflag:s24] =	ssyncset.done $0x0  }
0x23d: {  	s1 =	simm.s32 $0x3600;
	[sflag:s24] =	ssyncadd.s32 $0xFFFFC000  }
0x23e: {  	[spmem:s2] =	stream.indirect.scatter.add.f32 [tilespmem:s17], [sflag:$0x5], $0x80, s1, s22, $0xb8;
	v63 =	vld [tilespmem:$0x0]  }
0x23f: {  	_ =	swait.ge [sflag:s18], $0x4000  }
0x240: {  	[sflag:s18] =	ssyncset.done $0x0  }
0x241: {  	[sflag:s18] =	ssyncadd.s32 $0xFFFFC000  }
0x242: {  	[tilespmem:s17], [sflag:$0x1] =	stream.indirect.gather [hbm4b:s4+s22], $0x80, s3, s22, $0xb8;
	v63 =	vld [tilespmem:$0x0]  }
0x243: {  	_ =	swait.ge [sflag:s26], $0x4000  }
0x244: {  	[sflag:s26] =	ssyncset.done $0x0  }
0x245: {  	s28 =	simm.s32 $0x3680;
	[sflag:s26] =	ssyncadd.s32 $0xFFFFC000  }
0x246: {  	[spmem:s2] =	stream.indirect.scatter.add.f32 [tilespmem:s23], [sflag:$0x5], $0x80, s28, s22, $0xb8;
	v63 =	vld [tilespmem:$0x0]  }
0x247: {  	_ =	swait.ge [sflag:s18], $0x4000  }
0x248: {  	[sflag:s18] =	ssyncset.done $0x0  }
0x249: {  	[sflag:s18] =	ssyncadd.s32 $0xFFFFC000  }
0x24a: {  	[tilespmem:s23], [sflag:$0x2] =	stream.indirect.gather [hbm4b:s4+s22], $0x80, s6, s22, $0xb8;
	v63 =	vld [tilespmem:$0x0]  }
0x24b: {  	_ =	swait.ge [sflag:s24], $0x4000  }
0x24c: {  	[sflag:s24] =	ssyncset.done $0x0  }
0x24d: {  	s1 =	simm.s32 $0x3700;
	[sflag:s24] =	ssyncadd.s32 $0xFFFFC000  }
0x24e: {  	[spmem:s2] =	stream.indirect.scatter.add.f32 [tilespmem:s17], [sflag:$0x5], $0x80, s1, s22, $0xb8;
	v63 =	vld [tilespmem:$0x0]  }
0x24f: {  	_ =	swait.ge [sflag:s18], $0x4000  }
0x250: {  	[sflag:s18] =	ssyncset.done $0x0  }
0x251: {  	[sflag:s18] =	ssyncadd.s32 $0xFFFFC000  }
0x252: {  	[tilespmem:s17], [sflag:$0x1] =	stream.indirect.gather [hbm4b:s4+s22], $0x80, s7, s22, $0xb8;
	v63 =	vld [tilespmem:$0x0]  }
0x253: {  	_ =	swait.ge [sflag:s26], $0x4000  }
0x254: {  	[sflag:s26] =	ssyncset.done $0x0  }
0x255: {  	s3 =	simm.s32 $0x3780;
	[sflag:s26] =	ssyncadd.s32 $0xFFFFC000  }
0x256: {  	[spmem:s2] =	stream.indirect.scatter.add.f32 [tilespmem:s23], [sflag:$0x5], $0x80, s3, s22, $0xb8;
	v63 =	vld [tilespmem:$0x0]  }
0x257: {  	_ =	swait.ge [sflag:s18], $0x4000  }
0x258: {  	[sflag:s18] =	ssyncset.done $0x0  }
0x259: {  	[sflag:s18] =	ssyncadd.s32 $0xFFFFC000  }
0x25a: {  	[tilespmem:s23], [sflag:$0x2] =	stream.indirect.gather [hbm4b:s4+s22], $0x80, s8, s22, $0xb8;
	v63 =	vld [tilespmem:$0x0]  }
0x25b: {  	_ =	swait.ge [sflag:s24], $0x4000  }
0x25c: {  	[sflag:s24] =	ssyncset.done $0x0  }
0x25d: {  	s28 =	simm.s32 $0x3800;
	[sflag:s24] =	ssyncadd.s32 $0xFFFFC000  }
0x25e: {  	[spmem:s2] =	stream.indirect.scatter.add.f32 [tilespmem:s17], [sflag:$0x5], $0x80, s28, s22, $0xb8;
	v63 =	vld [tilespmem:$0x0]  }
0x25f: {  	_ =	swait.ge [sflag:s18], $0x4000  }
0x260: {  	[sflag:s18] =	ssyncset.done $0x0  }
0x261: {  	[sflag:s18] =	ssyncadd.s32 $0xFFFFC000  }
0x262: {  	[tilespmem:s17], [sflag:$0x1] =	stream.indirect.gather [hbm4b:s4+s22], $0x80, s9, s22, $0xb8;
	v63 =	vld [tilespmem:$0x0]  }
0x263: {  	_ =	swait.ge [sflag:s26], $0x4000  }
0x264: {  	[sflag:s26] =	ssyncset.done $0x0  }
0x265: {  	s1 =	simm.s32 $0x3880;
	[sflag:s26] =	ssyncadd.s32 $0xFFFFC000  }
0x266: {  	[spmem:s2] =	stream.indirect.scatter.add.f32 [tilespmem:s23], [sflag:$0x5], $0x80, s1, s22, $0xb8;
	v63 =	vld [tilespmem:$0x0]  }
0x267: {  	_ =	swait.ge [sflag:s18], $0x4000  }
0x268: {  	[sflag:s18] =	ssyncset.done $0x0  }
0x269: {  	[sflag:s18] =	ssyncadd.s32 $0xFFFFC000  }
0x26a: {  	[tilespmem:s23], [sflag:$0x2] =	stream.indirect.gather [hbm4b:s4+s22], $0x80, s10, s22, $0xb8;
	v63 =	vld [tilespmem:$0x0]  }
0x26b: {  	_ =	swait.ge [sflag:s24], $0x4000  }
0x26c: {  	[sflag:s24] =	ssyncset.done $0x0  }
0x26d: {  	s3 =	simm.s32 $0x3900;
	[sflag:s24] =	ssyncadd.s32 $0xFFFFC000  }
0x26e: {  	[spmem:s2] =	stream.indirect.scatter.add.f32 [tilespmem:s17], [sflag:$0x5], $0x80, s3, s22, $0xb8;
	v63 =	vld [tilespmem:$0x0]  }
0x26f: {  	_ =	swait.ge [sflag:s18], $0x4000  }
0x270: {  	[sflag:s18] =	ssyncset.done $0x0  }
0x271: {  	[sflag:s18] =	ssyncadd.s32 $0xFFFFC000  }
0x272: {  	[tilespmem:s17], [sflag:$0x1] =	stream.indirect.gather [hbm4b:s4+s22], $0x80, s11, s22, $0xb8;
	v63 =	vld [tilespmem:$0x0]  }
0x273: {  	_ =	swait.ge [sflag:s26], $0x4000  }
0x274: {  	[sflag:s26] =	ssyncset.done $0x0  }
0x275: {  	s28 =	simm.s32 $0x3980;
	[sflag:s26] =	ssyncadd.s32 $0xFFFFC000  }
0x276: {  	[spmem:s2] =	stream.indirect.scatter.add.f32 [tilespmem:s23], [sflag:$0x5], $0x80, s28, s22, $0xb8;
	v63 =	vld [tilespmem:$0x0]  }
0x277: {  	_ =	swait.ge [sflag:s18], $0x4000  }
0x278: {  	[sflag:s18] =	ssyncset.done $0x0  }
0x279: {  	[sflag:s18] =	ssyncadd.s32 $0xFFFFC000  }
0x27a: {  	[tilespmem:s23], [sflag:$0x2] =	stream.indirect.gather [hbm4b:s4+s22], $0x80, s12, s22, $0xb8;
	v63 =	vld [tilespmem:$0x0]  }
0x27b: {  	_ =	swait.ge [sflag:s24], $0x4000  }
0x27c: {  	[sflag:s24] =	ssyncset.done $0x0  }
0x27d: {  	s1 =	simm.s32 $0x3A00;
	[sflag:s24] =	ssyncadd.s32 $0xFFFFC000  }
0x27e: {  	[spmem:s2] =	stream.indirect.scatter.add.f32 [tilespmem:s17], [sflag:$0x5], $0x80, s1, s22, $0xb8;
	v63 =	vld [tilespmem:$0x0]  }
0x27f: {  	_ =	swait.ge [sflag:s18], $0x4000  }
0x280: {  	[sflag:s18] =	ssyncset.done $0x0  }
0x281: {  	[sflag:s18] =	ssyncadd.s32 $0xFFFFC000  }
0x282: {  	[tilespmem:s17], [sflag:$0x1] =	stream.indirect.gather [hbm4b:s4+s22], $0x80, s13, s22, $0xb8;
	v63 =	vld [tilespmem:$0x0]  }
0x283: {  	_ =	swait.ge [sflag:s26], $0x4000  }
0x284: {  	[sflag:s26] =	ssyncset.done $0x0  }
0x285: {  	s3 =	simm.s32 $0x3A80;
	[sflag:s26] =	ssyncadd.s32 $0xFFFFC000  }
0x286: {  	[spmem:s2] =	stream.indirect.scatter.add.f32 [tilespmem:s23], [sflag:$0x5], $0x80, s3, s22, $0xb8;
	v63 =	vld [tilespmem:$0x0]  }
0x287: {  	_ =	swait.ge [sflag:s18], $0x4000  }
0x288: {  	[sflag:s18] =	ssyncset.done $0x0  }
0x289: {  	[sflag:s18] =	ssyncadd.s32 $0xFFFFC000  }
0x28a: {  	[tilespmem:s23], [sflag:$0x2] =	stream.indirect.gather [hbm4b:s4+s22], $0x80, s14, s22, $0xb8;
	v63 =	vld [tilespmem:$0x0]  }
0x28b: {  	_ =	swait.ge [sflag:s24], $0x4000  }
0x28c: {  	[sflag:s24] =	ssyncset.done $0x0  }
0x28d: {  	s28 =	simm.s32 $0x3B00;
	[sflag:s24] =	ssyncadd.s32 $0xFFFFC000  }
0x28e: {  	[spmem:s2] =	stream.indirect.scatter.add.f32 [tilespmem:s17], [sflag:$0x5], $0x80, s28, s22, $0xb8;
	v63 =	vld [tilespmem:$0x0]  }
0x28f: {  	_ =	swait.ge [sflag:s18], $0x4000  }
0x290: {  	[sflag:s18] =	ssyncset.done $0x0  }
0x291: {  	[sflag:s18] =	ssyncadd.s32 $0xFFFFC000  }
0x292: {  	[tilespmem:s17], [sflag:$0x1] =	stream.indirect.gather [hbm4b:s4+s22], $0x80, s15, s22, $0xb8;
	v63 =	vld [tilespmem:$0x0]  }
0x293: {  	_ =	swait.ge [sflag:s26], $0x4000  }
0x294: {  	[sflag:s26] =	ssyncset.done $0x0  }
0x295: {  	s1 =	simm.s32 $0x3B80;
	[sflag:s26] =	ssyncadd.s32 $0xFFFFC000  }
0x296: {  	[spmem:s2] =	stream.indirect.scatter.add.f32 [tilespmem:s23], [sflag:$0x5], $0x80, s1, s22, $0xb8;
	v63 =	vld [tilespmem:$0x0]  }
0x297: {  	_ =	swait.ge [sflag:s18], $0x4000  }
0x298: {  	[sflag:s18] =	ssyncset.done $0x0  }
0x299: {  	[sflag:s18] =	ssyncadd.s32 $0xFFFFC000  }
0x29a: {  	[tilespmem:s23], [sflag:$0x2] =	stream.indirect.gather [hbm4b:s4+s22], $0x80, s19, s22, $0xb8;
	v63 =	vld [tilespmem:$0x0]  }
0x29b: {  	_ =	swait.ge [sflag:s24], $0x4000  }
0x29c: {  	[sflag:s24] =	ssyncset.done $0x0  }
0x29d: {  	s3 =	simm.s32 $0x3C00;
	[sflag:s24] =	ssyncadd.s32 $0xFFFFC000  }
0x29e: {  	[spmem:s2] =	stream.indirect.scatter.add.f32 [tilespmem:s17], [sflag:$0x5], $0x80, s3, s22, $0xb8;
	v63 =	vld [tilespmem:$0x0]  }
0x29f: {  	_ =	swait.ge [sflag:s18], $0x4000  }
0x2a0: {  	[sflag:s18] =	ssyncset.done $0x0  }
0x2a1: {  	[sflag:s18] =	ssyncadd.s32 $0xFFFFC000  }
0x2a2: {  	[tilespmem:s17], [sflag:$0x1] =	stream.indirect.gather [hbm4b:s4+s22], $0x80, s20, s22, $0xb8;
	v63 =	vld [tilespmem:$0x0]  }
0x2a3: {  	_ =	swait.ge [sflag:s26], $0x4000  }
0x2a4: {  	[sflag:s26] =	ssyncset.done $0x0  }
0x2a5: {  	s28 =	simm.s32 $0x3C80;
	[sflag:s26] =	ssyncadd.s32 $0xFFFFC000  }
0x2a6: {  	[spmem:s2] =	stream.indirect.scatter.add.f32 [tilespmem:s23], [sflag:$0x5], $0x80, s28, s22, $0xb8;
	v63 =	vld [tilespmem:$0x0]  }
0x2a7: {  	_ =	swait.ge [sflag:s18], $0x4000  }
0x2a8: {  	[sflag:s18] =	ssyncset.done $0x0  }
0x2a9: {  	[sflag:s18] =	ssyncadd.s32 $0xFFFFC000  }
0x2aa: {  	[tilespmem:s23], [sflag:$0x2] =	stream.indirect.gather [hbm4b:s4+s22], $0x80, s25, s22, $0xb8;
	v63 =	vld [tilespmem:$0x0]  }
0x2ab: {  	_ =	swait.ge [sflag:s24], $0x4000  }
0x2ac: {  	[sflag:s24] =	ssyncset.done $0x0  }
0x2ad: {  	s1 =	simm.s32 $0x3D00;
	[sflag:s24] =	ssyncadd.s32 $0xFFFFC000  }
0x2ae: {  	[spmem:s2] =	stream.indirect.scatter.add.f32 [tilespmem:s17], [sflag:$0x5], $0x80, s1, s22, $0xb8;
	v63 =	vld [tilespmem:$0x0]  }
0x2af: {  	_ =	swait.ge [sflag:s18], $0x4000  }
0x2b0: {  	[sflag:s18] =	ssyncset.done $0x0  }
0x2b1: {  	[sflag:s18] =	ssyncadd.s32 $0xFFFFC000  }
0x2b2: {  	[tilespmem:s17], [sflag:$0x1] =	stream.indirect.gather [hbm4b:s4+s22], $0x80, s30, s22, $0xb8;
	v63 =	vld [tilespmem:$0x0]  }
0x2b3: {  	_ =	swait.ge [sflag:s26], $0x4000  }
0x2b4: {  	[sflag:s26] =	ssyncset.done $0x0  }
0x2b5: {  	s3 =	simm.s32 $0x3D80;
	[sflag:s26] =	ssyncadd.s32 $0xFFFFC000  }
0x2b6: {  	[spmem:s2] =	stream.indirect.scatter.add.f32 [tilespmem:s23], [sflag:$0x5], $0x80, s3, s22, $0xb8;
	v63 =	vld [tilespmem:$0x0]  }
0x2b7: {  	_ =	swait.ge [sflag:s18], $0x4000  }
0x2b8: {  	[sflag:s18] =	ssyncset.done $0x0  }
0x2b9: {  	[sflag:s18] =	ssyncadd.s32 $0xFFFFC000  }
0x2ba: {  	[tilespmem:s23], [sflag:$0x2] =	stream.indirect.gather [hbm4b:s4+s22], $0x80, s31, s22, $0xb8;
	v63 =	vld [tilespmem:$0x0]  }
0x2bb: {  	_ =	swait.ge [sflag:s24], $0x4000  }
0x2bc: {  	[sflag:s24] =	ssyncset.done $0x0  }
0x2bd: {  	s28 =	simm.s32 $0x3E00;
	[sflag:s24] =	ssyncadd.s32 $0xFFFFC000  }
0x2be: {  	[spmem:s2] =	stream.indirect.scatter.add.f32 [tilespmem:s17], [sflag:$0x5], $0x80, s28, s22, $0xb8;
	v63 =	vld [tilespmem:$0x0]  }
0x2bf: {  	_ =	swait.ge [sflag:s18], $0x4000  }
0x2c0: {  	[sflag:s18] =	ssyncset.done $0x0  }
0x2c1: {  	s31 =	simm.s32 $0x1500;
	[sflag:s18] =	ssyncadd.s32 $0xFFFFC000  }
0x2c2: {  	[tilespmem:s17], [sflag:$0x1] =	stream.indirect.gather [hbm4b:s4+s22], $0x80, s31, s22, $0xb8;
	v63 =	vld [tilespmem:$0x0]  }
0x2c3: {  	_ =	swait.ge [sflag:s26], $0x4000  }
0x2c4: {  	[sflag:s26] =	ssyncset.done $0x0  }
0x2c5: {  	s1 =	simm.s32 $0x3E80;
	[sflag:s26] =	ssyncadd.s32 $0xFFFFC000  }
0x2c6: {  	[spmem:s2] =	stream.indirect.scatter.add.f32 [tilespmem:s23], [sflag:$0x5], $0x80, s1, s22, $0xb8;
	v63 =	vld [tilespmem:$0x0]  }
0x2c7: {  	_ =	swait.ge [sflag:s18], $0x4000  }
0x2c8: {  	[sflag:s18] =	ssyncset.done $0x0  }
0x2c9: {  	s3 =	simm.s32 $0x1580;
	[sflag:s18] =	ssyncadd.s32 $0xFFFFC000  }
0x2ca: {  	[tilespmem:s23], [sflag:$0x2] =	stream.indirect.gather [hbm4b:s4+s22], $0x80, s3, s22, $0xb8;
	v63 =	vld [tilespmem:$0x0]  }
0x2cb: {  	_ =	swait.ge [sflag:s24], $0x4000  }
0x2cc: {  	[sflag:s24] =	ssyncset.done $0x0  }
0x2cd: {  	s28 =	simm.s32 $0x3F00;
	[sflag:s24] =	ssyncadd.s32 $0xFFFFC000  }
0x2ce: {  	[spmem:s2] =	stream.indirect.scatter.add.f32 [tilespmem:s17], [sflag:$0x5], $0x80, s28, s22, $0xb8;
	v63 =	vld [tilespmem:$0x0]  }
0x2cf: {  	_ =	swait.ge [sflag:s18], $0x4000  }
0x2d0: {  	[sflag:s18] =	ssyncset.done $0x0  }
0x2d1: {  	[sflag:s18] =	ssyncadd.s32 $0xFFFFC000  }
0x2d2: {  	_ =	swait.ge [sflag:s26], $0x4000  }
0x2d3: {  	[sflag:s26] =	ssyncset.done $0x0  }
0x2d4: {  	s31 =	simm.s32 $0x3F80;
	[sflag:s26] =	ssyncadd.s32 $0xFFFFC000  }
0x2d5: {  	[spmem:s2] =	stream.indirect.scatter.add.f32 [tilespmem:s23], [sflag:$0x5], $0x80, s31, s22, $0xb8;
	v63 =	vld [tilespmem:$0x0]  }
0x2d6: {  	_ =	swait.ge [sflag:s18], $0x4000  }
0x2d7: {  	[sflag:s18] =	ssyncset.done $0x0  }
0x2d8: {  	s1 =	stileid.u32;
	[sflag:s18] =	ssyncadd.s32 $0xFFFFC000  }
0x2d9: {  	s28 =	sshll.u32 s1, $0x6;
	[bflag:$0x0] =	sbarrier.arrive $0xFFFF  }
0x2da: {  	s3 =	sshrl.u32 s21, $0x3;
	s28 =	sor.u32 $0x1C05, s28;
	s21 =	rddreg [dreg:$0xc]  }
0x2db: {  	[hbm:s21], [sflag:s28] =	dma.local [spmem:s3], $0x2800  }
0x2dc: {  	_ =	swait.ge [sflag:s18], $0x2800  }
0x2dd: {  	s16 =	sadd.s32 $0x1, s16;
	s31 =	rddreg [dreg:$0xd]  }
0x2de: {  	p0 =	sne.s32 s16, s31  }
.Ltmp1:
0x2df: {  	_ = 	snop;
	(pc) =	sbr.rel @p0 .LBB2_1-.Ltmp1, $3  }
0x2e0: {  	_ =	sdelay $0x1  }
0x2e1: {  	[sflag:s18] =	ssyncset.done $0x0  }
0x2e2: {  	[sflag:s18] =	ssyncadd.s32 $0xFFFFD800  }
0x2e3: {  	_ =	sfence.sel $0x180000  }
0x2e4: {  	[bflag:$0x0] =	sbarrier.arrive $0xFFFF  }
0x2e5: {  	_ =	strace $0x9000004A  }
0x2e6: {  	s0 =	stileid.u32;
	[bflag:$0x2] =	sbarrier.arrive $0xFFFF  }
0x2e7: {  	p0 =	sne.s32 s0, $0x0;
	s0 =	rddreg [dreg:$0x2]  }
0x2e8: {  	s0 =	sadd.s32 @!p0 $0x100000, s0  }
0x2e9: {  	[sflag:s0] =	ssyncadd.tile.s32 @!p0 $0x1;
	_ =	shalt  }
.Lfunc_end2:
_tile_overlayer_lowered:
.L_overlay_start_2:
0x2ea: {  	(tag) =	ssettag $0x2  }
0x2eb: {  	s0 =	rddreg [dreg:$0x0];
	s2 =	stileid.u32  }
0x2ec: {  	s1 =	rddreg [dreg:$0x1];
	p0 =	sne.s32 s2, $0x0  }
0x2ed: {  	s3 =	rddreg [dreg:$0x2];
	[bflag:$0x3] =	sbarrier.arrive $0xFFFF;
	s2 =	simm.s32 @!p0 $0x1C05  }
0x2ee: {  	[timem:s3], [sflag:s2] =	dma.local @!p0 [hbm:s0], s1  }
0x2ef: {  	s0 =	simm.s32 @!p0 $0x5  }
0x2f0: {  	_ =	swait.ge @!p0 [sflag:s0], s1  }
0x2f1: {  	s1 =	ssub.s32 @!p0 $0x0, s1;
	[sflag:s0] =	ssyncset.done @!p0 $0x0  }
0x2f2: {  	[sflag:s0] =	ssyncadd.s32 @!p0 s1  }
0x2f3: {  	[bflag:$0x3] =	sbarrier.arrive $0xFFFF  }
0x2f4: {  	_ =	shalt  }

// kernel: kernel.14.cloned.1.call-start
scs
__scs_entry_jumppad:
0x0: {  	(pc) =	sbr.rel $0x88, $3  }
0x1: {  	(tag) =	ssettag $0x0;
	lr =	simm.s32 $0x1  }
0x2: {  	[smem:$0x3F97] =	sst lr;
	_ =	strace $0xD0000000  }
0x3: {  	_ = 	snop  }
0x4: {  	_ = 	snop  }
0x5: {  	_ = 	snop  }
0x6: {  	_ = 	snop  }
0x7: {  	_ = 	snop  }
__scs_overlays_trampoline_lowered:
0x8: {  	[smem:$0x3FA6] =	sst s0  }
0x9: {  	[smem:$0x3FA7] =	sst s1  }
0xa: {  	[smem:$0x3FA8] =	sst s2  }
0xb: {  	[smem:$0x3FA9] =	sst s3  }
0xc: {  	[smem:$0x3FAA] =	sst s4  }
0xd: {  	[smem:$0x3FAB] =	sst s5  }
0xe: {  	[smem:$0x3FAC] =	sst s6  }
0xf: {  	[smem:$0x3FAD] =	sst s7  }
0x10: {  	[smem:$0x3FAE] =	sst s8  }
0x11: {  	[smem:$0x3FAF] =	sst s9;
	s0 =	simm.s32 @!p0 $0x0  }
0x12: {  	s1 =	sld [smem:$0x3F95];
	s0 =	simm.s32 @p0 $0x1  }
0x13: {  	[smem:$0x3FB0] =	sst s0;
	s0 =	simm.s32 @!p1 $0x0  }
0x14: {  	s2 =	sld [smem:$0x3F94];
	s0 =	simm.s32 @p1 $0x1  }
0x15: {  	[smem:$0x3FB1] =	sst s0;
	s0 =	simm.s32 @!p2 $0x0  }
0x16: {  	s3 =	sld [smem:$0x3FDB];
	s0 =	simm.s32 @p2 $0x1  }
0x17: {  	s4 =	simm.s32 $0x1BF5;
	[smem:$0x3FB3] =	sst s0  }
0x18: {  	s0 =	sld [smem:$0x3F96];
	_ =	swait.ge [sflag:s4], $0x0  }
0x19: {  	s7 =	sld [smem:$0x3F97]  }
0x1a: {  	s8 =	sadd.s32 $0xFFFFE003, lr  }
0x1b: {  	s9 =	sadd.s32 $0xFFFFFEF7, lr;
	s5 =	simm.s32 $0xFFFFFFFF;
	p2 =	slt.u32 s8, $0xFFFFF086  }
0x1c: {  	p1 =	slt.u32 s9, $0xF7A;
	s5 =	simm.s32 @!p2 $0x0  }
0x1d: {  	s5 =	simm.s32 @p1 $0x1;
	p0 =	seq.s32 s7, s2  }
0x1e: {  	s7 =	smul.u32 @!p0 $0xF7A, s2;
	p2 =	seq.s32 @!p0 s5, $0x0  }
0x1f: {  	s9 =	smul.u32 $0xF7A, s1;
	s8 =	simm.s32 @!p0 $0x1BF5;
	p2 =	por !p2, p0  }
0x20: {  	[sflag:s8] =	ssyncset.s32 @!p0 $0xFFFFF086;
	s6 =	sadd.s32 @!p0 s3, s7;
	s7 =	simm.s32 @!p0 $0x108  }
0x21: {  	s3 =	sadd.s32 s3, s9;
	s6 =	sadd.s32 @!p0 $0x88, s6;
	s7 =	simm.s32 @p2 $0x1082  }
0x22: {  	[simem:s7], [sflag:s8] =	dma.local @!p0 [hbm:s6], $0xF7A  }
0x23: {  	s9 =	sor.u32 $0xD0000000, s2;
	s6 =	simm.s32 $0x108;
	_ =	swait.ge @!p0 [sflag:s8], $0x0  }
0x24: {  	s3 =	sadd.s32 $0x88, s3;
	s6 =	simm.s32 @!p1 $0x1082;
	[sflag:s4] =	ssyncset.s32 $0xFFFFF086  }
0x25: {  	[simem:s6], [sflag:s4] =	dma.local [hbm:s3], $0xF7A  }
0x26: {  	[smem:$0x3F97] =	sst s1;
	(tag) =	ssettag s2;
	_ =	strace s9  }
0x27: {  	s1 =	sld [smem:$0x3FA7]  }
0x28: {  	s2 =	sld [smem:$0x3FA8]  }
0x29: {  	s4 =	sld [smem:$0x3FAA]  }
0x2a: {  	p0 =	seq.s32 s5, $0x0;
	s5 =	sld [smem:$0x3FAB]  }
0x2b: {  	s6 =	sld [smem:$0x3FAC]  }
0x2c: {  	s7 =	sld [smem:$0x3FAD]  }
0x2d: {  	s3 =	simm.s32 $0x108;
	s8 =	sld [smem:$0x3FAE]  }
0x2e: {  	s3 =	simm.s32 @!p0 $0x1082;
	s9 =	sld [smem:$0x3FAF]  }
0x2f: {  	lr =	sadd.s32 s0, s3;
	s0 =	sld [smem:$0x3FA6]  }
0x30: {  	s3 =	sld [smem:$0x3FA9]  }
0x31: {  	[smem:$0x3FB2] =	sst s10  }
0x32: {  	s10 =	sld [smem:$0x3FB0];
	_ =	sdelay $0x3  }
0x33: {  	p0 =	seq.s32 s10, $0x1;
	s10 =	sld [smem:$0x3FB2];
	_ =	sdelay $0x3  }
0x34: {  	[smem:$0x3FB2] =	sst s10  }
0x35: {  	s10 =	sld [smem:$0x3FB1];
	_ =	sdelay $0x3  }
0x36: {  	p1 =	seq.s32 s10, $0x1;
	s10 =	sld [smem:$0x3FB2];
	_ =	sdelay $0x3  }
0x37: {  	[smem:$0x3FB2] =	sst s10  }
0x38: {  	s10 =	sld [smem:$0x3FB3]  }
0x39: {  	_ = 	snop;
	(pc) =	sbr.ind lr, $3  }
0x3a: {  	_ = 	snop  }
0x3b: {  	_ = 	snop  }
0x3c: {  	p2 =	seq.s32 s10, $0x1;
	s10 =	sld [smem:$0x3FB2]  }
0x3d: {  	_ =	shalt  }
0x3e: {  	_ =	shalt  }
0x3f: {  	_ =	shalt  }
0x40: {  	_ =	shalt  }
0x41: {  	_ =	shalt  }
0x42: {  	_ =	shalt  }
0x43: {  	_ =	shalt  }
0x44: {  	_ =	shalt  }
0x45: {  	_ =	shalt  }
0x46: {  	_ =	shalt  }
0x47: {  	_ =	shalt  }
0x48: {  	_ =	shalt  }
0x49: {  	_ =	shalt  }
0x4a: {  	_ =	shalt  }
0x4b: {  	_ =	shalt  }
0x4c: {  	_ =	shalt  }
0x4d: {  	_ =	shalt  }
0x4e: {  	_ =	shalt  }
0x4f: {  	_ =	shalt  }
0x50: {  	_ =	shalt  }
0x51: {  	_ =	shalt  }
0x52: {  	_ =	shalt  }
0x53: {  	_ =	shalt  }
0x54: {  	_ =	shalt  }
0x55: {  	_ =	shalt  }
0x56: {  	_ =	shalt  }
0x57: {  	_ =	shalt  }
0x58: {  	_ =	shalt  }
0x59: {  	_ =	shalt  }
0x5a: {  	_ =	shalt  }
0x5b: {  	_ =	shalt  }
0x5c: {  	_ =	shalt  }
0x5d: {  	_ =	shalt  }
0x5e: {  	_ =	shalt  }
0x5f: {  	_ =	shalt  }
0x60: {  	_ =	shalt  }
0x61: {  	_ =	shalt  }
0x62: {  	_ =	shalt  }
0x63: {  	_ =	shalt  }
0x64: {  	_ =	shalt  }
0x65: {  	_ =	shalt  }
0x66: {  	_ =	shalt  }
0x67: {  	_ =	shalt  }
0x68: {  	_ =	shalt  }
0x69: {  	_ =	shalt  }
0x6a: {  	_ =	shalt  }
0x6b: {  	_ =	shalt  }
0x6c: {  	_ =	shalt  }
0x6d: {  	_ =	shalt  }
0x6e: {  	_ =	shalt  }
0x6f: {  	_ =	shalt  }
0x70: {  	_ =	shalt  }
0x71: {  	_ =	shalt  }
0x72: {  	_ =	shalt  }
0x73: {  	_ =	shalt  }
0x74: {  	_ =	shalt  }
0x75: {  	_ =	shalt  }
0x76: {  	_ =	shalt  }
0x77: {  	_ =	shalt  }
0x78: {  	_ =	shalt  }
0x79: {  	_ =	shalt  }
0x7a: {  	_ =	shalt  }
0x7b: {  	_ =	shalt  }
0x7c: {  	_ =	shalt  }
0x7d: {  	_ =	shalt  }
0x7e: {  	_ =	shalt  }
0x7f: {  	_ =	shalt  }
0x80: {  	_ =	shalt  }
0x81: {  	_ =	shalt  }
0x82: {  	_ =	shalt  }
0x83: {  	_ =	shalt  }
0x84: {  	_ =	shalt  }
0x85: {  	_ =	shalt  }
0x86: {  	_ =	shalt  }
0x87: {  	_ =	shalt  }
.Lfunc_end0:
.L_simem_size_0:
called_computation.2_lowered:
.L_overlay_start_0:
0x88: {  	s2 =	sld [smem:$0x3FD9]  }
0x89: {  	s3 =	sld [smem:$0x3FFE];
	_ =	sdelay $0x1  }
0x8a: {  	s1 =	srdreg.scid  }
0x8b: {  	s0 =	sand.u32 $0x1, s1  }
0x8c: {  	s16 =	sshll.u32 s0, $0xA;
	s2 =	sadd.s32 s3, s2  }
0x8d: {  	s2 =	sadd.s32 s2, s16  }
0x8e: {  	[smem:$0x3FBE] =	sst s2  }
0x8f: {  	_ = 	snop  }
0x90: {  	(tm) =	ssettm $0x1  }
0x91: {  	s17 =	sld [smem:$0x3FFB];
	_ =	sdelay $0x3  }
0x92: {  	_ =	strace s17  }
0x93: {  	s2 =	sld [smem:$0x3FFC];
	_ =	sdelay $0x3  }
0x94: {  	_ =	strace s2  }
0x95: {  	s2 =	sld [smem:$0x3FFD];
	_ =	sdelay $0x3  }
0x96: {  	_ =	strace s2  }
0x97: {  	_ =	strace $0x8FFFFFFF  }
0x98: {  	s18 =	sld [smem:$0x3FDB];
	_ =	sdelay $0x1  }
0x99: {  	s19 =	simm.s32 $_scs_section_size  }
0x9a: {  	s4 =	simm.s32 $_size__tile_overlayer_lowered;
	s5 =	simm.s32 $_tile_overlayer_lowered  }
0x9b: {  	s22 =	simm.s32 $0x1BFF;
	s21 =	sshll.u32 s5, $0x1;
	s2 =	sadd.s32 s19, s18  }
0x9c: {  	s6 =	simm.s32 $0x0;
	s20 =	sshll.u32 s4, $0x1;
	s4 =	sadd.s32 s21, s2  }
0x9d: {  	[timem:s6], [sflag:s22] =	dma.local [hbm:s4], s20  }
0x9e: {  	_ =	swait.ge [sflag:s22], s20  }
0x9f: {  	s3 =	ssub.s32 $0x0, s20;
	[sflag:s22] =	ssyncset.done $0x0  }
0xa0: {  	[sflag:s22] =	ssyncadd.s32 s3;
	_ =	sdelay $0x1  }
0xa1: {  	s23 =	simm.s32 $0x1B8B  }
0xa2: {  	_ =	swait.ge [sflag:s23], $0x1  }
0xa3: {  	[sflag:s23] =	ssyncset.done $0x0  }
0xa4: {  	s25 =	simm.s32 $0x1B8E;
	s24 =	sld [smem:$0x3FFE];
	[sflag:s23] =	ssyncadd.s32 $0xFFFFFFFF  }
0xa5: {  	s26 =	simm.s32 $execute0_lowered;
	[smem:$0x3FD2] =	sst s25  }
0xa6: {  	s4 =	sshll.u32 s26, $0x1;
	_ =	strace $0x8000004C;
	[dreg:$0x1] =	wrdreg $0xFFFFFFFF  }
0xa7: {  	s28 =	simm.s32 $_size_execute0_lowered;
	s2 =	sadd.s32 s2, s4;
	[dreg:$0x0] =	wrdreg $0x0  }
0xa8: {  	s4 =	sshll.u32 s28, $0x1;
	[dreg:$0x2] =	wrdreg s2  }
0xa9: {  	[dreg:$0x3] =	wrdreg s4  }
0xaa: {  	[dreg:$0x4] =	wrdreg $0xC0  }
0xab: {  	_ =	task [dreg:s6], $0x5FFFF  }
0xac: {  	[dreg:$0x1] =	wrdreg $0xFFFFFFFF  }
0xad: {  	[dreg:$0x0] =	wrdreg $0x60  }
0xae: {  	[dreg:$0x2] =	wrdreg s24  }
0xaf: {  	[dreg:$0x3] =	wrdreg $0xC0000  }
0xb0: {  	[dreg:$0x4] =	wrdreg $0x9  }
0xb1: {  	_ =	task.clear_ibuf [dreg:s6], $0x5FFFF;
	_ =	strace $0x9000004C  }
0xb2: {  	s29 =	simm.s32 $0x9;
	_ =	strace $0x8000004E  }
0xb3: {  	_ =	swait.ge [sflag:s29], $0x1  }
0xb4: {  	[sflag:s29] =	ssyncadd.s32 $0xFFFFFFFF  }
0xb5: {  	_ =	strace $0x9000004E  }
0xb6: {  	_ =	sfence  }
0xb7: {  	s30 =	sld [smem:$0x0];
	_ =	sdelay $0x2  }
0xb8: {  	s31 =	sshll.u32 s1, $0xD;
	s1 =	sshrl.u32 s1, $0x2  }
0xb9: {  	s3 =	sand.u32 $0x4000, s31;
	s1 =	sadd.s32 s1, s30  }
0xba: {  	s0 =	sor.u32 s3, s0;
	s1 =	sshll.u32 s1, $0x11  }
0xbb: {  	s0 =	sor.u32 s1, s0  }
0xbc: {  	s0 =	sadd.s32 $0x8F2B, s0  }
0xbd: {  	[sflag:s0] =	ssyncadd.remote.s32 $0x1  }
0xbe: {  	_ =	sfence.sel $0xFFFF  }
0xbf: {  	[dreg:$0x0] =	wrdreg $0xFFFFFFFF;
	(pc) =	sbr.abs _section_cstart, $3  }
0xc0: {  	[dreg:$0x1] =	wrdreg $0xFFFFFFFF  }
0xc1: {  	_ =	task.clear_ibuf [dreg:s6], $0x2FFFF;
	_ =	strace $0x9FFFFFFF  }
0xc2: {  	(tm) =	ssettm $0x7FFFFFFF  }
0xc3: {  	_ =	shalt  }
tec
execute0_lowered:
.L_overlay_start_1:
0x0: {  	(tag) =	ssettag $0x1  }
0x1: {  	s0 =	srdreg.scid;
	s5 =	rddreg [dreg:$0x0]  }
0x2: {  	s9 =	stileid.u32;
	s2 =	rddreg [dreg:$0x1]  }
0x3: {  	s3 =	simm.s32 $0x0;
	s17 =	simm.s32 $0x4000;
	s16 =	simm.s32 $0x0  }
0x4: {  	s29 =	simm.s32 $0x3;
	s10 =	simm.s32 $0xF80;
	s11 =	simm.s32 $0x1000  }
0x5: {  	s12 =	simm.s32 $0x1080;
	s13 =	simm.s32 $0x1100;
	s14 =	simm.s32 $0x1180  }
0x6: {  	s15 =	simm.s32 $0x1200;
	s30 =	simm.s32 $0x1400;
	s8 =	smul.u32 $0x14000, s9  }
0x7: {  	s0 =	sand.u32 $0x1, s0;
	s1 =	sshll.u32 s9, $0x1;
	s9 =	smul.u32 $0x50000, s9  }
0x8: {  	[smem:$0x7FF] =	sst s3;
	s1 =	sor.u32 s0, s1;
	s6 =	smul.u32 $0x140000, s0  }
0x9: {  	_ =	strace $0x8000004D;
	s0 =	ssub.s32 $0x2, s0;
	s4 =	smul.u32 $0x3000, s1  }
0xa: {  	s1 =	smul.u32 $0x500, s1;
	s18 =	sshrl.u32 s0, $0x1;
	s9 =	sshrl.u32 s9, $0x2  }
0xb: {  	s6 =	sadd.s32 s8, s6;
	s0 =	ssub.s32 s0, s18;
	s19 =	sadd.s32 s9, s2  }
0xc: {  	s18 =	simm.s32 $0x5;
	s8 =	simm.s32 $0xE80;
	s9 =	simm.s32 $0xF00  }
0xd: {  	s7 =	sshrl.u32 s4, $0x3;
	s20 =	sadd.s32 $0x4000, s19;
	[dreg:$0xe] =	wrdreg s19  }
0xe: {  	s4 =	sadd.s32 $0x6A400, s5;
	s21 =	sadd.s32 $0x8000, s19;
	[dreg:$0x3] =	wrdreg s20  }
0xf: {  	s1 =	sadd.s32 s1, s5;
	s22 =	sadd.s32 $0xC000, s19;
	[dreg:$0x4] =	wrdreg s21  }
0x10: {  	s6 =	sshrl.u32 s6, $0x3;
	s23 =	sadd.s32 $0x10000, s19;
	[dreg:$0x5] =	wrdreg s22  }
0x11: {  	s0 =	smax.u32 s0, $0x1;
	s19 =	simm.s32 $0x1280;
	[dreg:$0x6] =	wrdreg s23  }
0x12: {  	s7 =	sadd.s32 s7, s5;
	s1 =	sadd.s32 $0x4400, s1;
	[dreg:$0xd] =	wrdreg s0  }
0x13: {  	s6 =	sadd.s32 s6, s5;
	[dreg:$0x7] =	wrdreg s1;
	s24 =	sadd.s32 $0x5E400, s7  }
0x14: {  	s22 =	simm.s32 $0x80;
	s25 =	sadd.s32 $0x5E580, s7;
	[dreg:$0x8] =	wrdreg s24  }
0x15: {  	s23 =	simm.s32 $0x8000;
	s26 =	sadd.s32 $0x5E700, s7;
	[dreg:$0x9] =	wrdreg s25  }
0x16: {  	s5 =	simm.s32 $0xC00;
	s28 =	sadd.s32 $0x5E880, s7;
	[dreg:$0xa] =	wrdreg s26  }
0x17: {  	s20 =	simm.s32 $0x1300;
	s31 =	sadd.s32 $0x91600, s6;
	[dreg:$0xb] =	wrdreg s28  }
0x18: {  	s6 =	simm.s32 $0xD80;
	s7 =	simm.s32 $0xE00;
	[dreg:$0xc] =	wrdreg s31  }
0x19: {  	v0 =	vimm.f32 $0.0e+00;
	s24 =	simm.s32 $0x1;
	s26 =	simm.s32 $0x2;
	s25 =	simm.s32 $0x1380  }
.LBB2_1:
0x1a: {  	s31 =	simm.s32 $0x0;
	s28 =	simm.s32 $0x200  }
.LBB2_2:
0x1b: {  	p0 =	sne.s32 s28, $0xFE00;
	[tilespmem:s31+$0x4070] =	vst v0  }
0x1c: {  	[tilespmem:s31+$0x4000] =	vst v0  }
0x1d: {  	[tilespmem:s31+$0x4010] =	vst v0  }
.Ltmp0:
0x1e: {  	[tilespmem:s31+$0x4020] =	vst v0;
	(pc) =	sbr.rel @p0 .LBB2_2-.Ltmp0, $4  }
0x1f: {  	[tilespmem:s31+$0x4030] =	vst v0  }
0x20: {  	[tilespmem:s31+$0x4040] =	vst v0  }
0x21: {  	[tilespmem:s31+$0x4050] =	vst v0  }
0x22: {  	[tilespmem:s31+$0x4060] =	vst v0;
	s31 =	sshra.s32 s28, $0x2;
	s28 =	sadd.s32 $0x200, s28  }
0x23: {  	[tilespmem:s31+$0x4070] =	vst v0  }
0x24: {  	[tilespmem:s31+$0x4000] =	vst v0  }
0x25: {  	[tilespmem:s31+$0x4010] =	vst v0  }
0x26: {  	[tilespmem:s31+$0x4020] =	vst v0  }
0x27: {  	[tilespmem:s31+$0x4030] =	vst v0  }
0x28: {  	[tilespmem:s31+$0x4040] =	vst v0  }
0x29: {  	[tilespmem:s31+$0x4050] =	vst v0  }
0x2a: {  	[tilespmem:s31+$0x4060] =	vst v0;
	s21 =	rddreg [dreg:$0xe]  }
0x2b: {  	[spmem:s21] =	stream.linear.scatter [tilespmem:s17], [sflag:$0x5], $0x4000, $0x38;
	v63 =	vld [tilespmem:$0x0]  }
0x2c: {  	_ =	swait.ge [sflag:s18], $0x4000  }
0x2d: {  	[sflag:s18] =	ssyncset.done $0x0  }
0x2e: {  	s28 =	rddreg [dreg:$0x3];
	[sflag:s18] =	ssyncadd.s32 $0xFFFFC000  }
0x2f: {  	[spmem:s28] =	stream.linear.scatter [tilespmem:s17], [sflag:$0x5], $0x4000, $0x38;
	v63 =	vld [tilespmem:$0x0]  }
0x30: {  	_ =	swait.ge [sflag:s18], $0x4000  }
0x31: {  	[sflag:s18] =	ssyncset.done $0x0  }
0x32: {  	s31 =	rddreg [dreg:$0x4];
	[sflag:s18] =	ssyncadd.s32 $0xFFFFC000  }
0x33: {  	[spmem:s31] =	stream.linear.scatter [tilespmem:s17], [sflag:$0x5], $0x4000, $0x38;
	v63 =	vld [tilespmem:$0x0]  }
0x34: {  	_ =	swait.ge [sflag:s18], $0x4000  }
0x35: {  	[sflag:s18] =	ssyncset.done $0x0  }
0x36: {  	s0 =	rddreg [dreg:$0x5];
	[sflag:s18] =	ssyncadd.s32 $0xFFFFC000  }
0x37: {  	[spmem:s0] =	stream.linear.scatter [tilespmem:s17], [sflag:$0x5], $0x4000, $0x38;
	v63 =	vld [tilespmem:$0x0]  }
0x38: {  	_ =	swait.ge [sflag:s18], $0x4000  }
0x39: {  	[sflag:s18] =	ssyncset.done $0x0  }
0x3a: {  	s1 =	rddreg [dreg:$0x6];
	[sflag:s18] =	ssyncadd.s32 $0xFFFFC000  }
0x3b: {  	[spmem:s1] =	stream.linear.scatter [tilespmem:s17], [sflag:$0x5], $0x4000, $0x38;
	v63 =	vld [tilespmem:$0x0]  }
0x3c: {  	_ =	swait.ge [sflag:s18], $0x4000  }
0x3d: {  	s0 =	simm.s32 $0x0;
	[sflag:s18] =	ssyncset.done $0x0  }
0x3e: {  	s1 =	simm.s32 $0x1800;
	s3 =	rddreg [dreg:$0x7];
	[sflag:s18] =	ssyncadd.s32 $0xFFFFC000  }
0x3f: {  	[tilespmem:s1], [sflag:$0x5] =	stream.linear.gather [hbm4b:s3+s0], $0x2800, $0x38;
	v63 =	vld [tilespmem:$0x0]  }
0x40: {  	_ =	swait.ge [sflag:s18], $0x2800  }
0x41: {  	[sflag:s18] =	ssyncset.done $0x0  }
0x42: {  	[sflag:s18] =	ssyncadd.s32 $0xFFFFD800  }
0x43: {  	s31 =	rddreg [dreg:$0x8]  }
0x44: {  	[tilespmem:s0], [sflag:$0x3] =	stream.linear.gather [hbm4b:s31+s0], $0xA00, $0x38;
	v63 =	vld [tilespmem:$0x0]  }
0x45: {  	s3 =	rddreg [dreg:$0x9]  }
0x46: {  	[tilespmem:s5], [sflag:$0x4] =	stream.linear.gather [hbm4b:s3+s0], $0xA00, $0x38;
	v63 =	vld [tilespmem:$0x0]  }
0x47: {  	_ =	swait.ge [sflag:s29], $0xA00  }
0x48: {  	[sflag:s29] =	ssyncset.done $0x0  }
0x49: {  	[sflag:s29] =	ssyncadd.s32 $0xFFFFF600  }
0x4a: {  	[tilespmem:s17], [sflag:$0x1] =	stream.indirect.gather [hbm4b:s4+s22], $0x80, s0, s22, $0xb8;
	v63 =	vld [tilespmem:$0x0]  }
0x4b: {  	_ = 	snop  }
0x4c: {  	[tilespmem:s23], [sflag:$0x2] =	stream.indirect.gather [hbm4b:s4+s22], $0x80, s22, s22, $0xb8;
	v63 =	vld [tilespmem:$0x0]  }
0x4d: {  	[bflag:$0x0] =	sbarrier.arrive $0xFFFF  }
0x4e: {  	_ =	swait.ge [sflag:s24], $0x4000  }
0x4f: {  	[sflag:s24] =	ssyncset.done $0x0  }
0x50: {  	[sflag:s24] =	ssyncadd.s32 $0xFFFFC000  }
0x51: {  	[spmem:s2] =	stream.indirect.scatter.add.f32 [tilespmem:s17], [sflag:$0x5], $0x80, s1, s22, $0xb8;
	v63 =	vld [tilespmem:$0x0]  }
0x52: {  	_ =	swait.ge [sflag:s18], $0x4000  }
0x53: {  	[sflag:s18] =	ssyncset.done $0x0  }
0x54: {  	s31 =	simm.s32 $0x100;
	[sflag:s18] =	ssyncadd.s32 $0xFFFFC000  }
0x55: {  	[tilespmem:s17], [sflag:$0x1] =	stream.indirect.gather [hbm4b:s4+s22], $0x80, s31, s22, $0xb8;
	v63 =	vld [tilespmem:$0x0]  }
0x56: {  	_ =	swait.ge [sflag:s26], $0x4000  }
0x57: {  	[sflag:s26] =	ssyncset.done $0x0  }
0x58: {  	s3 =	simm.s32 $0x1880;
	[sflag:s26] =	ssyncadd.s32 $0xFFFFC000  }
0x59: {  	[spmem:s2] =	stream.indirect.scatter.add.f32 [tilespmem:s23], [sflag:$0x5], $0x80, s3, s22, $0xb8;
	v63 =	vld [tilespmem:$0x0]  }
0x5a: {  	_ =	swait.ge [sflag:s18], $0x4000  }
0x5b: {  	[sflag:s18] =	ssyncset.done $0x0  }
0x5c: {  	s31 =	simm.s32 $0x180;
	[sflag:s18] =	ssyncadd.s32 $0xFFFFC000  }
0x5d: {  	[tilespmem:s23], [sflag:$0x2] =	stream.indirect.gather [hbm4b:s4+s22], $0x80, s31, s22, $0xb8;
	v63 =	vld [tilespmem:$0x0]  }
0x5e: {  	_ =	swait.ge [sflag:s24], $0x4000  }
0x5f: {  	[sflag:s24] =	ssyncset.done $0x0  }
0x60: {  	s3 =	simm.s32 $0x1900;
	[sflag:s24] =	ssyncadd.s32 $0xFFFFC000  }
0x61: {  	[spmem:s2] =	stream.indirect.scatter.add.f32 [tilespmem:s17], [sflag:$0x5], $0x80, s3, s22, $0xb8;
	v63 =	vld [tilespmem:$0x0]  }
0x62: {  	_ =	swait.ge [sflag:s18], $0x4000  }
0x63: {  	[sflag:s18] =	ssyncset.done $0x0  }
0x64: {  	s31 =	simm.s32 $0x200;
	[sflag:s18] =	ssyncadd.s32 $0xFFFFC000  }
0x65: {  	[tilespmem:s17], [sflag:$0x1] =	stream.indirect.gather [hbm4b:s4+s22], $0x80, s31, s22, $0xb8;
	v63 =	vld [tilespmem:$0x0]  }
0x66: {  	_ =	swait.ge [sflag:s26], $0x4000  }
0x67: {  	[sflag:s26] =	ssyncset.done $0x0  }
0x68: {  	s3 =	simm.s32 $0x1980;
	[sflag:s26] =	ssyncadd.s32 $0xFFFFC000  }
0x69: {  	[spmem:s2] =	stream.indirect.scatter.add.f32 [tilespmem:s23], [sflag:$0x5], $0x80, s3, s22, $0xb8;
	v63 =	vld [tilespmem:$0x0]  }
0x6a: {  	_ =	swait.ge [sflag:s18], $0x4000  }
0x6b: {  	[sflag:s18] =	ssyncset.done $0x0  }
0x6c: {  	s31 =	simm.s32 $0x280;
	[sflag:s18] =	ssyncadd.s32 $0xFFFFC000  }
0x6d: {  	[tilespmem:s23], [sflag:$0x2] =	stream.indirect.gather [hbm4b:s4+s22], $0x80, s31, s22, $0xb8;
	v63 =	vld [tilespmem:$0x0]  }
0x6e: {  	_ =	swait.ge [sflag:s24], $0x4000  }
0x6f: {  	[sflag:s24] =	ssyncset.done $0x0  }
0x70: {  	s3 =	simm.s32 $0x1A00;
	[sflag:s24] =	ssyncadd.s32 $0xFFFFC000  }
0x71: {  	[spmem:s2] =	stream.indirect.scatter.add.f32 [tilespmem:s17], [sflag:$0x5], $0x80, s3, s22, $0xb8;
	v63 =	vld [tilespmem:$0x0]  }
0x72: {  	_ =	swait.ge [sflag:s18], $0x4000  }
0x73: {  	[sflag:s18] =	ssyncset.done $0x0  }
0x74: {  	s31 =	simm.s32 $0x300;
	[sflag:s18] =	ssyncadd.s32 $0xFFFFC000  }
0x75: {  	[tilespmem:s17], [sflag:$0x1] =	stream.indirect.gather [hbm4b:s4+s22], $0x80, s31, s22, $0xb8;
	v63 =	vld [tilespmem:$0x0]  }
0x76: {  	_ =	swait.ge [sflag:s26], $0x4000  }
0x77: {  	[sflag:s26] =	ssyncset.done $0x0  }
0x78: {  	s3 =	simm.s32 $0x1A80;
	[sflag:s26] =	ssyncadd.s32 $0xFFFFC000  }
0x79: {  	[spmem:s2] =	stream.indirect.scatter.add.f32 [tilespmem:s23], [sflag:$0x5], $0x80, s3, s22, $0xb8;
	v63 =	vld [tilespmem:$0x0]  }
0x7a: {  	_ =	swait.ge [sflag:s18], $0x4000  }
0x7b: {  	[sflag:s18] =	ssyncset.done $0x0  }
0x7c: {  	s31 =	simm.s32 $0x380;
	[sflag:s18] =	ssyncadd.s32 $0xFFFFC000  }
0x7d: {  	[tilespmem:s23], [sflag:$0x2] =	stream.indirect.gather [hbm4b:s4+s22], $0x80, s31, s22, $0xb8;
	v63 =	vld [tilespmem:$0x0]  }
0x7e: {  	_ =	swait.ge [sflag:s24], $0x4000  }
0x7f: {  	[sflag:s24] =	ssyncset.done $0x0  }
0x80: {  	s3 =	simm.s32 $0x1B00;
	[sflag:s24] =	ssyncadd.s32 $0xFFFFC000  }
0x81: {  	[spmem:s2] =	stream.indirect.scatter.add.f32 [tilespmem:s17], [sflag:$0x5], $0x80, s3, s22, $0xb8;
	v63 =	vld [tilespmem:$0x0]  }
0x82: {  	_ =	swait.ge [sflag:s18], $0x4000  }
0x83: {  	[sflag:s18] =	ssyncset.done $0x0  }
0x84: {  	s31 =	simm.s32 $0x400;
	[sflag:s18] =	ssyncadd.s32 $0xFFFFC000  }
0x85: {  	[tilespmem:s17], [sflag:$0x1] =	stream.indirect.gather [hbm4b:s4+s22], $0x80, s31, s22, $0xb8;
	v63 =	vld [tilespmem:$0x0]  }
0x86: {  	_ =	swait.ge [sflag:s26], $0x4000  }
0x87: {  	[sflag:s26] =	ssyncset.done $0x0  }
0x88: {  	s3 =	simm.s32 $0x1B80;
	[sflag:s26] =	ssyncadd.s32 $0xFFFFC000  }
0x89: {  	[spmem:s2] =	stream.indirect.scatter.add.f32 [tilespmem:s23], [sflag:$0x5], $0x80, s3, s22, $0xb8;
	v63 =	vld [tilespmem:$0x0]  }
0x8a: {  	_ =	swait.ge [sflag:s18], $0x4000  }
0x8b: {  	[sflag:s18] =	ssyncset.done $0x0  }
0x8c: {  	s31 =	simm.s32 $0x480;
	[sflag:s18] =	ssyncadd.s32 $0xFFFFC000  }
0x8d: {  	[tilespmem:s23], [sflag:$0x2] =	stream.indirect.gather [hbm4b:s4+s22], $0x80, s31, s22, $0xb8;
	v63 =	vld [tilespmem:$0x0]  }
0x8e: {  	_ =	swait.ge [sflag:s24], $0x4000  }
0x8f: {  	[sflag:s24] =	ssyncset.done $0x0  }
0x90: {  	s3 =	simm.s32 $0x1C00;
	[sflag:s24] =	ssyncadd.s32 $0xFFFFC000  }
0x91: {  	[spmem:s2] =	stream.indirect.scatter.add.f32 [tilespmem:s17], [sflag:$0x5], $0x80, s3, s22, $0xb8;
	v63 =	vld [tilespmem:$0x0]  }
0x92: {  	_ =	swait.ge [sflag:s18], $0x4000  }
0x93: {  	[sflag:s18] =	ssyncset.done $0x0  }
0x94: {  	s31 =	simm.s32 $0x500;
	[sflag:s18] =	ssyncadd.s32 $0xFFFFC000  }
0x95: {  	[tilespmem:s17], [sflag:$0x1] =	stream.indirect.gather [hbm4b:s4+s22], $0x80, s31, s22, $0xb8;
	v63 =	vld [tilespmem:$0x0]  }
0x96: {  	_ =	swait.ge [sflag:s26], $0x4000  }
0x97: {  	[sflag:s26] =	ssyncset.done $0x0  }
0x98: {  	s3 =	simm.s32 $0x1C80;
	[sflag:s26] =	ssyncadd.s32 $0xFFFFC000  }
0x99: {  	[spmem:s2] =	stream.indirect.scatter.add.f32 [tilespmem:s23], [sflag:$0x5], $0x80, s3, s22, $0xb8;
	v63 =	vld [tilespmem:$0x0]  }
0x9a: {  	_ =	swait.ge [sflag:s18], $0x4000  }
0x9b: {  	[sflag:s18] =	ssyncset.done $0x0  }
0x9c: {  	s31 =	simm.s32 $0x580;
	[sflag:s18] =	ssyncadd.s32 $0xFFFFC000  }
0x9d: {  	[tilespmem:s23], [sflag:$0x2] =	stream.indirect.gather [hbm4b:s4+s22], $0x80, s31, s22, $0xb8;
	v63 =	vld [tilespmem:$0x0]  }
0x9e: {  	_ =	swait.ge [sflag:s24], $0x4000  }
0x9f: {  	[sflag:s24] =	ssyncset.done $0x0  }
0xa0: {  	s3 =	simm.s32 $0x1D00;
	[sflag:s24] =	ssyncadd.s32 $0xFFFFC000  }
0xa1: {  	[spmem:s2] =	stream.indirect.scatter.add.f32 [tilespmem:s17], [sflag:$0x5], $0x80, s3, s22, $0xb8;
	v63 =	vld [tilespmem:$0x0]  }
0xa2: {  	_ =	swait.ge [sflag:s18], $0x4000  }
0xa3: {  	[sflag:s18] =	ssyncset.done $0x0  }
0xa4: {  	s31 =	simm.s32 $0x600;
	[sflag:s18] =	ssyncadd.s32 $0xFFFFC000  }
0xa5: {  	[tilespmem:s17], [sflag:$0x1] =	stream.indirect.gather [hbm4b:s4+s22], $0x80, s31, s22, $0xb8;
	v63 =	vld [tilespmem:$0x0]  }
0xa6: {  	_ =	swait.ge [sflag:s26], $0x4000  }
0xa7: {  	[sflag:s26] =	ssyncset.done $0x0  }
0xa8: {  	s3 =	simm.s32 $0x1D80;
	[sflag:s26] =	ssyncadd.s32 $0xFFFFC000  }
0xa9: {  	[spmem:s2] =	stream.indirect.scatter.add.f32 [tilespmem:s23], [sflag:$0x5], $0x80, s3, s22, $0xb8;
	v63 =	vld [tilespmem:$0x0]  }
0xaa: {  	_ =	swait.ge [sflag:s18], $0x4000  }
0xab: {  	[sflag:s18] =	ssyncset.done $0x0  }
0xac: {  	s31 =	simm.s32 $0x680;
	[sflag:s18] =	ssyncadd.s32 $0xFFFFC000  }
0xad: {  	[tilespmem:s23], [sflag:$0x2] =	stream.indirect.gather [hbm4b:s4+s22], $0x80, s31, s22, $0xb8;
	v63 =	vld [tilespmem:$0x0]  }
0xae: {  	_ =	swait.ge [sflag:s24], $0x4000  }
0xaf: {  	[sflag:s24] =	ssyncset.done $0x0  }
0xb0: {  	s3 =	simm.s32 $0x1E00;
	[sflag:s24] =	ssyncadd.s32 $0xFFFFC000  }
0xb1: {  	[spmem:s2] =	stream.indirect.scatter.add.f32 [tilespmem:s17], [sflag:$0x5], $0x80, s3, s22, $0xb8;
	v63 =	vld [tilespmem:$0x0]  }
0xb2: {  	_ =	swait.ge [sflag:s18], $0x4000  }
0xb3: {  	[sflag:s18] =	ssyncset.done $0x0  }
0xb4: {  	s31 =	simm.s32 $0x700;
	[sflag:s18] =	ssyncadd.s32 $0xFFFFC000  }
0xb5: {  	[tilespmem:s17], [sflag:$0x1] =	stream.indirect.gather [hbm4b:s4+s22], $0x80, s31, s22, $0xb8;
	v63 =	vld [tilespmem:$0x0]  }
0xb6: {  	_ =	swait.ge [sflag:s26], $0x4000  }
0xb7: {  	[sflag:s26] =	ssyncset.done $0x0  }
0xb8: {  	s3 =	simm.s32 $0x1E80;
	[sflag:s26] =	ssyncadd.s32 $0xFFFFC000  }
0xb9: {  	[spmem:s2] =	stream.indirect.scatter.add.f32 [tilespmem:s23], [sflag:$0x5], $0x80, s3, s22, $0xb8;
	v63 =	vld [tilespmem:$0x0]  }
0xba: {  	_ =	swait.ge [sflag:s18], $0x4000  }
0xbb: {  	[sflag:s18] =	ssyncset.done $0x0  }
0xbc: {  	s31 =	simm.s32 $0x780;
	[sflag:s18] =	ssyncadd.s32 $0xFFFFC000  }
0xbd: {  	[tilespmem:s23], [sflag:$0x2] =	stream.indirect.gather [hbm4b:s4+s22], $0x80, s31, s22, $0xb8;
	v63 =	vld [tilespmem:$0x0]  }
0xbe: {  	_ =	swait.ge [sflag:s24], $0x4000  }
0xbf: {  	[sflag:s24] =	ssyncset.done $0x0  }
0xc0: {  	s3 =	simm.s32 $0x1F00;
	[sflag:s24] =	ssyncadd.s32 $0xFFFFC000  }
0xc1: {  	[spmem:s2] =	stream.indirect.scatter.add.f32 [tilespmem:s17], [sflag:$0x5], $0x80, s3, s22, $0xb8;
	v63 =	vld [tilespmem:$0x0]  }
0xc2: {  	_ =	swait.ge [sflag:s18], $0x4000  }
0xc3: {  	[sflag:s18] =	ssyncset.done $0x0  }
0xc4: {  	s31 =	simm.s32 $0x800;
	[sflag:s18] =	ssyncadd.s32 $0xFFFFC000  }
0xc5: {  	[tilespmem:s17], [sflag:$0x1] =	stream.indirect.gather [hbm4b:s4+s22], $0x80, s31, s22, $0xb8;
	v63 =	vld [tilespmem:$0x0]  }
0xc6: {  	_ =	swait.ge [sflag:s26], $0x4000  }
0xc7: {  	[sflag:s26] =	ssyncset.done $0x0  }
0xc8: {  	s3 =	simm.s32 $0x1F80;
	[sflag:s26] =	ssyncadd.s32 $0xFFFFC000  }
0xc9: {  	[spmem:s2] =	stream.indirect.scatter.add.f32 [tilespmem:s23], [sflag:$0x5], $0x80, s3, s22, $0xb8;
	v63 =	vld [tilespmem:$0x0]  }
0xca: {  	_ =	swait.ge [sflag:s18], $0x4000  }
0xcb: {  	[sflag:s18] =	ssyncset.done $0x0  }
0xcc: {  	s31 =	simm.s32 $0x880;
	[sflag:s18] =	ssyncadd.s32 $0xFFFFC000  }
0xcd: {  	[tilespmem:s23], [sflag:$0x2] =	stream.indirect.gather [hbm4b:s4+s22], $0x80, s31, s22, $0xb8;
	v63 =	vld [tilespmem:$0x0]  }
0xce: {  	_ =	swait.ge [sflag:s24], $0x4000  }
0xcf: {  	[sflag:s24] =	ssyncset.done $0x0  }
0xd0: {  	s3 =	simm.s32 $0x2000;
	[sflag:s24] =	ssyncadd.s32 $0xFFFFC000  }
0xd1: {  	[spmem:s2] =	stream.indirect.scatter.add.f32 [tilespmem:s17], [sflag:$0x5], $0x80, s3, s22, $0xb8;
	v63 =	vld [tilespmem:$0x0]  }
0xd2: {  	_ =	swait.ge [sflag:s18], $0x4000  }
0xd3: {  	[sflag:s18] =	ssyncset.done $0x0  }
0xd4: {  	s31 =	simm.s32 $0x900;
	[sflag:s18] =	ssyncadd.s32 $0xFFFFC000  }
0xd5: {  	[tilespmem:s17], [sflag:$0x1] =	stream.indirect.gather [hbm4b:s4+s22], $0x80, s31, s22, $0xb8;
	v63 =	vld [tilespmem:$0x0]  }
0xd6: {  	_ =	swait.ge [sflag:s26], $0x4000  }
0xd7: {  	[sflag:s26] =	ssyncset.done $0x0  }
0xd8: {  	s3 =	simm.s32 $0x2080;
	[sflag:s26] =	ssyncadd.s32 $0xFFFFC000  }
0xd9: {  	[spmem:s2] =	stream.indirect.scatter.add.f32 [tilespmem:s23], [sflag:$0x5], $0x80, s3, s22, $0xb8;
	v63 =	vld [tilespmem:$0x0]  }
0xda: {  	_ =	swait.ge [sflag:s18], $0x4000  }
0xdb: {  	[sflag:s18] =	ssyncset.done $0x0  }
0xdc: {  	s28 =	simm.s32 $0x980;
	s1 =	simm.s32 $0x4;
	[sflag:s18] =	ssyncadd.s32 $0xFFFFC000  }
0xdd: {  	[tilespmem:s23], [sflag:$0x2] =	stream.indirect.gather [hbm4b:s4+s22], $0x80, s28, s22, $0xb8;
	v63 =	vld [tilespmem:$0x0]  }
0xde: {  	_ =	swait.ge [sflag:s1], $0xA00  }
0xdf: {  	[sflag:s1] =	ssyncset.done $0x0  }
0xe0: {  	[sflag:s1] =	ssyncadd.s32 $0xFFFFF600  }
0xe1: {  	_ =	swait.ge [sflag:s24], $0x4000  }
0xe2: {  	[sflag:s24] =	ssyncset.done $0x0  }
0xe3: {  	s31 =	simm.s32 $0x2100;
	[sflag:s24] =	ssyncadd.s32 $0xFFFFC000  }
0xe4: {  	[spmem:s2] =	stream.indirect.scatter.add.f32 [tilespmem:s17], [sflag:$0x5], $0x80, s31, s22, $0xb8;
	v63 =	vld [tilespmem:$0x0]  }
0xe5: {  	_ =	swait.ge [sflag:s18], $0x4000  }
0xe6: {  	[sflag:s18] =	ssyncset.done $0x0  }
0xe7: {  	[sflag:s18] =	ssyncadd.s32 $0xFFFFC000  }
0xe8: {  	[tilespmem:s17], [sflag:$0x1] =	stream.indirect.gather [hbm4b:s4+s22], $0x80, s5, s22, $0xb8;
	v63 =	vld [tilespmem:$0x0]  }
0xe9: {  	_ =	swait.ge [sflag:s26], $0x4000  }
0xea: {  	[sflag:s26] =	ssyncset.done $0x0  }
0xeb: {  	s3 =	simm.s32 $0x2180;
	[sflag:s26] =	ssyncadd.s32 $0xFFFFC000  }
0xec: {  	[spmem:s2] =	stream.indirect.scatter.add.f32 [tilespmem:s23], [sflag:$0x5], $0x80, s3, s22, $0xb8;
	v63 =	vld [tilespmem:$0x0]  }
0xed: {  	_ =	swait.ge [sflag:s18], $0x4000  }
0xee: {  	[sflag:s18] =	ssyncset.done $0x0  }
0xef: {  	s3 =	simm.s32 $0xC80;
	[sflag:s18] =	ssyncadd.s32 $0xFFFFC000  }
0xf0: {  	[tilespmem:s23], [sflag:$0x2] =	stream.indirect.gather [hbm4b:s4+s22], $0x80, s3, s22, $0xb8;
	v63 =	vld [tilespmem:$0x0]  }
0xf1: {  	s31 =	rddreg [dreg:$0xa]  }
0xf2: {  	[tilespmem:s0], [sflag:$0x3] =	stream.linear.gather [hbm4b:s31+s0], $0xA00, $0x38;
	v63 =	vld [tilespmem:$0x0]  }
0xf3: {  	_ =	swait.ge [sflag:s24], $0x4000  }
0xf4: {  	[sflag:s24] =	ssyncset.done $0x0  }
0xf5: {  	s3 =	simm.s32 $0x2200;
	[sflag:s24] =	ssyncadd.s32 $0xFFFFC000  }
0xf6: {  	[spmem:s2] =	stream.indirect.scatter.add.f32 [tilespmem:s17], [sflag:$0x5], $0x80, s3, s22, $0xb8;
	v63 =	vld [tilespmem:$0x0]  }
0xf7: {  	_ =	swait.ge [sflag:s18], $0x4000  }
0xf8: {  	[sflag:s18] =	ssyncset.done $0x0  }
0xf9: {  	s3 =	simm.s32 $0xD00;
	[sflag:s18] =	ssyncadd.s32 $0xFFFFC000  }
0xfa: {  	[tilespmem:s17], [sflag:$0x1] =	stream.indirect.gather [hbm4b:s4+s22], $0x80, s3, s22, $0xb8;
	v63 =	vld [tilespmem:$0x0]  }
0xfb: {  	_ =	swait.ge [sflag:s26], $0x4000  }
0xfc: {  	[sflag:s26] =	ssyncset.done $0x0  }
0xfd: {  	s31 =	simm.s32 $0x2280;
	[sflag:s26] =	ssyncadd.s32 $0xFFFFC000  }
0xfe: {  	[spmem:s2] =	stream.indirect.scatter.add.f32 [tilespmem:s23], [sflag:$0x5], $0x80, s31, s22, $0xb8;
	v63 =	vld [tilespmem:$0x0]  }
0xff: {  	_ =	swait.ge [sflag:s18], $0x4000  }
0x100: {  	[sflag:s18] =	ssyncset.done $0x0  }
0x101: {  	[sflag:s18] =	ssyncadd.s32 $0xFFFFC000  }
0x102: {  	[tilespmem:s23], [sflag:$0x2] =	stream.indirect.gather [hbm4b:s4+s22], $0x80, s6, s22, $0xb8;
	v63 =	vld [tilespmem:$0x0]  }
0x103: {  	_ =	swait.ge [sflag:s24], $0x4000  }
0x104: {  	[sflag:s24] =	ssyncset.done $0x0  }
0x105: {  	s31 =	simm.s32 $0x2300;
	[sflag:s24] =	ssyncadd.s32 $0xFFFFC000  }
0x106: {  	[spmem:s2] =	stream.indirect.scatter.add.f32 [tilespmem:s17], [sflag:$0x5], $0x80, s31, s22, $0xb8;
	v63 =	vld [tilespmem:$0x0]  }
0x107: {  	_ =	swait.ge [sflag:s18], $0x4000  }
0x108: {  	[sflag:s18] =	ssyncset.done $0x0  }
0x109: {  	[sflag:s18] =	ssyncadd.s32 $0xFFFFC000  }
0x10a: {  	[tilespmem:s17], [sflag:$0x1] =	stream.indirect.gather [hbm4b:s4+s22], $0x80, s7, s22, $0xb8;
	v63 =	vld [tilespmem:$0x0]  }
0x10b: {  	_ =	swait.ge [sflag:s26], $0x4000  }
0x10c: {  	[sflag:s26] =	ssyncset.done $0x0  }
0x10d: {  	s31 =	simm.s32 $0x2380;
	[sflag:s26] =	ssyncadd.s32 $0xFFFFC000  }
0x10e: {  	[spmem:s2] =	stream.indirect.scatter.add.f32 [tilespmem:s23], [sflag:$0x5], $0x80, s31, s22, $0xb8;
	v63 =	vld [tilespmem:$0x0]  }
0x10f: {  	_ =	swait.ge [sflag:s18], $0x4000  }
0x110: {  	[sflag:s18] =	ssyncset.done $0x0  }
0x111: {  	[sflag:s18] =	ssyncadd.s32 $0xFFFFC000  }
0x112: {  	[tilespmem:s23], [sflag:$0x2] =	stream.indirect.gather [hbm4b:s4+s22], $0x80, s8, s22, $0xb8;
	v63 =	vld [tilespmem:$0x0]  }
0x113: {  	_ =	swait.ge [sflag:s24], $0x4000  }
0x114: {  	[sflag:s24] =	ssyncset.done $0x0  }
0x115: {  	s31 =	simm.s32 $0x2400;
	[sflag:s24] =	ssyncadd.s32 $0xFFFFC000  }
0x116: {  	[spmem:s2] =	stream.indirect.scatter.add.f32 [tilespmem:s17], [sflag:$0x5], $0x80, s31, s22, $0xb8;
	v63 =	vld [tilespmem:$0x0]  }
0x117: {  	_ =	swait.ge [sflag:s18], $0x4000  }
0x118: {  	[sflag:s18] =	ssyncset.done $0x0  }
0x119: {  	[sflag:s18] =	ssyncadd.s32 $0xFFFFC000  }
0x11a: {  	[tilespmem:s17], [sflag:$0x1] =	stream.indirect.gather [hbm4b:s4+s22], $0x80, s9, s22, $0xb8;
	v63 =	vld [tilespmem:$0x0]  }
0x11b: {  	_ =	swait.ge [sflag:s26], $0x4000  }
0x11c: {  	[sflag:s26] =	ssyncset.done $0x0  }
0x11d: {  	s31 =	simm.s32 $0x2480;
	[sflag:s26] =	ssyncadd.s32 $0xFFFFC000  }
0x11e: {  	[spmem:s2] =	stream.indirect.scatter.add.f32 [tilespmem:s23], [sflag:$0x5], $0x80, s31, s22, $0xb8;
	v63 =	vld [tilespmem:$0x0]  }
0x11f: {  	_ =	swait.ge [sflag:s18], $0x4000  }
0x120: {  	[sflag:s18] =	ssyncset.done $0x0  }
0x121: {  	[sflag:s18] =	ssyncadd.s32 $0xFFFFC000  }
0x122: {  	[tilespmem:s23], [sflag:$0x2] =	stream.indirect.gather [hbm4b:s4+s22], $0x80, s10, s22, $0xb8;
	v63 =	vld [tilespmem:$0x0]  }
0x123: {  	_ =	swait.ge [sflag:s24], $0x4000  }
0x124: {  	[sflag:s24] =	ssyncset.done $0x0  }
0x125: {  	s31 =	simm.s32 $0x2500;
	[sflag:s24] =	ssyncadd.s32 $0xFFFFC000  }
0x126: {  	[spmem:s2] =	stream.indirect.scatter.add.f32 [tilespmem:s17], [sflag:$0x5], $0x80, s31, s22, $0xb8;
	v63 =	vld [tilespmem:$0x0]  }
0x127: {  	_ =	swait.ge [sflag:s18], $0x4000  }
0x128: {  	[sflag:s18] =	ssyncset.done $0x0  }
0x129: {  	[sflag:s18] =	ssyncadd.s32 $0xFFFFC000  }
0x12a: {  	[tilespmem:s17], [sflag:$0x1] =	stream.indirect.gather [hbm4b:s4+s22], $0x80, s11, s22, $0xb8;
	v63 =	vld [tilespmem:$0x0]  }
0x12b: {  	_ =	swait.ge [sflag:s26], $0x4000  }
0x12c: {  	[sflag:s26] =	ssyncset.done $0x0  }
0x12d: {  	s31 =	simm.s32 $0x2580;
	[sflag:s26] =	ssyncadd.s32 $0xFFFFC000  }
0x12e: {  	[spmem:s2] =	stream.indirect.scatter.add.f32 [tilespmem:s23], [sflag:$0x5], $0x80, s31, s22, $0xb8;
	v63 =	vld [tilespmem:$0x0]  }
0x12f: {  	_ =	swait.ge [sflag:s18], $0x4000  }
0x130: {  	[sflag:s18] =	ssyncset.done $0x0  }
0x131: {  	[sflag:s18] =	ssyncadd.s32 $0xFFFFC000  }
0x132: {  	[tilespmem:s23], [sflag:$0x2] =	stream.indirect.gather [hbm4b:s4+s22], $0x80, s12, s22, $0xb8;
	v63 =	vld [tilespmem:$0x0]  }
0x133: {  	_ =	swait.ge [sflag:s24], $0x4000  }
0x134: {  	[sflag:s24] =	ssyncset.done $0x0  }
0x135: {  	s31 =	simm.s32 $0x2600;
	[sflag:s24] =	ssyncadd.s32 $0xFFFFC000  }
0x136: {  	[spmem:s2] =	stream.indirect.scatter.add.f32 [tilespmem:s17], [sflag:$0x5], $0x80, s31, s22, $0xb8;
	v63 =	vld [tilespmem:$0x0]  }
0x137: {  	_ =	swait.ge [sflag:s18], $0x4000  }
0x138: {  	[sflag:s18] =	ssyncset.done $0x0  }
0x139: {  	[sflag:s18] =	ssyncadd.s32 $0xFFFFC000  }
0x13a: {  	[tilespmem:s17], [sflag:$0x1] =	stream.indirect.gather [hbm4b:s4+s22], $0x80, s13, s22, $0xb8;
	v63 =	vld [tilespmem:$0x0]  }
0x13b: {  	_ =	swait.ge [sflag:s26], $0x4000  }
0x13c: {  	[sflag:s26] =	ssyncset.done $0x0  }
0x13d: {  	s31 =	simm.s32 $0x2680;
	[sflag:s26] =	ssyncadd.s32 $0xFFFFC000  }
0x13e: {  	[spmem:s2] =	stream.indirect.scatter.add.f32 [tilespmem:s23], [sflag:$0x5], $0x80, s31, s22, $0xb8;
	v63 =	vld [tilespmem:$0x0]  }
0x13f: {  	_ =	swait.ge [sflag:s18], $0x4000  }
0x140: {  	[sflag:s18] =	ssyncset.done $0x0  }
0x141: {  	[sflag:s18] =	ssyncadd.s32 $0xFFFFC000  }
0x142: {  	[tilespmem:s23], [sflag:$0x2] =	stream.indirect.gather [hbm4b:s4+s22], $0x80, s14, s22, $0xb8;
	v63 =	vld [tilespmem:$0x0]  }
0x143: {  	_ =	swait.ge [sflag:s24], $0x4000  }
0x144: {  	[sflag:s24] =	ssyncset.done $0x0  }
0x145: {  	s31 =	simm.s32 $0x2700;
	[sflag:s24] =	ssyncadd.s32 $0xFFFFC000  }
0x146: {  	[spmem:s2] =	stream.indirect.scatter.add.f32 [tilespmem:s17], [sflag:$0x5], $0x80, s31, s22, $0xb8;
	v63 =	vld [tilespmem:$0x0]  }
0x147: {  	_ =	swait.ge [sflag:s18], $0x4000  }
0x148: {  	[sflag:s18] =	ssyncset.done $0x0  }
0x149: {  	[sflag:s18] =	ssyncadd.s32 $0xFFFFC000  }
0x14a: {  	[tilespmem:s17], [sflag:$0x1] =	stream.indirect.gather [hbm4b:s4+s22], $0x80, s15, s22, $0xb8;
	v63 =	vld [tilespmem:$0x0]  }
0x14b: {  	_ =	swait.ge [sflag:s26], $0x4000  }
0x14c: {  	[sflag:s26] =	ssyncset.done $0x0  }
0x14d: {  	s31 =	simm.s32 $0x2780;
	[sflag:s26] =	ssyncadd.s32 $0xFFFFC000  }
0x14e: {  	[spmem:s2] =	stream.indirect.scatter.add.f32 [tilespmem:s23], [sflag:$0x5], $0x80, s31, s22, $0xb8;
	v63 =	vld [tilespmem:$0x0]  }
0x14f: {  	_ =	swait.ge [sflag:s18], $0x4000  }
0x150: {  	[sflag:s18] =	ssyncset.done $0x0  }
0x151: {  	[sflag:s18] =	ssyncadd.s32 $0xFFFFC000  }
0x152: {  	[tilespmem:s23], [sflag:$0x2] =	stream.indirect.gather [hbm4b:s4+s22], $0x80, s19, s22, $0xb8;
	v63 =	vld [tilespmem:$0x0]  }
0x153: {  	_ =	swait.ge [sflag:s24], $0x4000  }
0x154: {  	[sflag:s24] =	ssyncset.done $0x0  }
0x155: {  	s31 =	simm.s32 $0x2800;
	[sflag:s24] =	ssyncadd.s32 $0xFFFFC000  }
0x156: {  	[spmem:s2] =	stream.indirect.scatter.add.f32 [tilespmem:s17], [sflag:$0x5], $0x80, s31, s22, $0xb8;
	v63 =	vld [tilespmem:$0x0]  }
0x157: {  	_ =	swait.ge [sflag:s18], $0x4000  }
0x158: {  	[sflag:s18] =	ssyncset.done $0x0  }
0x159: {  	[sflag:s18] =	ssyncadd.s32 $0xFFFFC000  }
0x15a: {  	[tilespmem:s17], [sflag:$0x1] =	stream.indirect.gather [hbm4b:s4+s22], $0x80, s20, s22, $0xb8;
	v63 =	vld [tilespmem:$0x0]  }
0x15b: {  	_ =	swait.ge [sflag:s26], $0x4000  }
0x15c: {  	[sflag:s26] =	ssyncset.done $0x0  }
0x15d: {  	s31 =	simm.s32 $0x2880;
	[sflag:s26] =	ssyncadd.s32 $0xFFFFC000  }
0x15e: {  	[spmem:s2] =	stream.indirect.scatter.add.f32 [tilespmem:s23], [sflag:$0x5], $0x80, s31, s22, $0xb8;
	v63 =	vld [tilespmem:$0x0]  }
0x15f: {  	_ =	swait.ge [sflag:s18], $0x4000  }
0x160: {  	[sflag:s18] =	ssyncset.done $0x0  }
0x161: {  	[sflag:s18] =	ssyncadd.s32 $0xFFFFC000  }
0x162: {  	[tilespmem:s23], [sflag:$0x2] =	stream.indirect.gather [hbm4b:s4+s22], $0x80, s25, s22, $0xb8;
	v63 =	vld [tilespmem:$0x0]  }
0x163: {  	_ =	swait.ge [sflag:s24], $0x4000  }
0x164: {  	[sflag:s24] =	ssyncset.done $0x0  }
0x165: {  	s31 =	simm.s32 $0x2900;
	[sflag:s24] =	ssyncadd.s32 $0xFFFFC000  }
0x166: {  	[spmem:s2] =	stream.indirect.scatter.add.f32 [tilespmem:s17], [sflag:$0x5], $0x80, s31, s22, $0xb8;
	v63 =	vld [tilespmem:$0x0]  }
0x167: {  	_ =	swait.ge [sflag:s18], $0x4000  }
0x168: {  	[sflag:s18] =	ssyncset.done $0x0  }
0x169: {  	[sflag:s18] =	ssyncadd.s32 $0xFFFFC000  }
0x16a: {  	[tilespmem:s17], [sflag:$0x1] =	stream.indirect.gather [hbm4b:s4+s22], $0x80, s30, s22, $0xb8;
	v63 =	vld [tilespmem:$0x0]  }
0x16b: {  	_ =	swait.ge [sflag:s26], $0x4000  }
0x16c: {  	[sflag:s26] =	ssyncset.done $0x0  }
0x16d: {  	s31 =	simm.s32 $0x2980;
	[sflag:s26] =	ssyncadd.s32 $0xFFFFC000  }
0x16e: {  	[spmem:s2] =	stream.indirect.scatter.add.f32 [tilespmem:s23], [sflag:$0x5], $0x80, s31, s22, $0xb8;
	v63 =	vld [tilespmem:$0x0]  }
0x16f: {  	_ =	swait.ge [sflag:s18], $0x4000  }
0x170: {  	[sflag:s18] =	ssyncset.done $0x0  }
0x171: {  	s31 =	simm.s32 $0x1480;
	[sflag:s18] =	ssyncadd.s32 $0xFFFFC000  }
0x172: {  	[tilespmem:s23], [sflag:$0x2] =	stream.indirect.gather [hbm4b:s4+s22], $0x80, s31, s22, $0xb8;
	v63 =	vld [tilespmem:$0x0]  }
0x173: {  	_ =	swait.ge [sflag:s24], $0x4000  }
0x174: {  	[sflag:s24] =	ssyncset.done $0x0  }
0x175: {  	s28 =	simm.s32 $0x2A00;
	[sflag:s24] =	ssyncadd.s32 $0xFFFFC000  }
0x176: {  	[spmem:s2] =	stream.indirect.scatter.add.f32 [tilespmem:s17], [sflag:$0x5], $0x80, s28, s22, $0xb8;
	v63 =	vld [tilespmem:$0x0]  }
0x177: {  	_ =	swait.ge [sflag:s18], $0x4000  }
0x178: {  	[sflag:s18] =	ssyncset.done $0x0  }
0x179: {  	s28 =	simm.s32 $0x1500;
	[sflag:s18] =	ssyncadd.s32 $0xFFFFC000  }
0x17a: {  	[tilespmem:s17], [sflag:$0x1] =	stream.indirect.gather [hbm4b:s4+s22], $0x80, s28, s22, $0xb8;
	v63 =	vld [tilespmem:$0x0]  }
0x17b: {  	_ =	swait.ge [sflag:s26], $0x4000  }
0x17c: {  	[sflag:s26] =	ssyncset.done $0x0  }
0x17d: {  	s28 =	simm.s32 $0x2A80;
	[sflag:s26] =	ssyncadd.s32 $0xFFFFC000  }
0x17e: {  	[spmem:s2] =	stream.indirect.scatter.add.f32 [tilespmem:s23], [sflag:$0x5], $0x80, s28, s22, $0xb8;
	v63 =	vld [tilespmem:$0x0]  }
0x17f: {  	_ =	swait.ge [sflag:s18], $0x4000  }
0x180: {  	[sflag:s18] =	ssyncset.done $0x0  }
0x181: {  	s28 =	simm.s32 $0x1580;
	[sflag:s18] =	ssyncadd.s32 $0xFFFFC000  }
0x182: {  	[tilespmem:s23], [sflag:$0x2] =	stream.indirect.gather [hbm4b:s4+s22], $0x80, s28, s22, $0xb8;
	v63 =	vld [tilespmem:$0x0]  }
0x183: {  	_ =	swait.ge [sflag:s29], $0xA00  }
0x184: {  	[sflag:s29] =	ssyncset.done $0x0  }
0x185: {  	[sflag:s29] =	ssyncadd.s32 $0xFFFFF600  }
0x186: {  	_ =	swait.ge [sflag:s24], $0x4000  }
0x187: {  	[sflag:s24] =	ssyncset.done $0x0  }
0x188: {  	s28 =	simm.s32 $0x2B00;
	[sflag:s24] =	ssyncadd.s32 $0xFFFFC000  }
0x189: {  	[spmem:s2] =	stream.indirect.scatter.add.f32 [tilespmem:s17], [sflag:$0x5], $0x80, s28, s22, $0xb8;
	v63 =	vld [tilespmem:$0x0]  }
0x18a: {  	_ =	swait.ge [sflag:s18], $0x4000  }
0x18b: {  	[sflag:s18] =	ssyncset.done $0x0  }
0x18c: {  	[sflag:s18] =	ssyncadd.s32 $0xFFFFC000  }
0x18d: {  	[tilespmem:s17], [sflag:$0x1] =	stream.indirect.gather [hbm4b:s4+s22], $0x80, s0, s22, $0xb8;
	v63 =	vld [tilespmem:$0x0]  }
0x18e: {  	_ =	swait.ge [sflag:s26], $0x4000  }
0x18f: {  	[sflag:s26] =	ssyncset.done $0x0  }
0x190: {  	s28 =	simm.s32 $0x2B80;
	[sflag:s26] =	ssyncadd.s32 $0xFFFFC000  }
0x191: {  	[spmem:s2] =	stream.indirect.scatter.add.f32 [tilespmem:s23], [sflag:$0x5], $0x80, s28, s22, $0xb8;
	v63 =	vld [tilespmem:$0x0]  }
0x192: {  	_ =	swait.ge [sflag:s18], $0x4000  }
0x193: {  	[sflag:s18] =	ssyncset.done $0x0  }
0x194: {  	[sflag:s18] =	ssyncadd.s32 $0xFFFFC000  }
0x195: {  	[tilespmem:s23], [sflag:$0x2] =	stream.indirect.gather [hbm4b:s4+s22], $0x80, s22, s22, $0xb8;
	v63 =	vld [tilespmem:$0x0]  }
0x196: {  	s28 =	rddreg [dreg:$0xb]  }
0x197: {  	[tilespmem:s5], [sflag:$0x4] =	stream.linear.gather [hbm4b:s28+s0], $0xA00, $0x38;
	v63 =	vld [tilespmem:$0x0]  }
0x198: {  	_ =	swait.ge [sflag:s24], $0x4000  }
0x199: {  	[sflag:s24] =	ssyncset.done $0x0  }
0x19a: {  	s28 =	simm.s32 $0x2C00;
	[sflag:s24] =	ssyncadd.s32 $0xFFFFC000  }
0x19b: {  	[spmem:s2] =	stream.indirect.scatter.add.f32 [tilespmem:s17], [sflag:$0x5], $0x80, s28, s22, $0xb8;
	v63 =	vld [tilespmem:$0x0]  }
0x19c: {  	_ =	swait.ge [sflag:s18], $0x4000  }
0x19d: {  	[sflag:s18] =	ssyncset.done $0x0  }
0x19e: {  	s28 =	simm.s32 $0x100;
	[sflag:s18] =	ssyncadd.s32 $0xFFFFC000  }
0x19f: {  	[tilespmem:s17], [sflag:$0x1] =	stream.indirect.gather [hbm4b:s4+s22], $0x80, s28, s22, $0xb8;
	v63 =	vld [tilespmem:$0x0]  }
0x1a0: {  	_ =	swait.ge [sflag:s26], $0x4000  }
0x1a1: {  	[sflag:s26] =	ssyncset.done $0x0  }
0x1a2: {  	s28 =	simm.s32 $0x2C80;
	[sflag:s26] =	ssyncadd.s32 $0xFFFFC000  }
0x1a3: {  	[spmem:s2] =	stream.indirect.scatter.add.f32 [tilespmem:s23], [sflag:$0x5], $0x80, s28, s22, $0xb8;
	v63 =	vld [tilespmem:$0x0]  }
0x1a4: {  	_ =	swait.ge [sflag:s18], $0x4000  }
0x1a5: {  	[sflag:s18] =	ssyncset.done $0x0  }
0x1a6: {  	s28 =	simm.s32 $0x180;
	[sflag:s18] =	ssyncadd.s32 $0xFFFFC000  }
0x1a7: {  	[tilespmem:s23], [sflag:$0x2] =	stream.indirect.gather [hbm4b:s4+s22], $0x80, s28, s22, $0xb8;
	v63 =	vld [tilespmem:$0x0]  }
0x1a8: {  	_ =	swait.ge [sflag:s24], $0x4000  }
0x1a9: {  	[sflag:s24] =	ssyncset.done $0x0  }
0x1aa: {  	s28 =	simm.s32 $0x2D00;
	[sflag:s24] =	ssyncadd.s32 $0xFFFFC000  }
0x1ab: {  	[spmem:s2] =	stream.indirect.scatter.add.f32 [tilespmem:s17], [sflag:$0x5], $0x80, s28, s22, $0xb8;
	v63 =	vld [tilespmem:$0x0]  }
0x1ac: {  	_ =	swait.ge [sflag:s18], $0x4000  }
0x1ad: {  	[sflag:s18] =	ssyncset.done $0x0  }
0x1ae: {  	s28 =	simm.s32 $0x200;
	[sflag:s18] =	ssyncadd.s32 $0xFFFFC000  }
0x1af: {  	[tilespmem:s17], [sflag:$0x1] =	stream.indirect.gather [hbm4b:s4+s22], $0x80, s28, s22, $0xb8;
	v63 =	vld [tilespmem:$0x0]  }
0x1b0: {  	_ =	swait.ge [sflag:s26], $0x4000  }
0x1b1: {  	[sflag:s26] =	ssyncset.done $0x0  }
0x1b2: {  	s28 =	simm.s32 $0x2D80;
	[sflag:s26] =	ssyncadd.s32 $0xFFFFC000  }
0x1b3: {  	[spmem:s2] =	stream.indirect.scatter.add.f32 [tilespmem:s23], [sflag:$0x5], $0x80, s28, s22, $0xb8;
	v63 =	vld [tilespmem:$0x0]  }
0x1b4: {  	_ =	swait.ge [sflag:s18], $0x4000  }
0x1b5: {  	[sflag:s18] =	ssyncset.done $0x0  }
0x1b6: {  	s28 =	simm.s32 $0x280;
	[sflag:s18] =	ssyncadd.s32 $0xFFFFC000  }
0x1b7: {  	[tilespmem:s23], [sflag:$0x2] =	stream.indirect.gather [hbm4b:s4+s22], $0x80, s28, s22, $0xb8;
	v63 =	vld [tilespmem:$0x0]  }
0x1b8: {  	_ =	swait.ge [sflag:s24], $0x4000  }
0x1b9: {  	[sflag:s24] =	ssyncset.done $0x0  }
0x1ba: {  	s28 =	simm.s32 $0x2E00;
	[sflag:s24] =	ssyncadd.s32 $0xFFFFC000  }
0x1bb: {  	[spmem:s2] =	stream.indirect.scatter.add.f32 [tilespmem:s17], [sflag:$0x5], $0x80, s28, s22, $0xb8;
	v63 =	vld [tilespmem:$0x0]  }
0x1bc: {  	_ =	swait.ge [sflag:s18], $0x4000  }
0x1bd: {  	[sflag:s18] =	ssyncset.done $0x0  }
0x1be: {  	s28 =	simm.s32 $0x300;
	[sflag:s18] =	ssyncadd.s32 $0xFFFFC000  }
0x1bf: {  	[tilespmem:s17], [sflag:$0x1] =	stream.indirect.gather [hbm4b:s4+s22], $0x80, s28, s22, $0xb8;
	v63 =	vld [tilespmem:$0x0]  }
0x1c0: {  	_ =	swait.ge [sflag:s26], $0x4000  }
0x1c1: {  	[sflag:s26] =	ssyncset.done $0x0  }
0x1c2: {  	s28 =	simm.s32 $0x2E80;
	[sflag:s26] =	ssyncadd.s32 $0xFFFFC000  }
0x1c3: {  	[spmem:s2] =	stream.indirect.scatter.add.f32 [tilespmem:s23], [sflag:$0x5], $0x80, s28, s22, $0xb8;
	v63 =	vld [tilespmem:$0x0]  }
0x1c4: {  	_ =	swait.ge [sflag:s18], $0x4000  }
0x1c5: {  	[sflag:s18] =	ssyncset.done $0x0  }
0x1c6: {  	s28 =	simm.s32 $0x380;
	[sflag:s18] =	ssyncadd.s32 $0xFFFFC000  }
0x1c7: {  	[tilespmem:s23], [sflag:$0x2] =	stream.indirect.gather [hbm4b:s4+s22], $0x80, s28, s22, $0xb8;
	v63 =	vld [tilespmem:$0x0]  }
0x1c8: {  	_ =	swait.ge [sflag:s24], $0x4000  }
0x1c9: {  	[sflag:s24] =	ssyncset.done $0x0  }
0x1ca: {  	s28 =	simm.s32 $0x2F00;
	[sflag:s24] =	ssyncadd.s32 $0xFFFFC000  }
0x1cb: {  	[spmem:s2] =	stream.indirect.scatter.add.f32 [tilespmem:s17], [sflag:$0x5], $0x80, s28, s22, $0xb8;
	v63 =	vld [tilespmem:$0x0]  }
0x1cc: {  	_ =	swait.ge [sflag:s18], $0x4000  }
0x1cd: {  	[sflag:s18] =	ssyncset.done $0x0  }
0x1ce: {  	s28 =	simm.s32 $0x400;
	[sflag:s18] =	ssyncadd.s32 $0xFFFFC000  }
0x1cf: {  	[tilespmem:s17], [sflag:$0x1] =	stream.indirect.gather [hbm4b:s4+s22], $0x80, s28, s22, $0xb8;
	v63 =	vld [tilespmem:$0x0]  }
0x1d0: {  	_ =	swait.ge [sflag:s26], $0x4000  }
0x1d1: {  	[sflag:s26] =	ssyncset.done $0x0  }
0x1d2: {  	s28 =	simm.s32 $0x2F80;
	[sflag:s26] =	ssyncadd.s32 $0xFFFFC000  }
0x1d3: {  	[spmem:s2] =	stream.indirect.scatter.add.f32 [tilespmem:s23], [sflag:$0x5], $0x80, s28, s22, $0xb8;
	v63 =	vld [tilespmem:$0x0]  }
0x1d4: {  	_ =	swait.ge [sflag:s18], $0x4000  }
0x1d5: {  	[sflag:s18] =	ssyncset.done $0x0  }
0x1d6: {  	s28 =	simm.s32 $0x480;
	[sflag:s18] =	ssyncadd.s32 $0xFFFFC000  }
0x1d7: {  	[tilespmem:s23], [sflag:$0x2] =	stream.indirect.gather [hbm4b:s4+s22], $0x80, s28, s22, $0xb8;
	v63 =	vld [tilespmem:$0x0]  }
0x1d8: {  	_ =	swait.ge [sflag:s24], $0x4000  }
0x1d9: {  	[sflag:s24] =	ssyncset.done $0x0  }
0x1da: {  	s28 =	simm.s32 $0x3000;
	[sflag:s24] =	ssyncadd.s32 $0xFFFFC000  }
0x1db: {  	[spmem:s2] =	stream.indirect.scatter.add.f32 [tilespmem:s17], [sflag:$0x5], $0x80, s28, s22, $0xb8;
	v63 =	vld [tilespmem:$0x0]  }
0x1dc: {  	_ =	swait.ge [sflag:s18], $0x4000  }
0x1dd: {  	[sflag:s18] =	ssyncset.done $0x0  }
0x1de: {  	s28 =	simm.s32 $0x500;
	[sflag:s18] =	ssyncadd.s32 $0xFFFFC000  }
0x1df: {  	[tilespmem:s17], [sflag:$0x1] =	stream.indirect.gather [hbm4b:s4+s22], $0x80, s28, s22, $0xb8;
	v63 =	vld [tilespmem:$0x0]  }
0x1e0: {  	_ =	swait.ge [sflag:s26], $0x4000  }
0x1e1: {  	[sflag:s26] =	ssyncset.done $0x0  }
0x1e2: {  	s28 =	simm.s32 $0x3080;
	[sflag:s26] =	ssyncadd.s32 $0xFFFFC000  }
0x1e3: {  	[spmem:s2] =	stream.indirect.scatter.add.f32 [tilespmem:s23], [sflag:$0x5], $0x80, s28, s22, $0xb8;
	v63 =	vld [tilespmem:$0x0]  }
0x1e4: {  	_ =	swait.ge [sflag:s18], $0x4000  }
0x1e5: {  	[sflag:s18] =	ssyncset.done $0x0  }
0x1e6: {  	s28 =	simm.s32 $0x580;
	[sflag:s18] =	ssyncadd.s32 $0xFFFFC000  }
0x1e7: {  	[tilespmem:s23], [sflag:$0x2] =	stream.indirect.gather [hbm4b:s4+s22], $0x80, s28, s22, $0xb8;
	v63 =	vld [tilespmem:$0x0]  }
0x1e8: {  	_ =	swait.ge [sflag:s24], $0x4000  }
0x1e9: {  	[sflag:s24] =	ssyncset.done $0x0  }
0x1ea: {  	s28 =	simm.s32 $0x3100;
	[sflag:s24] =	ssyncadd.s32 $0xFFFFC000  }
0x1eb: {  	[spmem:s2] =	stream.indirect.scatter.add.f32 [tilespmem:s17], [sflag:$0x5], $0x80, s28, s22, $0xb8;
	v63 =	vld [tilespmem:$0x0]  }
0x1ec: {  	_ =	swait.ge [sflag:s18], $0x4000  }
0x1ed: {  	[sflag:s18] =	ssyncset.done $0x0  }
0x1ee: {  	s28 =	simm.s32 $0x600;
	[sflag:s18] =	ssyncadd.s32 $0xFFFFC000  }
0x1ef: {  	[tilespmem:s17], [sflag:$0x1] =	stream.indirect.gather [hbm4b:s4+s22], $0x80, s28, s22, $0xb8;
	v63 =	vld [tilespmem:$0x0]  }
0x1f0: {  	_ =	swait.ge [sflag:s26], $0x4000  }
0x1f1: {  	[sflag:s26] =	ssyncset.done $0x0  }
0x1f2: {  	s28 =	simm.s32 $0x3180;
	[sflag:s26] =	ssyncadd.s32 $0xFFFFC000  }
0x1f3: {  	[spmem:s2] =	stream.indirect.scatter.add.f32 [tilespmem:s23], [sflag:$0x5], $0x80, s28, s22, $0xb8;
	v63 =	vld [tilespmem:$0x0]  }
0x1f4: {  	_ =	swait.ge [sflag:s18], $0x4000  }
0x1f5: {  	[sflag:s18] =	ssyncset.done $0x0  }
0x1f6: {  	s28 =	simm.s32 $0x680;
	[sflag:s18] =	ssyncadd.s32 $0xFFFFC000  }
0x1f7: {  	[tilespmem:s23], [sflag:$0x2] =	stream.indirect.gather [hbm4b:s4+s22], $0x80, s28, s22, $0xb8;
	v63 =	vld [tilespmem:$0x0]  }
0x1f8: {  	_ =	swait.ge [sflag:s24], $0x4000  }
0x1f9: {  	[sflag:s24] =	ssyncset.done $0x0  }
0x1fa: {  	s28 =	simm.s32 $0x3200;
	[sflag:s24] =	ssyncadd.s32 $0xFFFFC000  }
0x1fb: {  	[spmem:s2] =	stream.indirect.scatter.add.f32 [tilespmem:s17], [sflag:$0x5], $0x80, s28, s22, $0xb8;
	v63 =	vld [tilespmem:$0x0]  }
0x1fc: {  	_ =	swait.ge [sflag:s18], $0x4000  }
0x1fd: {  	[sflag:s18] =	ssyncset.done $0x0  }
0x1fe: {  	s28 =	simm.s32 $0x700;
	[sflag:s18] =	ssyncadd.s32 $0xFFFFC000  }
0x1ff: {  	[tilespmem:s17], [sflag:$0x1] =	stream.indirect.gather [hbm4b:s4+s22], $0x80, s28, s22, $0xb8;
	v63 =	vld [tilespmem:$0x0]  }
0x200: {  	_ =	swait.ge [sflag:s26], $0x4000  }
0x201: {  	[sflag:s26] =	ssyncset.done $0x0  }
0x202: {  	s28 =	simm.s32 $0x3280;
	[sflag:s26] =	ssyncadd.s32 $0xFFFFC000  }
0x203: {  	[spmem:s2] =	stream.indirect.scatter.add.f32 [tilespmem:s23], [sflag:$0x5], $0x80, s28, s22, $0xb8;
	v63 =	vld [tilespmem:$0x0]  }
0x204: {  	_ =	swait.ge [sflag:s18], $0x4000  }
0x205: {  	[sflag:s18] =	ssyncset.done $0x0  }
0x206: {  	s28 =	simm.s32 $0x780;
	[sflag:s18] =	ssyncadd.s32 $0xFFFFC000  }
0x207: {  	[tilespmem:s23], [sflag:$0x2] =	stream.indirect.gather [hbm4b:s4+s22], $0x80, s28, s22, $0xb8;
	v63 =	vld [tilespmem:$0x0]  }
0x208: {  	_ =	swait.ge [sflag:s24], $0x4000  }
0x209: {  	[sflag:s24] =	ssyncset.done $0x0  }
0x20a: {  	s28 =	simm.s32 $0x3300;
	[sflag:s24] =	ssyncadd.s32 $0xFFFFC000  }
0x20b: {  	[spmem:s2] =	stream.indirect.scatter.add.f32 [tilespmem:s17], [sflag:$0x5], $0x80, s28, s22, $0xb8;
	v63 =	vld [tilespmem:$0x0]  }
0x20c: {  	_ =	swait.ge [sflag:s18], $0x4000  }
0x20d: {  	[sflag:s18] =	ssyncset.done $0x0  }
0x20e: {  	s28 =	simm.s32 $0x800;
	[sflag:s18] =	ssyncadd.s32 $0xFFFFC000  }
0x20f: {  	[tilespmem:s17], [sflag:$0x1] =	stream.indirect.gather [hbm4b:s4+s22], $0x80, s28, s22, $0xb8;
	v63 =	vld [tilespmem:$0x0]  }
0x210: {  	_ =	swait.ge [sflag:s26], $0x4000  }
0x211: {  	[sflag:s26] =	ssyncset.done $0x0  }
0x212: {  	s28 =	simm.s32 $0x3380;
	[sflag:s26] =	ssyncadd.s32 $0xFFFFC000  }
0x213: {  	[spmem:s2] =	stream.indirect.scatter.add.f32 [tilespmem:s23], [sflag:$0x5], $0x80, s28, s22, $0xb8;
	v63 =	vld [tilespmem:$0x0]  }
0x214: {  	_ =	swait.ge [sflag:s18], $0x4000  }
0x215: {  	[sflag:s18] =	ssyncset.done $0x0  }
0x216: {  	s28 =	simm.s32 $0x880;
	[sflag:s18] =	ssyncadd.s32 $0xFFFFC000  }
0x217: {  	[tilespmem:s23], [sflag:$0x2] =	stream.indirect.gather [hbm4b:s4+s22], $0x80, s28, s22, $0xb8;
	v63 =	vld [tilespmem:$0x0]  }
0x218: {  	_ =	swait.ge [sflag:s24], $0x4000  }
0x219: {  	[sflag:s24] =	ssyncset.done $0x0  }
0x21a: {  	s28 =	simm.s32 $0x3400;
	[sflag:s24] =	ssyncadd.s32 $0xFFFFC000  }
0x21b: {  	[spmem:s2] =	stream.indirect.scatter.add.f32 [tilespmem:s17], [sflag:$0x5], $0x80, s28, s22, $0xb8;
	v63 =	vld [tilespmem:$0x0]  }
0x21c: {  	_ =	swait.ge [sflag:s18], $0x4000  }
0x21d: {  	[sflag:s18] =	ssyncset.done $0x0  }
0x21e: {  	s28 =	simm.s32 $0x900;
	[sflag:s18] =	ssyncadd.s32 $0xFFFFC000  }
0x21f: {  	[tilespmem:s17], [sflag:$0x1] =	stream.indirect.gather [hbm4b:s4+s22], $0x80, s28, s22, $0xb8;
	v63 =	vld [tilespmem:$0x0]  }
0x220: {  	_ =	swait.ge [sflag:s26], $0x4000  }
0x221: {  	[sflag:s26] =	ssyncset.done $0x0  }
0x222: {  	s28 =	simm.s32 $0x3480;
	[sflag:s26] =	ssyncadd.s32 $0xFFFFC000  }
0x223: {  	[spmem:s2] =	stream.indirect.scatter.add.f32 [tilespmem:s23], [sflag:$0x5], $0x80, s28, s22, $0xb8;
	v63 =	vld [tilespmem:$0x0]  }
0x224: {  	_ =	swait.ge [sflag:s18], $0x4000  }
0x225: {  	[sflag:s18] =	ssyncset.done $0x0  }
0x226: {  	s28 =	simm.s32 $0x980;
	[sflag:s18] =	ssyncadd.s32 $0xFFFFC000  }
0x227: {  	[tilespmem:s23], [sflag:$0x2] =	stream.indirect.gather [hbm4b:s4+s22], $0x80, s28, s22, $0xb8;
	v63 =	vld [tilespmem:$0x0]  }
0x228: {  	_ =	swait.ge [sflag:s1], $0xA00  }
0x229: {  	[sflag:s1] =	ssyncset.done $0x0  }
0x22a: {  	[sflag:s1] =	ssyncadd.s32 $0xFFFFF600  }
0x22b: {  	_ =	swait.ge [sflag:s24], $0x4000  }
0x22c: {  	[sflag:s24] =	ssyncset.done $0x0  }
0x22d: {  	s28 =	simm.s32 $0x3500;
	[sflag:s24] =	ssyncadd.s32 $0xFFFFC000  }
0x22e: {  	[spmem:s2] =	stream.indirect.scatter.add.f32 [tilespmem:s17], [sflag:$0x5], $0x80, s28, s22, $0xb8;
	v63 =	vld [tilespmem:$0x0]  }
0x22f: {  	_ =	swait.ge [sflag:s18], $0x4000  }
0x230: {  	[sflag:s18] =	ssyncset.done $0x0  }
0x231: {  	[sflag:s18] =	ssyncadd.s32 $0xFFFFC000  }
0x232: {  	[tilespmem:s17], [sflag:$0x1] =	stream.indirect.gather [hbm4b:s4+s22], $0x80, s5, s22, $0xb8;
	v63 =	vld [tilespmem:$0x0]  }
0x233: {  	_ =	swait.ge [sflag:s26], $0x4000  }
0x234: {  	[sflag:s26] =	ssyncset.done $0x0  }
0x235: {  	s1 =	simm.s32 $0x3580;
	[sflag:s26] =	ssyncadd.s32 $0xFFFFC000  }
0x236: {  	[spmem:s2] =	stream.indirect.scatter.add.f32 [tilespmem:s23], [sflag:$0x5], $0x80, s1, s22, $0xb8;
	v63 =	vld [tilespmem:$0x0]  }
0x237: {  	_ =	swait.ge [sflag:s18], $0x4000  }
0x238: {  	[sflag:s18] =	ssyncset.done $0x0  }
0x239: {  	s28 =	simm.s32 $0xC80;
	[sflag:s18] =	ssyncadd.s32 $0xFFFFC000  }
0x23a: {  	[tilespmem:s23], [sflag:$0x2] =	stream.indirect.gather [hbm4b:s4+s22], $0x80, s28, s22, $0xb8;
	v63 =	vld [tilespmem:$0x0]  }
0x23b: {  	_ =	swait.ge [sflag:s24], $0x4000  }
0x23c: {  	[sflag:s24] =	ssyncset.done $0x0  }
0x23d: {  	s1 =	simm.s32 $0x3600;
	[sflag:s24] =	ssyncadd.s32 $0xFFFFC000  }
0x23e: {  	[spmem:s2] =	stream.indirect.scatter.add.f32 [tilespmem:s17], [sflag:$0x5], $0x80, s1, s22, $0xb8;
	v63 =	vld [tilespmem:$0x0]  }
0x23f: {  	_ =	swait.ge [sflag:s18], $0x4000  }
0x240: {  	[sflag:s18] =	ssyncset.done $0x0  }
0x241: {  	[sflag:s18] =	ssyncadd.s32 $0xFFFFC000  }
0x242: {  	[tilespmem:s17], [sflag:$0x1] =	stream.indirect.gather [hbm4b:s4+s22], $0x80, s3, s22, $0xb8;
	v63 =	vld [tilespmem:$0x0]  }
0x243: {  	_ =	swait.ge [sflag:s26], $0x4000  }
0x244: {  	[sflag:s26] =	ssyncset.done $0x0  }
0x245: {  	s28 =	simm.s32 $0x3680;
	[sflag:s26] =	ssyncadd.s32 $0xFFFFC000  }
0x246: {  	[spmem:s2] =	stream.indirect.scatter.add.f32 [tilespmem:s23], [sflag:$0x5], $0x80, s28, s22, $0xb8;
	v63 =	vld [tilespmem:$0x0]  }
0x247: {  	_ =	swait.ge [sflag:s18], $0x4000  }
0x248: {  	[sflag:s18] =	ssyncset.done $0x0  }
0x249: {  	[sflag:s18] =	ssyncadd.s32 $0xFFFFC000  }
0x24a: {  	[tilespmem:s23], [sflag:$0x2] =	stream.indirect.gather [hbm4b:s4+s22], $0x80, s6, s22, $0xb8;
	v63 =	vld [tilespmem:$0x0]  }
0x24b: {  	_ =	swait.ge [sflag:s24], $0x4000  }
0x24c: {  	[sflag:s24] =	ssyncset.done $0x0  }
0x24d: {  	s1 =	simm.s32 $0x3700;
	[sflag:s24] =	ssyncadd.s32 $0xFFFFC000  }
0x24e: {  	[spmem:s2] =	stream.indirect.scatter.add.f32 [tilespmem:s17], [sflag:$0x5], $0x80, s1, s22, $0xb8;
	v63 =	vld [tilespmem:$0x0]  }
0x24f: {  	_ =	swait.ge [sflag:s18], $0x4000  }
0x250: {  	[sflag:s18] =	ssyncset.done $0x0  }
0x251: {  	[sflag:s18] =	ssyncadd.s32 $0xFFFFC000  }
0x252: {  	[tilespmem:s17], [sflag:$0x1] =	stream.indirect.gather [hbm4b:s4+s22], $0x80, s7, s22, $0xb8;
	v63 =	vld [tilespmem:$0x0]  }
0x253: {  	_ =	swait.ge [sflag:s26], $0x4000  }
0x254: {  	[sflag:s26] =	ssyncset.done $0x0  }
0x255: {  	s3 =	simm.s32 $0x3780;
	[sflag:s26] =	ssyncadd.s32 $0xFFFFC000  }
0x256: {  	[spmem:s2] =	stream.indirect.scatter.add.f32 [tilespmem:s23], [sflag:$0x5], $0x80, s3, s22, $0xb8;
	v63 =	vld [tilespmem:$0x0]  }
0x257: {  	_ =	swait.ge [sflag:s18], $0x4000  }
0x258: {  	[sflag:s18] =	ssyncset.done $0x0  }
0x259: {  	[sflag:s18] =	ssyncadd.s32 $0xFFFFC000  }
0x25a: {  	[tilespmem:s23], [sflag:$0x2] =	stream.indirect.gather [hbm4b:s4+s22], $0x80, s8, s22, $0xb8;
	v63 =	vld [tilespmem:$0x0]  }
0x25b: {  	_ =	swait.ge [sflag:s24], $0x4000  }
0x25c: {  	[sflag:s24] =	ssyncset.done $0x0  }
0x25d: {  	s28 =	simm.s32 $0x3800;
	[sflag:s24] =	ssyncadd.s32 $0xFFFFC000  }
0x25e: {  	[spmem:s2] =	stream.indirect.scatter.add.f32 [tilespmem:s17], [sflag:$0x5], $0x80, s28, s22, $0xb8;
	v63 =	vld [tilespmem:$0x0]  }
0x25f: {  	_ =	swait.ge [sflag:s18], $0x4000  }
0x260: {  	[sflag:s18] =	ssyncset.done $0x0  }
0x261: {  	[sflag:s18] =	ssyncadd.s32 $0xFFFFC000  }
0x262: {  	[tilespmem:s17], [sflag:$0x1] =	stream.indirect.gather [hbm4b:s4+s22], $0x80, s9, s22, $0xb8;
	v63 =	vld [tilespmem:$0x0]  }
0x263: {  	_ =	swait.ge [sflag:s26], $0x4000  }
0x264: {  	[sflag:s26] =	ssyncset.done $0x0  }
0x265: {  	s1 =	simm.s32 $0x3880;
	[sflag:s26] =	ssyncadd.s32 $0xFFFFC000  }
0x266: {  	[spmem:s2] =	stream.indirect.scatter.add.f32 [tilespmem:s23], [sflag:$0x5], $0x80, s1, s22, $0xb8;
	v63 =	vld [tilespmem:$0x0]  }
0x267: {  	_ =	swait.ge [sflag:s18], $0x4000  }
0x268: {  	[sflag:s18] =	ssyncset.done $0x0  }
0x269: {  	[sflag:s18] =	ssyncadd.s32 $0xFFFFC000  }
0x26a: {  	[tilespmem:s23], [sflag:$0x2] =	stream.indirect.gather [hbm4b:s4+s22], $0x80, s10, s22, $0xb8;
	v63 =	vld [tilespmem:$0x0]  }
0x26b: {  	_ =	swait.ge [sflag:s24], $0x4000  }
0x26c: {  	[sflag:s24] =	ssyncset.done $0x0  }
0x26d: {  	s3 =	simm.s32 $0x3900;
	[sflag:s24] =	ssyncadd.s32 $0xFFFFC000  }
0x26e: {  	[spmem:s2] =	stream.indirect.scatter.add.f32 [tilespmem:s17], [sflag:$0x5], $0x80, s3, s22, $0xb8;
	v63 =	vld [tilespmem:$0x0]  }
0x26f: {  	_ =	swait.ge [sflag:s18], $0x4000  }
0x270: {  	[sflag:s18] =	ssyncset.done $0x0  }
0x271: {  	[sflag:s18] =	ssyncadd.s32 $0xFFFFC000  }
0x272: {  	[tilespmem:s17], [sflag:$0x1] =	stream.indirect.gather [hbm4b:s4+s22], $0x80, s11, s22, $0xb8;
	v63 =	vld [tilespmem:$0x0]  }
0x273: {  	_ =	swait.ge [sflag:s26], $0x4000  }
0x274: {  	[sflag:s26] =	ssyncset.done $0x0  }
0x275: {  	s28 =	simm.s32 $0x3980;
	[sflag:s26] =	ssyncadd.s32 $0xFFFFC000  }
0x276: {  	[spmem:s2] =	stream.indirect.scatter.add.f32 [tilespmem:s23], [sflag:$0x5], $0x80, s28, s22, $0xb8;
	v63 =	vld [tilespmem:$0x0]  }
0x277: {  	_ =	swait.ge [sflag:s18], $0x4000  }
0x278: {  	[sflag:s18] =	ssyncset.done $0x0  }
0x279: {  	[sflag:s18] =	ssyncadd.s32 $0xFFFFC000  }
0x27a: {  	[tilespmem:s23], [sflag:$0x2] =	stream.indirect.gather [hbm4b:s4+s22], $0x80, s12, s22, $0xb8;
	v63 =	vld [tilespmem:$0x0]  }
0x27b: {  	_ =	swait.ge [sflag:s24], $0x4000  }
0x27c: {  	[sflag:s24] =	ssyncset.done $0x0  }
0x27d: {  	s1 =	simm.s32 $0x3A00;
	[sflag:s24] =	ssyncadd.s32 $0xFFFFC000  }
0x27e: {  	[spmem:s2] =	stream.indirect.scatter.add.f32 [tilespmem:s17], [sflag:$0x5], $0x80, s1, s22, $0xb8;
	v63 =	vld [tilespmem:$0x0]  }
0x27f: {  	_ =	swait.ge [sflag:s18], $0x4000  }
0x280: {  	[sflag:s18] =	ssyncset.done $0x0  }
0x281: {  	[sflag:s18] =	ssyncadd.s32 $0xFFFFC000  }
0x282: {  	[tilespmem:s17], [sflag:$0x1] =	stream.indirect.gather [hbm4b:s4+s22], $0x80, s13, s22, $0xb8;
	v63 =	vld [tilespmem:$0x0]  }
0x283: {  	_ =	swait.ge [sflag:s26], $0x4000  }
0x284: {  	[sflag:s26] =	ssyncset.done $0x0  }
0x285: {  	s3 =	simm.s32 $0x3A80;
	[sflag:s26] =	ssyncadd.s32 $0xFFFFC000  }
0x286: {  	[spmem:s2] =	stream.indirect.scatter.add.f32 [tilespmem:s23], [sflag:$0x5], $0x80, s3, s22, $0xb8;
	v63 =	vld [tilespmem:$0x0]  }
0x287: {  	_ =	swait.ge [sflag:s18], $0x4000  }
0x288: {  	[sflag:s18] =	ssyncset.done $0x0  }
0x289: {  	[sflag:s18] =	ssyncadd.s32 $0xFFFFC000  }
0x28a: {  	[tilespmem:s23], [sflag:$0x2] =	stream.indirect.gather [hbm4b:s4+s22], $0x80, s14, s22, $0xb8;
	v63 =	vld [tilespmem:$0x0]  }
0x28b: {  	_ =	swait.ge [sflag:s24], $0x4000  }
0x28c: {  	[sflag:s24] =	ssyncset.done $0x0  }
0x28d: {  	s28 =	simm.s32 $0x3B00;
	[sflag:s24] =	ssyncadd.s32 $0xFFFFC000  }
0x28e: {  	[spmem:s2] =	stream.indirect.scatter.add.f32 [tilespmem:s17], [sflag:$0x5], $0x80, s28, s22, $0xb8;
	v63 =	vld [tilespmem:$0x0]  }
0x28f: {  	_ =	swait.ge [sflag:s18], $0x4000  }
0x290: {  	[sflag:s18] =	ssyncset.done $0x0  }
0x291: {  	[sflag:s18] =	ssyncadd.s32 $0xFFFFC000  }
0x292: {  	[tilespmem:s17], [sflag:$0x1] =	stream.indirect.gather [hbm4b:s4+s22], $0x80, s15, s22, $0xb8;
	v63 =	vld [tilespmem:$0x0]  }
0x293: {  	_ =	swait.ge [sflag:s26], $0x4000  }
0x294: {  	[sflag:s26] =	ssyncset.done $0x0  }
0x295: {  	s1 =	simm.s32 $0x3B80;
	[sflag:s26] =	ssyncadd.s32 $0xFFFFC000  }
0x296: {  	[spmem:s2] =	stream.indirect.scatter.add.f32 [tilespmem:s23], [sflag:$0x5], $0x80, s1, s22, $0xb8;
	v63 =	vld [tilespmem:$0x0]  }
0x297: {  	_ =	swait.ge [sflag:s18], $0x4000  }
0x298: {  	[sflag:s18] =	ssyncset.done $0x0  }
0x299: {  	[sflag:s18] =	ssyncadd.s32 $0xFFFFC000  }
0x29a: {  	[tilespmem:s23], [sflag:$0x2] =	stream.indirect.gather [hbm4b:s4+s22], $0x80, s19, s22, $0xb8;
	v63 =	vld [tilespmem:$0x0]  }
0x29b: {  	_ =	swait.ge [sflag:s24], $0x4000  }
0x29c: {  	[sflag:s24] =	ssyncset.done $0x0  }
0x29d: {  	s3 =	simm.s32 $0x3C00;
	[sflag:s24] =	ssyncadd.s32 $0xFFFFC000  }
0x29e: {  	[spmem:s2] =	stream.indirect.scatter.add.f32 [tilespmem:s17], [sflag:$0x5], $0x80, s3, s22, $0xb8;
	v63 =	vld [tilespmem:$0x0]  }
0x29f: {  	_ =	swait.ge [sflag:s18], $0x4000  }
0x2a0: {  	[sflag:s18] =	ssyncset.done $0x0  }
0x2a1: {  	[sflag:s18] =	ssyncadd.s32 $0xFFFFC000  }
0x2a2: {  	[tilespmem:s17], [sflag:$0x1] =	stream.indirect.gather [hbm4b:s4+s22], $0x80, s20, s22, $0xb8;
	v63 =	vld [tilespmem:$0x0]  }
0x2a3: {  	_ =	swait.ge [sflag:s26], $0x4000  }
0x2a4: {  	[sflag:s26] =	ssyncset.done $0x0  }
0x2a5: {  	s28 =	simm.s32 $0x3C80;
	[sflag:s26] =	ssyncadd.s32 $0xFFFFC000  }
0x2a6: {  	[spmem:s2] =	stream.indirect.scatter.add.f32 [tilespmem:s23], [sflag:$0x5], $0x80, s28, s22, $0xb8;
	v63 =	vld [tilespmem:$0x0]  }
0x2a7: {  	_ =	swait.ge [sflag:s18], $0x4000  }
0x2a8: {  	[sflag:s18] =	ssyncset.done $0x0  }
0x2a9: {  	[sflag:s18] =	ssyncadd.s32 $0xFFFFC000  }
0x2aa: {  	[tilespmem:s23], [sflag:$0x2] =	stream.indirect.gather [hbm4b:s4+s22], $0x80, s25, s22, $0xb8;
	v63 =	vld [tilespmem:$0x0]  }
0x2ab: {  	_ =	swait.ge [sflag:s24], $0x4000  }
0x2ac: {  	[sflag:s24] =	ssyncset.done $0x0  }
0x2ad: {  	s1 =	simm.s32 $0x3D00;
	[sflag:s24] =	ssyncadd.s32 $0xFFFFC000  }
0x2ae: {  	[spmem:s2] =	stream.indirect.scatter.add.f32 [tilespmem:s17], [sflag:$0x5], $0x80, s1, s22, $0xb8;
	v63 =	vld [tilespmem:$0x0]  }
0x2af: {  	_ =	swait.ge [sflag:s18], $0x4000  }
0x2b0: {  	[sflag:s18] =	ssyncset.done $0x0  }
0x2b1: {  	[sflag:s18] =	ssyncadd.s32 $0xFFFFC000  }
0x2b2: {  	[tilespmem:s17], [sflag:$0x1] =	stream.indirect.gather [hbm4b:s4+s22], $0x80, s30, s22, $0xb8;
	v63 =	vld [tilespmem:$0x0]  }
0x2b3: {  	_ =	swait.ge [sflag:s26], $0x4000  }
0x2b4: {  	[sflag:s26] =	ssyncset.done $0x0  }
0x2b5: {  	s3 =	simm.s32 $0x3D80;
	[sflag:s26] =	ssyncadd.s32 $0xFFFFC000  }
0x2b6: {  	[spmem:s2] =	stream.indirect.scatter.add.f32 [tilespmem:s23], [sflag:$0x5], $0x80, s3, s22, $0xb8;
	v63 =	vld [tilespmem:$0x0]  }
0x2b7: {  	_ =	swait.ge [sflag:s18], $0x4000  }
0x2b8: {  	[sflag:s18] =	ssyncset.done $0x0  }
0x2b9: {  	[sflag:s18] =	ssyncadd.s32 $0xFFFFC000  }
0x2ba: {  	[tilespmem:s23], [sflag:$0x2] =	stream.indirect.gather [hbm4b:s4+s22], $0x80, s31, s22, $0xb8;
	v63 =	vld [tilespmem:$0x0]  }
0x2bb: {  	_ =	swait.ge [sflag:s24], $0x4000  }
0x2bc: {  	[sflag:s24] =	ssyncset.done $0x0  }
0x2bd: {  	s28 =	simm.s32 $0x3E00;
	[sflag:s24] =	ssyncadd.s32 $0xFFFFC000  }
0x2be: {  	[spmem:s2] =	stream.indirect.scatter.add.f32 [tilespmem:s17], [sflag:$0x5], $0x80, s28, s22, $0xb8;
	v63 =	vld [tilespmem:$0x0]  }
0x2bf: {  	_ =	swait.ge [sflag:s18], $0x4000  }
0x2c0: {  	[sflag:s18] =	ssyncset.done $0x0  }
0x2c1: {  	s31 =	simm.s32 $0x1500;
	[sflag:s18] =	ssyncadd.s32 $0xFFFFC000  }
0x2c2: {  	[tilespmem:s17], [sflag:$0x1] =	stream.indirect.gather [hbm4b:s4+s22], $0x80, s31, s22, $0xb8;
	v63 =	vld [tilespmem:$0x0]  }
0x2c3: {  	_ =	swait.ge [sflag:s26], $0x4000  }
0x2c4: {  	[sflag:s26] =	ssyncset.done $0x0  }
0x2c5: {  	s1 =	simm.s32 $0x3E80;
	[sflag:s26] =	ssyncadd.s32 $0xFFFFC000  }
0x2c6: {  	[spmem:s2] =	stream.indirect.scatter.add.f32 [tilespmem:s23], [sflag:$0x5], $0x80, s1, s22, $0xb8;
	v63 =	vld [tilespmem:$0x0]  }
0x2c7: {  	_ =	swait.ge [sflag:s18], $0x4000  }
0x2c8: {  	[sflag:s18] =	ssyncset.done $0x0  }
0x2c9: {  	s3 =	simm.s32 $0x1580;
	[sflag:s18] =	ssyncadd.s32 $0xFFFFC000  }
0x2ca: {  	[tilespmem:s23], [sflag:$0x2] =	stream.indirect.gather [hbm4b:s4+s22], $0x80, s3, s22, $0xb8;
	v63 =	vld [tilespmem:$0x0]  }
0x2cb: {  	_ =	swait.ge [sflag:s24], $0x4000  }
0x2cc: {  	[sflag:s24] =	ssyncset.done $0x0  }
0x2cd: {  	s28 =	simm.s32 $0x3F00;
	[sflag:s24] =	ssyncadd.s32 $0xFFFFC000  }
0x2ce: {  	[spmem:s2] =	stream.indirect.scatter.add.f32 [tilespmem:s17], [sflag:$0x5], $0x80, s28, s22, $0xb8;
	v63 =	vld [tilespmem:$0x0]  }
0x2cf: {  	_ =	swait.ge [sflag:s18], $0x4000  }
0x2d0: {  	[sflag:s18] =	ssyncset.done $0x0  }
0x2d1: {  	[sflag:s18] =	ssyncadd.s32 $0xFFFFC000  }
0x2d2: {  	_ =	swait.ge [sflag:s26], $0x4000  }
0x2d3: {  	[sflag:s26] =	ssyncset.done $0x0  }
0x2d4: {  	s31 =	simm.s32 $0x3F80;
	[sflag:s26] =	ssyncadd.s32 $0xFFFFC000  }
0x2d5: {  	[spmem:s2] =	stream.indirect.scatter.add.f32 [tilespmem:s23], [sflag:$0x5], $0x80, s31, s22, $0xb8;
	v63 =	vld [tilespmem:$0x0]  }
0x2d6: {  	_ =	swait.ge [sflag:s18], $0x4000  }
0x2d7: {  	[sflag:s18] =	ssyncset.done $0x0  }
0x2d8: {  	s1 =	stileid.u32;
	[sflag:s18] =	ssyncadd.s32 $0xFFFFC000  }
0x2d9: {  	s28 =	sshll.u32 s1, $0x6;
	[bflag:$0x0] =	sbarrier.arrive $0xFFFF  }
0x2da: {  	s3 =	sshrl.u32 s21, $0x3;
	s28 =	sor.u32 $0x1C05, s28;
	s21 =	rddreg [dreg:$0xc]  }
0x2db: {  	[hbm:s21], [sflag:s28] =	dma.local [spmem:s3], $0x2800  }
0x2dc: {  	_ =	swait.ge [sflag:s18], $0x2800  }
0x2dd: {  	s16 =	sadd.s32 $0x1, s16;
	s31 =	rddreg [dreg:$0xd]  }
0x2de: {  	p0 =	sne.s32 s16, s31  }
.Ltmp1:
0x2df: {  	_ = 	snop;
	(pc) =	sbr.rel @p0 .LBB2_1-.Ltmp1, $3  }
0x2e0: {  	_ =	sdelay $0x1  }
0x2e1: {  	[sflag:s18] =	ssyncset.done $0x0  }
0x2e2: {  	[sflag:s18] =	ssyncadd.s32 $0xFFFFD800  }
0x2e3: {  	_ =	sfence.sel $0x180000  }
0x2e4: {  	[bflag:$0x0] =	sbarrier.arrive $0xFFFF  }
0x2e5: {  	_ =	strace $0x9000004D  }
0x2e6: {  	s0 =	stileid.u32;
	[bflag:$0x2] =	sbarrier.arrive $0xFFFF  }
0x2e7: {  	p0 =	sne.s32 s0, $0x0;
	s0 =	rddreg [dreg:$0x2]  }
0x2e8: {  	s0 =	sadd.s32 @!p0 $0x100000, s0  }
0x2e9: {  	[sflag:s0] =	ssyncadd.tile.s32 @!p0 $0x1;
	_ =	shalt  }
.Lfunc_end2:
_tile_overlayer_lowered:
.L_overlay_start_2:
0x2ea: {  	(tag) =	ssettag $0x2  }
0x2eb: {  	s0 =	rddreg [dreg:$0x0];
	s2 =	stileid.u32  }
0x2ec: {  	s1 =	rddreg [dreg:$0x1];
	p0 =	sne.s32 s2, $0x0  }
0x2ed: {  	s3 =	rddreg [dreg:$0x2];
	[bflag:$0x3] =	sbarrier.arrive $0xFFFF;
	s2 =	simm.s32 @!p0 $0x1C05  }
0x2ee: {  	[timem:s3], [sflag:s2] =	dma.local @!p0 [hbm:s0], s1  }
0x2ef: {  	s0 =	simm.s32 @!p0 $0x5  }
0x2f0: {  	_ =	swait.ge @!p0 [sflag:s0], s1  }
0x2f1: {  	s1 =	ssub.s32 @!p0 $0x0, s1;
	[sflag:s0] =	ssyncset.done @!p0 $0x0  }
0x2f2: {  	[sflag:s0] =	ssyncadd.s32 @!p0 s1  }
0x2f3: {  	[bflag:$0x3] =	sbarrier.arrive $0xFFFF  }
0x2f4: {  	_ =	shalt  }

// kernel: kernel.8.cloned.1.call-start
scs
__scs_entry_jumppad:
0x0: {  	(pc) =	sbr.rel $0x88, $3  }
0x1: {  	(tag) =	ssettag $0x0;
	lr =	simm.s32 $0x1  }
0x2: {  	[smem:$0x3F97] =	sst lr;
	_ =	strace $0xD0000000  }
0x3: {  	_ = 	snop  }
0x4: {  	_ = 	snop  }
0x5: {  	_ = 	snop  }
0x6: {  	_ = 	snop  }
0x7: {  	_ = 	snop  }
__scs_overlays_trampoline_lowered:
0x8: {  	[smem:$0x3FA6] =	sst s0  }
0x9: {  	[smem:$0x3FA7] =	sst s1  }
0xa: {  	[smem:$0x3FA8] =	sst s2  }
0xb: {  	[smem:$0x3FA9] =	sst s3  }
0xc: {  	[smem:$0x3FAA] =	sst s4  }
0xd: {  	[smem:$0x3FAB] =	sst s5  }
0xe: {  	[smem:$0x3FAC] =	sst s6  }
0xf: {  	[smem:$0x3FAD] =	sst s7  }
0x10: {  	[smem:$0x3FAE] =	sst s8  }
0x11: {  	[smem:$0x3FAF] =	sst s9;
	s0 =	simm.s32 @!p0 $0x0  }
0x12: {  	s1 =	sld [smem:$0x3F95];
	s0 =	simm.s32 @p0 $0x1  }
0x13: {  	[smem:$0x3FB0] =	sst s0;
	s0 =	simm.s32 @!p1 $0x0  }
0x14: {  	s2 =	sld [smem:$0x3F94];
	s0 =	simm.s32 @p1 $0x1  }
0x15: {  	[smem:$0x3FB1] =	sst s0;
	s0 =	simm.s32 @!p2 $0x0  }
0x16: {  	s3 =	sld [smem:$0x3FDB];
	s0 =	simm.s32 @p2 $0x1  }
0x17: {  	s4 =	simm.s32 $0x1BF5;
	[smem:$0x3FB3] =	sst s0  }
0x18: {  	s0 =	sld [smem:$0x3F96];
	_ =	swait.ge [sflag:s4], $0x0  }
0x19: {  	s7 =	sld [smem:$0x3F97]  }
0x1a: {  	s8 =	sadd.s32 $0xFFFFE003, lr  }
0x1b: {  	s9 =	sadd.s32 $0xFFFFFEF7, lr;
	s5 =	simm.s32 $0xFFFFFFFF;
	p2 =	slt.u32 s8, $0xFFFFF086  }
0x1c: {  	p1 =	slt.u32 s9, $0xF7A;
	s5 =	simm.s32 @!p2 $0x0  }
0x1d: {  	s5 =	simm.s32 @p1 $0x1;
	p0 =	seq.s32 s7, s2  }
0x1e: {  	s7 =	smul.u32 @!p0 $0xF7A, s2;
	p2 =	seq.s32 @!p0 s5, $0x0  }
0x1f: {  	s9 =	smul.u32 $0xF7A, s1;
	s8 =	simm.s32 @!p0 $0x1BF5;
	p2 =	por !p2, p0  }
0x20: {  	[sflag:s8] =	ssyncset.s32 @!p0 $0xFFFFF086;
	s6 =	sadd.s32 @!p0 s3, s7;
	s7 =	simm.s32 @!p0 $0x108  }
0x21: {  	s3 =	sadd.s32 s3, s9;
	s6 =	sadd.s32 @!p0 $0x88, s6;
	s7 =	simm.s32 @p2 $0x1082  }
0x22: {  	[simem:s7], [sflag:s8] =	dma.local @!p0 [hbm:s6], $0xF7A  }
0x23: {  	s9 =	sor.u32 $0xD0000000, s2;
	s6 =	simm.s32 $0x108;
	_ =	swait.ge @!p0 [sflag:s8], $0x0  }
0x24: {  	s3 =	sadd.s32 $0x88, s3;
	s6 =	simm.s32 @!p1 $0x1082;
	[sflag:s4] =	ssyncset.s32 $0xFFFFF086  }
0x25: {  	[simem:s6], [sflag:s4] =	dma.local [hbm:s3], $0xF7A  }
0x26: {  	[smem:$0x3F97] =	sst s1;
	(tag) =	ssettag s2;
	_ =	strace s9  }
0x27: {  	s1 =	sld [smem:$0x3FA7]  }
0x28: {  	s2 =	sld [smem:$0x3FA8]  }
0x29: {  	s4 =	sld [smem:$0x3FAA]  }
0x2a: {  	p0 =	seq.s32 s5, $0x0;
	s5 =	sld [smem:$0x3FAB]  }
0x2b: {  	s6 =	sld [smem:$0x3FAC]  }
0x2c: {  	s7 =	sld [smem:$0x3FAD]  }
0x2d: {  	s3 =	simm.s32 $0x108;
	s8 =	sld [smem:$0x3FAE]  }
0x2e: {  	s3 =	simm.s32 @!p0 $0x1082;
	s9 =	sld [smem:$0x3FAF]  }
0x2f: {  	lr =	sadd.s32 s0, s3;
	s0 =	sld [smem:$0x3FA6]  }
0x30: {  	s3 =	sld [smem:$0x3FA9]  }
0x31: {  	[smem:$0x3FB2] =	sst s10  }
0x32: {  	s10 =	sld [smem:$0x3FB0];
	_ =	sdelay $0x3  }
0x33: {  	p0 =	seq.s32 s10, $0x1;
	s10 =	sld [smem:$0x3FB2];
	_ =	sdelay $0x3  }
0x34: {  	[smem:$0x3FB2] =	sst s10  }
0x35: {  	s10 =	sld [smem:$0x3FB1];
	_ =	sdelay $0x3  }
0x36: {  	p1 =	seq.s32 s10, $0x1;
	s10 =	sld [smem:$0x3FB2];
	_ =	sdelay $0x3  }
0x37: {  	[smem:$0x3FB2] =	sst s10  }
0x38: {  	s10 =	sld [smem:$0x3FB3]  }
0x39: {  	_ = 	snop;
	(pc) =	sbr.ind lr, $3  }
0x3a: {  	_ = 	snop  }
0x3b: {  	_ = 	snop  }
0x3c: {  	p2 =	seq.s32 s10, $0x1;
	s10 =	sld [smem:$0x3FB2]  }
0x3d: {  	_ =	shalt  }
0x3e: {  	_ =	shalt  }
0x3f: {  	_ =	shalt  }
0x40: {  	_ =	shalt  }
0x41: {  	_ =	shalt  }
0x42: {  	_ =	shalt  }
0x43: {  	_ =	shalt  }
0x44: {  	_ =	shalt  }
0x45: {  	_ =	shalt  }
0x46: {  	_ =	shalt  }
0x47: {  	_ =	shalt  }
0x48: {  	_ =	shalt  }
0x49: {  	_ =	shalt  }
0x4a: {  	_ =	shalt  }
0x4b: {  	_ =	shalt  }
0x4c: {  	_ =	shalt  }
0x4d: {  	_ =	shalt  }
0x4e: {  	_ =	shalt  }
0x4f: {  	_ =	shalt  }
0x50: {  	_ =	shalt  }
0x51: {  	_ =	shalt  }
0x52: {  	_ =	shalt  }
0x53: {  	_ =	shalt  }
0x54: {  	_ =	shalt  }
0x55: {  	_ =	shalt  }
0x56: {  	_ =	shalt  }
0x57: {  	_ =	shalt  }
0x58: {  	_ =	shalt  }
0x59: {  	_ =	shalt  }
0x5a: {  	_ =	shalt  }
0x5b: {  	_ =	shalt  }
0x5c: {  	_ =	shalt  }
0x5d: {  	_ =	shalt  }
0x5e: {  	_ =	shalt  }
0x5f: {  	_ =	shalt  }
0x60: {  	_ =	shalt  }
0x61: {  	_ =	shalt  }
0x62: {  	_ =	shalt  }
0x63: {  	_ =	shalt  }
0x64: {  	_ =	shalt  }
0x65: {  	_ =	shalt  }
0x66: {  	_ =	shalt  }
0x67: {  	_ =	shalt  }
0x68: {  	_ =	shalt  }
0x69: {  	_ =	shalt  }
0x6a: {  	_ =	shalt  }
0x6b: {  	_ =	shalt  }
0x6c: {  	_ =	shalt  }
0x6d: {  	_ =	shalt  }
0x6e: {  	_ =	shalt  }
0x6f: {  	_ =	shalt  }
0x70: {  	_ =	shalt  }
0x71: {  	_ =	shalt  }
0x72: {  	_ =	shalt  }
0x73: {  	_ =	shalt  }
0x74: {  	_ =	shalt  }
0x75: {  	_ =	shalt  }
0x76: {  	_ =	shalt  }
0x77: {  	_ =	shalt  }
0x78: {  	_ =	shalt  }
0x79: {  	_ =	shalt  }
0x7a: {  	_ =	shalt  }
0x7b: {  	_ =	shalt  }
0x7c: {  	_ =	shalt  }
0x7d: {  	_ =	shalt  }
0x7e: {  	_ =	shalt  }
0x7f: {  	_ =	shalt  }
0x80: {  	_ =	shalt  }
0x81: {  	_ =	shalt  }
0x82: {  	_ =	shalt  }
0x83: {  	_ =	shalt  }
0x84: {  	_ =	shalt  }
0x85: {  	_ =	shalt  }
0x86: {  	_ =	shalt  }
0x87: {  	_ =	shalt  }
.Lfunc_end0:
.L_simem_size_0:
called_computation_lowered:
.L_overlay_start_0:
0x88: {  	s2 =	sld [smem:$0x3FD9]  }
0x89: {  	s3 =	sld [smem:$0x3FFE];
	_ =	sdelay $0x1  }
0x8a: {  	s1 =	srdreg.scid  }
0x8b: {  	s0 =	sand.u32 $0x1, s1  }
0x8c: {  	s16 =	sshll.u32 s0, $0xA;
	s2 =	sadd.s32 s3, s2  }
0x8d: {  	s2 =	sadd.s32 s2, s16  }
0x8e: {  	[smem:$0x3FBE] =	sst s2  }
0x8f: {  	_ = 	snop  }
0x90: {  	(tm) =	ssettm $0x1  }
0x91: {  	s17 =	sld [smem:$0x3FFB];
	_ =	sdelay $0x3  }
0x92: {  	_ =	strace s17  }
0x93: {  	s2 =	sld [smem:$0x3FFC];
	_ =	sdelay $0x3  }
0x94: {  	_ =	strace s2  }
0x95: {  	s2 =	sld [smem:$0x3FFD];
	_ =	sdelay $0x3  }
0x96: {  	_ =	strace s2  }
0x97: {  	_ =	strace $0x8FFFFFFF  }
0x98: {  	s18 =	sld [smem:$0x3FDB];
	_ =	sdelay $0x1  }
0x99: {  	s19 =	simm.s32 $_scs_section_size  }
0x9a: {  	s4 =	simm.s32 $_size__tile_overlayer_lowered;
	s5 =	simm.s32 $_tile_overlayer_lowered  }
0x9b: {  	s22 =	simm.s32 $0x1BFF;
	s21 =	sshll.u32 s5, $0x1;
	s2 =	sadd.s32 s19, s18  }
0x9c: {  	s6 =	simm.s32 $0x0;
	s20 =	sshll.u32 s4, $0x1;
	s4 =	sadd.s32 s21, s2  }
0x9d: {  	[timem:s6], [sflag:s22] =	dma.local [hbm:s4], s20  }
0x9e: {  	_ =	swait.ge [sflag:s22], s20  }
0x9f: {  	s3 =	ssub.s32 $0x0, s20;
	[sflag:s22] =	ssyncset.done $0x0  }
0xa0: {  	[sflag:s22] =	ssyncadd.s32 s3;
	_ =	sdelay $0x1  }
0xa1: {  	s23 =	simm.s32 $0x1B8B  }
0xa2: {  	_ =	swait.ge [sflag:s23], $0x1  }
0xa3: {  	[sflag:s23] =	ssyncset.done $0x0  }
0xa4: {  	s25 =	simm.s32 $0x1B8E;
	s24 =	sld [smem:$0x3FFE];
	[sflag:s23] =	ssyncadd.s32 $0xFFFFFFFF  }
0xa5: {  	s26 =	simm.s32 $execute0_lowered;
	[smem:$0x3FD2] =	sst s25  }
0xa6: {  	s4 =	sshll.u32 s26, $0x1;
	_ =	strace $0x80000046;
	[dreg:$0x1] =	wrdreg $0xFFFFFFFF  }
0xa7: {  	s28 =	simm.s32 $_size_execute0_lowered;
	s2 =	sadd.s32 s2, s4;
	[dreg:$0x0] =	wrdreg $0x0  }
0xa8: {  	s4 =	sshll.u32 s28, $0x1;
	[dreg:$0x2] =	wrdreg s2  }
0xa9: {  	[dreg:$0x3] =	wrdreg s4  }
0xaa: {  	[dreg:$0x4] =	wrdreg $0xC0  }
0xab: {  	_ =	task [dreg:s6], $0x5FFFF  }
0xac: {  	[dreg:$0x1] =	wrdreg $0xFFFFFFFF  }
0xad: {  	[dreg:$0x0] =	wrdreg $0x60  }
0xae: {  	[dreg:$0x2] =	wrdreg s24  }
0xaf: {  	[dreg:$0x3] =	wrdreg $0x68000  }
0xb0: {  	[dreg:$0x4] =	wrdreg $0x9  }
0xb1: {  	_ =	task.clear_ibuf [dreg:s6], $0x5FFFF;
	_ =	strace $0x90000046  }
0xb2: {  	s29 =	simm.s32 $0x9;
	_ =	strace $0x80000048  }
0xb3: {  	_ =	swait.ge [sflag:s29], $0x1  }
0xb4: {  	[sflag:s29] =	ssyncadd.s32 $0xFFFFFFFF  }
0xb5: {  	_ =	strace $0x90000048  }
0xb6: {  	_ =	sfence  }
0xb7: {  	s30 =	sld [smem:$0x0];
	_ =	sdelay $0x2  }
0xb8: {  	s31 =	sshll.u32 s1, $0xD;
	s1 =	sshrl.u32 s1, $0x2  }
0xb9: {  	s3 =	sand.u32 $0x4000, s31;
	s1 =	sadd.s32 s1, s30  }
0xba: {  	s0 =	sor.u32 s3, s0;
	s1 =	sshll.u32 s1, $0x11  }
0xbb: {  	s0 =	sor.u32 s1, s0  }
0xbc: {  	s0 =	sadd.s32 $0x8F2B, s0  }
0xbd: {  	[sflag:s0] =	ssyncadd.remote.s32 $0x1  }
0xbe: {  	_ =	sfence.sel $0xFFFF  }
0xbf: {  	[dreg:$0x0] =	wrdreg $0xFFFFFFFF;
	(pc) =	sbr.abs _section_cstart, $3  }
0xc0: {  	[dreg:$0x1] =	wrdreg $0xFFFFFFFF  }
0xc1: {  	_ =	task.clear_ibuf [dreg:s6], $0x2FFFF;
	_ =	strace $0x9FFFFFFF  }
0xc2: {  	(tm) =	ssettm $0x7FFFFFFF  }
0xc3: {  	_ =	shalt  }
tec
execute0_lowered:
.L_overlay_start_1:
0x0: {  	(tag) =	ssettag $0x1  }
0x1: {  	s1 =	srdreg.scid;
	s5 =	rddreg [dreg:$0x0]  }
0x2: {  	s0 =	stileid.u32;
	s2 =	rddreg [dreg:$0x1]  }
0x3: {  	s3 =	simm.s32 $0x0;
	s13 =	simm.s32 $0x1;
	s14 =	simm.s32 $0x80  }
0x4: {  	s4 =	sand.u32 $0x1, s1;
	s26 =	sshll.u32 s0, $0x1;
	s8 =	smul.u32 $0x14000, s0  }
0x5: {  	[smem:$0x7FF] =	sst s3;
	s9 =	smul.u32 $0x50000, s0;
	s15 =	sshll.u32 s0, $0x6  }
0x6: {  	s1 =	sor.u32 s4, s26;
	s7 =	smul.u32 $0x140000, s4;
	s29 =	ssub.s32 $0x2, s4  }
0x7: {  	s15 =	sor.u32 $0x1C01, s15;
	s6 =	smul.u32 $0x500, s1;
	s1 =	rddreg [dreg:$0x2]  }
0x8: {  	_ =	strace $0x80000047;
	s30 =	sshrl.u32 s9, $0x2;
	s31 =	sshrl.u32 s29, $0x1  }
0x9: {  	s28 =	sadd.s32 s8, s7;
	s4 =	sadd.s32 s30, s2;
	s12 =	ssub.s32 s29, s31  }
0xa: {  	s10 =	sadd.s32 s6, s5;
	s6 =	sshrl.u32 s28, $0x3;
	s7 =	sadd.s32 $0xC000, s4  }
0xb: {  	s8 =	sadd.s32 $0x10000, s4;
	s16 =	sshrl.u32 s4, $0x3;
	s11 =	sadd.s32 s6, s5  }
0xc: {  	s5 =	sadd.s32 $0x4000, s4;
	s6 =	sadd.s32 $0x8000, s4;
	s9 =	sadd.s32 $0x4400, s10  }
0xd: {  	v0 =	vimm.f32 $0.0e+00;
	v1 =	vimm.f32 $1.000000000e+00;
	s10 =	sadd.s32 $0xE400, s11;
	s11 =	smax.u32 s12, $0x1;
	s12 =	simm.s32 $0x2800  }
.LBB2_1:
0xe: {  	s17 =	simm.s32 $0x0;
	s18 =	simm.s32 $0x200  }
.LBB2_2:
0xf: {  	p0 =	sne.s32 s18, $0xFE00;
	[tilespmem:s17+$0x2870] =	vst v0  }
0x10: {  	[tilespmem:s17+$0x2800] =	vst v0  }
0x11: {  	[tilespmem:s17+$0x2810] =	vst v0  }
.Ltmp0:
0x12: {  	[tilespmem:s17+$0x2820] =	vst v0;
	(pc) =	sbr.rel @p0 .LBB2_2-.Ltmp0, $4  }
0x13: {  	[tilespmem:s17+$0x2830] =	vst v0  }
0x14: {  	[tilespmem:s17+$0x2840] =	vst v0  }
0x15: {  	[tilespmem:s17+$0x2850] =	vst v0  }
0x16: {  	[tilespmem:s17+$0x2860] =	vst v0;
	s17 =	sshra.s32 s18, $0x2;
	s18 =	sadd.s32 $0x200, s18  }
0x17: {  	[tilespmem:s17+$0x2870] =	vst v0  }
0x18: {  	[tilespmem:s17+$0x2800] =	vst v0  }
0x19: {  	[tilespmem:s17+$0x2810] =	vst v0  }
0x1a: {  	[tilespmem:s17+$0x2820] =	vst v0  }
0x1b: {  	[tilespmem:s17+$0x2830] =	vst v0  }
0x1c: {  	[tilespmem:s17+$0x2840] =	vst v0  }
0x1d: {  	[tilespmem:s17+$0x2850] =	vst v0  }
0x1e: {  	[tilespmem:s17+$0x2860] =	vst v0  }
0x1f: {  	[spmem:s4] =	stream.linear.scatter [tilespmem:s12], [sflag:$0x1], $0x4000, $0x38;
	[tilespmem:$0x1A800] =	vst v63  }
0x20: {  	_ =	swait.ge [sflag:s13], $0x4000  }
0x21: {  	[sflag:s13] =	ssyncset.done $0x0  }
0x22: {  	[sflag:s13] =	ssyncadd.s32 $0xFFFFC000  }
0x23: {  	[spmem:s5] =	stream.linear.scatter [tilespmem:s12], [sflag:$0x1], $0x4000, $0x38;
	[tilespmem:$0x1A800] =	vst v63  }
0x24: {  	_ =	swait.ge [sflag:s13], $0x4000  }
0x25: {  	[sflag:s13] =	ssyncset.done $0x0  }
0x26: {  	[sflag:s13] =	ssyncadd.s32 $0xFFFFC000  }
0x27: {  	[spmem:s6] =	stream.linear.scatter [tilespmem:s12], [sflag:$0x1], $0x4000, $0x38;
	[tilespmem:$0x1A800] =	vst v63  }
0x28: {  	_ =	swait.ge [sflag:s13], $0x4000  }
0x29: {  	[sflag:s13] =	ssyncset.done $0x0  }
0x2a: {  	[sflag:s13] =	ssyncadd.s32 $0xFFFFC000  }
0x2b: {  	[spmem:s7] =	stream.linear.scatter [tilespmem:s12], [sflag:$0x1], $0x4000, $0x38;
	[tilespmem:$0x1A800] =	vst v63  }
0x2c: {  	_ =	swait.ge [sflag:s13], $0x4000  }
0x2d: {  	[sflag:s13] =	ssyncset.done $0x0  }
0x2e: {  	[sflag:s13] =	ssyncadd.s32 $0xFFFFC000  }
0x2f: {  	[spmem:s8] =	stream.linear.scatter [tilespmem:s12], [sflag:$0x1], $0x4000, $0x38;
	[tilespmem:$0x1A800] =	vst v63  }
0x30: {  	_ =	swait.ge [sflag:s13], $0x4000  }
0x31: {  	[sflag:s13] =	ssyncset.done $0x0  }
0x32: {  	s17 =	simm.s32 $0x0;
	s18 =	simm.s32 $0x200;
	[sflag:s13] =	ssyncadd.s32 $0xFFFFC000  }
.LBB2_4:
0x33: {  	p0 =	sne.s32 s18, $0xFE00;
	[tilespmem:s17+$0x2870] =	vst v1  }
0x34: {  	[tilespmem:s17+$0x2800] =	vst v1  }
0x35: {  	[tilespmem:s17+$0x2810] =	vst v1  }
.Ltmp1:
0x36: {  	[tilespmem:s17+$0x2820] =	vst v1;
	(pc) =	sbr.rel @p0 .LBB2_4-.Ltmp1, $4  }
0x37: {  	[tilespmem:s17+$0x2830] =	vst v1  }
0x38: {  	[tilespmem:s17+$0x2840] =	vst v1  }
0x39: {  	[tilespmem:s17+$0x2850] =	vst v1  }
0x3a: {  	[tilespmem:s17+$0x2860] =	vst v1;
	s17 =	sshra.s32 s18, $0x2;
	s18 =	sadd.s32 $0x200, s18  }
0x3b: {  	[tilespmem:s17+$0x2870] =	vst v1  }
0x3c: {  	[tilespmem:s17+$0x2800] =	vst v1  }
0x3d: {  	[tilespmem:s17+$0x2810] =	vst v1  }
0x3e: {  	[tilespmem:s17+$0x2820] =	vst v1  }
0x3f: {  	[tilespmem:s17+$0x2830] =	vst v1  }
0x40: {  	[tilespmem:s17+$0x2840] =	vst v1  }
0x41: {  	[tilespmem:s17+$0x2850] =	vst v1  }
0x42: {  	[tilespmem:s17+$0x2860] =	vst v1;
	s30 =	simm.s32 $0x0  }
0x43: {  	[tilespmem:s30], [sflag:$0x1] =	stream.linear.gather [hbm4b:s9+s30], $0x2800, $0x38;
	[tilespmem:$0x1A800] =	vst v63  }
0x44: {  	_ =	swait.ge [sflag:s13], $0x2800  }
0x45: {  	[sflag:s13] =	ssyncset.done $0x0  }
0x46: {  	[sflag:s13] =	ssyncadd.s32 $0xFFFFD800  }
0x47: {  	s31 =	simm.s32 $0x0;
	[bflag:$0x0] =	sbarrier.arrive $0xFFFF  }
0x48: {  	[spmem:s2] =	stream.indirect.scatter.add.f32 [tilespmem:s12], [sflag:$0x1], $0x80, s31, s14, $0xb8;
	[tilespmem:$0x1A800] =	vst v63  }
0x49: {  	_ =	swait.ge [sflag:s13], $0x4000  }
0x4a: {  	s17 =	simm.s32 $0x200;
	[sflag:s13] =	ssyncset.done $0x0  }
.LBB2_6:
0x4b: {  	s18 =	sshra.s32 s17, $0x2;
	[sflag:s13] =	ssyncadd.s32 $0xFFFFC000;
	p0 =	sne.s32 s17, $0x9E00  }
0x4c: {  	[spmem:s2] =	stream.indirect.scatter.add.f32 [tilespmem:s12], [sflag:$0x1], $0x80, s18, s14, $0xb8;
	[tilespmem:$0x1A800] =	vst v63  }
.Ltmp2:
0x4d: {  	_ = 	snop;
	(pc) =	sbr.rel @p0 .LBB2_6-.Ltmp2, $4  }
0x4e: {  	_ = 	snop  }
0x4f: {  	s17 =	sadd.s32 $0x200, s17  }
0x50: {  	_ =	swait.ge [sflag:s13], $0x4000  }
0x51: {  	[sflag:s13] =	ssyncset.done $0x0  }
0x52: {  	s3 =	sadd.s32 $0x1, s3  }
0x53: {  	[sflag:s13] =	ssyncadd.s32 $0xFFFFC000;
	p0 =	sne.s32 s3, s11  }
.Ltmp3:
0x54: {  	[bflag:$0x0] =	sbarrier.arrive $0xFFFF;
	(pc) =	sbr.rel @p0 .LBB2_1-.Ltmp3, $4  }
0x55: {  	[hbm:s10], [sflag:s15] =	dma.local [spmem:s16], $0x2800  }
0x56: {  	_ =	swait.ge [sflag:s13], $0x2800  }
0x57: {  	[sflag:s13] =	ssyncset.done $0x0  }
0x58: {  	[sflag:s13] =	ssyncadd.s32 $0xFFFFD800  }
0x59: {  	_ =	sfence.sel $0x180000  }
0x5a: {  	[bflag:$0x0] =	sbarrier.arrive $0xFFFF  }
0x5b: {  	p0 =	sne.s32 s0, $0x0;
	_ =	strace $0x90000047  }
0x5c: {  	s0 =	sadd.s32 @!p0 $0x100000, s1;
	[bflag:$0x2] =	sbarrier.arrive $0xFFFF  }
0x5d: {  	[sflag:s0] =	ssyncadd.tile.s32 @!p0 $0x1;
	_ =	shalt  }
.Lfunc_end2:
_tile_overlayer_lowered:
.L_overlay_start_2:
0x5e: {  	(tag) =	ssettag $0x2  }
0x5f: {  	s0 =	rddreg [dreg:$0x0];
	s2 =	stileid.u32  }
0x60: {  	s1 =	rddreg [dreg:$0x1];
	p0 =	sne.s32 s2, $0x0  }
0x61: {  	s3 =	rddreg [dreg:$0x2];
	[bflag:$0x3] =	sbarrier.arrive $0xFFFF;
	s2 =	simm.s32 @!p0 $0x1C01  }
0x62: {  	[timem:s3], [sflag:s2] =	dma.local @!p0 [hbm:s0], s1  }
0x63: {  	s0 =	simm.s32 @!p0 $0x1  }
0x64: {  	_ =	swait.ge @!p0 [sflag:s0], s1  }
0x65: {  	s1 =	ssub.s32 @!p0 $0x0, s1;
	[sflag:s0] =	ssyncset.done @!p0 $0x0  }
0x66: {  	[sflag:s0] =	ssyncadd.s32 @!p0 s1  }
0x67: {  	[bflag:$0x3] =	sbarrier.arrive $0xFFFF  }
0x68: {  	_ =	shalt  }

</sc_bundles>
